<compile_context>
chip_gen: v7x
topology: tpu7x:2x2x1
jax: 0.10.2.dev20260603
libtpu: 0.0.44.dev20260713+nightly
codegen_flags: <defaults>
</compile_context>

<pallas_src>
import functools

import jax
import jax.numpy as jnp
from jax import lax
from jax.experimental import pallas as pl
from jax.experimental.pallas import tpu as pltpu
from jax.experimental.pallas import tpu_sc as plsc

_NC = 2
_NS = 16
_NW = _NC * _NS
_L = 16

_DIM = 128
_VOCAB = 10

_UNIT = 4096


@functools.lru_cache(maxsize=None)
def _build_sc_gather(n_rows: int, n_cols: int):
    q_per_line = n_rows // _UNIT
    n_units = n_cols * q_per_line
    assert n_rows % _UNIT == 0 and n_units % _NW == 0
    u_per_w = n_units // _NW

    mesh = plsc.VectorSubcoreMesh(core_axis_name="c", subcore_axis_name="s")

    @functools.partial(
        pl.kernel,
        mesh=mesh,
        out_type=jax.ShapeDtypeStruct((n_cols, 1, n_rows), jnp.float32),
        scratch_types=[
            pltpu.VMEM((_DIM * _L,), jnp.float32),
            pltpu.VMEM((_DIM,), jnp.float32),
            pltpu.VMEM((_L,), jnp.float32),
            pltpu.VMEM((_L,), jnp.float32),
            pltpu.VMEM((_UNIT,), jnp.int32),
            pltpu.VMEM((_UNIT,), jnp.int32),
            pltpu.VMEM((_UNIT,), jnp.int32),
            pltpu.VMEM((_UNIT,), jnp.float32),
            pltpu.VMEM((_UNIT,), jnp.float32),
            pltpu.SemaphoreType.DMA,
            pltpu.SemaphoreType.DMA,
            pltpu.SemaphoreType.DMA,
            pltpu.SemaphoreType.DMA,
            pltpu.SemaphoreType.DMA,
        ],
        compiler_params=pltpu.CompilerParams(
            needs_layout_passes=False, use_tc_tiling_on_sc=True,
            disable_bounds_checks=True),
    )
    def sc_kernel(idx_hbm, tabt_hbm, w_hbm, b_hbm, out_hbm,
                  tabt_v, w_v, b_v, val_tab_v,
                  idx_v0, idx_v1, idx_v2, out_v0, out_v1,
                  in_sem0, in_sem1, in_sem2, out_sem0, out_sem1):
        wid = lax.axis_index("s") * _NC + lax.axis_index("c")
        u0 = wid * u_per_w

        idx_bufs = [idx_v0, idx_v1, idx_v2]
        out_bufs = [out_v0, out_v1]
        in_sems = [in_sem0, in_sem1, in_sem2]
        out_sems = [out_sem0, out_sem1]

        def start_in(i):
            u = u0 + i
            line = u // q_per_line
            r_off = (u % q_per_line) * _UNIT
            return pltpu.async_copy(
                idx_hbm.at[line, pl.ds(r_off, _UNIT)], idx_bufs[i % 3],
                in_sems[i % 3])

        in_copies = [None] * u_per_w
        out_copies = [None] * u_per_w
        in_copies[0] = start_in(0)
        in_copies[1] = start_in(1)

        pltpu.sync_copy(tabt_hbm, tabt_v)
        pltpu.sync_copy(w_hbm, w_v)
        pltpu.sync_copy(b_hbm, b_v)

        v_vec = b_v[...]
        for dg in range(_DIM // _L):
            w_vec = w_v[pl.ds(dg * _L, _L)]
            for j in range(_L):
                d = dg * _L + j
                v_vec = v_vec + tabt_v[pl.ds(d * _L, _L)] * w_vec[j]
        val_tab_v[...] = v_vec

        for i in range(u_per_w):
            if i + 2 < u_per_w:
                in_copies[i + 2] = start_in(i + 2)
            in_copies[i].wait()
            if i >= 2:
                out_copies[i - 2].wait()

            idx_b = idx_bufs[i % 3]
            out_b = out_bufs[i % 2]

            @plsc.parallel_loop(0, _UNIT, step=_L, unroll=8)
            def body(j, idx_b=idx_b, out_b=out_b):
                out_b[pl.ds(j, _L)] = plsc.load_gather(
                    val_tab_v, [idx_b[pl.ds(j, _L)]])

            u = u0 + i
            out_copies[i] = pltpu.async_copy(
                out_b,
                out_hbm.at[u // q_per_line, 0,
                           pl.ds((u % q_per_line) * _UNIT, _UNIT)],
                out_sems[i % 2])
        out_copies[u_per_w - 2].wait()
        out_copies[u_per_w - 1].wait()

    return sc_kernel


def kernel(input, emb_table, lin_w, lin_b):
    bsz, seq = input.shape
    idx_t = input.astype(jnp.int32).T
    tabt = jnp.pad(emb_table.astype(jnp.float32).T,
                   ((0, 0), (0, _L - _VOCAB))).reshape(_DIM * _L)
    w = lin_w.astype(jnp.float32).reshape(_DIM)
    b = jnp.broadcast_to(lin_b.astype(jnp.float32).reshape(1), (_L,))
    cube = _build_sc_gather(bsz, seq)(idx_t, tabt, w, b)
    return cube.transpose(2, 0, 1)

# --- scband reference (transcript-rebuilt; emitter-appended) ---
"""Pipeline reference for scband-embedding-network1-67181878444288 (READ-ONLY COPY).

The authoritative reference and input builder live on the scoring server;
editing this copy changes nothing except your own understanding.
"""

import jax, jax.numpy as jnp
import numpy as np

DIM = 128
VOCAB = 10

def setup_inputs(seed: int = 0) -> dict:
    key = jax.random.key(seed)
    k_idx, k_emb, k_w, k_b = jax.random.split(key, 4)
    indices = jax.random.randint(k_idx, (16384, 200), 0, VOCAB, dtype=jnp.int64 if jax.config.jax_enable_x64 else jnp.int32)
    emb_table = jax.random.normal(k_emb, (VOCAB, DIM), dtype=jnp.float32)
    # nn.Linear(dim, 1): weight [1, dim], bias [1]
    bound = 1.0 / np.sqrt(DIM)
    lin_w = jax.random.uniform(k_w, (1, DIM), dtype=jnp.float32, minval=-bound, maxval=bound)
    lin_b = jax.random.uniform(k_b, (1,), dtype=jnp.float32, minval=-bound, maxval=bound)
    return {"input": indices, "emb_table": emb_table, "lin_w": lin_w, "lin_b": lin_b}

def reference(input, emb_table, lin_w, lin_b):
    # nn.Embedding lookup
    emb = jnp.take(emb_table, input, axis=0)  # [B, L, DIM]
    # nn.Linear(dim, 1)
    out = emb @ lin_w.T + lin_b  # [B, L, 1]
    return out

if __name__ == "__main__":
    import jax
    _d = setup_inputs()
    print(jax.jit(kernel)(*tuple(_d.values())))

</pallas_src>

<mosaic_0001>
#map = affine_map<(d0, d1) -> (0, 0)>
#map1 = affine_map<(d0, d1) -> (0)>
#map2 = affine_map<(d0, d1) -> (0, 0, 0)>
module attributes {stable_mosaic.version = 14 : i64} {
  func.func @sc_kernel(%arg0: i32, %arg1: i32, %arg2: memref<200x16384xi32, #tpu.memory_space<hbm>>, %arg3: memref<2048xf32, #tpu.memory_space<hbm>>, %arg4: memref<128xf32, #tpu.memory_space<hbm>>, %arg5: memref<16xf32, #tpu.memory_space<hbm>>, %arg6: memref<200x1x16384xf32, #tpu.memory_space<hbm>>, %arg7: memref<2048xf32, #tpu.memory_space<vmem>>, %arg8: memref<128xf32, #tpu.memory_space<vmem>>, %arg9: memref<16xf32, #tpu.memory_space<vmem>>, %arg10: memref<16xf32, #tpu.memory_space<vmem>>, %arg11: memref<4096xi32, #tpu.memory_space<vmem>>, %arg12: memref<4096xi32, #tpu.memory_space<vmem>>, %arg13: memref<4096xi32, #tpu.memory_space<vmem>>, %arg14: memref<4096xf32, #tpu.memory_space<vmem>>, %arg15: memref<4096xf32, #tpu.memory_space<vmem>>, %arg16: memref<!tpu.dma_semaphore, #tpu.memory_space<semaphore_mem>>, %arg17: memref<!tpu.dma_semaphore, #tpu.memory_space<semaphore_mem>>, %arg18: memref<!tpu.dma_semaphore, #tpu.memory_space<semaphore_mem>>, %arg19: memref<!tpu.dma_semaphore, #tpu.memory_space<semaphore_mem>>, %arg20: memref<!tpu.dma_semaphore, #tpu.memory_space<semaphore_mem>>) attributes {dimension_semantics = [#tpu.dimension_semantics<core_parallel>, #tpu.dimension_semantics<subcore_parallel>], iteration_bounds = array<i64: 2, 16>, scalar_prefetch = 0 : i64, scratch_operands = 14 : i64, tpu.core_type = #tpu.core_type<sc_vector_subcore>, window_params = [{transform_indices = #map}, {transform_indices = #map1}, {transform_indices = #map1}, {transform_indices = #map1}, {transform_indices = #map2}]} {
    %mul3A = arith.constant 2 : i32
    %mul3A_0 = arith.muli %arg1, %mul3A : i32
    %add3A = arith.addi %mul3A_0, %arg0 : i32
    %mul3A_1 = arith.constant 25 : i32
    %mul3A_2 = arith.muli %add3A, %mul3A_1 : i32
    %add3A_3 = arith.constant 0 : i32
    %add3A_4 = arith.addi %mul3A_2, %add3A_3 : i32
    %jit3A = arith.constant 4 : i32
    %div3A = arith.divsi %add3A_4, %jit3A : i32
    %sign3A = arith.constant 0 : i32
    %sign3A_5 = arith.cmpi sgt, %add3A_4, %sign3A : i32
    %sign3A_6 = arith.extui %sign3A_5 : i1 to i32
    %sign3A_7 = arith.constant 0 : i32
    %sign3A_8 = arith.cmpi slt, %add3A_4, %sign3A_7 : i32
    %sign3A_9 = arith.extui %sign3A_8 : i1 to i32
    %sign3A_10 = arith.subi %sign3A_6, %sign3A_9 : i32
    %sign3A_11 = arith.constant 0 : i32
    %sign3A_12 = arith.cmpi sgt, %jit3A, %sign3A_11 : i32
    %sign3A_13 = arith.extui %sign3A_12 : i1 to i32
    %sign3A_14 = arith.constant 0 : i32
    %sign3A_15 = arith.cmpi slt, %jit3A, %sign3A_14 : i32
    %sign3A_16 = arith.extui %sign3A_15 : i1 to i32
    %sign3A_17 = arith.subi %sign3A_13, %sign3A_16 : i32
    %ne3A = arith.cmpi ne, %sign3A_10, %sign3A_17 : i32
    %rem3A = arith.remsi %add3A_4, %jit3A : i32
    %ne3A_18 = arith.constant 0 : i32
    %ne3A_19 = arith.cmpi ne, %rem3A, %ne3A_18 : i32
    %and3A = arith.andi %ne3A, %ne3A_19 : i1
    %sub3A = arith.constant 1 : i32
    %sub3A_20 = arith.subi %div3A, %sub3A : i32
    %select_n3A = arith.select %and3A, %sub3A_20, %div3A : i32
    %jit3A_21 = arith.constant 4 : i32
    %eq3A = arith.constant 0 : i32
    %eq3A_22 = arith.cmpi eq, %jit3A_21, %eq3A : i32
    %jit3A_23 = arith.constant 1 : i32
    %select_n3A_24 = arith.select %eq3A_22, %jit3A_23, %jit3A_21 : i32
    %rem3A_25 = arith.remsi %add3A_4, %select_n3A_24 : i32
    %ne3A_26 = arith.constant 0 : i32
    %ne3A_27 = arith.cmpi ne, %rem3A_25, %ne3A_26 : i32
    %lt3A = arith.constant 0 : i32
    %lt3A_28 = arith.cmpi slt, %rem3A_25, %lt3A : i32
    %lt3A_29 = arith.constant 0 : i32
    %lt3A_30 = arith.cmpi slt, %select_n3A_24, %lt3A_29 : i32
    %ne3A_31 = arith.xori %lt3A_28, %lt3A_30 : i1
    %and3A_32 = arith.andi %ne3A_31, %ne3A_27 : i1
    %add3A_33 = arith.addi %rem3A_25, %select_n3A_24 : i32
    %select_n3A_34 = arith.select %and3A_32, %add3A_33, %rem3A_25 : i32
    %mul3A_35 = arith.constant 4096 : i32
    %mul3A_36 = arith.muli %select_n3A_34, %mul3A_35 : i32
    %dma_start3A = tpu.memref_slice %arg2[%select_n3A, %mul3A_36] : memref<200x16384xi32, #tpu.memory_space<hbm>> -> memref<1x4096xi32, #tpu.memory_space<hbm>>
    %dma_start3A_37 = tpu.memref_squeeze %dma_start3A : memref<1x4096xi32, #tpu.memory_space<hbm>> -> memref<4096xi32, #tpu.memory_space<hbm>>
    %dma_start3A_38 = tpu.memref_slice %arg2[%select_n3A, %mul3A_36] : memref<200x16384xi32, #tpu.memory_space<hbm>> -> memref<1x4096xi32, #tpu.memory_space<hbm>>
    %dma_start3A_39 = tpu.memref_squeeze %dma_start3A_38 : memref<1x4096xi32, #tpu.memory_space<hbm>> -> memref<4096xi32, #tpu.memory_space<hbm>>
    tpu.enqueue_dma source(%dma_start3A_39 : memref<4096xi32, #tpu.memory_space<hbm>>) target(%arg11 : memref<4096xi32, #tpu.memory_space<vmem>>) target_semaphore(%arg16 : memref<!tpu.dma_semaphore, #tpu.memory_space<semaphore_mem>>)
    %add3A_40 = arith.constant 1 : i32
    %add3A_41 = arith.addi %mul3A_2, %add3A_40 : i32
    %jit3A_42 = arith.constant 4 : i32
    %div3A_43 = arith.divsi %add3A_41, %jit3A_42 : i32
    %sign3A_44 = arith.constant 0 : i32
    %sign3A_45 = arith.cmpi sgt, %add3A_41, %sign3A_44 : i32
    %sign3A_46 = arith.extui %sign3A_45 : i1 to i32
    %sign3A_47 = arith.constant 0 : i32
    %sign3A_48 = arith.cmpi slt, %add3A_41, %sign3A_47 : i32
    %sign3A_49 = arith.extui %sign3A_48 : i1 to i32
    %sign3A_50 = arith.subi %sign3A_46, %sign3A_49 : i32
    %sign3A_51 = arith.constant 0 : i32
    %sign3A_52 = arith.cmpi sgt, %jit3A_42, %sign3A_51 : i32
    %sign3A_53 = arith.extui %sign3A_52 : i1 to i32
    %sign3A_54 = arith.constant 0 : i32
    %sign3A_55 = arith.cmpi slt, %jit3A_42, %sign3A_54 : i32
    %sign3A_56 = arith.extui %sign3A_55 : i1 to i32
    %sign3A_57 = arith.subi %sign3A_53, %sign3A_56 : i32
    %ne3A_58 = arith.cmpi ne, %sign3A_50, %sign3A_57 : i32
    %rem3A_59 = arith.remsi %add3A_41, %jit3A_42 : i32
    %ne3A_60 = arith.constant 0 : i32
    %ne3A_61 = arith.cmpi ne, %rem3A_59, %ne3A_60 : i32
    %and3A_62 = arith.andi %ne3A_58, %ne3A_61 : i1
    %sub3A_63 = arith.constant 1 : i32
    %sub3A_64 = arith.subi %div3A_43, %sub3A_63 : i32
    %select_n3A_65 = arith.select %and3A_62, %sub3A_64, %div3A_43 : i32
    %jit3A_66 = arith.constant 4 : i32
    %eq3A_67 = arith.constant 0 : i32
    %eq3A_68 = arith.cmpi eq, %jit3A_66, %eq3A_67 : i32
    %jit3A_69 = arith.constant 1 : i32
    %select_n3A_70 = arith.select %eq3A_68, %jit3A_69, %jit3A_66 : i32
    %rem3A_71 = arith.remsi %add3A_41, %select_n3A_70 : i32
    %ne3A_72 = arith.constant 0 : i32
    %ne3A_73 = arith.cmpi ne, %rem3A_71, %ne3A_72 : i32
    %lt3A_74 = arith.constant 0 : i32
    %lt3A_75 = arith.cmpi slt, %rem3A_71, %lt3A_74 : i32
    %lt3A_76 = arith.constant 0 : i32
    %lt3A_77 = arith.cmpi slt, %select_n3A_70, %lt3A_76 : i32
    %ne3A_78 = arith.xori %lt3A_75, %lt3A_77 : i1
    %and3A_79 = arith.andi %ne3A_78, %ne3A_73 : i1
    %add3A_80 = arith.addi %rem3A_71, %select_n3A_70 : i32
    %select_n3A_81 = arith.select %and3A_79, %add3A_80, %rem3A_71 : i32
    %mul3A_82 = arith.constant 4096 : i32
    %mul3A_83 = arith.muli %select_n3A_81, %mul3A_82 : i32
    %dma_start3A_84 = tpu.memref_slice %arg2[%select_n3A_65, %mul3A_83] : memref<200x16384xi32, #tpu.memory_space<hbm>> -> memref<1x4096xi32, #tpu.memory_space<hbm>>
    %dma_start3A_85 = tpu.memref_squeeze %dma_start3A_84 : memref<1x4096xi32, #tpu.memory_space<hbm>> -> memref<4096xi32, #tpu.memory_space<hbm>>
    %dma_start3A_86 = tpu.memref_slice %arg2[%select_n3A_65, %mul3A_83] : memref<200x16384xi32, #tpu.memory_space<hbm>> -> memref<1x4096xi32, #tpu.memory_space<hbm>>
    %dma_start3A_87 = tpu.memref_squeeze %dma_start3A_86 : memref<1x4096xi32, #tpu.memory_space<hbm>> -> memref<4096xi32, #tpu.memory_space<hbm>>
    tpu.enqueue_dma source(%dma_start3A_87 : memref<4096xi32, #tpu.memory_space<hbm>>) target(%arg12 : memref<4096xi32, #tpu.memory_space<vmem>>) target_semaphore(%arg17 : memref<!tpu.dma_semaphore, #tpu.memory_space<semaphore_mem>>)
    "tpu.region"() ({
      %run_scoped3A = tpu.sem_alloc : memref<!tpu.dma_semaphore, #tpu.memory_space<semaphore_mem>>
      tpu.enqueue_dma source(%arg3 : memref<2048xf32, #tpu.memory_space<hbm>>) target(%arg7 : memref<2048xf32, #tpu.memory_space<vmem>>) target_semaphore(%run_scoped3A : memref<!tpu.dma_semaphore, #tpu.memory_space<semaphore_mem>>)
      tpu.wait_dma2 semaphore(%run_scoped3A : memref<!tpu.dma_semaphore, #tpu.memory_space<semaphore_mem>>) src(%arg3 : memref<2048xf32, #tpu.memory_space<hbm>>) dst(%arg7 : memref<2048xf32, #tpu.memory_space<vmem>>)
      tpu.yield
    }) : () -> ()
    "tpu.region"() ({
      %run_scoped3A = tpu.sem_alloc : memref<!tpu.dma_semaphore, #tpu.memory_space<semaphore_mem>>
      tpu.enqueue_dma source(%arg4 : memref<128xf32, #tpu.memory_space<hbm>>) target(%arg8 : memref<128xf32, #tpu.memory_space<vmem>>) target_semaphore(%run_scoped3A : memref<!tpu.dma_semaphore, #tpu.memory_space<semaphore_mem>>)
      tpu.wait_dma2 semaphore(%run_scoped3A : memref<!tpu.dma_semaphore, #tpu.memory_space<semaphore_mem>>) src(%arg4 : memref<128xf32, #tpu.memory_space<hbm>>) dst(%arg8 : memref<128xf32, #tpu.memory_space<vmem>>)
      tpu.yield
    }) : () -> ()
    "tpu.region"() ({
      %run_scoped3A = tpu.sem_alloc : memref<!tpu.dma_semaphore, #tpu.memory_space<semaphore_mem>>
      tpu.enqueue_dma source(%arg5 : memref<16xf32, #tpu.memory_space<hbm>>) target(%arg9 : memref<16xf32, #tpu.memory_space<vmem>>) target_semaphore(%run_scoped3A : memref<!tpu.dma_semaphore, #tpu.memory_space<semaphore_mem>>)
      tpu.wait_dma2 semaphore(%run_scoped3A : memref<!tpu.dma_semaphore, #tpu.memory_space<semaphore_mem>>) src(%arg5 : memref<16xf32, #tpu.memory_space<hbm>>) dst(%arg9 : memref<16xf32, #tpu.memory_space<vmem>>)
      tpu.yield
    }) : () -> ()
    %get3A = arith.constant 0 : index
    %get3A_88 = tpu.vector_load %arg9[%get3A] {strides = array<i32>} : memref<16xf32, #tpu.memory_space<vmem>>, vector<16xf32>,
    %get3A_89 = arith.constant 0 : index
    %get3A_90 = tpu.vector_load %arg8[%get3A_89] {strides = array<i32>} : memref<128xf32, #tpu.memory_space<vmem>>, vector<16xf32>,
    %get3A_91 = arith.constant 0 : index
    %get3A_92 = tpu.vector_load %arg7[%get3A_91] {strides = array<i32>} : memref<2048xf32, #tpu.memory_space<vmem>>, vector<16xf32>,
    %slice3A = vector.extract_strided_slice %get3A_90 {offsets = [0], sizes = [1], strides = [1]} : vector<16xf32> to vector<1xf32>
    %squeeze3A = vector.extract %slice3A[0] : f32 from vector<1xf32>
    %mul3A_93 = vector.broadcast %squeeze3A : f32 to vector<16xf32>
    %mul3A_94 = arith.mulf %get3A_92, %mul3A_93 : vector<16xf32>
    %add3A_95 = arith.addf %get3A_88, %mul3A_94 : vector<16xf32>
    %get3A_96 = arith.constant 16 : index
    %get3A_97 = tpu.vector_load %arg7[%get3A_96] {strides = array<i32>} : memref<2048xf32, #tpu.memory_space<vmem>>, vector<16xf32>,
    %slice3A_98 = vector.extract_strided_slice %get3A_90 {offsets = [1], sizes = [1], strides = [1]} : vector<16xf32> to vector<1xf32>
    %squeeze3A_99 = vector.extract %slice3A_98[0] : f32 from vector<1xf32>
    %mul3A_100 = vector.broadcast %squeeze3A_99 : f32 to vector<16xf32>
    %mul3A_101 = arith.mulf %get3A_97, %mul3A_100 : vector<16xf32>
    %add3A_102 = arith.addf %add3A_95, %mul3A_101 : vector<16xf32>
    %get3A_103 = arith.constant 32 : index
    %get3A_104 = tpu.vector_load %arg7[%get3A_103] {strides = array<i32>} : memref<2048xf32, #tpu.memory_space<vmem>>, vector<16xf32>,
    %slice3A_105 = vector.extract_strided_slice %get3A_90 {offsets = [2], sizes = [1], strides = [1]} : vector<16xf32> to vector<1xf32>
    %squeeze3A_106 = vector.extract %slice3A_105[0] : f32 from vector<1xf32>
    %mul3A_107 = vector.broadcast %squeeze3A_106 : f32 to vector<16xf32>
    %mul3A_108 = arith.mulf %get3A_104, %mul3A_107 : vector<16xf32>
    %add3A_109 = arith.addf %add3A_102, %mul3A_108 : vector<16xf32>
    %get3A_110 = arith.constant 48 : index
    %get3A_111 = tpu.vector_load %arg7[%get3A_110] {strides = array<i32>} : memref<2048xf32, #tpu.memory_space<vmem>>, vector<16xf32>,
    %slice3A_112 = vector.extract_strided_slice %get3A_90 {offsets = [3], sizes = [1], strides = [1]} : vector<16xf32> to vector<1xf32>
    %squeeze3A_113 = vector.extract %slice3A_112[0] : f32 from vector<1xf32>
    %mul3A_114 = vector.broadcast %squeeze3A_113 : f32 to vector<16xf32>
    %mul3A_115 = arith.mulf %get3A_111, %mul3A_114 : vector<16xf32>
    %add3A_116 = arith.addf %add3A_109, %mul3A_115 : vector<16xf32>
    %get3A_117 = arith.constant 64 : index
    %get3A_118 = tpu.vector_load %arg7[%get3A_117] {strides = array<i32>} : memref<2048xf32, #tpu.memory_space<vmem>>, vector<16xf32>,
    %slice3A_119 = vector.extract_strided_slice %get3A_90 {offsets = [4], sizes = [1], strides = [1]} : vector<16xf32> to vector<1xf32>
    %squeeze3A_120 = vector.extract %slice3A_119[0] : f32 from vector<1xf32>
    %mul3A_121 = vector.broadcast %squeeze3A_120 : f32 to vector<16xf32>
    %mul3A_122 = arith.mulf %get3A_118, %mul3A_121 : vector<16xf32>
    %add3A_123 = arith.addf %add3A_116, %mul3A_122 : vector<16xf32>
    %get3A_124 = arith.constant 80 : index
    %get3A_125 = tpu.vector_load %arg7[%get3A_124] {strides = array<i32>} : memref<2048xf32, #tpu.memory_space<vmem>>, vector<16xf32>,
    %slice3A_126 = vector.extract_strided_slice %get3A_90 {offsets = [5], sizes = [1], strides = [1]} : vector<16xf32> to vector<1xf32>
    %squeeze3A_127 = vector.extract %slice3A_126[0] : f32 from vector<1xf32>
    %mul3A_128 = vector.broadcast %squeeze3A_127 : f32 to vector<16xf32>
    %mul3A_129 = arith.mulf %get3A_125, %mul3A_128 : vector<16xf32>
    %add3A_130 = arith.addf %add3A_123, %mul3A_129 : vector<16xf32>
    %get3A_131 = arith.constant 96 : index
    %get3A_132 = tpu.vector_load %arg7[%get3A_131] {strides = array<i32>} : memref<2048xf32, #tpu.memory_space<vmem>>, vector<16xf32>,
    %slice3A_133 = vector.extract_strided_slice %get3A_90 {offsets = [6], sizes = [1], strides = [1]} : vector<16xf32> to vector<1xf32>
    %squeeze3A_134 = vector.extract %slice3A_133[0] : f32 from vector<1xf32>
    %mul3A_135 = vector.broadcast %squeeze3A_134 : f32 to vector<16xf32>
    %mul3A_136 = arith.mulf %get3A_132, %mul3A_135 : vector<16xf32>
    %add3A_137 = arith.addf %add3A_130, %mul3A_136 : vector<16xf32>
    %get3A_138 = arith.constant 112 : index
    %get3A_139 = tpu.vector_load %arg7[%get3A_138] {strides = array<i32>} : memref<2048xf32, #tpu.memory_space<vmem>>, vector<16xf32>,
    %slice3A_140 = vector.extract_strided_slice %get3A_90 {offsets = [7], sizes = [1], strides = [1]} : vector<16xf32> to vector<1xf32>
    %squeeze3A_141 = vector.extract %slice3A_140[0] : f32 from vector<1xf32>
    %mul3A_142 = vector.broadcast %squeeze3A_141 : f32 to vector<16xf32>
    %mul3A_143 = arith.mulf %get3A_139, %mul3A_142 : vector<16xf32>
    %add3A_144 = arith.addf %add3A_137, %mul3A_143 : vector<16xf32>
    %get3A_145 = arith.constant 128 : index
    %get3A_146 = tpu.vector_load %arg7[%get3A_145] {strides = array<i32>} : memref<2048xf32, #tpu.memory_space<vmem>>, vector<16xf32>,
    %slice3A_147 = vector.extract_strided_slice %get3A_90 {offsets = [8], sizes = [1], strides = [1]} : vector<16xf32> to vector<1xf32>
    %squeeze3A_148 = vector.extract %slice3A_147[0] : f32 from vector<1xf32>
    %mul3A_149 = vector.broadcast %squeeze3A_148 : f32 to vector<16xf32>
    %mul3A_150 = arith.mulf %get3A_146, %mul3A_149 : vector<16xf32>
    %add3A_151 = arith.addf %add3A_144, %mul3A_150 : vector<16xf32>
    %get3A_152 = arith.constant 144 : index
    %get3A_153 = tpu.vector_load %arg7[%get3A_152] {strides = array<i32>} : memref<2048xf32, #tpu.memory_space<vmem>>, vector<16xf32>,
    %slice3A_154 = vector.extract_strided_slice %get3A_90 {offsets = [9], sizes = [1], strides = [1]} : vector<16xf32> to vector<1xf32>
    %squeeze3A_155 = vector.extract %slice3A_154[0] : f32 from vector<1xf32>
    %mul3A_156 = vector.broadcast %squeeze3A_155 : f32 to vector<16xf32>
    %mul3A_157 = arith.mulf %get3A_153, %mul3A_156 : vector<16xf32>
    %add3A_158 = arith.addf %add3A_151, %mul3A_157 : vector<16xf32>
    %get3A_159 = arith.constant 160 : index
    %get3A_160 = tpu.vector_load %arg7[%get3A_159] {strides = array<i32>} : memref<2048xf32, #tpu.memory_space<vmem>>, vector<16xf32>,
    %slice3A_161 = vector.extract_strided_slice %get3A_90 {offsets = [10], sizes = [1], strides = [1]} : vector<16xf32> to vector<1xf32>
    %squeeze3A_162 = vector.extract %slice3A_161[0] : f32 from vector<1xf32>
    %mul3A_163 = vector.broadcast %squeeze3A_162 : f32 to vector<16xf32>
    %mul3A_164 = arith.mulf %get3A_160, %mul3A_163 : vector<16xf32>
    %add3A_165 = arith.addf %add3A_158, %mul3A_164 : vector<16xf32>
    %get3A_166 = arith.constant 176 : index
    %get3A_167 = tpu.vector_load %arg7[%get3A_166] {strides = array<i32>} : memref<2048xf32, #tpu.memory_space<vmem>>, vector<16xf32>,
    %slice3A_168 = vector.extract_strided_slice %get3A_90 {offsets = [11], sizes = [1], strides = [1]} : vector<16xf32> to vector<1xf32>
    %squeeze3A_169 = vector.extract %slice3A_168[0] : f32 from vector<1xf32>
    %mul3A_170 = vector.broadcast %squeeze3A_169 : f32 to vector<16xf32>
    %mul3A_171 = arith.mulf %get3A_167, %mul3A_170 : vector<16xf32>
    %add3A_172 = arith.addf %add3A_165, %mul3A_171 : vector<16xf32>
    %get3A_173 = arith.constant 192 : index
    %get3A_174 = tpu.vector_load %arg7[%get3A_173] {strides = array<i32>} : memref<2048xf32, #tpu.memory_space<vmem>>, vector<16xf32>,
    %slice3A_175 = vector.extract_strided_slice %get3A_90 {offsets = [12], sizes = [1], strides = [1]} : vector<16xf32> to vector<1xf32>
    %squeeze3A_176 = vector.extract %slice3A_175[0] : f32 from vector<1xf32>
    %mul3A_177 = vector.broadcast %squeeze3A_176 : f32 to vector<16xf32>
    %mul3A_178 = arith.mulf %get3A_174, %mul3A_177 : vector<16xf32>
    %add3A_179 = arith.addf %add3A_172, %mul3A_178 : vector<16xf32>
    %get3A_180 = arith.constant 208 : index
    %get3A_181 = tpu.vector_load %arg7[%get3A_180] {strides = array<i32>} : memref<2048xf32, #tpu.memory_space<vmem>>, vector<16xf32>,
    %slice3A_182 = vector.extract_strided_slice %get3A_90 {offsets = [13], sizes = [1], strides = [1]} : vector<16xf32> to vector<1xf32>
    %squeeze3A_183 = vector.extract %slice3A_182[0] : f32 from vector<1xf32>
    %mul3A_184 = vector.broadcast %squeeze3A_183 : f32 to vector<16xf32>
    %mul3A_185 = arith.mulf %get3A_181, %mul3A_184 : vector<16xf32>
    %add3A_186 = arith.addf %add3A_179, %mul3A_185 : vector<16xf32>
    %get3A_187 = arith.constant 224 : index
    %get3A_188 = tpu.vector_load %arg7[%get3A_187] {strides = array<i32>} : memref<2048xf32, #tpu.memory_space<vmem>>, vector<16xf32>,
    %slice3A_189 = vector.extract_strided_slice %get3A_90 {offsets = [14], sizes = [1], strides = [1]} : vector<16xf32> to vector<1xf32>
    %squeeze3A_190 = vector.extract %slice3A_189[0] : f32 from vector<1xf32>
    %mul3A_191 = vector.broadcast %squeeze3A_190 : f32 to vector<16xf32>
    %mul3A_192 = arith.mulf %get3A_188, %mul3A_191 : vector<16xf32>
    %add3A_193 = arith.addf %add3A_186, %mul3A_192 : vector<16xf32>
    %get3A_194 = arith.constant 240 : index
    %get3A_195 = tpu.vector_load %arg7[%get3A_194] {strides = array<i32>} : memref<2048xf32, #tpu.memory_space<vmem>>, vector<16xf32>,
    %slice3A_196 = vector.extract_strided_slice %get3A_90 {offsets = [15], sizes = [1], strides = [1]} : vector<16xf32> to vector<1xf32>
    %squeeze3A_197 = vector.extract %slice3A_196[0] : f32 from vector<1xf32>
    %mul3A_198 = vector.broadcast %squeeze3A_197 : f32 to vector<16xf32>
    %mul3A_199 = arith.mulf %get3A_195, %mul3A_198 : vector<16xf32>
    %add3A_200 = arith.addf %add3A_193, %mul3A_199 : vector<16xf32>
    %get3A_201 = arith.constant 16 : index
    %get3A_202 = tpu.vector_load %arg8[%get3A_201] {strides = array<i32>} : memref<128xf32, #tpu.memory_space<vmem>>, vector<16xf32>,
    %get3A_203 = arith.constant 256 : index
    %get3A_204 = tpu.vector_load %arg7[%get3A_203] {strides = array<i32>} : memref<2048xf32, #tpu.memory_space<vmem>>, vector<16xf32>,
    %slice3A_205 = vector.extract_strided_slice %get3A_202 {offsets = [0], sizes = [1], strides = [1]} : vector<16xf32> to vector<1xf32>
    %squeeze3A_206 = vector.extract %slice3A_205[0] : f32 from vector<1xf32>
    %mul3A_207 = vector.broadcast %squeeze3A_206 : f32 to vector<16xf32>
    %mul3A_208 = arith.mulf %get3A_204, %mul3A_207 : vector<16xf32>
    %add3A_209 = arith.addf %add3A_200, %mul3A_208 : vector<16xf32>
    %get3A_210 = arith.constant 272 : index
    %get3A_211 = tpu.vector_load %arg7[%get3A_210] {strides = array<i32>} : memref<2048xf32, #tpu.memory_space<vmem>>, vector<16xf32>,
    %slice3A_212 = vector.extract_strided_slice %get3A_202 {offsets = [1], sizes = [1], strides = [1]} : vector<16xf32> to vector<1xf32>
    %squeeze3A_213 = vector.extract %slice3A_212[0] : f32 from vector<1xf32>
    %mul3A_214 = vector.broadcast %squeeze3A_213 : f32 to vector<16xf32>
    %mul3A_215 = arith.mulf %get3A_211, %mul3A_214 : vector<16xf32>
    %add3A_216 = arith.addf %add3A_209, %mul3A_215 : vector<16xf32>
    %get3A_217 = arith.constant 288 : index
    %get3A_218 = tpu.vector_load %arg7[%get3A_217] {strides = array<i32>} : memref<2048xf32, #tpu.memory_space<vmem>>, vector<16xf32>,
    %slice3A_219 = vector.extract_strided_slice %get3A_202 {offsets = [2], sizes = [1], strides = [1]} : vector<16xf32> to vector<1xf32>
    %squeeze3A_220 = vector.extract %slice3A_219[0] : f32 from vector<1xf32>
    %mul3A_221 = vector.broadcast %squeeze3A_220 : f32 to vector<16xf32>
    %mul3A_222 = arith.mulf %get3A_218, %mul3A_221 : vector<16xf32>
    %add3A_223 = arith.addf %add3A_216, %mul3A_222 : vector<16xf32>
    %get3A_224 = arith.constant 304 : index
    %get3A_225 = tpu.vector_load %arg7[%get3A_224] {strides = array<i32>} : memref<2048xf32, #tpu.memory_space<vmem>>, vector<16xf32>,
    %slice3A_226 = vector.extract_strided_slice %get3A_202 {offsets = [3], sizes = [1], strides = [1]} : vector<16xf32> to vector<1xf32>
    %squeeze3A_227 = vector.extract %slice3A_226[0] : f32 from vector<1xf32>
    %mul3A_228 = vector.broadcast %squeeze3A_227 : f32 to vector<16xf32>
    %mul3A_229 = arith.mulf %get3A_225, %mul3A_228 : vector<16xf32>
    %add3A_230 = arith.addf %add3A_223, %mul3A_229 : vector<16xf32>
    %get3A_231 = arith.constant 320 : index
    %get3A_232 = tpu.vector_load %arg7[%get3A_231] {strides = array<i32>} : memref<2048xf32, #tpu.memory_space<vmem>>, vector<16xf32>,
    %slice3A_233 = vector.extract_strided_slice %get3A_202 {offsets = [4], sizes = [1], strides = [1]} : vector<16xf32> to vector<1xf32>
    %squeeze3A_234 = vector.extract %slice3A_233[0] : f32 from vector<1xf32>
    %mul3A_235 = vector.broadcast %squeeze3A_234 : f32 to vector<16xf32>
    %mul3A_236 = arith.mulf %get3A_232, %mul3A_235 : vector<16xf32>
    %add3A_237 = arith.addf %add3A_230, %mul3A_236 : vector<16xf32>
    %get3A_238 = arith.constant 336 : index
    %get3A_239 = tpu.vector_load %arg7[%get3A_238] {strides = array<i32>} : memref<2048xf32, #tpu.memory_space<vmem>>, vector<16xf32>,
    %slice3A_240 = vector.extract_strided_slice %get3A_202 {offsets = [5], sizes = [1], strides = [1]} : vector<16xf32> to vector<1xf32>
    %squeeze3A_241 = vector.extract %slice3A_240[0] : f32 from vector<1xf32>
    %mul3A_242 = vector.broadcast %squeeze3A_241 : f32 to vector<16xf32>
    %mul3A_243 = arith.mulf %get3A_239, %mul3A_242 : vector<16xf32>
    %add3A_244 = arith.addf %add3A_237, %mul3A_243 : vector<16xf32>
    %get3A_245 = arith.constant 352 : index
    %get3A_246 = tpu.vector_load %arg7[%get3A_245] {strides = array<i32>} : memref<2048xf32, #tpu.memory_space<vmem>>, vector<16xf32>,
    %slice3A_247 = vector.extract_strided_slice %get3A_202 {offsets = [6], sizes = [1], strides = [1]} : vector<16xf32> to vector<1xf32>
    %squeeze3A_248 = vector.extract %slice3A_247[0] : f32 from vector<1xf32>
    %mul3A_249 = vector.broadcast %squeeze3A_248 : f32 to vector<16xf32>
    %mul3A_250 = arith.mulf %get3A_246, %mul3A_249 : vector<16xf32>
    %add3A_251 = arith.addf %add3A_244, %mul3A_250 : vector<16xf32>
    %get3A_252 = arith.constant 368 : index
    %get3A_253 = tpu.vector_load %arg7[%get3A_252] {strides = array<i32>} : memref<2048xf32, #tpu.memory_space<vmem>>, vector<16xf32>,
    %slice3A_254 = vector.extract_strided_slice %get3A_202 {offsets = [7], sizes = [1], strides = [1]} : vector<16xf32> to vector<1xf32>
    %squeeze3A_255 = vector.extract %slice3A_254[0] : f32 from vector<1xf32>
    %mul3A_256 = vector.broadcast %squeeze3A_255 : f32 to vector<16xf32>
    %mul3A_257 = arith.mulf %get3A_253, %mul3A_256 : vector<16xf32>
    %add3A_258 = arith.addf %add3A_251, %mul3A_257 : vector<16xf32>
    %get3A_259 = arith.constant 384 : index
    %get3A_260 = tpu.vector_load %arg7[%get3A_259] {strides = array<i32>} : memref<2048xf32, #tpu.memory_space<vmem>>, vector<16xf32>,
    %slice3A_261 = vector.extract_strided_slice %get3A_202 {offsets = [8], sizes = [1], strides = [1]} : vector<16xf32> to vector<1xf32>
    %squeeze3A_262 = vector.extract %slice3A_261[0] : f32 from vector<1xf32>
    %mul3A_263 = vector.broadcast %squeeze3A_262 : f32 to vector<16xf32>
    %mul3A_264 = arith.mulf %get3A_260, %mul3A_263 : vector<16xf32>
    %add3A_265 = arith.addf %add3A_258, %mul3A_264 : vector<16xf32>
    %get3A_266 = arith.constant 400 : index
    %get3A_267 = tpu.vector_load %arg7[%get3A_266] {strides = array<i32>} : memref<2048xf32, #tpu.memory_space<vmem>>, vector<16xf32>,
    %slice3A_268 = vector.extract_strided_slice %get3A_202 {offsets = [9], sizes = [1], strides = [1]} : vector<16xf32> to vector<1xf32>
    %squeeze3A_269 = vector.extract %slice3A_268[0] : f32 from vector<1xf32>
    %mul3A_270 = vector.broadcast %squeeze3A_269 : f32 to vector<16xf32>
    %mul3A_271 = arith.mulf %get3A_267, %mul3A_270 : vector<16xf32>
    %add3A_272 = arith.addf %add3A_265, %mul3A_271 : vector<16xf32>
    %get3A_273 = arith.constant 416 : index
    %get3A_274 = tpu.vector_load %arg7[%get3A_273] {strides = array<i32>} : memref<2048xf32, #tpu.memory_space<vmem>>, vector<16xf32>,
    %slice3A_275 = vector.extract_strided_slice %get3A_202 {offsets = [10], sizes = [1], strides = [1]} : vector<16xf32> to vector<1xf32>
    %squeeze3A_276 = vector.extract %slice3A_275[0] : f32 from vector<1xf32>
    %mul3A_277 = vector.broadcast %squeeze3A_276 : f32 to vector<16xf32>
    %mul3A_278 = arith.mulf %get3A_274, %mul3A_277 : vector<16xf32>
    %add3A_279 = arith.addf %add3A_272, %mul3A_278 : vector<16xf32>
    %get3A_280 = arith.constant 432 : index
    %get3A_281 = tpu.vector_load %arg7[%get3A_280] {strides = array<i32>} : memref<2048xf32, #tpu.memory_space<vmem>>, vector<16xf32>,
    %slice3A_282 = vector.extract_strided_slice %get3A_202 {offsets = [11], sizes = [1], strides = [1]} : vector<16xf32> to vector<1xf32>
    %squeeze3A_283 = vector.extract %slice3A_282[0] : f32 from vector<1xf32>
    %mul3A_284 = vector.broadcast %squeeze3A_283 : f32 to vector<16xf32>
    %mul3A_285 = arith.mulf %get3A_281, %mul3A_284 : vector<16xf32>
    %add3A_286 = arith.addf %add3A_279, %mul3A_285 : vector<16xf32>
    %get3A_287 = arith.constant 448 : index
    %get3A_288 = tpu.vector_load %arg7[%get3A_287] {strides = array<i32>} : memref<2048xf32, #tpu.memory_space<vmem>>, vector<16xf32>,
    %slice3A_289 = vector.extract_strided_slice %get3A_202 {offsets = [12], sizes = [1], strides = [1]} : vector<16xf32> to vector<1xf32>
    %squeeze3A_290 = vector.extract %slice3A_289[0] : f32 from vector<1xf32>
    %mul3A_291 = vector.broadcast %squeeze3A_290 : f32 to vector<16xf32>
    %mul3A_292 = arith.mulf %get3A_288, %mul3A_291 : vector<16xf32>
    %add3A_293 = arith.addf %add3A_286, %mul3A_292 : vector<16xf32>
    %get3A_294 = arith.constant 464 : index
    %get3A_295 = tpu.vector_load %arg7[%get3A_294] {strides = array<i32>} : memref<2048xf32, #tpu.memory_space<vmem>>, vector<16xf32>,
    %slice3A_296 = vector.extract_strided_slice %get3A_202 {offsets = [13], sizes = [1], strides = [1]} : vector<16xf32> to vector<1xf32>
    %squeeze3A_297 = vector.extract %slice3A_296[0] : f32 from vector<1xf32>
    %mul3A_298 = vector.broadcast %squeeze3A_297 : f32 to vector<16xf32>
    %mul3A_299 = arith.mulf %get3A_295, %mul3A_298 : vector<16xf32>
    %add3A_300 = arith.addf %add3A_293, %mul3A_299 : vector<16xf32>
    %get3A_301 = arith.constant 480 : index
    %get3A_302 = tpu.vector_load %arg7[%get3A_301] {strides = array<i32>} : memref<2048xf32, #tpu.memory_space<vmem>>, vector<16xf32>,
    %slice3A_303 = vector.extract_strided_slice %get3A_202 {offsets = [14], sizes = [1], strides = [1]} : vector<16xf32> to vector<1xf32>
    %squeeze3A_304 = vector.extract %slice3A_303[0] : f32 from vector<1xf32>
    %mul3A_305 = vector.broadcast %squeeze3A_304 : f32 to vector<16xf32>
    %mul3A_306 = arith.mulf %get3A_302, %mul3A_305 : vector<16xf32>
    %add3A_307 = arith.addf %add3A_300, %mul3A_306 : vector<16xf32>
    %get3A_308 = arith.constant 496 : index
    %get3A_309 = tpu.vector_load %arg7[%get3A_308] {strides = array<i32>} : memref<2048xf32, #tpu.memory_space<vmem>>, vector<16xf32>,
    %slice3A_310 = vector.extract_strided_slice %get3A_202 {offsets = [15], sizes = [1], strides = [1]} : vector<16xf32> to vector<1xf32>
    %squeeze3A_311 = vector.extract %slice3A_310[0] : f32 from vector<1xf32>
    %mul3A_312 = vector.broadcast %squeeze3A_311 : f32 to vector<16xf32>
    %mul3A_313 = arith.mulf %get3A_309, %mul3A_312 : vector<16xf32>
    %add3A_314 = arith.addf %add3A_307, %mul3A_313 : vector<16xf32>
    %get3A_315 = arith.constant 32 : index
    %get3A_316 = tpu.vector_load %arg8[%get3A_315] {strides = array<i32>} : memref<128xf32, #tpu.memory_space<vmem>>, vector<16xf32>,
    %get3A_317 = arith.constant 512 : index
    %get3A_318 = tpu.vector_load %arg7[%get3A_317] {strides = array<i32>} : memref<2048xf32, #tpu.memory_space<vmem>>, vector<16xf32>,
    %slice3A_319 = vector.extract_strided_slice %get3A_316 {offsets = [0], sizes = [1], strides = [1]} : vector<16xf32> to vector<1xf32>
    %squeeze3A_320 = vector.extract %slice3A_319[0] : f32 from vector<1xf32>
    %mul3A_321 = vector.broadcast %squeeze3A_320 : f32 to vector<16xf32>
    %mul3A_322 = arith.mulf %get3A_318, %mul3A_321 : vector<16xf32>
    %add3A_323 = arith.addf %add3A_314, %mul3A_322 : vector<16xf32>
    %get3A_324 = arith.constant 528 : index
    %get3A_325 = tpu.vector_load %arg7[%get3A_324] {strides = array<i32>} : memref<2048xf32, #tpu.memory_space<vmem>>, vector<16xf32>,
    %slice3A_326 = vector.extract_strided_slice %get3A_316 {offsets = [1], sizes = [1], strides = [1]} : vector<16xf32> to vector<1xf32>
    %squeeze3A_327 = vector.extract %slice3A_326[0] : f32 from vector<1xf32>
    %mul3A_328 = vector.broadcast %squeeze3A_327 : f32 to vector<16xf32>
    %mul3A_329 = arith.mulf %get3A_325, %mul3A_328 : vector<16xf32>
    %add3A_330 = arith.addf %add3A_323, %mul3A_329 : vector<16xf32>
    %get3A_331 = arith.constant 544 : index
    %get3A_332 = tpu.vector_load %arg7[%get3A_331] {strides = array<i32>} : memref<2048xf32, #tpu.memory_space<vmem>>, vector<16xf32>,
    %slice3A_333 = vector.extract_strided_slice %get3A_316 {offsets = [2], sizes = [1], strides = [1]} : vector<16xf32> to vector<1xf32>
    %squeeze3A_334 = vector.extract %slice3A_333[0] : f32 from vector<1xf32>
    %mul3A_335 = vector.broadcast %squeeze3A_334 : f32 to vector<16xf32>
    %mul3A_336 = arith.mulf %get3A_332, %mul3A_335 : vector<16xf32>
    %add3A_337 = arith.addf %add3A_330, %mul3A_336 : vector<16xf32>
    %get3A_338 = arith.constant 560 : index
    %get3A_339 = tpu.vector_load %arg7[%get3A_338] {strides = array<i32>} : memref<2048xf32, #tpu.memory_space<vmem>>, vector<16xf32>,
    %slice3A_340 = vector.extract_strided_slice %get3A_316 {offsets = [3], sizes = [1], strides = [1]} : vector<16xf32> to vector<1xf32>
    %squeeze3A_341 = vector.extract %slice3A_340[0] : f32 from vector<1xf32>
    %mul3A_342 = vector.broadcast %squeeze3A_341 : f32 to vector<16xf32>
    %mul3A_343 = arith.mulf %get3A_339, %mul3A_342 : vector<16xf32>
    %add3A_344 = arith.addf %add3A_337, %mul3A_343 : vector<16xf32>
    %get3A_345 = arith.constant 576 : index
    %get3A_346 = tpu.vector_load %arg7[%get3A_345] {strides = array<i32>} : memref<2048xf32, #tpu.memory_space<vmem>>, vector<16xf32>,
    %slice3A_347 = vector.extract_strided_slice %get3A_316 {offsets = [4], sizes = [1], strides = [1]} : vector<16xf32> to vector<1xf32>
    %squeeze3A_348 = vector.extract %slice3A_347[0] : f32 from vector<1xf32>
    %mul3A_349 = vector.broadcast %squeeze3A_348 : f32 to vector<16xf32>
    %mul3A_350 = arith.mulf %get3A_346, %mul3A_349 : vector<16xf32>
    %add3A_351 = arith.addf %add3A_344, %mul3A_350 : vector<16xf32>
    %get3A_352 = arith.constant 592 : index
    %get3A_353 = tpu.vector_load %arg7[%get3A_352] {strides = array<i32>} : memref<2048xf32, #tpu.memory_space<vmem>>, vector<16xf32>,
    %slice3A_354 = vector.extract_strided_slice %get3A_316 {offsets = [5], sizes = [1], strides = [1]} : vector<16xf32> to vector<1xf32>
    %squeeze3A_355 = vector.extract %slice3A_354[0] : f32 from vector<1xf32>
    %mul3A_356 = vector.broadcast %squeeze3A_355 : f32 to vector<16xf32>
    %mul3A_357 = arith.mulf %get3A_353, %mul3A_356 : vector<16xf32>
    %add3A_358 = arith.addf %add3A_351, %mul3A_357 : vector<16xf32>
    %get3A_359 = arith.constant 608 : index
    %get3A_360 = tpu.vector_load %arg7[%get3A_359] {strides = array<i32>} : memref<2048xf32, #tpu.memory_space<vmem>>, vector<16xf32>,
    %slice3A_361 = vector.extract_strided_slice %get3A_316 {offsets = [6], sizes = [1], strides = [1]} : vector<16xf32> to vector<1xf32>
    %squeeze3A_362 = vector.extract %slice3A_361[0] : f32 from vector<1xf32>
    %mul3A_363 = vector.broadcast %squeeze3A_362 : f32 to vector<16xf32>
    %mul3A_364 = arith.mulf %get3A_360, %mul3A_363 : vector<16xf32>
    %add3A_365 = arith.addf %add3A_358, %mul3A_364 : vector<16xf32>
    %get3A_366 = arith.constant 624 : index
    %get3A_367 = tpu.vector_load %arg7[%get3A_366] {strides = array<i32>} : memref<2048xf32, #tpu.memory_space<vmem>>, vector<16xf32>,
    %slice3A_368 = vector.extract_strided_slice %get3A_316 {offsets = [7], sizes = [1], strides = [1]} : vector<16xf32> to vector<1xf32>
    %squeeze3A_369 = vector.extract %slice3A_368[0] : f32 from vector<1xf32>
    %mul3A_370 = vector.broadcast %squeeze3A_369 : f32 to vector<16xf32>
    %mul3A_371 = arith.mulf %get3A_367, %mul3A_370 : vector<16xf32>
    %add3A_372 = arith.addf %add3A_365, %mul3A_371 : vector<16xf32>
    %get3A_373 = arith.constant 640 : index
    %get3A_374 = tpu.vector_load %arg7[%get3A_373] {strides = array<i32>} : memref<2048xf32, #tpu.memory_space<vmem>>, vector<16xf32>,
    %slice3A_375 = vector.extract_strided_slice %get3A_316 {offsets = [8], sizes = [1], strides = [1]} : vector<16xf32> to vector<1xf32>
    %squeeze3A_376 = vector.extract %slice3A_375[0] : f32 from vector<1xf32>
    %mul3A_377 = vector.broadcast %squeeze3A_376 : f32 to vector<16xf32>
    %mul3A_378 = arith.mulf %get3A_374, %mul3A_377 : vector<16xf32>
    %add3A_379 = arith.addf %add3A_372, %mul3A_378 : vector<16xf32>
    %get3A_380 = arith.constant 656 : index
    %get3A_381 = tpu.vector_load %arg7[%get3A_380] {strides = array<i32>} : memref<2048xf32, #tpu.memory_space<vmem>>, vector<16xf32>,
    %slice3A_382 = vector.extract_strided_slice %get3A_316 {offsets = [9], sizes = [1], strides = [1]} : vector<16xf32> to vector<1xf32>
    %squeeze3A_383 = vector.extract %slice3A_382[0] : f32 from vector<1xf32>
    %mul3A_384 = vector.broadcast %squeeze3A_383 : f32 to vector<16xf32>
    %mul3A_385 = arith.mulf %get3A_381, %mul3A_384 : vector<16xf32>
    %add3A_386 = arith.addf %add3A_379, %mul3A_385 : vector<16xf32>
    %get3A_387 = arith.constant 672 : index
    %get3A_388 = tpu.vector_load %arg7[%get3A_387] {strides = array<i32>} : memref<2048xf32, #tpu.memory_space<vmem>>, vector<16xf32>,
    %slice3A_389 = vector.extract_strided_slice %get3A_316 {offsets = [10], sizes = [1], strides = [1]} : vector<16xf32> to vector<1xf32>
    %squeeze3A_390 = vector.extract %slice3A_389[0] : f32 from vector<1xf32>
    %mul3A_391 = vector.broadcast %squeeze3A_390 : f32 to vector<16xf32>
    %mul3A_392 = arith.mulf %get3A_388, %mul3A_391 : vector<16xf32>
    %add3A_393 = arith.addf %add3A_386, %mul3A_392 : vector<16xf32>
    %get3A_394 = arith.constant 688 : index
    %get3A_395 = tpu.vector_load %arg7[%get3A_394] {strides = array<i32>} : memref<2048xf32, #tpu.memory_space<vmem>>, vector<16xf32>,
    %slice3A_396 = vector.extract_strided_slice %get3A_316 {offsets = [11], sizes = [1], strides = [1]} : vector<16xf32> to vector<1xf32>
    %squeeze3A_397 = vector.extract %slice3A_396[0] : f32 from vector<1xf32>
    %mul3A_398 = vector.broadcast %squeeze3A_397 : f32 to vector<16xf32>
    %mul3A_399 = arith.mulf %get3A_395, %mul3A_398 : vector<16xf32>
    %add3A_400 = arith.addf %add3A_393, %mul3A_399 : vector<16xf32>
    %get3A_401 = arith.constant 704 : index
    %get3A_402 = tpu.vector_load %arg7[%get3A_401] {strides = array<i32>} : memref<2048xf32, #tpu.memory_space<vmem>>, vector<16xf32>,
    %slice3A_403 = vector.extract_strided_slice %get3A_316 {offsets = [12], sizes = [1], strides = [1]} : vector<16xf32> to vector<1xf32>
    %squeeze3A_404 = vector.extract %slice3A_403[0] : f32 from vector<1xf32>
    %mul3A_405 = vector.broadcast %squeeze3A_404 : f32 to vector<16xf32>
    %mul3A_406 = arith.mulf %get3A_402, %mul3A_405 : vector<16xf32>
    %add3A_407 = arith.addf %add3A_400, %mul3A_406 : vector<16xf32>
    %get3A_408 = arith.constant 720 : index
    %get3A_409 = tpu.vector_load %arg7[%get3A_408] {strides = array<i32>} : memref<2048xf32, #tpu.memory_space<vmem>>, vector<16xf32>,
    %slice3A_410 = vector.extract_strided_slice %get3A_316 {offsets = [13], sizes = [1], strides = [1]} : vector<16xf32> to vector<1xf32>
    %squeeze3A_411 = vector.extract %slice3A_410[0] : f32 from vector<1xf32>
    %mul3A_412 = vector.broadcast %squeeze3A_411 : f32 to vector<16xf32>
    %mul3A_413 = arith.mulf %get3A_409, %mul3A_412 : vector<16xf32>
    %add3A_414 = arith.addf %add3A_407, %mul3A_413 : vector<16xf32>
    %get3A_415 = arith.constant 736 : index
    %get3A_416 = tpu.vector_load %arg7[%get3A_415] {strides = array<i32>} : memref<2048xf32, #tpu.memory_space<vmem>>, vector<16xf32>,
    %slice3A_417 = vector.extract_strided_slice %get3A_316 {offsets = [14], sizes = [1], strides = [1]} : vector<16xf32> to vector<1xf32>
    %squeeze3A_418 = vector.extract %slice3A_417[0] : f32 from vector<1xf32>
    %mul3A_419 = vector.broadcast %squeeze3A_418 : f32 to vector<16xf32>
    %mul3A_420 = arith.mulf %get3A_416, %mul3A_419 : vector<16xf32>
    %add3A_421 = arith.addf %add3A_414, %mul3A_420 : vector<16xf32>
    %get3A_422 = arith.constant 752 : index
    %get3A_423 = tpu.vector_load %arg7[%get3A_422] {strides = array<i32>} : memref<2048xf32, #tpu.memory_space<vmem>>, vector<16xf32>,
    %slice3A_424 = vector.extract_strided_slice %get3A_316 {offsets = [15], sizes = [1], strides = [1]} : vector<16xf32> to vector<1xf32>
    %squeeze3A_425 = vector.extract %slice3A_424[0] : f32 from vector<1xf32>
    %mul3A_426 = vector.broadcast %squeeze3A_425 : f32 to vector<16xf32>
    %mul3A_427 = arith.mulf %get3A_423, %mul3A_426 : vector<16xf32>
    %add3A_428 = arith.addf %add3A_421, %mul3A_427 : vector<16xf32>
    %get3A_429 = arith.constant 48 : index
    %get3A_430 = tpu.vector_load %arg8[%get3A_429] {strides = array<i32>} : memref<128xf32, #tpu.memory_space<vmem>>, vector<16xf32>,
    %get3A_431 = arith.constant 768 : index
    %get3A_432 = tpu.vector_load %arg7[%get3A_431] {strides = array<i32>} : memref<2048xf32, #tpu.memory_space<vmem>>, vector<16xf32>,
    %slice3A_433 = vector.extract_strided_slice %get3A_430 {offsets = [0], sizes = [1], strides = [1]} : vector<16xf32> to vector<1xf32>
    %squeeze3A_434 = vector.extract %slice3A_433[0] : f32 from vector<1xf32>
    %mul3A_435 = vector.broadcast %squeeze3A_434 : f32 to vector<16xf32>
    %mul3A_436 = arith.mulf %get3A_432, %mul3A_435 : vector<16xf32>
    %add3A_437 = arith.addf %add3A_428, %mul3A_436 : vector<16xf32>
    %get3A_438 = arith.constant 784 : index
    %get3A_439 = tpu.vector_load %arg7[%get3A_438] {strides = array<i32>} : memref<2048xf32, #tpu.memory_space<vmem>>, vector<16xf32>,
    %slice3A_440 = vector.extract_strided_slice %get3A_430 {offsets = [1], sizes = [1], strides = [1]} : vector<16xf32> to vector<1xf32>
    %squeeze3A_441 = vector.extract %slice3A_440[0] : f32 from vector<1xf32>
    %mul3A_442 = vector.broadcast %squeeze3A_441 : f32 to vector<16xf32>
    %mul3A_443 = arith.mulf %get3A_439, %mul3A_442 : vector<16xf32>
    %add3A_444 = arith.addf %add3A_437, %mul3A_443 : vector<16xf32>
    %get3A_445 = arith.constant 800 : index
    %get3A_446 = tpu.vector_load %arg7[%get3A_445] {strides = array<i32>} : memref<2048xf32, #tpu.memory_space<vmem>>, vector<16xf32>,
    %slice3A_447 = vector.extract_strided_slice %get3A_430 {offsets = [2], sizes = [1], strides = [1]} : vector<16xf32> to vector<1xf32>
    %squeeze3A_448 = vector.extract %slice3A_447[0] : f32 from vector<1xf32>
    %mul3A_449 = vector.broadcast %squeeze3A_448 : f32 to vector<16xf32>
    %mul3A_450 = arith.mulf %get3A_446, %mul3A_449 : vector<16xf32>
    %add3A_451 = arith.addf %add3A_444, %mul3A_450 : vector<16xf32>
    %get3A_452 = arith.constant 816 : index
    %get3A_453 = tpu.vector_load %arg7[%get3A_452] {strides = array<i32>} : memref<2048xf32, #tpu.memory_space<vmem>>, vector<16xf32>,
    %slice3A_454 = vector.extract_strided_slice %get3A_430 {offsets = [3], sizes = [1], strides = [1]} : vector<16xf32> to vector<1xf32>
    %squeeze3A_455 = vector.extract %slice3A_454[0] : f32 from vector<1xf32>
    %mul3A_456 = vector.broadcast %squeeze3A_455 : f32 to vector<16xf32>
    %mul3A_457 = arith.mulf %get3A_453, %mul3A_456 : vector<16xf32>
    %add3A_458 = arith.addf %add3A_451, %mul3A_457 : vector<16xf32>
    %get3A_459 = arith.constant 832 : index
    %get3A_460 = tpu.vector_load %arg7[%get3A_459] {strides = array<i32>} : memref<2048xf32, #tpu.memory_space<vmem>>, vector<16xf32>,
    %slice3A_461 = vector.extract_strided_slice %get3A_430 {offsets = [4], sizes = [1], strides = [1]} : vector<16xf32> to vector<1xf32>
    %squeeze3A_462 = vector.extract %slice3A_461[0] : f32 from vector<1xf32>
    %mul3A_463 = vector.broadcast %squeeze3A_462 : f32 to vector<16xf32>
    %mul3A_464 = arith.mulf %get3A_460, %mul3A_463 : vector<16xf32>
    %add3A_465 = arith.addf %add3A_458, %mul3A_464 : vector<16xf32>
    %get3A_466 = arith.constant 848 : index
    %get3A_467 = tpu.vector_load %arg7[%get3A_466] {strides = array<i32>} : memref<2048xf32, #tpu.memory_space<vmem>>, vector<16xf32>,
    %slice3A_468 = vector.extract_strided_slice %get3A_430 {offsets = [5], sizes = [1], strides = [1]} : vector<16xf32> to vector<1xf32>
    %squeeze3A_469 = vector.extract %slice3A_468[0] : f32 from vector<1xf32>
    %mul3A_470 = vector.broadcast %squeeze3A_469 : f32 to vector<16xf32>
    %mul3A_471 = arith.mulf %get3A_467, %mul3A_470 : vector<16xf32>
    %add3A_472 = arith.addf %add3A_465, %mul3A_471 : vector<16xf32>
    %get3A_473 = arith.constant 864 : index
    %get3A_474 = tpu.vector_load %arg7[%get3A_473] {strides = array<i32>} : memref<2048xf32, #tpu.memory_space<vmem>>, vector<16xf32>,
    %slice3A_475 = vector.extract_strided_slice %get3A_430 {offsets = [6], sizes = [1], strides = [1]} : vector<16xf32> to vector<1xf32>
    %squeeze3A_476 = vector.extract %slice3A_475[0] : f32 from vector<1xf32>
    %mul3A_477 = vector.broadcast %squeeze3A_476 : f32 to vector<16xf32>
    %mul3A_478 = arith.mulf %get3A_474, %mul3A_477 : vector<16xf32>
    %add3A_479 = arith.addf %add3A_472, %mul3A_478 : vector<16xf32>
    %get3A_480 = arith.constant 880 : index
    %get3A_481 = tpu.vector_load %arg7[%get3A_480] {strides = array<i32>} : memref<2048xf32, #tpu.memory_space<vmem>>, vector<16xf32>,
    %slice3A_482 = vector.extract_strided_slice %get3A_430 {offsets = [7], sizes = [1], strides = [1]} : vector<16xf32> to vector<1xf32>
    %squeeze3A_483 = vector.extract %slice3A_482[0] : f32 from vector<1xf32>
    %mul3A_484 = vector.broadcast %squeeze3A_483 : f32 to vector<16xf32>
    %mul3A_485 = arith.mulf %get3A_481, %mul3A_484 : vector<16xf32>
    %add3A_486 = arith.addf %add3A_479, %mul3A_485 : vector<16xf32>
    %get3A_487 = arith.constant 896 : index
    %get3A_488 = tpu.vector_load %arg7[%get3A_487] {strides = array<i32>} : memref<2048xf32, #tpu.memory_space<vmem>>, vector<16xf32>,
    %slice3A_489 = vector.extract_strided_slice %get3A_430 {offsets = [8], sizes = [1], strides = [1]} : vector<16xf32> to vector<1xf32>
    %squeeze3A_490 = vector.extract %slice3A_489[0] : f32 from vector<1xf32>
    %mul3A_491 = vector.broadcast %squeeze3A_490 : f32 to vector<16xf32>
    %mul3A_492 = arith.mulf %get3A_488, %mul3A_491 : vector<16xf32>
    %add3A_493 = arith.addf %add3A_486, %mul3A_492 : vector<16xf32>
    %get3A_494 = arith.constant 912 : index
    %get3A_495 = tpu.vector_load %arg7[%get3A_494] {strides = array<i32>} : memref<2048xf32, #tpu.memory_space<vmem>>, vector<16xf32>,
    %slice3A_496 = vector.extract_strided_slice %get3A_430 {offsets = [9], sizes = [1], strides = [1]} : vector<16xf32> to vector<1xf32>
    %squeeze3A_497 = vector.extract %slice3A_496[0] : f32 from vector<1xf32>
    %mul3A_498 = vector.broadcast %squeeze3A_497 : f32 to vector<16xf32>
    %mul3A_499 = arith.mulf %get3A_495, %mul3A_498 : vector<16xf32>
    %add3A_500 = arith.addf %add3A_493, %mul3A_499 : vector<16xf32>
    %get3A_501 = arith.constant 928 : index
    %get3A_502 = tpu.vector_load %arg7[%get3A_501] {strides = array<i32>} : memref<2048xf32, #tpu.memory_space<vmem>>, vector<16xf32>,
    %slice3A_503 = vector.extract_strided_slice %get3A_430 {offsets = [10], sizes = [1], strides = [1]} : vector<16xf32> to vector<1xf32>
    %squeeze3A_504 = vector.extract %slice3A_503[0] : f32 from vector<1xf32>
    %mul3A_505 = vector.broadcast %squeeze3A_504 : f32 to vector<16xf32>
    %mul3A_506 = arith.mulf %get3A_502, %mul3A_505 : vector<16xf32>
    %add3A_507 = arith.addf %add3A_500, %mul3A_506 : vector<16xf32>
    %get3A_508 = arith.constant 944 : index
    %get3A_509 = tpu.vector_load %arg7[%get3A_508] {strides = array<i32>} : memref<2048xf32, #tpu.memory_space<vmem>>, vector<16xf32>,
    %slice3A_510 = vector.extract_strided_slice %get3A_430 {offsets = [11], sizes = [1], strides = [1]} : vector<16xf32> to vector<1xf32>
    %squeeze3A_511 = vector.extract %slice3A_510[0] : f32 from vector<1xf32>
    %mul3A_512 = vector.broadcast %squeeze3A_511 : f32 to vector<16xf32>
    %mul3A_513 = arith.mulf %get3A_509, %mul3A_512 : vector<16xf32>
    %add3A_514 = arith.addf %add3A_507, %mul3A_513 : vector<16xf32>
    %get3A_515 = arith.constant 960 : index
    %get3A_516 = tpu.vector_load %arg7[%get3A_515] {strides = array<i32>} : memref<2048xf32, #tpu.memory_space<vmem>>, vector<16xf32>,
    %slice3A_517 = vector.extract_strided_slice %get3A_430 {offsets = [12], sizes = [1], strides = [1]} : vector<16xf32> to vector<1xf32>
    %squeeze3A_518 = vector.extract %slice3A_517[0] : f32 from vector<1xf32>
    %mul3A_519 = vector.broadcast %squeeze3A_518 : f32 to vector<16xf32>
    %mul3A_520 = arith.mulf %get3A_516, %mul3A_519 : vector<16xf32>
    %add3A_521 = arith.addf %add3A_514, %mul3A_520 : vector<16xf32>
    %get3A_522 = arith.constant 976 : index
    %get3A_523 = tpu.vector_load %arg7[%get3A_522] {strides = array<i32>} : memref<2048xf32, #tpu.memory_space<vmem>>, vector<16xf32>,
    %slice3A_524 = vector.extract_strided_slice %get3A_430 {offsets = [13], sizes = [1], strides = [1]} : vector<16xf32> to vector<1xf32>
    %squeeze3A_525 = vector.extract %slice3A_524[0] : f32 from vector<1xf32>
    %mul3A_526 = vector.broadcast %squeeze3A_525 : f32 to vector<16xf32>
    %mul3A_527 = arith.mulf %get3A_523, %mul3A_526 : vector<16xf32>
    %add3A_528 = arith.addf %add3A_521, %mul3A_527 : vector<16xf32>
    %get3A_529 = arith.constant 992 : index
    %get3A_530 = tpu.vector_load %arg7[%get3A_529] {strides = array<i32>} : memref<2048xf32, #tpu.memory_space<vmem>>, vector<16xf32>,
    %slice3A_531 = vector.extract_strided_slice %get3A_430 {offsets = [14], sizes = [1], strides = [1]} : vector<16xf32> to vector<1xf32>
    %squeeze3A_532 = vector.extract %slice3A_531[0] : f32 from vector<1xf32>
    %mul3A_533 = vector.broadcast %squeeze3A_532 : f32 to vector<16xf32>
    %mul3A_534 = arith.mulf %get3A_530, %mul3A_533 : vector<16xf32>
    %add3A_535 = arith.addf %add3A_528, %mul3A_534 : vector<16xf32>
    %get3A_536 = arith.constant 1008 : index
    %get3A_537 = tpu.vector_load %arg7[%get3A_536] {strides = array<i32>} : memref<2048xf32, #tpu.memory_space<vmem>>, vector<16xf32>,
    %slice3A_538 = vector.extract_strided_slice %get3A_430 {offsets = [15], sizes = [1], strides = [1]} : vector<16xf32> to vector<1xf32>
    %squeeze3A_539 = vector.extract %slice3A_538[0] : f32 from vector<1xf32>
    %mul3A_540 = vector.broadcast %squeeze3A_539 : f32 to vector<16xf32>
    %mul3A_541 = arith.mulf %get3A_537, %mul3A_540 : vector<16xf32>
    %add3A_542 = arith.addf %add3A_535, %mul3A_541 : vector<16xf32>
    %get3A_543 = arith.constant 64 : index
    %get3A_544 = tpu.vector_load %arg8[%get3A_543] {strides = array<i32>} : memref<128xf32, #tpu.memory_space<vmem>>, vector<16xf32>,
    %get3A_545 = arith.constant 1024 : index
    %get3A_546 = tpu.vector_load %arg7[%get3A_545] {strides = array<i32>} : memref<2048xf32, #tpu.memory_space<vmem>>, vector<16xf32>,
    %slice3A_547 = vector.extract_strided_slice %get3A_544 {offsets = [0], sizes = [1], strides = [1]} : vector<16xf32> to vector<1xf32>
    %squeeze3A_548 = vector.extract %slice3A_547[0] : f32 from vector<1xf32>
    %mul3A_549 = vector.broadcast %squeeze3A_548 : f32 to vector<16xf32>
    %mul3A_550 = arith.mulf %get3A_546, %mul3A_549 : vector<16xf32>
    %add3A_551 = arith.addf %add3A_542, %mul3A_550 : vector<16xf32>
    %get3A_552 = arith.constant 1040 : index
    %get3A_553 = tpu.vector_load %arg7[%get3A_552] {strides = array<i32>} : memref<2048xf32, #tpu.memory_space<vmem>>, vector<16xf32>,
    %slice3A_554 = vector.extract_strided_slice %get3A_544 {offsets = [1], sizes = [1], strides = [1]} : vector<16xf32> to vector<1xf32>
    %squeeze3A_555 = vector.extract %slice3A_554[0] : f32 from vector<1xf32>
    %mul3A_556 = vector.broadcast %squeeze3A_555 : f32 to vector<16xf32>
    %mul3A_557 = arith.mulf %get3A_553, %mul3A_556 : vector<16xf32>
    %add3A_558 = arith.addf %add3A_551, %mul3A_557 : vector<16xf32>
    %get3A_559 = arith.constant 1056 : index
    %get3A_560 = tpu.vector_load %arg7[%get3A_559] {strides = array<i32>} : memref<2048xf32, #tpu.memory_space<vmem>>, vector<16xf32>,
    %slice3A_561 = vector.extract_strided_slice %get3A_544 {offsets = [2], sizes = [1], strides = [1]} : vector<16xf32> to vector<1xf32>
    %squeeze3A_562 = vector.extract %slice3A_561[0] : f32 from vector<1xf32>
    %mul3A_563 = vector.broadcast %squeeze3A_562 : f32 to vector<16xf32>
    %mul3A_564 = arith.mulf %get3A_560, %mul3A_563 : vector<16xf32>
    %add3A_565 = arith.addf %add3A_558, %mul3A_564 : vector<16xf32>
    %get3A_566 = arith.constant 1072 : index
    %get3A_567 = tpu.vector_load %arg7[%get3A_566] {strides = array<i32>} : memref<2048xf32, #tpu.memory_space<vmem>>, vector<16xf32>,
    %slice3A_568 = vector.extract_strided_slice %get3A_544 {offsets = [3], sizes = [1], strides = [1]} : vector<16xf32> to vector<1xf32>
    %squeeze3A_569 = vector.extract %slice3A_568[0] : f32 from vector<1xf32>
    %mul3A_570 = vector.broadcast %squeeze3A_569 : f32 to vector<16xf32>
    %mul3A_571 = arith.mulf %get3A_567, %mul3A_570 : vector<16xf32>
    %add3A_572 = arith.addf %add3A_565, %mul3A_571 : vector<16xf32>
    %get3A_573 = arith.constant 1088 : index
    %get3A_574 = tpu.vector_load %arg7[%get3A_573] {strides = array<i32>} : memref<2048xf32, #tpu.memory_space<vmem>>, vector<16xf32>,
    %slice3A_575 = vector.extract_strided_slice %get3A_544 {offsets = [4], sizes = [1], strides = [1]} : vector<16xf32> to vector<1xf32>
    %squeeze3A_576 = vector.extract %slice3A_575[0] : f32 from vector<1xf32>
    %mul3A_577 = vector.broadcast %squeeze3A_576 : f32 to vector<16xf32>
    %mul3A_578 = arith.mulf %get3A_574, %mul3A_577 : vector<16xf32>
    %add3A_579 = arith.addf %add3A_572, %mul3A_578 : vector<16xf32>
    %get3A_580 = arith.constant 1104 : index
    %get3A_581 = tpu.vector_load %arg7[%get3A_580] {strides = array<i32>} : memref<2048xf32, #tpu.memory_space<vmem>>, vector<16xf32>,
    %slice3A_582 = vector.extract_strided_slice %get3A_544 {offsets = [5], sizes = [1], strides = [1]} : vector<16xf32> to vector<1xf32>
    %squeeze3A_583 = vector.extract %slice3A_582[0] : f32 from vector<1xf32>
    %mul3A_584 = vector.broadcast %squeeze3A_583 : f32 to vector<16xf32>
    %mul3A_585 = arith.mulf %get3A_581, %mul3A_584 : vector<16xf32>
    %add3A_586 = arith.addf %add3A_579, %mul3A_585 : vector<16xf32>
    %get3A_587 = arith.constant 1120 : index
    %get3A_588 = tpu.vector_load %arg7[%get3A_587] {strides = array<i32>} : memref<2048xf32, #tpu.memory_space<vmem>>, vector<16xf32>,
    %slice3A_589 = vector.extract_strided_slice %get3A_544 {offsets = [6], sizes = [1], strides = [1]} : vector<16xf32> to vector<1xf32>
    %squeeze3A_590 = vector.extract %slice3A_589[0] : f32 from vector<1xf32>
    %mul3A_591 = vector.broadcast %squeeze3A_590 : f32 to vector<16xf32>
    %mul3A_592 = arith.mulf %get3A_588, %mul3A_591 : vector<16xf32>
    %add3A_593 = arith.addf %add3A_586, %mul3A_592 : vector<16xf32>
    %get3A_594 = arith.constant 1136 : index
    %get3A_595 = tpu.vector_load %arg7[%get3A_594] {strides = array<i32>} : memref<2048xf32, #tpu.memory_space<vmem>>, vector<16xf32>,
    %slice3A_596 = vector.extract_strided_slice %get3A_544 {offsets = [7], sizes = [1], strides = [1]} : vector<16xf32> to vector<1xf32>
    %squeeze3A_597 = vector.extract %slice3A_596[0] : f32 from vector<1xf32>
    %mul3A_598 = vector.broadcast %squeeze3A_597 : f32 to vector<16xf32>
    %mul3A_599 = arith.mulf %get3A_595, %mul3A_598 : vector<16xf32>
    %add3A_600 = arith.addf %add3A_593, %mul3A_599 : vector<16xf32>
    %get3A_601 = arith.constant 1152 : index
    %get3A_602 = tpu.vector_load %arg7[%get3A_601] {strides = array<i32>} : memref<2048xf32, #tpu.memory_space<vmem>>, vector<16xf32>,
    %slice3A_603 = vector.extract_strided_slice %get3A_544 {offsets = [8], sizes = [1], strides = [1]} : vector<16xf32> to vector<1xf32>
    %squeeze3A_604 = vector.extract %slice3A_603[0] : f32 from vector<1xf32>
    %mul3A_605 = vector.broadcast %squeeze3A_604 : f32 to vector<16xf32>
    %mul3A_606 = arith.mulf %get3A_602, %mul3A_605 : vector<16xf32>
    %add3A_607 = arith.addf %add3A_600, %mul3A_606 : vector<16xf32>
    %get3A_608 = arith.constant 1168 : index
    %get3A_609 = tpu.vector_load %arg7[%get3A_608] {strides = array<i32>} : memref<2048xf32, #tpu.memory_space<vmem>>, vector<16xf32>,
    %slice3A_610 = vector.extract_strided_slice %get3A_544 {offsets = [9], sizes = [1], strides = [1]} : vector<16xf32> to vector<1xf32>
    %squeeze3A_611 = vector.extract %slice3A_610[0] : f32 from vector<1xf32>
    %mul3A_612 = vector.broadcast %squeeze3A_611 : f32 to vector<16xf32>
    %mul3A_613 = arith.mulf %get3A_609, %mul3A_612 : vector<16xf32>
    %add3A_614 = arith.addf %add3A_607, %mul3A_613 : vector<16xf32>
    %get3A_615 = arith.constant 1184 : index
    %get3A_616 = tpu.vector_load %arg7[%get3A_615] {strides = array<i32>} : memref<2048xf32, #tpu.memory_space<vmem>>, vector<16xf32>,
    %slice3A_617 = vector.extract_strided_slice %get3A_544 {offsets = [10], sizes = [1], strides = [1]} : vector<16xf32> to vector<1xf32>
    %squeeze3A_618 = vector.extract %slice3A_617[0] : f32 from vector<1xf32>
    %mul3A_619 = vector.broadcast %squeeze3A_618 : f32 to vector<16xf32>
    %mul3A_620 = arith.mulf %get3A_616, %mul3A_619 : vector<16xf32>
    %add3A_621 = arith.addf %add3A_614, %mul3A_620 : vector<16xf32>
    %get3A_622 = arith.constant 1200 : index
    %get3A_623 = tpu.vector_load %arg7[%get3A_622] {strides = array<i32>} : memref<2048xf32, #tpu.memory_space<vmem>>, vector<16xf32>,
    %slice3A_624 = vector.extract_strided_slice %get3A_544 {offsets = [11], sizes = [1], strides = [1]} : vector<16xf32> to vector<1xf32>
    %squeeze3A_625 = vector.extract %slice3A_624[0] : f32 from vector<1xf32>
    %mul3A_626 = vector.broadcast %squeeze3A_625 : f32 to vector<16xf32>
    %mul3A_627 = arith.mulf %get3A_623, %mul3A_626 : vector<16xf32>
    %add3A_628 = arith.addf %add3A_621, %mul3A_627 : vector<16xf32>
    %get3A_629 = arith.constant 1216 : index
    %get3A_630 = tpu.vector_load %arg7[%get3A_629] {strides = array<i32>} : memref<2048xf32, #tpu.memory_space<vmem>>, vector<16xf32>,
    %slice3A_631 = vector.extract_strided_slice %get3A_544 {offsets = [12], sizes = [1], strides = [1]} : vector<16xf32> to vector<1xf32>
    %squeeze3A_632 = vector.extract %slice3A_631[0] : f32 from vector<1xf32>
    %mul3A_633 = vector.broadcast %squeeze3A_632 : f32 to vector<16xf32>
    %mul3A_634 = arith.mulf %get3A_630, %mul3A_633 : vector<16xf32>
    %add3A_635 = arith.addf %add3A_628, %mul3A_634 : vector<16xf32>
    %get3A_636 = arith.constant 1232 : index
    %get3A_637 = tpu.vector_load %arg7[%get3A_636] {strides = array<i32>} : memref<2048xf32, #tpu.memory_space<vmem>>, vector<16xf32>,
    %slice3A_638 = vector.extract_strided_slice %get3A_544 {offsets = [13], sizes = [1], strides = [1]} : vector<16xf32> to vector<1xf32>
    %squeeze3A_639 = vector.extract %slice3A_638[0] : f32 from vector<1xf32>
    %mul3A_640 = vector.broadcast %squeeze3A_639 : f32 to vector<16xf32>
    %mul3A_641 = arith.mulf %get3A_637, %mul3A_640 : vector<16xf32>
    %add3A_642 = arith.addf %add3A_635, %mul3A_641 : vector<16xf32>
    %get3A_643 = arith.constant 1248 : index
    %get3A_644 = tpu.vector_load %arg7[%get3A_643] {strides = array<i32>} : memref<2048xf32, #tpu.memory_space<vmem>>, vector<16xf32>,
    %slice3A_645 = vector.extract_strided_slice %get3A_544 {offsets = [14], sizes = [1], strides = [1]} : vector<16xf32> to vector<1xf32>
    %squeeze3A_646 = vector.extract %slice3A_645[0] : f32 from vector<1xf32>
    %mul3A_647 = vector.broadcast %squeeze3A_646 : f32 to vector<16xf32>
    %mul3A_648 = arith.mulf %get3A_644, %mul3A_647 : vector<16xf32>
    %add3A_649 = arith.addf %add3A_642, %mul3A_648 : vector<16xf32>
    %get3A_650 = arith.constant 1264 : index
    %get3A_651 = tpu.vector_load %arg7[%get3A_650] {strides = array<i32>} : memref<2048xf32, #tpu.memory_space<vmem>>, vector<16xf32>,
    %slice3A_652 = vector.extract_strided_slice %get3A_544 {offsets = [15], sizes = [1], strides = [1]} : vector<16xf32> to vector<1xf32>
    %squeeze3A_653 = vector.extract %slice3A_652[0] : f32 from vector<1xf32>
    %mul3A_654 = vector.broadcast %squeeze3A_653 : f32 to vector<16xf32>
    %mul3A_655 = arith.mulf %get3A_651, %mul3A_654 : vector<16xf32>
    %add3A_656 = arith.addf %add3A_649, %mul3A_655 : vector<16xf32>
    %get3A_657 = arith.constant 80 : index
    %get3A_658 = tpu.vector_load %arg8[%get3A_657] {strides = array<i32>} : memref<128xf32, #tpu.memory_space<vmem>>, vector<16xf32>,
    %get3A_659 = arith.constant 1280 : index
    %get3A_660 = tpu.vector_load %arg7[%get3A_659] {strides = array<i32>} : memref<2048xf32, #tpu.memory_space<vmem>>, vector<16xf32>,
    %slice3A_661 = vector.extract_strided_slice %get3A_658 {offsets = [0], sizes = [1], strides = [1]} : vector<16xf32> to vector<1xf32>
    %squeeze3A_662 = vector.extract %slice3A_661[0] : f32 from vector<1xf32>
    %mul3A_663 = vector.broadcast %squeeze3A_662 : f32 to vector<16xf32>
    %mul3A_664 = arith.mulf %get3A_660, %mul3A_663 : vector<16xf32>
    %add3A_665 = arith.addf %add3A_656, %mul3A_664 : vector<16xf32>
    %get3A_666 = arith.constant 1296 : index
    %get3A_667 = tpu.vector_load %arg7[%get3A_666] {strides = array<i32>} : memref<2048xf32, #tpu.memory_space<vmem>>, vector<16xf32>,
    %slice3A_668 = vector.extract_strided_slice %get3A_658 {offsets = [1], sizes = [1], strides = [1]} : vector<16xf32> to vector<1xf32>
    %squeeze3A_669 = vector.extract %slice3A_668[0] : f32 from vector<1xf32>
    %mul3A_670 = vector.broadcast %squeeze3A_669 : f32 to vector<16xf32>
    %mul3A_671 = arith.mulf %get3A_667, %mul3A_670 : vector<16xf32>
    %add3A_672 = arith.addf %add3A_665, %mul3A_671 : vector<16xf32>
    %get3A_673 = arith.constant 1312 : index
    %get3A_674 = tpu.vector_load %arg7[%get3A_673] {strides = array<i32>} : memref<2048xf32, #tpu.memory_space<vmem>>, vector<16xf32>,
    %slice3A_675 = vector.extract_strided_slice %get3A_658 {offsets = [2], sizes = [1], strides = [1]} : vector<16xf32> to vector<1xf32>
    %squeeze3A_676 = vector.extract %slice3A_675[0] : f32 from vector<1xf32>
    %mul3A_677 = vector.broadcast %squeeze3A_676 : f32 to vector<16xf32>
    %mul3A_678 = arith.mulf %get3A_674, %mul3A_677 : vector<16xf32>
    %add3A_679 = arith.addf %add3A_672, %mul3A_678 : vector<16xf32>
    %get3A_680 = arith.constant 1328 : index
    %get3A_681 = tpu.vector_load %arg7[%get3A_680] {strides = array<i32>} : memref<2048xf32, #tpu.memory_space<vmem>>, vector<16xf32>,
    %slice3A_682 = vector.extract_strided_slice %get3A_658 {offsets = [3], sizes = [1], strides = [1]} : vector<16xf32> to vector<1xf32>
    %squeeze3A_683 = vector.extract %slice3A_682[0] : f32 from vector<1xf32>
    %mul3A_684 = vector.broadcast %squeeze3A_683 : f32 to vector<16xf32>
    %mul3A_685 = arith.mulf %get3A_681, %mul3A_684 : vector<16xf32>
    %add3A_686 = arith.addf %add3A_679, %mul3A_685 : vector<16xf32>
    %get3A_687 = arith.constant 1344 : index
    %get3A_688 = tpu.vector_load %arg7[%get3A_687] {strides = array<i32>} : memref<2048xf32, #tpu.memory_space<vmem>>, vector<16xf32>,
    %slice3A_689 = vector.extract_strided_slice %get3A_658 {offsets = [4], sizes = [1], strides = [1]} : vector<16xf32> to vector<1xf32>
    %squeeze3A_690 = vector.extract %slice3A_689[0] : f32 from vector<1xf32>
    %mul3A_691 = vector.broadcast %squeeze3A_690 : f32 to vector<16xf32>
    %mul3A_692 = arith.mulf %get3A_688, %mul3A_691 : vector<16xf32>
    %add3A_693 = arith.addf %add3A_686, %mul3A_692 : vector<16xf32>
    %get3A_694 = arith.constant 1360 : index
    %get3A_695 = tpu.vector_load %arg7[%get3A_694] {strides = array<i32>} : memref<2048xf32, #tpu.memory_space<vmem>>, vector<16xf32>,
    %slice3A_696 = vector.extract_strided_slice %get3A_658 {offsets = [5], sizes = [1], strides = [1]} : vector<16xf32> to vector<1xf32>
    %squeeze3A_697 = vector.extract %slice3A_696[0] : f32 from vector<1xf32>
    %mul3A_698 = vector.broadcast %squeeze3A_697 : f32 to vector<16xf32>
    %mul3A_699 = arith.mulf %get3A_695, %mul3A_698 : vector<16xf32>
    %add3A_700 = arith.addf %add3A_693, %mul3A_699 : vector<16xf32>
    %get3A_701 = arith.constant 1376 : index
    %get3A_702 = tpu.vector_load %arg7[%get3A_701] {strides = array<i32>} : memref<2048xf32, #tpu.memory_space<vmem>>, vector<16xf32>,
    %slice3A_703 = vector.extract_strided_slice %get3A_658 {offsets = [6], sizes = [1], strides = [1]} : vector<16xf32> to vector<1xf32>
    %squeeze3A_704 = vector.extract %slice3A_703[0] : f32 from vector<1xf32>
    %mul3A_705 = vector.broadcast %squeeze3A_704 : f32 to vector<16xf32>
    %mul3A_706 = arith.mulf %get3A_702, %mul3A_705 : vector<16xf32>
    %add3A_707 = arith.addf %add3A_700, %mul3A_706 : vector<16xf32>
    %get3A_708 = arith.constant 1392 : index
    %get3A_709 = tpu.vector_load %arg7[%get3A_708] {strides = array<i32>} : memref<2048xf32, #tpu.memory_space<vmem>>, vector<16xf32>,
    %slice3A_710 = vector.extract_strided_slice %get3A_658 {offsets = [7], sizes = [1], strides = [1]} : vector<16xf32> to vector<1xf32>
    %squeeze3A_711 = vector.extract %slice3A_710[0] : f32 from vector<1xf32>
    %mul3A_712 = vector.broadcast %squeeze3A_711 : f32 to vector<16xf32>
    %mul3A_713 = arith.mulf %get3A_709, %mul3A_712 : vector<16xf32>
    %add3A_714 = arith.addf %add3A_707, %mul3A_713 : vector<16xf32>
    %get3A_715 = arith.constant 1408 : index
    %get3A_716 = tpu.vector_load %arg7[%get3A_715] {strides = array<i32>} : memref<2048xf32, #tpu.memory_space<vmem>>, vector<16xf32>,
    %slice3A_717 = vector.extract_strided_slice %get3A_658 {offsets = [8], sizes = [1], strides = [1]} : vector<16xf32> to vector<1xf32>
    %squeeze3A_718 = vector.extract %slice3A_717[0] : f32 from vector<1xf32>
    %mul3A_719 = vector.broadcast %squeeze3A_718 : f32 to vector<16xf32>
    %mul3A_720 = arith.mulf %get3A_716, %mul3A_719 : vector<16xf32>
    %add3A_721 = arith.addf %add3A_714, %mul3A_720 : vector<16xf32>
    %get3A_722 = arith.constant 1424 : index
    %get3A_723 = tpu.vector_load %arg7[%get3A_722] {strides = array<i32>} : memref<2048xf32, #tpu.memory_space<vmem>>, vector<16xf32>,
    %slice3A_724 = vector.extract_strided_slice %get3A_658 {offsets = [9], sizes = [1], strides = [1]} : vector<16xf32> to vector<1xf32>
    %squeeze3A_725 = vector.extract %slice3A_724[0] : f32 from vector<1xf32>
    %mul3A_726 = vector.broadcast %squeeze3A_725 : f32 to vector<16xf32>
    %mul3A_727 = arith.mulf %get3A_723, %mul3A_726 : vector<16xf32>
    %add3A_728 = arith.addf %add3A_721, %mul3A_727 : vector<16xf32>
    %get3A_729 = arith.constant 1440 : index
    %get3A_730 = tpu.vector_load %arg7[%get3A_729] {strides = array<i32>} : memref<2048xf32, #tpu.memory_space<vmem>>, vector<16xf32>,
    %slice3A_731 = vector.extract_strided_slice %get3A_658 {offsets = [10], sizes = [1], strides = [1]} : vector<16xf32> to vector<1xf32>
    %squeeze3A_732 = vector.extract %slice3A_731[0] : f32 from vector<1xf32>
    %mul3A_733 = vector.broadcast %squeeze3A_732 : f32 to vector<16xf32>
    %mul3A_734 = arith.mulf %get3A_730, %mul3A_733 : vector<16xf32>
    %add3A_735 = arith.addf %add3A_728, %mul3A_734 : vector<16xf32>
    %get3A_736 = arith.constant 1456 : index
    %get3A_737 = tpu.vector_load %arg7[%get3A_736] {strides = array<i32>} : memref<2048xf32, #tpu.memory_space<vmem>>, vector<16xf32>,
    %slice3A_738 = vector.extract_strided_slice %get3A_658 {offsets = [11], sizes = [1], strides = [1]} : vector<16xf32> to vector<1xf32>
    %squeeze3A_739 = vector.extract %slice3A_738[0] : f32 from vector<1xf32>
    %mul3A_740 = vector.broadcast %squeeze3A_739 : f32 to vector<16xf32>
    %mul3A_741 = arith.mulf %get3A_737, %mul3A_740 : vector<16xf32>
    %add3A_742 = arith.addf %add3A_735, %mul3A_741 : vector<16xf32>
    %get3A_743 = arith.constant 1472 : index
    %get3A_744 = tpu.vector_load %arg7[%get3A_743] {strides = array<i32>} : memref<2048xf32, #tpu.memory_space<vmem>>, vector<16xf32>,
    %slice3A_745 = vector.extract_strided_slice %get3A_658 {offsets = [12], sizes = [1], strides = [1]} : vector<16xf32> to vector<1xf32>
    %squeeze3A_746 = vector.extract %slice3A_745[0] : f32 from vector<1xf32>
    %mul3A_747 = vector.broadcast %squeeze3A_746 : f32 to vector<16xf32>
    %mul3A_748 = arith.mulf %get3A_744, %mul3A_747 : vector<16xf32>
    %add3A_749 = arith.addf %add3A_742, %mul3A_748 : vector<16xf32>
    %get3A_750 = arith.constant 1488 : index
    %get3A_751 = tpu.vector_load %arg7[%get3A_750] {strides = array<i32>} : memref<2048xf32, #tpu.memory_space<vmem>>, vector<16xf32>,
    %slice3A_752 = vector.extract_strided_slice %get3A_658 {offsets = [13], sizes = [1], strides = [1]} : vector<16xf32> to vector<1xf32>
    %squeeze3A_753 = vector.extract %slice3A_752[0] : f32 from vector<1xf32>
    %mul3A_754 = vector.broadcast %squeeze3A_753 : f32 to vector<16xf32>
    %mul3A_755 = arith.mulf %get3A_751, %mul3A_754 : vector<16xf32>
    %add3A_756 = arith.addf %add3A_749, %mul3A_755 : vector<16xf32>
    %get3A_757 = arith.constant 1504 : index
    %get3A_758 = tpu.vector_load %arg7[%get3A_757] {strides = array<i32>} : memref<2048xf32, #tpu.memory_space<vmem>>, vector<16xf32>,
    %slice3A_759 = vector.extract_strided_slice %get3A_658 {offsets = [14], sizes = [1], strides = [1]} : vector<16xf32> to vector<1xf32>
    %squeeze3A_760 = vector.extract %slice3A_759[0] : f32 from vector<1xf32>
    %mul3A_761 = vector.broadcast %squeeze3A_760 : f32 to vector<16xf32>
    %mul3A_762 = arith.mulf %get3A_758, %mul3A_761 : vector<16xf32>
    %add3A_763 = arith.addf %add3A_756, %mul3A_762 : vector<16xf32>
    %get3A_764 = arith.constant 1520 : index
    %get3A_765 = tpu.vector_load %arg7[%get3A_764] {strides = array<i32>} : memref<2048xf32, #tpu.memory_space<vmem>>, vector<16xf32>,
    %slice3A_766 = vector.extract_strided_slice %get3A_658 {offsets = [15], sizes = [1], strides = [1]} : vector<16xf32> to vector<1xf32>
    %squeeze3A_767 = vector.extract %slice3A_766[0] : f32 from vector<1xf32>
    %mul3A_768 = vector.broadcast %squeeze3A_767 : f32 to vector<16xf32>
    %mul3A_769 = arith.mulf %get3A_765, %mul3A_768 : vector<16xf32>
    %add3A_770 = arith.addf %add3A_763, %mul3A_769 : vector<16xf32>
    %get3A_771 = arith.constant 96 : index
    %get3A_772 = tpu.vector_load %arg8[%get3A_771] {strides = array<i32>} : memref<128xf32, #tpu.memory_space<vmem>>, vector<16xf32>,
    %get3A_773 = arith.constant 1536 : index
    %get3A_774 = tpu.vector_load %arg7[%get3A_773] {strides = array<i32>} : memref<2048xf32, #tpu.memory_space<vmem>>, vector<16xf32>,
    %slice3A_775 = vector.extract_strided_slice %get3A_772 {offsets = [0], sizes = [1], strides = [1]} : vector<16xf32> to vector<1xf32>
    %squeeze3A_776 = vector.extract %slice3A_775[0] : f32 from vector<1xf32>
    %mul3A_777 = vector.broadcast %squeeze3A_776 : f32 to vector<16xf32>
    %mul3A_778 = arith.mulf %get3A_774, %mul3A_777 : vector<16xf32>
    %add3A_779 = arith.addf %add3A_770, %mul3A_778 : vector<16xf32>
    %get3A_780 = arith.constant 1552 : index
    %get3A_781 = tpu.vector_load %arg7[%get3A_780] {strides = array<i32>} : memref<2048xf32, #tpu.memory_space<vmem>>, vector<16xf32>,
    %slice3A_782 = vector.extract_strided_slice %get3A_772 {offsets = [1], sizes = [1], strides = [1]} : vector<16xf32> to vector<1xf32>
    %squeeze3A_783 = vector.extract %slice3A_782[0] : f32 from vector<1xf32>
    %mul3A_784 = vector.broadcast %squeeze3A_783 : f32 to vector<16xf32>
    %mul3A_785 = arith.mulf %get3A_781, %mul3A_784 : vector<16xf32>
    %add3A_786 = arith.addf %add3A_779, %mul3A_785 : vector<16xf32>
    %get3A_787 = arith.constant 1568 : index
    %get3A_788 = tpu.vector_load %arg7[%get3A_787] {strides = array<i32>} : memref<2048xf32, #tpu.memory_space<vmem>>, vector<16xf32>,
    %slice3A_789 = vector.extract_strided_slice %get3A_772 {offsets = [2], sizes = [1], strides = [1]} : vector<16xf32> to vector<1xf32>
    %squeeze3A_790 = vector.extract %slice3A_789[0] : f32 from vector<1xf32>
    %mul3A_791 = vector.broadcast %squeeze3A_790 : f32 to vector<16xf32>
    %mul3A_792 = arith.mulf %get3A_788, %mul3A_791 : vector<16xf32>
    %add3A_793 = arith.addf %add3A_786, %mul3A_792 : vector<16xf32>
    %get3A_794 = arith.constant 1584 : index
    %get3A_795 = tpu.vector_load %arg7[%get3A_794] {strides = array<i32>} : memref<2048xf32, #tpu.memory_space<vmem>>, vector<16xf32>,
    %slice3A_796 = vector.extract_strided_slice %get3A_772 {offsets = [3], sizes = [1], strides = [1]} : vector<16xf32> to vector<1xf32>
    %squeeze3A_797 = vector.extract %slice3A_796[0] : f32 from vector<1xf32>
    %mul3A_798 = vector.broadcast %squeeze3A_797 : f32 to vector<16xf32>
    %mul3A_799 = arith.mulf %get3A_795, %mul3A_798 : vector<16xf32>
    %add3A_800 = arith.addf %add3A_793, %mul3A_799 : vector<16xf32>
    %get3A_801 = arith.constant 1600 : index
    %get3A_802 = tpu.vector_load %arg7[%get3A_801] {strides = array<i32>} : memref<2048xf32, #tpu.memory_space<vmem>>, vector<16xf32>,
    %slice3A_803 = vector.extract_strided_slice %get3A_772 {offsets = [4], sizes = [1], strides = [1]} : vector<16xf32> to vector<1xf32>
    %squeeze3A_804 = vector.extract %slice3A_803[0] : f32 from vector<1xf32>
    %mul3A_805 = vector.broadcast %squeeze3A_804 : f32 to vector<16xf32>
    %mul3A_806 = arith.mulf %get3A_802, %mul3A_805 : vector<16xf32>
    %add3A_807 = arith.addf %add3A_800, %mul3A_806 : vector<16xf32>
    %get3A_808 = arith.constant 1616 : index
    %get3A_809 = tpu.vector_load %arg7[%get3A_808] {strides = array<i32>} : memref<2048xf32, #tpu.memory_space<vmem>>, vector<16xf32>,
    %slice3A_810 = vector.extract_strided_slice %get3A_772 {offsets = [5], sizes = [1], strides = [1]} : vector<16xf32> to vector<1xf32>
    %squeeze3A_811 = vector.extract %slice3A_810[0] : f32 from vector<1xf32>
    %mul3A_812 = vector.broadcast %squeeze3A_811 : f32 to vector<16xf32>
    %mul3A_813 = arith.mulf %get3A_809, %mul3A_812 : vector<16xf32>
    %add3A_814 = arith.addf %add3A_807, %mul3A_813 : vector<16xf32>
    %get3A_815 = arith.constant 1632 : index
    %get3A_816 = tpu.vector_load %arg7[%get3A_815] {strides = array<i32>} : memref<2048xf32, #tpu.memory_space<vmem>>, vector<16xf32>,
    %slice3A_817 = vector.extract_strided_slice %get3A_772 {offsets = [6], sizes = [1], strides = [1]} : vector<16xf32> to vector<1xf32>
    %squeeze3A_818 = vector.extract %slice3A_817[0] : f32 from vector<1xf32>
    %mul3A_819 = vector.broadcast %squeeze3A_818 : f32 to vector<16xf32>
    %mul3A_820 = arith.mulf %get3A_816, %mul3A_819 : vector<16xf32>
    %add3A_821 = arith.addf %add3A_814, %mul3A_820 : vector<16xf32>
    %get3A_822 = arith.constant 1648 : index
    %get3A_823 = tpu.vector_load %arg7[%get3A_822] {strides = array<i32>} : memref<2048xf32, #tpu.memory_space<vmem>>, vector<16xf32>,
    %slice3A_824 = vector.extract_strided_slice %get3A_772 {offsets = [7], sizes = [1], strides = [1]} : vector<16xf32> to vector<1xf32>
    %squeeze3A_825 = vector.extract %slice3A_824[0] : f32 from vector<1xf32>
    %mul3A_826 = vector.broadcast %squeeze3A_825 : f32 to vector<16xf32>
    %mul3A_827 = arith.mulf %get3A_823, %mul3A_826 : vector<16xf32>
    %add3A_828 = arith.addf %add3A_821, %mul3A_827 : vector<16xf32>
    %get3A_829 = arith.constant 1664 : index
    %get3A_830 = tpu.vector_load %arg7[%get3A_829] {strides = array<i32>} : memref<2048xf32, #tpu.memory_space<vmem>>, vector<16xf32>,
    %slice3A_831 = vector.extract_strided_slice %get3A_772 {offsets = [8], sizes = [1], strides = [1]} : vector<16xf32> to vector<1xf32>
    %squeeze3A_832 = vector.extract %slice3A_831[0] : f32 from vector<1xf32>
    %mul3A_833 = vector.broadcast %squeeze3A_832 : f32 to vector<16xf32>
    %mul3A_834 = arith.mulf %get3A_830, %mul3A_833 : vector<16xf32>
    %add3A_835 = arith.addf %add3A_828, %mul3A_834 : vector<16xf32>
    %get3A_836 = arith.constant 1680 : index
    %get3A_837 = tpu.vector_load %arg7[%get3A_836] {strides = array<i32>} : memref<2048xf32, #tpu.memory_space<vmem>>, vector<16xf32>,
    %slice3A_838 = vector.extract_strided_slice %get3A_772 {offsets = [9], sizes = [1], strides = [1]} : vector<16xf32> to vector<1xf32>
    %squeeze3A_839 = vector.extract %slice3A_838[0] : f32 from vector<1xf32>
    %mul3A_840 = vector.broadcast %squeeze3A_839 : f32 to vector<16xf32>
    %mul3A_841 = arith.mulf %get3A_837, %mul3A_840 : vector<16xf32>
    %add3A_842 = arith.addf %add3A_835, %mul3A_841 : vector<16xf32>
    %get3A_843 = arith.constant 1696 : index
    %get3A_844 = tpu.vector_load %arg7[%get3A_843] {strides = array<i32>} : memref<2048xf32, #tpu.memory_space<vmem>>, vector<16xf32>,
    %slice3A_845 = vector.extract_strided_slice %get3A_772 {offsets = [10], sizes = [1], strides = [1]} : vector<16xf32> to vector<1xf32>
    %squeeze3A_846 = vector.extract %slice3A_845[0] : f32 from vector<1xf32>
    %mul3A_847 = vector.broadcast %squeeze3A_846 : f32 to vector<16xf32>
    %mul3A_848 = arith.mulf %get3A_844, %mul3A_847 : vector<16xf32>
    %add3A_849 = arith.addf %add3A_842, %mul3A_848 : vector<16xf32>
    %get3A_850 = arith.constant 1712 : index
    %get3A_851 = tpu.vector_load %arg7[%get3A_850] {strides = array<i32>} : memref<2048xf32, #tpu.memory_space<vmem>>, vector<16xf32>,
    %slice3A_852 = vector.extract_strided_slice %get3A_772 {offsets = [11], sizes = [1], strides = [1]} : vector<16xf32> to vector<1xf32>
    %squeeze3A_853 = vector.extract %slice3A_852[0] : f32 from vector<1xf32>
    %mul3A_854 = vector.broadcast %squeeze3A_853 : f32 to vector<16xf32>
    %mul3A_855 = arith.mulf %get3A_851, %mul3A_854 : vector<16xf32>
    %add3A_856 = arith.addf %add3A_849, %mul3A_855 : vector<16xf32>
    %get3A_857 = arith.constant 1728 : index
    %get3A_858 = tpu.vector_load %arg7[%get3A_857] {strides = array<i32>} : memref<2048xf32, #tpu.memory_space<vmem>>, vector<16xf32>,
    %slice3A_859 = vector.extract_strided_slice %get3A_772 {offsets = [12], sizes = [1], strides = [1]} : vector<16xf32> to vector<1xf32>
    %squeeze3A_860 = vector.extract %slice3A_859[0] : f32 from vector<1xf32>
    %mul3A_861 = vector.broadcast %squeeze3A_860 : f32 to vector<16xf32>
    %mul3A_862 = arith.mulf %get3A_858, %mul3A_861 : vector<16xf32>
    %add3A_863 = arith.addf %add3A_856, %mul3A_862 : vector<16xf32>
    %get3A_864 = arith.constant 1744 : index
    %get3A_865 = tpu.vector_load %arg7[%get3A_864] {strides = array<i32>} : memref<2048xf32, #tpu.memory_space<vmem>>, vector<16xf32>,
    %slice3A_866 = vector.extract_strided_slice %get3A_772 {offsets = [13], sizes = [1], strides = [1]} : vector<16xf32> to vector<1xf32>
    %squeeze3A_867 = vector.extract %slice3A_866[0] : f32 from vector<1xf32>
    %mul3A_868 = vector.broadcast %squeeze3A_867 : f32 to vector<16xf32>
    %mul3A_869 = arith.mulf %get3A_865, %mul3A_868 : vector<16xf32>
    %add3A_870 = arith.addf %add3A_863, %mul3A_869 : vector<16xf32>
    %get3A_871 = arith.constant 1760 : index
    %get3A_872 = tpu.vector_load %arg7[%get3A_871] {strides = array<i32>} : memref<2048xf32, #tpu.memory_space<vmem>>, vector<16xf32>,
    %slice3A_873 = vector.extract_strided_slice %get3A_772 {offsets = [14], sizes = [1], strides = [1]} : vector<16xf32> to vector<1xf32>
    %squeeze3A_874 = vector.extract %slice3A_873[0] : f32 from vector<1xf32>
    %mul3A_875 = vector.broadcast %squeeze3A_874 : f32 to vector<16xf32>
    %mul3A_876 = arith.mulf %get3A_872, %mul3A_875 : vector<16xf32>
    %add3A_877 = arith.addf %add3A_870, %mul3A_876 : vector<16xf32>
    %get3A_878 = arith.constant 1776 : index
    %get3A_879 = tpu.vector_load %arg7[%get3A_878] {strides = array<i32>} : memref<2048xf32, #tpu.memory_space<vmem>>, vector<16xf32>,
    %slice3A_880 = vector.extract_strided_slice %get3A_772 {offsets = [15], sizes = [1], strides = [1]} : vector<16xf32> to vector<1xf32>
    %squeeze3A_881 = vector.extract %slice3A_880[0] : f32 from vector<1xf32>
    %mul3A_882 = vector.broadcast %squeeze3A_881 : f32 to vector<16xf32>
    %mul3A_883 = arith.mulf %get3A_879, %mul3A_882 : vector<16xf32>
    %add3A_884 = arith.addf %add3A_877, %mul3A_883 : vector<16xf32>
    %get3A_885 = arith.constant 112 : index
    %get3A_886 = tpu.vector_load %arg8[%get3A_885] {strides = array<i32>} : memref<128xf32, #tpu.memory_space<vmem>>, vector<16xf32>,
    %get3A_887 = arith.constant 1792 : index
    %get3A_888 = tpu.vector_load %arg7[%get3A_887] {strides = array<i32>} : memref<2048xf32, #tpu.memory_space<vmem>>, vector<16xf32>,
    %slice3A_889 = vector.extract_strided_slice %get3A_886 {offsets = [0], sizes = [1], strides = [1]} : vector<16xf32> to vector<1xf32>
    %squeeze3A_890 = vector.extract %slice3A_889[0] : f32 from vector<1xf32>
    %mul3A_891 = vector.broadcast %squeeze3A_890 : f32 to vector<16xf32>
    %mul3A_892 = arith.mulf %get3A_888, %mul3A_891 : vector<16xf32>
    %add3A_893 = arith.addf %add3A_884, %mul3A_892 : vector<16xf32>
    %get3A_894 = arith.constant 1808 : index
    %get3A_895 = tpu.vector_load %arg7[%get3A_894] {strides = array<i32>} : memref<2048xf32, #tpu.memory_space<vmem>>, vector<16xf32>,
    %slice3A_896 = vector.extract_strided_slice %get3A_886 {offsets = [1], sizes = [1], strides = [1]} : vector<16xf32> to vector<1xf32>
    %squeeze3A_897 = vector.extract %slice3A_896[0] : f32 from vector<1xf32>
    %mul3A_898 = vector.broadcast %squeeze3A_897 : f32 to vector<16xf32>
    %mul3A_899 = arith.mulf %get3A_895, %mul3A_898 : vector<16xf32>
    %add3A_900 = arith.addf %add3A_893, %mul3A_899 : vector<16xf32>
    %get3A_901 = arith.constant 1824 : index
    %get3A_902 = tpu.vector_load %arg7[%get3A_901] {strides = array<i32>} : memref<2048xf32, #tpu.memory_space<vmem>>, vector<16xf32>,
    %slice3A_903 = vector.extract_strided_slice %get3A_886 {offsets = [2], sizes = [1], strides = [1]} : vector<16xf32> to vector<1xf32>
    %squeeze3A_904 = vector.extract %slice3A_903[0] : f32 from vector<1xf32>
    %mul3A_905 = vector.broadcast %squeeze3A_904 : f32 to vector<16xf32>
    %mul3A_906 = arith.mulf %get3A_902, %mul3A_905 : vector<16xf32>
    %add3A_907 = arith.addf %add3A_900, %mul3A_906 : vector<16xf32>
    %get3A_908 = arith.constant 1840 : index
    %get3A_909 = tpu.vector_load %arg7[%get3A_908] {strides = array<i32>} : memref<2048xf32, #tpu.memory_space<vmem>>, vector<16xf32>,
    %slice3A_910 = vector.extract_strided_slice %get3A_886 {offsets = [3], sizes = [1], strides = [1]} : vector<16xf32> to vector<1xf32>
    %squeeze3A_911 = vector.extract %slice3A_910[0] : f32 from vector<1xf32>
    %mul3A_912 = vector.broadcast %squeeze3A_911 : f32 to vector<16xf32>
    %mul3A_913 = arith.mulf %get3A_909, %mul3A_912 : vector<16xf32>
    %add3A_914 = arith.addf %add3A_907, %mul3A_913 : vector<16xf32>
    %get3A_915 = arith.constant 1856 : index
    %get3A_916 = tpu.vector_load %arg7[%get3A_915] {strides = array<i32>} : memref<2048xf32, #tpu.memory_space<vmem>>, vector<16xf32>,
    %slice3A_917 = vector.extract_strided_slice %get3A_886 {offsets = [4], sizes = [1], strides = [1]} : vector<16xf32> to vector<1xf32>
    %squeeze3A_918 = vector.extract %slice3A_917[0] : f32 from vector<1xf32>
    %mul3A_919 = vector.broadcast %squeeze3A_918 : f32 to vector<16xf32>
    %mul3A_920 = arith.mulf %get3A_916, %mul3A_919 : vector<16xf32>
    %add3A_921 = arith.addf %add3A_914, %mul3A_920 : vector<16xf32>
    %get3A_922 = arith.constant 1872 : index
    %get3A_923 = tpu.vector_load %arg7[%get3A_922] {strides = array<i32>} : memref<2048xf32, #tpu.memory_space<vmem>>, vector<16xf32>,
    %slice3A_924 = vector.extract_strided_slice %get3A_886 {offsets = [5], sizes = [1], strides = [1]} : vector<16xf32> to vector<1xf32>
    %squeeze3A_925 = vector.extract %slice3A_924[0] : f32 from vector<1xf32>
    %mul3A_926 = vector.broadcast %squeeze3A_925 : f32 to vector<16xf32>
    %mul3A_927 = arith.mulf %get3A_923, %mul3A_926 : vector<16xf32>
    %add3A_928 = arith.addf %add3A_921, %mul3A_927 : vector<16xf32>
    %get3A_929 = arith.constant 1888 : index
    %get3A_930 = tpu.vector_load %arg7[%get3A_929] {strides = array<i32>} : memref<2048xf32, #tpu.memory_space<vmem>>, vector<16xf32>,
    %slice3A_931 = vector.extract_strided_slice %get3A_886 {offsets = [6], sizes = [1], strides = [1]} : vector<16xf32> to vector<1xf32>
    %squeeze3A_932 = vector.extract %slice3A_931[0] : f32 from vector<1xf32>
    %mul3A_933 = vector.broadcast %squeeze3A_932 : f32 to vector<16xf32>
    %mul3A_934 = arith.mulf %get3A_930, %mul3A_933 : vector<16xf32>
    %add3A_935 = arith.addf %add3A_928, %mul3A_934 : vector<16xf32>
    %get3A_936 = arith.constant 1904 : index
    %get3A_937 = tpu.vector_load %arg7[%get3A_936] {strides = array<i32>} : memref<2048xf32, #tpu.memory_space<vmem>>, vector<16xf32>,
    %slice3A_938 = vector.extract_strided_slice %get3A_886 {offsets = [7], sizes = [1], strides = [1]} : vector<16xf32> to vector<1xf32>
    %squeeze3A_939 = vector.extract %slice3A_938[0] : f32 from vector<1xf32>
    %mul3A_940 = vector.broadcast %squeeze3A_939 : f32 to vector<16xf32>
    %mul3A_941 = arith.mulf %get3A_937, %mul3A_940 : vector<16xf32>
    %add3A_942 = arith.addf %add3A_935, %mul3A_941 : vector<16xf32>
    %get3A_943 = arith.constant 1920 : index
    %get3A_944 = tpu.vector_load %arg7[%get3A_943] {strides = array<i32>} : memref<2048xf32, #tpu.memory_space<vmem>>, vector<16xf32>,
    %slice3A_945 = vector.extract_strided_slice %get3A_886 {offsets = [8], sizes = [1], strides = [1]} : vector<16xf32> to vector<1xf32>
    %squeeze3A_946 = vector.extract %slice3A_945[0] : f32 from vector<1xf32>
    %mul3A_947 = vector.broadcast %squeeze3A_946 : f32 to vector<16xf32>
    %mul3A_948 = arith.mulf %get3A_944, %mul3A_947 : vector<16xf32>
    %add3A_949 = arith.addf %add3A_942, %mul3A_948 : vector<16xf32>
    %get3A_950 = arith.constant 1936 : index
    %get3A_951 = tpu.vector_load %arg7[%get3A_950] {strides = array<i32>} : memref<2048xf32, #tpu.memory_space<vmem>>, vector<16xf32>,
    %slice3A_952 = vector.extract_strided_slice %get3A_886 {offsets = [9], sizes = [1], strides = [1]} : vector<16xf32> to vector<1xf32>
    %squeeze3A_953 = vector.extract %slice3A_952[0] : f32 from vector<1xf32>
    %mul3A_954 = vector.broadcast %squeeze3A_953 : f32 to vector<16xf32>
    %mul3A_955 = arith.mulf %get3A_951, %mul3A_954 : vector<16xf32>
    %add3A_956 = arith.addf %add3A_949, %mul3A_955 : vector<16xf32>
    %get3A_957 = arith.constant 1952 : index
    %get3A_958 = tpu.vector_load %arg7[%get3A_957] {strides = array<i32>} : memref<2048xf32, #tpu.memory_space<vmem>>, vector<16xf32>,
    %slice3A_959 = vector.extract_strided_slice %get3A_886 {offsets = [10], sizes = [1], strides = [1]} : vector<16xf32> to vector<1xf32>
    %squeeze3A_960 = vector.extract %slice3A_959[0] : f32 from vector<1xf32>
    %mul3A_961 = vector.broadcast %squeeze3A_960 : f32 to vector<16xf32>
    %mul3A_962 = arith.mulf %get3A_958, %mul3A_961 : vector<16xf32>
    %add3A_963 = arith.addf %add3A_956, %mul3A_962 : vector<16xf32>
    %get3A_964 = arith.constant 1968 : index
    %get3A_965 = tpu.vector_load %arg7[%get3A_964] {strides = array<i32>} : memref<2048xf32, #tpu.memory_space<vmem>>, vector<16xf32>,
    %slice3A_966 = vector.extract_strided_slice %get3A_886 {offsets = [11], sizes = [1], strides = [1]} : vector<16xf32> to vector<1xf32>
    %squeeze3A_967 = vector.extract %slice3A_966[0] : f32 from vector<1xf32>
    %mul3A_968 = vector.broadcast %squeeze3A_967 : f32 to vector<16xf32>
    %mul3A_969 = arith.mulf %get3A_965, %mul3A_968 : vector<16xf32>
    %add3A_970 = arith.addf %add3A_963, %mul3A_969 : vector<16xf32>
    %get3A_971 = arith.constant 1984 : index
    %get3A_972 = tpu.vector_load %arg7[%get3A_971] {strides = array<i32>} : memref<2048xf32, #tpu.memory_space<vmem>>, vector<16xf32>,
    %slice3A_973 = vector.extract_strided_slice %get3A_886 {offsets = [12], sizes = [1], strides = [1]} : vector<16xf32> to vector<1xf32>
    %squeeze3A_974 = vector.extract %slice3A_973[0] : f32 from vector<1xf32>
    %mul3A_975 = vector.broadcast %squeeze3A_974 : f32 to vector<16xf32>
    %mul3A_976 = arith.mulf %get3A_972, %mul3A_975 : vector<16xf32>
    %add3A_977 = arith.addf %add3A_970, %mul3A_976 : vector<16xf32>
    %get3A_978 = arith.constant 2000 : index
    %get3A_979 = tpu.vector_load %arg7[%get3A_978] {strides = array<i32>} : memref<2048xf32, #tpu.memory_space<vmem>>, vector<16xf32>,
    %slice3A_980 = vector.extract_strided_slice %get3A_886 {offsets = [13], sizes = [1], strides = [1]} : vector<16xf32> to vector<1xf32>
    %squeeze3A_981 = vector.extract %slice3A_980[0] : f32 from vector<1xf32>
    %mul3A_982 = vector.broadcast %squeeze3A_981 : f32 to vector<16xf32>
    %mul3A_983 = arith.mulf %get3A_979, %mul3A_982 : vector<16xf32>
    %add3A_984 = arith.addf %add3A_977, %mul3A_983 : vector<16xf32>
    %get3A_985 = arith.constant 2016 : index
    %get3A_986 = tpu.vector_load %arg7[%get3A_985] {strides = array<i32>} : memref<2048xf32, #tpu.memory_space<vmem>>, vector<16xf32>,
    %slice3A_987 = vector.extract_strided_slice %get3A_886 {offsets = [14], sizes = [1], strides = [1]} : vector<16xf32> to vector<1xf32>
    %squeeze3A_988 = vector.extract %slice3A_987[0] : f32 from vector<1xf32>
    %mul3A_989 = vector.broadcast %squeeze3A_988 : f32 to vector<16xf32>
    %mul3A_990 = arith.mulf %get3A_986, %mul3A_989 : vector<16xf32>
    %add3A_991 = arith.addf %add3A_984, %mul3A_990 : vector<16xf32>
    %get3A_992 = arith.constant 2032 : index
    %get3A_993 = tpu.vector_load %arg7[%get3A_992] {strides = array<i32>} : memref<2048xf32, #tpu.memory_space<vmem>>, vector<16xf32>,
    %slice3A_994 = vector.extract_strided_slice %get3A_886 {offsets = [15], sizes = [1], strides = [1]} : vector<16xf32> to vector<1xf32>
    %squeeze3A_995 = vector.extract %slice3A_994[0] : f32 from vector<1xf32>
    %mul3A_996 = vector.broadcast %squeeze3A_995 : f32 to vector<16xf32>
    %mul3A_997 = arith.mulf %get3A_993, %mul3A_996 : vector<16xf32>
    %add3A_998 = arith.addf %add3A_991, %mul3A_997 : vector<16xf32>
    %swap3A = arith.constant 0 : index
    %swap3A_999 = tpu.vector_load %arg10[%swap3A] {strides = array<i32>} : memref<16xf32, #tpu.memory_space<vmem>>, vector<16xf32>,
    tpu.vector_store %arg10[%swap3A], %add3A_998 {strides = array<i32>} : memref<16xf32, #tpu.memory_space<vmem>>, vector<16xf32>,
    %add3A_1000 = arith.constant 2 : i32
    %add3A_1001 = arith.addi %mul3A_2, %add3A_1000 : i32
    %jit3A_1002 = arith.constant 4 : i32
    %div3A_1003 = arith.divsi %add3A_1001, %jit3A_1002 : i32
    %sign3A_1004 = arith.constant 0 : i32
    %sign3A_1005 = arith.cmpi sgt, %add3A_1001, %sign3A_1004 : i32
    %sign3A_1006 = arith.extui %sign3A_1005 : i1 to i32
    %sign3A_1007 = arith.constant 0 : i32
    %sign3A_1008 = arith.cmpi slt, %add3A_1001, %sign3A_1007 : i32
    %sign3A_1009 = arith.extui %sign3A_1008 : i1 to i32
    %sign3A_1010 = arith.subi %sign3A_1006, %sign3A_1009 : i32
    %sign3A_1011 = arith.constant 0 : i32
    %sign3A_1012 = arith.cmpi sgt, %jit3A_1002, %sign3A_1011 : i32
    %sign3A_1013 = arith.extui %sign3A_1012 : i1 to i32
    %sign3A_1014 = arith.constant 0 : i32
    %sign3A_1015 = arith.cmpi slt, %jit3A_1002, %sign3A_1014 : i32
    %sign3A_1016 = arith.extui %sign3A_1015 : i1 to i32
    %sign3A_1017 = arith.subi %sign3A_1013, %sign3A_1016 : i32
    %ne3A_1018 = arith.cmpi ne, %sign3A_1010, %sign3A_1017 : i32
    %rem3A_1019 = arith.remsi %add3A_1001, %jit3A_1002 : i32
    %ne3A_1020 = arith.constant 0 : i32
    %ne3A_1021 = arith.cmpi ne, %rem3A_1019, %ne3A_1020 : i32
    %and3A_1022 = arith.andi %ne3A_1018, %ne3A_1021 : i1
    %sub3A_1023 = arith.constant 1 : i32
    %sub3A_1024 = arith.subi %div3A_1003, %sub3A_1023 : i32
    %select_n3A_1025 = arith.select %and3A_1022, %sub3A_1024, %div3A_1003 : i32
    %jit3A_1026 = arith.constant 4 : i32
    %eq3A_1027 = arith.constant 0 : i32
    %eq3A_1028 = arith.cmpi eq, %jit3A_1026, %eq3A_1027 : i32
    %jit3A_1029 = arith.constant 1 : i32
    %select_n3A_1030 = arith.select %eq3A_1028, %jit3A_1029, %jit3A_1026 : i32
    %rem3A_1031 = arith.remsi %add3A_1001, %select_n3A_1030 : i32
    %ne3A_1032 = arith.constant 0 : i32
    %ne3A_1033 = arith.cmpi ne, %rem3A_1031, %ne3A_1032 : i32
    %lt3A_1034 = arith.constant 0 : i32
    %lt3A_1035 = arith.cmpi slt, %rem3A_1031, %lt3A_1034 : i32
    %lt3A_1036 = arith.constant 0 : i32
    %lt3A_1037 = arith.cmpi slt, %select_n3A_1030, %lt3A_1036 : i32
    %ne3A_1038 = arith.xori %lt3A_1035, %lt3A_1037 : i1
    %and3A_1039 = arith.andi %ne3A_1038, %ne3A_1033 : i1
    %add3A_1040 = arith.addi %rem3A_1031, %select_n3A_1030 : i32
    %select_n3A_1041 = arith.select %and3A_1039, %add3A_1040, %rem3A_1031 : i32
    %mul3A_1042 = arith.constant 4096 : i32
    %mul3A_1043 = arith.muli %select_n3A_1041, %mul3A_1042 : i32
    %dma_start3A_1044 = tpu.memref_slice %arg2[%select_n3A_1025, %mul3A_1043] : memref<200x16384xi32, #tpu.memory_space<hbm>> -> memref<1x4096xi32, #tpu.memory_space<hbm>>
    %dma_start3A_1045 = tpu.memref_squeeze %dma_start3A_1044 : memref<1x4096xi32, #tpu.memory_space<hbm>> -> memref<4096xi32, #tpu.memory_space<hbm>>
    %dma_start3A_1046 = tpu.memref_slice %arg2[%select_n3A_1025, %mul3A_1043] : memref<200x16384xi32, #tpu.memory_space<hbm>> -> memref<1x4096xi32, #tpu.memory_space<hbm>>
    %dma_start3A_1047 = tpu.memref_squeeze %dma_start3A_1046 : memref<1x4096xi32, #tpu.memory_space<hbm>> -> memref<4096xi32, #tpu.memory_space<hbm>>
    tpu.enqueue_dma source(%dma_start3A_1047 : memref<4096xi32, #tpu.memory_space<hbm>>) target(%arg13 : memref<4096xi32, #tpu.memory_space<vmem>>) target_semaphore(%arg18 : memref<!tpu.dma_semaphore, #tpu.memory_space<semaphore_mem>>)
    %dma_wait3A = tpu.memref_slice %arg2[%select_n3A, %mul3A_36] : memref<200x16384xi32, #tpu.memory_space<hbm>> -> memref<1x4096xi32, #tpu.memory_space<hbm>>
    %dma_wait3A_1048 = tpu.memref_squeeze %dma_wait3A : memref<1x4096xi32, #tpu.memory_space<hbm>> -> memref<4096xi32, #tpu.memory_space<hbm>>
    %dma_wait3A_1049 = tpu.memref_slice %arg2[%select_n3A, %mul3A_36] : memref<200x16384xi32, #tpu.memory_space<hbm>> -> memref<1x4096xi32, #tpu.memory_space<hbm>>
    %dma_wait3A_1050 = tpu.memref_squeeze %dma_wait3A_1049 : memref<1x4096xi32, #tpu.memory_space<hbm>> -> memref<4096xi32, #tpu.memory_space<hbm>>
    tpu.wait_dma2 semaphore(%arg16 : memref<!tpu.dma_semaphore, #tpu.memory_space<semaphore_mem>>) src(%dma_wait3A_1050 : memref<4096xi32, #tpu.memory_space<hbm>>) dst(%arg11 : memref<4096xi32, #tpu.memory_space<vmem>>)
    %parallel_loop3A = arith.constant 0 : i32
    %parallel_loop3A_1051 = arith.constant 4096 : i32
    %parallel_loop3A_1052 = arith.constant 16 : i32
    scf.for %parallel_loop3A_3627 = %parallel_loop3A to %parallel_loop3A_1051 step %parallel_loop3A_1052  : i32 {
      %parallel_loop3A_3628 = arith.index_cast %parallel_loop3A_3627 : i32 to index
      %parallel_loop3A_3629 = tpu.vector_load %arg11[%parallel_loop3A_3628] {strides = array<i32>} : memref<4096xi32, #tpu.memory_space<vmem>>, vector<16xi32>,
      %parallel_loop3A_3630 = tpu.vector_load_idx %arg10[%parallel_loop3A_3629] : memref<16xf32, #tpu.memory_space<vmem>>[vector<16xi32>], vector<16xf32>,
      %parallel_loop3A_3631 = arith.index_cast %parallel_loop3A_3627 : i32 to index
      %parallel_loop3A_3632 = tpu.vector_load %arg14[%parallel_loop3A_3631] {strides = array<i32>} : memref<4096xf32, #tpu.memory_space<vmem>>, vector<16xf32>,
      tpu.vector_store %arg14[%parallel_loop3A_3631], %parallel_loop3A_3630 {strides = array<i32>} : memref<4096xf32, #tpu.memory_space<vmem>>, vector<16xf32>,
    } {sc.loop_unroll_factor = 8 : i64, sc.parallel_access}
    %add3A_1053 = arith.constant 0 : i32
    %add3A_1054 = arith.addi %mul3A_2, %add3A_1053 : i32
    %jit3A_1055 = arith.constant 4 : i32
    %div3A_1056 = arith.divsi %add3A_1054, %jit3A_1055 : i32
    %sign3A_1057 = arith.constant 0 : i32
    %sign3A_1058 = arith.cmpi sgt, %add3A_1054, %sign3A_1057 : i32
    %sign3A_1059 = arith.extui %sign3A_1058 : i1 to i32
    %sign3A_1060 = arith.constant 0 : i32
    %sign3A_1061 = arith.cmpi slt, %add3A_1054, %sign3A_1060 : i32
    %sign3A_1062 = arith.extui %sign3A_1061 : i1 to i32
    %sign3A_1063 = arith.subi %sign3A_1059, %sign3A_1062 : i32
    %sign3A_1064 = arith.constant 0 : i32
    %sign3A_1065 = arith.cmpi sgt, %jit3A_1055, %sign3A_1064 : i32
    %sign3A_1066 = arith.extui %sign3A_1065 : i1 to i32
    %sign3A_1067 = arith.constant 0 : i32
    %sign3A_1068 = arith.cmpi slt, %jit3A_1055, %sign3A_1067 : i32
    %sign3A_1069 = arith.extui %sign3A_1068 : i1 to i32
    %sign3A_1070 = arith.subi %sign3A_1066, %sign3A_1069 : i32
    %ne3A_1071 = arith.cmpi ne, %sign3A_1063, %sign3A_1070 : i32
    %rem3A_1072 = arith.remsi %add3A_1054, %jit3A_1055 : i32
    %ne3A_1073 = arith.constant 0 : i32
    %ne3A_1074 = arith.cmpi ne, %rem3A_1072, %ne3A_1073 : i32
    %and3A_1075 = arith.andi %ne3A_1071, %ne3A_1074 : i1
    %sub3A_1076 = arith.constant 1 : i32
    %sub3A_1077 = arith.subi %div3A_1056, %sub3A_1076 : i32
    %select_n3A_1078 = arith.select %and3A_1075, %sub3A_1077, %div3A_1056 : i32
    %jit3A_1079 = arith.constant 4 : i32
    %eq3A_1080 = arith.constant 0 : i32
    %eq3A_1081 = arith.cmpi eq, %jit3A_1079, %eq3A_1080 : i32
    %jit3A_1082 = arith.constant 1 : i32
    %select_n3A_1083 = arith.select %eq3A_1081, %jit3A_1082, %jit3A_1079 : i32
    %rem3A_1084 = arith.remsi %add3A_1054, %select_n3A_1083 : i32
    %ne3A_1085 = arith.constant 0 : i32
    %ne3A_1086 = arith.cmpi ne, %rem3A_1084, %ne3A_1085 : i32
    %lt3A_1087 = arith.constant 0 : i32
    %lt3A_1088 = arith.cmpi slt, %rem3A_1084, %lt3A_1087 : i32
    %lt3A_1089 = arith.constant 0 : i32
    %lt3A_1090 = arith.cmpi slt, %select_n3A_1083, %lt3A_1089 : i32
    %ne3A_1091 = arith.xori %lt3A_1088, %lt3A_1090 : i1
    %and3A_1092 = arith.andi %ne3A_1091, %ne3A_1086 : i1
    %add3A_1093 = arith.addi %rem3A_1084, %select_n3A_1083 : i32
    %select_n3A_1094 = arith.select %and3A_1092, %add3A_1093, %rem3A_1084 : i32
    %mul3A_1095 = arith.constant 4096 : i32
    %mul3A_1096 = arith.muli %select_n3A_1094, %mul3A_1095 : i32
    %dma_start3A_1097 = arith.constant 0 : i32
    %dma_start3A_1098 = tpu.memref_slice %arg6[%select_n3A_1078, %dma_start3A_1097, %mul3A_1096] : memref<200x1x16384xf32, #tpu.memory_space<hbm>> -> memref<1x1x4096xf32, #tpu.memory_space<hbm>>
    %dma_start3A_1099 = tpu.memref_squeeze %dma_start3A_1098 : memref<1x1x4096xf32, #tpu.memory_space<hbm>> -> memref<4096xf32, #tpu.memory_space<hbm>>
    %dma_start3A_1100 = tpu.memref_slice %arg6[%select_n3A_1078, %dma_start3A_1097, %mul3A_1096] : memref<200x1x16384xf32, #tpu.memory_space<hbm>> -> memref<1x1x4096xf32, #tpu.memory_space<hbm>>
    %dma_start3A_1101 = tpu.memref_squeeze %dma_start3A_1100 : memref<1x1x4096xf32, #tpu.memory_space<hbm>> -> memref<4096xf32, #tpu.memory_space<hbm>>
    tpu.enqueue_dma source(%arg14 : memref<4096xf32, #tpu.memory_space<vmem>>) target(%dma_start3A_1101 : memref<4096xf32, #tpu.memory_space<hbm>>) target_semaphore(%arg19 : memref<!tpu.dma_semaphore, #tpu.memory_space<semaphore_mem>>)
    %add3A_1102 = arith.constant 3 : i32
    %add3A_1103 = arith.addi %mul3A_2, %add3A_1102 : i32
    %jit3A_1104 = arith.constant 4 : i32
    %div3A_1105 = arith.divsi %add3A_1103, %jit3A_1104 : i32
    %sign3A_1106 = arith.constant 0 : i32
    %sign3A_1107 = arith.cmpi sgt, %add3A_1103, %sign3A_1106 : i32
    %sign3A_1108 = arith.extui %sign3A_1107 : i1 to i32
    %sign3A_1109 = arith.constant 0 : i32
    %sign3A_1110 = arith.cmpi slt, %add3A_1103, %sign3A_1109 : i32
    %sign3A_1111 = arith.extui %sign3A_1110 : i1 to i32
    %sign3A_1112 = arith.subi %sign3A_1108, %sign3A_1111 : i32
    %sign3A_1113 = arith.constant 0 : i32
    %sign3A_1114 = arith.cmpi sgt, %jit3A_1104, %sign3A_1113 : i32
    %sign3A_1115 = arith.extui %sign3A_1114 : i1 to i32
    %sign3A_1116 = arith.constant 0 : i32
    %sign3A_1117 = arith.cmpi slt, %jit3A_1104, %sign3A_1116 : i32
    %sign3A_1118 = arith.extui %sign3A_1117 : i1 to i32
    %sign3A_1119 = arith.subi %sign3A_1115, %sign3A_1118 : i32
    %ne3A_1120 = arith.cmpi ne, %sign3A_1112, %sign3A_1119 : i32
    %rem3A_1121 = arith.remsi %add3A_1103, %jit3A_1104 : i32
    %ne3A_1122 = arith.constant 0 : i32
    %ne3A_1123 = arith.cmpi ne, %rem3A_1121, %ne3A_1122 : i32
    %and3A_1124 = arith.andi %ne3A_1120, %ne3A_1123 : i1
    %sub3A_1125 = arith.constant 1 : i32
    %sub3A_1126 = arith.subi %div3A_1105, %sub3A_1125 : i32
    %select_n3A_1127 = arith.select %and3A_1124, %sub3A_1126, %div3A_1105 : i32
    %jit3A_1128 = arith.constant 4 : i32
    %eq3A_1129 = arith.constant 0 : i32
    %eq3A_1130 = arith.cmpi eq, %jit3A_1128, %eq3A_1129 : i32
    %jit3A_1131 = arith.constant 1 : i32
    %select_n3A_1132 = arith.select %eq3A_1130, %jit3A_1131, %jit3A_1128 : i32
    %rem3A_1133 = arith.remsi %add3A_1103, %select_n3A_1132 : i32
    %ne3A_1134 = arith.constant 0 : i32
    %ne3A_1135 = arith.cmpi ne, %rem3A_1133, %ne3A_1134 : i32
    %lt3A_1136 = arith.constant 0 : i32
    %lt3A_1137 = arith.cmpi slt, %rem3A_1133, %lt3A_1136 : i32
    %lt3A_1138 = arith.constant 0 : i32
    %lt3A_1139 = arith.cmpi slt, %select_n3A_1132, %lt3A_1138 : i32
    %ne3A_1140 = arith.xori %lt3A_1137, %lt3A_1139 : i1
    %and3A_1141 = arith.andi %ne3A_1140, %ne3A_1135 : i1
    %add3A_1142 = arith.addi %rem3A_1133, %select_n3A_1132 : i32
    %select_n3A_1143 = arith.select %and3A_1141, %add3A_1142, %rem3A_1133 : i32
    %mul3A_1144 = arith.constant 4096 : i32
    %mul3A_1145 = arith.muli %select_n3A_1143, %mul3A_1144 : i32
    %dma_start3A_1146 = tpu.memref_slice %arg2[%select_n3A_1127, %mul3A_1145] : memref<200x16384xi32, #tpu.memory_space<hbm>> -> memref<1x4096xi32, #tpu.memory_space<hbm>>
    %dma_start3A_1147 = tpu.memref_squeeze %dma_start3A_1146 : memref<1x4096xi32, #tpu.memory_space<hbm>> -> memref<4096xi32, #tpu.memory_space<hbm>>
    %dma_start3A_1148 = tpu.memref_slice %arg2[%select_n3A_1127, %mul3A_1145] : memref<200x16384xi32, #tpu.memory_space<hbm>> -> memref<1x4096xi32, #tpu.memory_space<hbm>>
    %dma_start3A_1149 = tpu.memref_squeeze %dma_start3A_1148 : memref<1x4096xi32, #tpu.memory_space<hbm>> -> memref<4096xi32, #tpu.memory_space<hbm>>
    tpu.enqueue_dma source(%dma_start3A_1149 : memref<4096xi32, #tpu.memory_space<hbm>>) target(%arg11 : memref<4096xi32, #tpu.memory_space<vmem>>) target_semaphore(%arg16 : memref<!tpu.dma_semaphore, #tpu.memory_space<semaphore_mem>>)
    %dma_wait3A_1150 = tpu.memref_slice %arg2[%select_n3A_65, %mul3A_83] : memref<200x16384xi32, #tpu.memory_space<hbm>> -> memref<1x4096xi32, #tpu.memory_space<hbm>>
    %dma_wait3A_1151 = tpu.memref_squeeze %dma_wait3A_1150 : memref<1x4096xi32, #tpu.memory_space<hbm>> -> memref<4096xi32, #tpu.memory_space<hbm>>
    %dma_wait3A_1152 = tpu.memref_slice %arg2[%select_n3A_65, %mul3A_83] : memref<200x16384xi32, #tpu.memory_space<hbm>> -> memref<1x4096xi32, #tpu.memory_space<hbm>>
    %dma_wait3A_1153 = tpu.memref_squeeze %dma_wait3A_1152 : memref<1x4096xi32, #tpu.memory_space<hbm>> -> memref<4096xi32, #tpu.memory_space<hbm>>
    tpu.wait_dma2 semaphore(%arg17 : memref<!tpu.dma_semaphore, #tpu.memory_space<semaphore_mem>>) src(%dma_wait3A_1153 : memref<4096xi32, #tpu.memory_space<hbm>>) dst(%arg12 : memref<4096xi32, #tpu.memory_space<vmem>>)
    %parallel_loop3A_1154 = arith.constant 0 : i32
    %parallel_loop3A_1155 = arith.constant 4096 : i32
    %parallel_loop3A_1156 = arith.constant 16 : i32
    scf.for %parallel_loop3A_3627 = %parallel_loop3A_1154 to %parallel_loop3A_1155 step %parallel_loop3A_1156  : i32 {
      %parallel_loop3A_3628 = arith.index_cast %parallel_loop3A_3627 : i32 to index
      %parallel_loop3A_3629 = tpu.vector_load %arg12[%parallel_loop3A_3628] {strides = array<i32>} : memref<4096xi32, #tpu.memory_space<vmem>>, vector<16xi32>,
      %parallel_loop3A_3630 = tpu.vector_load_idx %arg10[%parallel_loop3A_3629] : memref<16xf32, #tpu.memory_space<vmem>>[vector<16xi32>], vector<16xf32>,
      %parallel_loop3A_3631 = arith.index_cast %parallel_loop3A_3627 : i32 to index
      %parallel_loop3A_3632 = tpu.vector_load %arg15[%parallel_loop3A_3631] {strides = array<i32>} : memref<4096xf32, #tpu.memory_space<vmem>>, vector<16xf32>,
      tpu.vector_store %arg15[%parallel_loop3A_3631], %parallel_loop3A_3630 {strides = array<i32>} : memref<4096xf32, #tpu.memory_space<vmem>>, vector<16xf32>,
    } {sc.loop_unroll_factor = 8 : i64, sc.parallel_access}
    %add3A_1157 = arith.constant 1 : i32
    %add3A_1158 = arith.addi %mul3A_2, %add3A_1157 : i32
    %jit3A_1159 = arith.constant 4 : i32
    %div3A_1160 = arith.divsi %add3A_1158, %jit3A_1159 : i32
    %sign3A_1161 = arith.constant 0 : i32
    %sign3A_1162 = arith.cmpi sgt, %add3A_1158, %sign3A_1161 : i32
    %sign3A_1163 = arith.extui %sign3A_1162 : i1 to i32
    %sign3A_1164 = arith.constant 0 : i32
    %sign3A_1165 = arith.cmpi slt, %add3A_1158, %sign3A_1164 : i32
    %sign3A_1166 = arith.extui %sign3A_1165 : i1 to i32
    %sign3A_1167 = arith.subi %sign3A_1163, %sign3A_1166 : i32
    %sign3A_1168 = arith.constant 0 : i32
    %sign3A_1169 = arith.cmpi sgt, %jit3A_1159, %sign3A_1168 : i32
    %sign3A_1170 = arith.extui %sign3A_1169 : i1 to i32
    %sign3A_1171 = arith.constant 0 : i32
    %sign3A_1172 = arith.cmpi slt, %jit3A_1159, %sign3A_1171 : i32
    %sign3A_1173 = arith.extui %sign3A_1172 : i1 to i32
    %sign3A_1174 = arith.subi %sign3A_1170, %sign3A_1173 : i32
    %ne3A_1175 = arith.cmpi ne, %sign3A_1167, %sign3A_1174 : i32
    %rem3A_1176 = arith.remsi %add3A_1158, %jit3A_1159 : i32
    %ne3A_1177 = arith.constant 0 : i32
    %ne3A_1178 = arith.cmpi ne, %rem3A_1176, %ne3A_1177 : i32
    %and3A_1179 = arith.andi %ne3A_1175, %ne3A_1178 : i1
    %sub3A_1180 = arith.constant 1 : i32
    %sub3A_1181 = arith.subi %div3A_1160, %sub3A_1180 : i32
    %select_n3A_1182 = arith.select %and3A_1179, %sub3A_1181, %div3A_1160 : i32
    %jit3A_1183 = arith.constant 4 : i32
    %eq3A_1184 = arith.constant 0 : i32
    %eq3A_1185 = arith.cmpi eq, %jit3A_1183, %eq3A_1184 : i32
    %jit3A_1186 = arith.constant 1 : i32
    %select_n3A_1187 = arith.select %eq3A_1185, %jit3A_1186, %jit3A_1183 : i32
    %rem3A_1188 = arith.remsi %add3A_1158, %select_n3A_1187 : i32
    %ne3A_1189 = arith.constant 0 : i32
    %ne3A_1190 = arith.cmpi ne, %rem3A_1188, %ne3A_1189 : i32
    %lt3A_1191 = arith.constant 0 : i32
    %lt3A_1192 = arith.cmpi slt, %rem3A_1188, %lt3A_1191 : i32
    %lt3A_1193 = arith.constant 0 : i32
    %lt3A_1194 = arith.cmpi slt, %select_n3A_1187, %lt3A_1193 : i32
    %ne3A_1195 = arith.xori %lt3A_1192, %lt3A_1194 : i1
    %and3A_1196 = arith.andi %ne3A_1195, %ne3A_1190 : i1
    %add3A_1197 = arith.addi %rem3A_1188, %select_n3A_1187 : i32
    %select_n3A_1198 = arith.select %and3A_1196, %add3A_1197, %rem3A_1188 : i32
    %mul3A_1199 = arith.constant 4096 : i32
    %mul3A_1200 = arith.muli %select_n3A_1198, %mul3A_1199 : i32
    %dma_start3A_1201 = arith.constant 0 : i32
    %dma_start3A_1202 = tpu.memref_slice %arg6[%select_n3A_1182, %dma_start3A_1201, %mul3A_1200] : memref<200x1x16384xf32, #tpu.memory_space<hbm>> -> memref<1x1x4096xf32, #tpu.memory_space<hbm>>
    %dma_start3A_1203 = tpu.memref_squeeze %dma_start3A_1202 : memref<1x1x4096xf32, #tpu.memory_space<hbm>> -> memref<4096xf32, #tpu.memory_space<hbm>>
    %dma_start3A_1204 = tpu.memref_slice %arg6[%select_n3A_1182, %dma_start3A_1201, %mul3A_1200] : memref<200x1x16384xf32, #tpu.memory_space<hbm>> -> memref<1x1x4096xf32, #tpu.memory_space<hbm>>
    %dma_start3A_1205 = tpu.memref_squeeze %dma_start3A_1204 : memref<1x1x4096xf32, #tpu.memory_space<hbm>> -> memref<4096xf32, #tpu.memory_space<hbm>>
    tpu.enqueue_dma source(%arg15 : memref<4096xf32, #tpu.memory_space<vmem>>) target(%dma_start3A_1205 : memref<4096xf32, #tpu.memory_space<hbm>>) target_semaphore(%arg20 : memref<!tpu.dma_semaphore, #tpu.memory_space<semaphore_mem>>)
    %add3A_1206 = arith.constant 4 : i32
    %add3A_1207 = arith.addi %mul3A_2, %add3A_1206 : i32
    %jit3A_1208 = arith.constant 4 : i32
    %div3A_1209 = arith.divsi %add3A_1207, %jit3A_1208 : i32
    %sign3A_1210 = arith.constant 0 : i32
    %sign3A_1211 = arith.cmpi sgt, %add3A_1207, %sign3A_1210 : i32
    %sign3A_1212 = arith.extui %sign3A_1211 : i1 to i32
    %sign3A_1213 = arith.constant 0 : i32
    %sign3A_1214 = arith.cmpi slt, %add3A_1207, %sign3A_1213 : i32
    %sign3A_1215 = arith.extui %sign3A_1214 : i1 to i32
    %sign3A_1216 = arith.subi %sign3A_1212, %sign3A_1215 : i32
    %sign3A_1217 = arith.constant 0 : i32
    %sign3A_1218 = arith.cmpi sgt, %jit3A_1208, %sign3A_1217 : i32
    %sign3A_1219 = arith.extui %sign3A_1218 : i1 to i32
    %sign3A_1220 = arith.constant 0 : i32
    %sign3A_1221 = arith.cmpi slt, %jit3A_1208, %sign3A_1220 : i32
    %sign3A_1222 = arith.extui %sign3A_1221 : i1 to i32
    %sign3A_1223 = arith.subi %sign3A_1219, %sign3A_1222 : i32
    %ne3A_1224 = arith.cmpi ne, %sign3A_1216, %sign3A_1223 : i32
    %rem3A_1225 = arith.remsi %add3A_1207, %jit3A_1208 : i32
    %ne3A_1226 = arith.constant 0 : i32
    %ne3A_1227 = arith.cmpi ne, %rem3A_1225, %ne3A_1226 : i32
    %and3A_1228 = arith.andi %ne3A_1224, %ne3A_1227 : i1
    %sub3A_1229 = arith.constant 1 : i32
    %sub3A_1230 = arith.subi %div3A_1209, %sub3A_1229 : i32
    %select_n3A_1231 = arith.select %and3A_1228, %sub3A_1230, %div3A_1209 : i32
    %jit3A_1232 = arith.constant 4 : i32
    %eq3A_1233 = arith.constant 0 : i32
    %eq3A_1234 = arith.cmpi eq, %jit3A_1232, %eq3A_1233 : i32
    %jit3A_1235 = arith.constant 1 : i32
    %select_n3A_1236 = arith.select %eq3A_1234, %jit3A_1235, %jit3A_1232 : i32
    %rem3A_1237 = arith.remsi %add3A_1207, %select_n3A_1236 : i32
    %ne3A_1238 = arith.constant 0 : i32
    %ne3A_1239 = arith.cmpi ne, %rem3A_1237, %ne3A_1238 : i32
    %lt3A_1240 = arith.constant 0 : i32
    %lt3A_1241 = arith.cmpi slt, %rem3A_1237, %lt3A_1240 : i32
    %lt3A_1242 = arith.constant 0 : i32
    %lt3A_1243 = arith.cmpi slt, %select_n3A_1236, %lt3A_1242 : i32
    %ne3A_1244 = arith.xori %lt3A_1241, %lt3A_1243 : i1
    %and3A_1245 = arith.andi %ne3A_1244, %ne3A_1239 : i1
    %add3A_1246 = arith.addi %rem3A_1237, %select_n3A_1236 : i32
    %select_n3A_1247 = arith.select %and3A_1245, %add3A_1246, %rem3A_1237 : i32
    %mul3A_1248 = arith.constant 4096 : i32
    %mul3A_1249 = arith.muli %select_n3A_1247, %mul3A_1248 : i32
    %dma_start3A_1250 = tpu.memref_slice %arg2[%select_n3A_1231, %mul3A_1249] : memref<200x16384xi32, #tpu.memory_space<hbm>> -> memref<1x4096xi32, #tpu.memory_space<hbm>>
    %dma_start3A_1251 = tpu.memref_squeeze %dma_start3A_1250 : memref<1x4096xi32, #tpu.memory_space<hbm>> -> memref<4096xi32, #tpu.memory_space<hbm>>
    %dma_start3A_1252 = tpu.memref_slice %arg2[%select_n3A_1231, %mul3A_1249] : memref<200x16384xi32, #tpu.memory_space<hbm>> -> memref<1x4096xi32, #tpu.memory_space<hbm>>
    %dma_start3A_1253 = tpu.memref_squeeze %dma_start3A_1252 : memref<1x4096xi32, #tpu.memory_space<hbm>> -> memref<4096xi32, #tpu.memory_space<hbm>>
    tpu.enqueue_dma source(%dma_start3A_1253 : memref<4096xi32, #tpu.memory_space<hbm>>) target(%arg12 : memref<4096xi32, #tpu.memory_space<vmem>>) target_semaphore(%arg17 : memref<!tpu.dma_semaphore, #tpu.memory_space<semaphore_mem>>)
    %dma_wait3A_1254 = tpu.memref_slice %arg2[%select_n3A_1025, %mul3A_1043] : memref<200x16384xi32, #tpu.memory_space<hbm>> -> memref<1x4096xi32, #tpu.memory_space<hbm>>
    %dma_wait3A_1255 = tpu.memref_squeeze %dma_wait3A_1254 : memref<1x4096xi32, #tpu.memory_space<hbm>> -> memref<4096xi32, #tpu.memory_space<hbm>>
    %dma_wait3A_1256 = tpu.memref_slice %arg2[%select_n3A_1025, %mul3A_1043] : memref<200x16384xi32, #tpu.memory_space<hbm>> -> memref<1x4096xi32, #tpu.memory_space<hbm>>
    %dma_wait3A_1257 = tpu.memref_squeeze %dma_wait3A_1256 : memref<1x4096xi32, #tpu.memory_space<hbm>> -> memref<4096xi32, #tpu.memory_space<hbm>>
    tpu.wait_dma2 semaphore(%arg18 : memref<!tpu.dma_semaphore, #tpu.memory_space<semaphore_mem>>) src(%dma_wait3A_1257 : memref<4096xi32, #tpu.memory_space<hbm>>) dst(%arg13 : memref<4096xi32, #tpu.memory_space<vmem>>)
    %dma_wait3A_1258 = arith.constant 0 : i32
    %dma_wait3A_1259 = tpu.memref_slice %arg6[%select_n3A_1078, %dma_wait3A_1258, %mul3A_1096] : memref<200x1x16384xf32, #tpu.memory_space<hbm>> -> memref<1x1x4096xf32, #tpu.memory_space<hbm>>
    %dma_wait3A_1260 = tpu.memref_squeeze %dma_wait3A_1259 : memref<1x1x4096xf32, #tpu.memory_space<hbm>> -> memref<4096xf32, #tpu.memory_space<hbm>>
    %dma_wait3A_1261 = tpu.memref_slice %arg6[%select_n3A_1078, %dma_wait3A_1258, %mul3A_1096] : memref<200x1x16384xf32, #tpu.memory_space<hbm>> -> memref<1x1x4096xf32, #tpu.memory_space<hbm>>
    %dma_wait3A_1262 = tpu.memref_squeeze %dma_wait3A_1261 : memref<1x1x4096xf32, #tpu.memory_space<hbm>> -> memref<4096xf32, #tpu.memory_space<hbm>>
    tpu.wait_dma2 semaphore(%arg19 : memref<!tpu.dma_semaphore, #tpu.memory_space<semaphore_mem>>) src(%arg14 : memref<4096xf32, #tpu.memory_space<vmem>>) dst(%dma_wait3A_1262 : memref<4096xf32, #tpu.memory_space<hbm>>)
    %parallel_loop3A_1263 = arith.constant 0 : i32
    %parallel_loop3A_1264 = arith.constant 4096 : i32
    %parallel_loop3A_1265 = arith.constant 16 : i32
    scf.for %parallel_loop3A_3627 = %parallel_loop3A_1263 to %parallel_loop3A_1264 step %parallel_loop3A_1265  : i32 {
      %parallel_loop3A_3628 = arith.index_cast %parallel_loop3A_3627 : i32 to index
      %parallel_loop3A_3629 = tpu.vector_load %arg13[%parallel_loop3A_3628] {strides = array<i32>} : memref<4096xi32, #tpu.memory_space<vmem>>, vector<16xi32>,
      %parallel_loop3A_3630 = tpu.vector_load_idx %arg10[%parallel_loop3A_3629] : memref<16xf32, #tpu.memory_space<vmem>>[vector<16xi32>], vector<16xf32>,
      %parallel_loop3A_3631 = arith.index_cast %parallel_loop3A_3627 : i32 to index
      %parallel_loop3A_3632 = tpu.vector_load %arg14[%parallel_loop3A_3631] {strides = array<i32>} : memref<4096xf32, #tpu.memory_space<vmem>>, vector<16xf32>,
      tpu.vector_store %arg14[%parallel_loop3A_3631], %parallel_loop3A_3630 {strides = array<i32>} : memref<4096xf32, #tpu.memory_space<vmem>>, vector<16xf32>,
    } {sc.loop_unroll_factor = 8 : i64, sc.parallel_access}
    %add3A_1266 = arith.constant 2 : i32
    %add3A_1267 = arith.addi %mul3A_2, %add3A_1266 : i32
    %jit3A_1268 = arith.constant 4 : i32
    %div3A_1269 = arith.divsi %add3A_1267, %jit3A_1268 : i32
    %sign3A_1270 = arith.constant 0 : i32
    %sign3A_1271 = arith.cmpi sgt, %add3A_1267, %sign3A_1270 : i32
    %sign3A_1272 = arith.extui %sign3A_1271 : i1 to i32
    %sign3A_1273 = arith.constant 0 : i32
    %sign3A_1274 = arith.cmpi slt, %add3A_1267, %sign3A_1273 : i32
    %sign3A_1275 = arith.extui %sign3A_1274 : i1 to i32
    %sign3A_1276 = arith.subi %sign3A_1272, %sign3A_1275 : i32
    %sign3A_1277 = arith.constant 0 : i32
    %sign3A_1278 = arith.cmpi sgt, %jit3A_1268, %sign3A_1277 : i32
    %sign3A_1279 = arith.extui %sign3A_1278 : i1 to i32
    %sign3A_1280 = arith.constant 0 : i32
    %sign3A_1281 = arith.cmpi slt, %jit3A_1268, %sign3A_1280 : i32
    %sign3A_1282 = arith.extui %sign3A_1281 : i1 to i32
    %sign3A_1283 = arith.subi %sign3A_1279, %sign3A_1282 : i32
    %ne3A_1284 = arith.cmpi ne, %sign3A_1276, %sign3A_1283 : i32
    %rem3A_1285 = arith.remsi %add3A_1267, %jit3A_1268 : i32
    %ne3A_1286 = arith.constant 0 : i32
    %ne3A_1287 = arith.cmpi ne, %rem3A_1285, %ne3A_1286 : i32
    %and3A_1288 = arith.andi %ne3A_1284, %ne3A_1287 : i1
    %sub3A_1289 = arith.constant 1 : i32
    %sub3A_1290 = arith.subi %div3A_1269, %sub3A_1289 : i32
    %select_n3A_1291 = arith.select %and3A_1288, %sub3A_1290, %div3A_1269 : i32
    %jit3A_1292 = arith.constant 4 : i32
    %eq3A_1293 = arith.constant 0 : i32
    %eq3A_1294 = arith.cmpi eq, %jit3A_1292, %eq3A_1293 : i32
    %jit3A_1295 = arith.constant 1 : i32
    %select_n3A_1296 = arith.select %eq3A_1294, %jit3A_1295, %jit3A_1292 : i32
    %rem3A_1297 = arith.remsi %add3A_1267, %select_n3A_1296 : i32
    %ne3A_1298 = arith.constant 0 : i32
    %ne3A_1299 = arith.cmpi ne, %rem3A_1297, %ne3A_1298 : i32
    %lt3A_1300 = arith.constant 0 : i32
    %lt3A_1301 = arith.cmpi slt, %rem3A_1297, %lt3A_1300 : i32
    %lt3A_1302 = arith.constant 0 : i32
    %lt3A_1303 = arith.cmpi slt, %select_n3A_1296, %lt3A_1302 : i32
    %ne3A_1304 = arith.xori %lt3A_1301, %lt3A_1303 : i1
    %and3A_1305 = arith.andi %ne3A_1304, %ne3A_1299 : i1
    %add3A_1306 = arith.addi %rem3A_1297, %select_n3A_1296 : i32
    %select_n3A_1307 = arith.select %and3A_1305, %add3A_1306, %rem3A_1297 : i32
    %mul3A_1308 = arith.constant 4096 : i32
    %mul3A_1309 = arith.muli %select_n3A_1307, %mul3A_1308 : i32
    %dma_start3A_1310 = arith.constant 0 : i32
    %dma_start3A_1311 = tpu.memref_slice %arg6[%select_n3A_1291, %dma_start3A_1310, %mul3A_1309] : memref<200x1x16384xf32, #tpu.memory_space<hbm>> -> memref<1x1x4096xf32, #tpu.memory_space<hbm>>
    %dma_start3A_1312 = tpu.memref_squeeze %dma_start3A_1311 : memref<1x1x4096xf32, #tpu.memory_space<hbm>> -> memref<4096xf32, #tpu.memory_space<hbm>>
    %dma_start3A_1313 = tpu.memref_slice %arg6[%select_n3A_1291, %dma_start3A_1310, %mul3A_1309] : memref<200x1x16384xf32, #tpu.memory_space<hbm>> -> memref<1x1x4096xf32, #tpu.memory_space<hbm>>
    %dma_start3A_1314 = tpu.memref_squeeze %dma_start3A_1313 : memref<1x1x4096xf32, #tpu.memory_space<hbm>> -> memref<4096xf32, #tpu.memory_space<hbm>>
    tpu.enqueue_dma source(%arg14 : memref<4096xf32, #tpu.memory_space<vmem>>) target(%dma_start3A_1314 : memref<4096xf32, #tpu.memory_space<hbm>>) target_semaphore(%arg19 : memref<!tpu.dma_semaphore, #tpu.memory_space<semaphore_mem>>)
    %add3A_1315 = arith.constant 5 : i32
    %add3A_1316 = arith.addi %mul3A_2, %add3A_1315 : i32
    %jit3A_1317 = arith.constant 4 : i32
    %div3A_1318 = arith.divsi %add3A_1316, %jit3A_1317 : i32
    %sign3A_1319 = arith.constant 0 : i32
    %sign3A_1320 = arith.cmpi sgt, %add3A_1316, %sign3A_1319 : i32
    %sign3A_1321 = arith.extui %sign3A_1320 : i1 to i32
    %sign3A_1322 = arith.constant 0 : i32
    %sign3A_1323 = arith.cmpi slt, %add3A_1316, %sign3A_1322 : i32
    %sign3A_1324 = arith.extui %sign3A_1323 : i1 to i32
    %sign3A_1325 = arith.subi %sign3A_1321, %sign3A_1324 : i32
    %sign3A_1326 = arith.constant 0 : i32
    %sign3A_1327 = arith.cmpi sgt, %jit3A_1317, %sign3A_1326 : i32
    %sign3A_1328 = arith.extui %sign3A_1327 : i1 to i32
    %sign3A_1329 = arith.constant 0 : i32
    %sign3A_1330 = arith.cmpi slt, %jit3A_1317, %sign3A_1329 : i32
    %sign3A_1331 = arith.extui %sign3A_1330 : i1 to i32
    %sign3A_1332 = arith.subi %sign3A_1328, %sign3A_1331 : i32
    %ne3A_1333 = arith.cmpi ne, %sign3A_1325, %sign3A_1332 : i32
    %rem3A_1334 = arith.remsi %add3A_1316, %jit3A_1317 : i32
    %ne3A_1335 = arith.constant 0 : i32
    %ne3A_1336 = arith.cmpi ne, %rem3A_1334, %ne3A_1335 : i32
    %and3A_1337 = arith.andi %ne3A_1333, %ne3A_1336 : i1
    %sub3A_1338 = arith.constant 1 : i32
    %sub3A_1339 = arith.subi %div3A_1318, %sub3A_1338 : i32
    %select_n3A_1340 = arith.select %and3A_1337, %sub3A_1339, %div3A_1318 : i32
    %jit3A_1341 = arith.constant 4 : i32
    %eq3A_1342 = arith.constant 0 : i32
    %eq3A_1343 = arith.cmpi eq, %jit3A_1341, %eq3A_1342 : i32
    %jit3A_1344 = arith.constant 1 : i32
    %select_n3A_1345 = arith.select %eq3A_1343, %jit3A_1344, %jit3A_1341 : i32
    %rem3A_1346 = arith.remsi %add3A_1316, %select_n3A_1345 : i32
    %ne3A_1347 = arith.constant 0 : i32
    %ne3A_1348 = arith.cmpi ne, %rem3A_1346, %ne3A_1347 : i32
    %lt3A_1349 = arith.constant 0 : i32
    %lt3A_1350 = arith.cmpi slt, %rem3A_1346, %lt3A_1349 : i32
    %lt3A_1351 = arith.constant 0 : i32
    %lt3A_1352 = arith.cmpi slt, %select_n3A_1345, %lt3A_1351 : i32
    %ne3A_1353 = arith.xori %lt3A_1350, %lt3A_1352 : i1
    %and3A_1354 = arith.andi %ne3A_1353, %ne3A_1348 : i1
    %add3A_1355 = arith.addi %rem3A_1346, %select_n3A_1345 : i32
    %select_n3A_1356 = arith.select %and3A_1354, %add3A_1355, %rem3A_1346 : i32
    %mul3A_1357 = arith.constant 4096 : i32
    %mul3A_1358 = arith.muli %select_n3A_1356, %mul3A_1357 : i32
    %dma_start3A_1359 = tpu.memref_slice %arg2[%select_n3A_1340, %mul3A_1358] : memref<200x16384xi32, #tpu.memory_space<hbm>> -> memref<1x4096xi32, #tpu.memory_space<hbm>>
    %dma_start3A_1360 = tpu.memref_squeeze %dma_start3A_1359 : memref<1x4096xi32, #tpu.memory_space<hbm>> -> memref<4096xi32, #tpu.memory_space<hbm>>
    %dma_start3A_1361 = tpu.memref_slice %arg2[%select_n3A_1340, %mul3A_1358] : memref<200x16384xi32, #tpu.memory_space<hbm>> -> memref<1x4096xi32, #tpu.memory_space<hbm>>
    %dma_start3A_1362 = tpu.memref_squeeze %dma_start3A_1361 : memref<1x4096xi32, #tpu.memory_space<hbm>> -> memref<4096xi32, #tpu.memory_space<hbm>>
    tpu.enqueue_dma source(%dma_start3A_1362 : memref<4096xi32, #tpu.memory_space<hbm>>) target(%arg13 : memref<4096xi32, #tpu.memory_space<vmem>>) target_semaphore(%arg18 : memref<!tpu.dma_semaphore, #tpu.memory_space<semaphore_mem>>)
    %dma_wait3A_1363 = tpu.memref_slice %arg2[%select_n3A_1127, %mul3A_1145] : memref<200x16384xi32, #tpu.memory_space<hbm>> -> memref<1x4096xi32, #tpu.memory_space<hbm>>
    %dma_wait3A_1364 = tpu.memref_squeeze %dma_wait3A_1363 : memref<1x4096xi32, #tpu.memory_space<hbm>> -> memref<4096xi32, #tpu.memory_space<hbm>>
    %dma_wait3A_1365 = tpu.memref_slice %arg2[%select_n3A_1127, %mul3A_1145] : memref<200x16384xi32, #tpu.memory_space<hbm>> -> memref<1x4096xi32, #tpu.memory_space<hbm>>
    %dma_wait3A_1366 = tpu.memref_squeeze %dma_wait3A_1365 : memref<1x4096xi32, #tpu.memory_space<hbm>> -> memref<4096xi32, #tpu.memory_space<hbm>>
    tpu.wait_dma2 semaphore(%arg16 : memref<!tpu.dma_semaphore, #tpu.memory_space<semaphore_mem>>) src(%dma_wait3A_1366 : memref<4096xi32, #tpu.memory_space<hbm>>) dst(%arg11 : memref<4096xi32, #tpu.memory_space<vmem>>)
    %dma_wait3A_1367 = arith.constant 0 : i32
    %dma_wait3A_1368 = tpu.memref_slice %arg6[%select_n3A_1182, %dma_wait3A_1367, %mul3A_1200] : memref<200x1x16384xf32, #tpu.memory_space<hbm>> -> memref<1x1x4096xf32, #tpu.memory_space<hbm>>
    %dma_wait3A_1369 = tpu.memref_squeeze %dma_wait3A_1368 : memref<1x1x4096xf32, #tpu.memory_space<hbm>> -> memref<4096xf32, #tpu.memory_space<hbm>>
    %dma_wait3A_1370 = tpu.memref_slice %arg6[%select_n3A_1182, %dma_wait3A_1367, %mul3A_1200] : memref<200x1x16384xf32, #tpu.memory_space<hbm>> -> memref<1x1x4096xf32, #tpu.memory_space<hbm>>
    %dma_wait3A_1371 = tpu.memref_squeeze %dma_wait3A_1370 : memref<1x1x4096xf32, #tpu.memory_space<hbm>> -> memref<4096xf32, #tpu.memory_space<hbm>>
    tpu.wait_dma2 semaphore(%arg20 : memref<!tpu.dma_semaphore, #tpu.memory_space<semaphore_mem>>) src(%arg15 : memref<4096xf32, #tpu.memory_space<vmem>>) dst(%dma_wait3A_1371 : memref<4096xf32, #tpu.memory_space<hbm>>)
    %parallel_loop3A_1372 = arith.constant 0 : i32
    %parallel_loop3A_1373 = arith.constant 4096 : i32
    %parallel_loop3A_1374 = arith.constant 16 : i32
    scf.for %parallel_loop3A_3627 = %parallel_loop3A_1372 to %parallel_loop3A_1373 step %parallel_loop3A_1374  : i32 {
      %parallel_loop3A_3628 = arith.index_cast %parallel_loop3A_3627 : i32 to index
      %parallel_loop3A_3629 = tpu.vector_load %arg11[%parallel_loop3A_3628] {strides = array<i32>} : memref<4096xi32, #tpu.memory_space<vmem>>, vector<16xi32>,
      %parallel_loop3A_3630 = tpu.vector_load_idx %arg10[%parallel_loop3A_3629] : memref<16xf32, #tpu.memory_space<vmem>>[vector<16xi32>], vector<16xf32>,
      %parallel_loop3A_3631 = arith.index_cast %parallel_loop3A_3627 : i32 to index
      %parallel_loop3A_3632 = tpu.vector_load %arg15[%parallel_loop3A_3631] {strides = array<i32>} : memref<4096xf32, #tpu.memory_space<vmem>>, vector<16xf32>,
      tpu.vector_store %arg15[%parallel_loop3A_3631], %parallel_loop3A_3630 {strides = array<i32>} : memref<4096xf32, #tpu.memory_space<vmem>>, vector<16xf32>,
    } {sc.loop_unroll_factor = 8 : i64, sc.parallel_access}
    %add3A_1375 = arith.constant 3 : i32
    %add3A_1376 = arith.addi %mul3A_2, %add3A_1375 : i32
    %jit3A_1377 = arith.constant 4 : i32
    %div3A_1378 = arith.divsi %add3A_1376, %jit3A_1377 : i32
    %sign3A_1379 = arith.constant 0 : i32
    %sign3A_1380 = arith.cmpi sgt, %add3A_1376, %sign3A_1379 : i32
    %sign3A_1381 = arith.extui %sign3A_1380 : i1 to i32
    %sign3A_1382 = arith.constant 0 : i32
    %sign3A_1383 = arith.cmpi slt, %add3A_1376, %sign3A_1382 : i32
    %sign3A_1384 = arith.extui %sign3A_1383 : i1 to i32
    %sign3A_1385 = arith.subi %sign3A_1381, %sign3A_1384 : i32
    %sign3A_1386 = arith.constant 0 : i32
    %sign3A_1387 = arith.cmpi sgt, %jit3A_1377, %sign3A_1386 : i32
    %sign3A_1388 = arith.extui %sign3A_1387 : i1 to i32
    %sign3A_1389 = arith.constant 0 : i32
    %sign3A_1390 = arith.cmpi slt, %jit3A_1377, %sign3A_1389 : i32
    %sign3A_1391 = arith.extui %sign3A_1390 : i1 to i32
    %sign3A_1392 = arith.subi %sign3A_1388, %sign3A_1391 : i32
    %ne3A_1393 = arith.cmpi ne, %sign3A_1385, %sign3A_1392 : i32
    %rem3A_1394 = arith.remsi %add3A_1376, %jit3A_1377 : i32
    %ne3A_1395 = arith.constant 0 : i32
    %ne3A_1396 = arith.cmpi ne, %rem3A_1394, %ne3A_1395 : i32
    %and3A_1397 = arith.andi %ne3A_1393, %ne3A_1396 : i1
    %sub3A_1398 = arith.constant 1 : i32
    %sub3A_1399 = arith.subi %div3A_1378, %sub3A_1398 : i32
    %select_n3A_1400 = arith.select %and3A_1397, %sub3A_1399, %div3A_1378 : i32
    %jit3A_1401 = arith.constant 4 : i32
    %eq3A_1402 = arith.constant 0 : i32
    %eq3A_1403 = arith.cmpi eq, %jit3A_1401, %eq3A_1402 : i32
    %jit3A_1404 = arith.constant 1 : i32
    %select_n3A_1405 = arith.select %eq3A_1403, %jit3A_1404, %jit3A_1401 : i32
    %rem3A_1406 = arith.remsi %add3A_1376, %select_n3A_1405 : i32
    %ne3A_1407 = arith.constant 0 : i32
    %ne3A_1408 = arith.cmpi ne, %rem3A_1406, %ne3A_1407 : i32
    %lt3A_1409 = arith.constant 0 : i32
    %lt3A_1410 = arith.cmpi slt, %rem3A_1406, %lt3A_1409 : i32
    %lt3A_1411 = arith.constant 0 : i32
    %lt3A_1412 = arith.cmpi slt, %select_n3A_1405, %lt3A_1411 : i32
    %ne3A_1413 = arith.xori %lt3A_1410, %lt3A_1412 : i1
    %and3A_1414 = arith.andi %ne3A_1413, %ne3A_1408 : i1
    %add3A_1415 = arith.addi %rem3A_1406, %select_n3A_1405 : i32
    %select_n3A_1416 = arith.select %and3A_1414, %add3A_1415, %rem3A_1406 : i32
    %mul3A_1417 = arith.constant 4096 : i32
    %mul3A_1418 = arith.muli %select_n3A_1416, %mul3A_1417 : i32
    %dma_start3A_1419 = arith.constant 0 : i32
    %dma_start3A_1420 = tpu.memref_slice %arg6[%select_n3A_1400, %dma_start3A_1419, %mul3A_1418] : memref<200x1x16384xf32, #tpu.memory_space<hbm>> -> memref<1x1x4096xf32, #tpu.memory_space<hbm>>
    %dma_start3A_1421 = tpu.memref_squeeze %dma_start3A_1420 : memref<1x1x4096xf32, #tpu.memory_space<hbm>> -> memref<4096xf32, #tpu.memory_space<hbm>>
    %dma_start3A_1422 = tpu.memref_slice %arg6[%select_n3A_1400, %dma_start3A_1419, %mul3A_1418] : memref<200x1x16384xf32, #tpu.memory_space<hbm>> -> memref<1x1x4096xf32, #tpu.memory_space<hbm>>
    %dma_start3A_1423 = tpu.memref_squeeze %dma_start3A_1422 : memref<1x1x4096xf32, #tpu.memory_space<hbm>> -> memref<4096xf32, #tpu.memory_space<hbm>>
    tpu.enqueue_dma source(%arg15 : memref<4096xf32, #tpu.memory_space<vmem>>) target(%dma_start3A_1423 : memref<4096xf32, #tpu.memory_space<hbm>>) target_semaphore(%arg20 : memref<!tpu.dma_semaphore, #tpu.memory_space<semaphore_mem>>)
    %add3A_1424 = arith.constant 6 : i32
    %add3A_1425 = arith.addi %mul3A_2, %add3A_1424 : i32
    %jit3A_1426 = arith.constant 4 : i32
    %div3A_1427 = arith.divsi %add3A_1425, %jit3A_1426 : i32
    %sign3A_1428 = arith.constant 0 : i32
    %sign3A_1429 = arith.cmpi sgt, %add3A_1425, %sign3A_1428 : i32
    %sign3A_1430 = arith.extui %sign3A_1429 : i1 to i32
    %sign3A_1431 = arith.constant 0 : i32
    %sign3A_1432 = arith.cmpi slt, %add3A_1425, %sign3A_1431 : i32
    %sign3A_1433 = arith.extui %sign3A_1432 : i1 to i32
    %sign3A_1434 = arith.subi %sign3A_1430, %sign3A_1433 : i32
    %sign3A_1435 = arith.constant 0 : i32
    %sign3A_1436 = arith.cmpi sgt, %jit3A_1426, %sign3A_1435 : i32
    %sign3A_1437 = arith.extui %sign3A_1436 : i1 to i32
    %sign3A_1438 = arith.constant 0 : i32
    %sign3A_1439 = arith.cmpi slt, %jit3A_1426, %sign3A_1438 : i32
    %sign3A_1440 = arith.extui %sign3A_1439 : i1 to i32
    %sign3A_1441 = arith.subi %sign3A_1437, %sign3A_1440 : i32
    %ne3A_1442 = arith.cmpi ne, %sign3A_1434, %sign3A_1441 : i32
    %rem3A_1443 = arith.remsi %add3A_1425, %jit3A_1426 : i32
    %ne3A_1444 = arith.constant 0 : i32
    %ne3A_1445 = arith.cmpi ne, %rem3A_1443, %ne3A_1444 : i32
    %and3A_1446 = arith.andi %ne3A_1442, %ne3A_1445 : i1
    %sub3A_1447 = arith.constant 1 : i32
    %sub3A_1448 = arith.subi %div3A_1427, %sub3A_1447 : i32
    %select_n3A_1449 = arith.select %and3A_1446, %sub3A_1448, %div3A_1427 : i32
    %jit3A_1450 = arith.constant 4 : i32
    %eq3A_1451 = arith.constant 0 : i32
    %eq3A_1452 = arith.cmpi eq, %jit3A_1450, %eq3A_1451 : i32
    %jit3A_1453 = arith.constant 1 : i32
    %select_n3A_1454 = arith.select %eq3A_1452, %jit3A_1453, %jit3A_1450 : i32
    %rem3A_1455 = arith.remsi %add3A_1425, %select_n3A_1454 : i32
    %ne3A_1456 = arith.constant 0 : i32
    %ne3A_1457 = arith.cmpi ne, %rem3A_1455, %ne3A_1456 : i32
    %lt3A_1458 = arith.constant 0 : i32
    %lt3A_1459 = arith.cmpi slt, %rem3A_1455, %lt3A_1458 : i32
    %lt3A_1460 = arith.constant 0 : i32
    %lt3A_1461 = arith.cmpi slt, %select_n3A_1454, %lt3A_1460 : i32
    %ne3A_1462 = arith.xori %lt3A_1459, %lt3A_1461 : i1
    %and3A_1463 = arith.andi %ne3A_1462, %ne3A_1457 : i1
    %add3A_1464 = arith.addi %rem3A_1455, %select_n3A_1454 : i32
    %select_n3A_1465 = arith.select %and3A_1463, %add3A_1464, %rem3A_1455 : i32
    %mul3A_1466 = arith.constant 4096 : i32
    %mul3A_1467 = arith.muli %select_n3A_1465, %mul3A_1466 : i32
    %dma_start3A_1468 = tpu.memref_slice %arg2[%select_n3A_1449, %mul3A_1467] : memref<200x16384xi32, #tpu.memory_space<hbm>> -> memref<1x4096xi32, #tpu.memory_space<hbm>>
    %dma_start3A_1469 = tpu.memref_squeeze %dma_start3A_1468 : memref<1x4096xi32, #tpu.memory_space<hbm>> -> memref<4096xi32, #tpu.memory_space<hbm>>
    %dma_start3A_1470 = tpu.memref_slice %arg2[%select_n3A_1449, %mul3A_1467] : memref<200x16384xi32, #tpu.memory_space<hbm>> -> memref<1x4096xi32, #tpu.memory_space<hbm>>
    %dma_start3A_1471 = tpu.memref_squeeze %dma_start3A_1470 : memref<1x4096xi32, #tpu.memory_space<hbm>> -> memref<4096xi32, #tpu.memory_space<hbm>>
    tpu.enqueue_dma source(%dma_start3A_1471 : memref<4096xi32, #tpu.memory_space<hbm>>) target(%arg11 : memref<4096xi32, #tpu.memory_space<vmem>>) target_semaphore(%arg16 : memref<!tpu.dma_semaphore, #tpu.memory_space<semaphore_mem>>)
    %dma_wait3A_1472 = tpu.memref_slice %arg2[%select_n3A_1231, %mul3A_1249] : memref<200x16384xi32, #tpu.memory_space<hbm>> -> memref<1x4096xi32, #tpu.memory_space<hbm>>
    %dma_wait3A_1473 = tpu.memref_squeeze %dma_wait3A_1472 : memref<1x4096xi32, #tpu.memory_space<hbm>> -> memref<4096xi32, #tpu.memory_space<hbm>>
    %dma_wait3A_1474 = tpu.memref_slice %arg2[%select_n3A_1231, %mul3A_1249] : memref<200x16384xi32, #tpu.memory_space<hbm>> -> memref<1x4096xi32, #tpu.memory_space<hbm>>
    %dma_wait3A_1475 = tpu.memref_squeeze %dma_wait3A_1474 : memref<1x4096xi32, #tpu.memory_space<hbm>> -> memref<4096xi32, #tpu.memory_space<hbm>>
    tpu.wait_dma2 semaphore(%arg17 : memref<!tpu.dma_semaphore, #tpu.memory_space<semaphore_mem>>) src(%dma_wait3A_1475 : memref<4096xi32, #tpu.memory_space<hbm>>) dst(%arg12 : memref<4096xi32, #tpu.memory_space<vmem>>)
    %dma_wait3A_1476 = arith.constant 0 : i32
    %dma_wait3A_1477 = tpu.memref_slice %arg6[%select_n3A_1291, %dma_wait3A_1476, %mul3A_1309] : memref<200x1x16384xf32, #tpu.memory_space<hbm>> -> memref<1x1x4096xf32, #tpu.memory_space<hbm>>
    %dma_wait3A_1478 = tpu.memref_squeeze %dma_wait3A_1477 : memref<1x1x4096xf32, #tpu.memory_space<hbm>> -> memref<4096xf32, #tpu.memory_space<hbm>>
    %dma_wait3A_1479 = tpu.memref_slice %arg6[%select_n3A_1291, %dma_wait3A_1476, %mul3A_1309] : memref<200x1x16384xf32, #tpu.memory_space<hbm>> -> memref<1x1x4096xf32, #tpu.memory_space<hbm>>
    %dma_wait3A_1480 = tpu.memref_squeeze %dma_wait3A_1479 : memref<1x1x4096xf32, #tpu.memory_space<hbm>> -> memref<4096xf32, #tpu.memory_space<hbm>>
    tpu.wait_dma2 semaphore(%arg19 : memref<!tpu.dma_semaphore, #tpu.memory_space<semaphore_mem>>) src(%arg14 : memref<4096xf32, #tpu.memory_space<vmem>>) dst(%dma_wait3A_1480 : memref<4096xf32, #tpu.memory_space<hbm>>)
    %parallel_loop3A_1481 = arith.constant 0 : i32
    %parallel_loop3A_1482 = arith.constant 4096 : i32
    %parallel_loop3A_1483 = arith.constant 16 : i32
    scf.for %parallel_loop3A_3627 = %parallel_loop3A_1481 to %parallel_loop3A_1482 step %parallel_loop3A_1483  : i32 {
      %parallel_loop3A_3628 = arith.index_cast %parallel_loop3A_3627 : i32 to index
      %parallel_loop3A_3629 = tpu.vector_load %arg12[%parallel_loop3A_3628] {strides = array<i32>} : memref<4096xi32, #tpu.memory_space<vmem>>, vector<16xi32>,
      %parallel_loop3A_3630 = tpu.vector_load_idx %arg10[%parallel_loop3A_3629] : memref<16xf32, #tpu.memory_space<vmem>>[vector<16xi32>], vector<16xf32>,
      %parallel_loop3A_3631 = arith.index_cast %parallel_loop3A_3627 : i32 to index
      %parallel_loop3A_3632 = tpu.vector_load %arg14[%parallel_loop3A_3631] {strides = array<i32>} : memref<4096xf32, #tpu.memory_space<vmem>>, vector<16xf32>,
      tpu.vector_store %arg14[%parallel_loop3A_3631], %parallel_loop3A_3630 {strides = array<i32>} : memref<4096xf32, #tpu.memory_space<vmem>>, vector<16xf32>,
    } {sc.loop_unroll_factor = 8 : i64, sc.parallel_access}
    %add3A_1484 = arith.constant 4 : i32
    %add3A_1485 = arith.addi %mul3A_2, %add3A_1484 : i32
    %jit3A_1486 = arith.constant 4 : i32
    %div3A_1487 = arith.divsi %add3A_1485, %jit3A_1486 : i32
    %sign3A_1488 = arith.constant 0 : i32
    %sign3A_1489 = arith.cmpi sgt, %add3A_1485, %sign3A_1488 : i32
    %sign3A_1490 = arith.extui %sign3A_1489 : i1 to i32
    %sign3A_1491 = arith.constant 0 : i32
    %sign3A_1492 = arith.cmpi slt, %add3A_1485, %sign3A_1491 : i32
    %sign3A_1493 = arith.extui %sign3A_1492 : i1 to i32
    %sign3A_1494 = arith.subi %sign3A_1490, %sign3A_1493 : i32
    %sign3A_1495 = arith.constant 0 : i32
    %sign3A_1496 = arith.cmpi sgt, %jit3A_1486, %sign3A_1495 : i32
    %sign3A_1497 = arith.extui %sign3A_1496 : i1 to i32
    %sign3A_1498 = arith.constant 0 : i32
    %sign3A_1499 = arith.cmpi slt, %jit3A_1486, %sign3A_1498 : i32
    %sign3A_1500 = arith.extui %sign3A_1499 : i1 to i32
    %sign3A_1501 = arith.subi %sign3A_1497, %sign3A_1500 : i32
    %ne3A_1502 = arith.cmpi ne, %sign3A_1494, %sign3A_1501 : i32
    %rem3A_1503 = arith.remsi %add3A_1485, %jit3A_1486 : i32
    %ne3A_1504 = arith.constant 0 : i32
    %ne3A_1505 = arith.cmpi ne, %rem3A_1503, %ne3A_1504 : i32
    %and3A_1506 = arith.andi %ne3A_1502, %ne3A_1505 : i1
    %sub3A_1507 = arith.constant 1 : i32
    %sub3A_1508 = arith.subi %div3A_1487, %sub3A_1507 : i32
    %select_n3A_1509 = arith.select %and3A_1506, %sub3A_1508, %div3A_1487 : i32
    %jit3A_1510 = arith.constant 4 : i32
    %eq3A_1511 = arith.constant 0 : i32
    %eq3A_1512 = arith.cmpi eq, %jit3A_1510, %eq3A_1511 : i32
    %jit3A_1513 = arith.constant 1 : i32
    %select_n3A_1514 = arith.select %eq3A_1512, %jit3A_1513, %jit3A_1510 : i32
    %rem3A_1515 = arith.remsi %add3A_1485, %select_n3A_1514 : i32
    %ne3A_1516 = arith.constant 0 : i32
    %ne3A_1517 = arith.cmpi ne, %rem3A_1515, %ne3A_1516 : i32
    %lt3A_1518 = arith.constant 0 : i32
    %lt3A_1519 = arith.cmpi slt, %rem3A_1515, %lt3A_1518 : i32
    %lt3A_1520 = arith.constant 0 : i32
    %lt3A_1521 = arith.cmpi slt, %select_n3A_1514, %lt3A_1520 : i32
    %ne3A_1522 = arith.xori %lt3A_1519, %lt3A_1521 : i1
    %and3A_1523 = arith.andi %ne3A_1522, %ne3A_1517 : i1
    %add3A_1524 = arith.addi %rem3A_1515, %select_n3A_1514 : i32
    %select_n3A_1525 = arith.select %and3A_1523, %add3A_1524, %rem3A_1515 : i32
    %mul3A_1526 = arith.constant 4096 : i32
    %mul3A_1527 = arith.muli %select_n3A_1525, %mul3A_1526 : i32
    %dma_start3A_1528 = arith.constant 0 : i32
    %dma_start3A_1529 = tpu.memref_slice %arg6[%select_n3A_1509, %dma_start3A_1528, %mul3A_1527] : memref<200x1x16384xf32, #tpu.memory_space<hbm>> -> memref<1x1x4096xf32, #tpu.memory_space<hbm>>
    %dma_start3A_1530 = tpu.memref_squeeze %dma_start3A_1529 : memref<1x1x4096xf32, #tpu.memory_space<hbm>> -> memref<4096xf32, #tpu.memory_space<hbm>>
    %dma_start3A_1531 = tpu.memref_slice %arg6[%select_n3A_1509, %dma_start3A_1528, %mul3A_1527] : memref<200x1x16384xf32, #tpu.memory_space<hbm>> -> memref<1x1x4096xf32, #tpu.memory_space<hbm>>
    %dma_start3A_1532 = tpu.memref_squeeze %dma_start3A_1531 : memref<1x1x4096xf32, #tpu.memory_space<hbm>> -> memref<4096xf32, #tpu.memory_space<hbm>>
    tpu.enqueue_dma source(%arg14 : memref<4096xf32, #tpu.memory_space<vmem>>) target(%dma_start3A_1532 : memref<4096xf32, #tpu.memory_space<hbm>>) target_semaphore(%arg19 : memref<!tpu.dma_semaphore, #tpu.memory_space<semaphore_mem>>)
    %add3A_1533 = arith.constant 7 : i32
    %add3A_1534 = arith.addi %mul3A_2, %add3A_1533 : i32
    %jit3A_1535 = arith.constant 4 : i32
    %div3A_1536 = arith.divsi %add3A_1534, %jit3A_1535 : i32
    %sign3A_1537 = arith.constant 0 : i32
    %sign3A_1538 = arith.cmpi sgt, %add3A_1534, %sign3A_1537 : i32
    %sign3A_1539 = arith.extui %sign3A_1538 : i1 to i32
    %sign3A_1540 = arith.constant 0 : i32
    %sign3A_1541 = arith.cmpi slt, %add3A_1534, %sign3A_1540 : i32
    %sign3A_1542 = arith.extui %sign3A_1541 : i1 to i32
    %sign3A_1543 = arith.subi %sign3A_1539, %sign3A_1542 : i32
    %sign3A_1544 = arith.constant 0 : i32
    %sign3A_1545 = arith.cmpi sgt, %jit3A_1535, %sign3A_1544 : i32
    %sign3A_1546 = arith.extui %sign3A_1545 : i1 to i32
    %sign3A_1547 = arith.constant 0 : i32
    %sign3A_1548 = arith.cmpi slt, %jit3A_1535, %sign3A_1547 : i32
    %sign3A_1549 = arith.extui %sign3A_1548 : i1 to i32
    %sign3A_1550 = arith.subi %sign3A_1546, %sign3A_1549 : i32
    %ne3A_1551 = arith.cmpi ne, %sign3A_1543, %sign3A_1550 : i32
    %rem3A_1552 = arith.remsi %add3A_1534, %jit3A_1535 : i32
    %ne3A_1553 = arith.constant 0 : i32
    %ne3A_1554 = arith.cmpi ne, %rem3A_1552, %ne3A_1553 : i32
    %and3A_1555 = arith.andi %ne3A_1551, %ne3A_1554 : i1
    %sub3A_1556 = arith.constant 1 : i32
    %sub3A_1557 = arith.subi %div3A_1536, %sub3A_1556 : i32
    %select_n3A_1558 = arith.select %and3A_1555, %sub3A_1557, %div3A_1536 : i32
    %jit3A_1559 = arith.constant 4 : i32
    %eq3A_1560 = arith.constant 0 : i32
    %eq3A_1561 = arith.cmpi eq, %jit3A_1559, %eq3A_1560 : i32
    %jit3A_1562 = arith.constant 1 : i32
    %select_n3A_1563 = arith.select %eq3A_1561, %jit3A_1562, %jit3A_1559 : i32
    %rem3A_1564 = arith.remsi %add3A_1534, %select_n3A_1563 : i32
    %ne3A_1565 = arith.constant 0 : i32
    %ne3A_1566 = arith.cmpi ne, %rem3A_1564, %ne3A_1565 : i32
    %lt3A_1567 = arith.constant 0 : i32
    %lt3A_1568 = arith.cmpi slt, %rem3A_1564, %lt3A_1567 : i32
    %lt3A_1569 = arith.constant 0 : i32
    %lt3A_1570 = arith.cmpi slt, %select_n3A_1563, %lt3A_1569 : i32
    %ne3A_1571 = arith.xori %lt3A_1568, %lt3A_1570 : i1
    %and3A_1572 = arith.andi %ne3A_1571, %ne3A_1566 : i1
    %add3A_1573 = arith.addi %rem3A_1564, %select_n3A_1563 : i32
    %select_n3A_1574 = arith.select %and3A_1572, %add3A_1573, %rem3A_1564 : i32
    %mul3A_1575 = arith.constant 4096 : i32
    %mul3A_1576 = arith.muli %select_n3A_1574, %mul3A_1575 : i32
    %dma_start3A_1577 = tpu.memref_slice %arg2[%select_n3A_1558, %mul3A_1576] : memref<200x16384xi32, #tpu.memory_space<hbm>> -> memref<1x4096xi32, #tpu.memory_space<hbm>>
    %dma_start3A_1578 = tpu.memref_squeeze %dma_start3A_1577 : memref<1x4096xi32, #tpu.memory_space<hbm>> -> memref<4096xi32, #tpu.memory_space<hbm>>
    %dma_start3A_1579 = tpu.memref_slice %arg2[%select_n3A_1558, %mul3A_1576] : memref<200x16384xi32, #tpu.memory_space<hbm>> -> memref<1x4096xi32, #tpu.memory_space<hbm>>
    %dma_start3A_1580 = tpu.memref_squeeze %dma_start3A_1579 : memref<1x4096xi32, #tpu.memory_space<hbm>> -> memref<4096xi32, #tpu.memory_space<hbm>>
    tpu.enqueue_dma source(%dma_start3A_1580 : memref<4096xi32, #tpu.memory_space<hbm>>) target(%arg12 : memref<4096xi32, #tpu.memory_space<vmem>>) target_semaphore(%arg17 : memref<!tpu.dma_semaphore, #tpu.memory_space<semaphore_mem>>)
    %dma_wait3A_1581 = tpu.memref_slice %arg2[%select_n3A_1340, %mul3A_1358] : memref<200x16384xi32, #tpu.memory_space<hbm>> -> memref<1x4096xi32, #tpu.memory_space<hbm>>
    %dma_wait3A_1582 = tpu.memref_squeeze %dma_wait3A_1581 : memref<1x4096xi32, #tpu.memory_space<hbm>> -> memref<4096xi32, #tpu.memory_space<hbm>>
    %dma_wait3A_1583 = tpu.memref_slice %arg2[%select_n3A_1340, %mul3A_1358] : memref<200x16384xi32, #tpu.memory_space<hbm>> -> memref<1x4096xi32, #tpu.memory_space<hbm>>
    %dma_wait3A_1584 = tpu.memref_squeeze %dma_wait3A_1583 : memref<1x4096xi32, #tpu.memory_space<hbm>> -> memref<4096xi32, #tpu.memory_space<hbm>>
    tpu.wait_dma2 semaphore(%arg18 : memref<!tpu.dma_semaphore, #tpu.memory_space<semaphore_mem>>) src(%dma_wait3A_1584 : memref<4096xi32, #tpu.memory_space<hbm>>) dst(%arg13 : memref<4096xi32, #tpu.memory_space<vmem>>)
    %dma_wait3A_1585 = arith.constant 0 : i32
    %dma_wait3A_1586 = tpu.memref_slice %arg6[%select_n3A_1400, %dma_wait3A_1585, %mul3A_1418] : memref<200x1x16384xf32, #tpu.memory_space<hbm>> -> memref<1x1x4096xf32, #tpu.memory_space<hbm>>
    %dma_wait3A_1587 = tpu.memref_squeeze %dma_wait3A_1586 : memref<1x1x4096xf32, #tpu.memory_space<hbm>> -> memref<4096xf32, #tpu.memory_space<hbm>>
    %dma_wait3A_1588 = tpu.memref_slice %arg6[%select_n3A_1400, %dma_wait3A_1585, %mul3A_1418] : memref<200x1x16384xf32, #tpu.memory_space<hbm>> -> memref<1x1x4096xf32, #tpu.memory_space<hbm>>
    %dma_wait3A_1589 = tpu.memref_squeeze %dma_wait3A_1588 : memref<1x1x4096xf32, #tpu.memory_space<hbm>> -> memref<4096xf32, #tpu.memory_space<hbm>>
    tpu.wait_dma2 semaphore(%arg20 : memref<!tpu.dma_semaphore, #tpu.memory_space<semaphore_mem>>) src(%arg15 : memref<4096xf32, #tpu.memory_space<vmem>>) dst(%dma_wait3A_1589 : memref<4096xf32, #tpu.memory_space<hbm>>)
    %parallel_loop3A_1590 = arith.constant 0 : i32
    %parallel_loop3A_1591 = arith.constant 4096 : i32
    %parallel_loop3A_1592 = arith.constant 16 : i32
    scf.for %parallel_loop3A_3627 = %parallel_loop3A_1590 to %parallel_loop3A_1591 step %parallel_loop3A_1592  : i32 {
      %parallel_loop3A_3628 = arith.index_cast %parallel_loop3A_3627 : i32 to index
      %parallel_loop3A_3629 = tpu.vector_load %arg13[%parallel_loop3A_3628] {strides = array<i32>} : memref<4096xi32, #tpu.memory_space<vmem>>, vector<16xi32>,
      %parallel_loop3A_3630 = tpu.vector_load_idx %arg10[%parallel_loop3A_3629] : memref<16xf32, #tpu.memory_space<vmem>>[vector<16xi32>], vector<16xf32>,
      %parallel_loop3A_3631 = arith.index_cast %parallel_loop3A_3627 : i32 to index
      %parallel_loop3A_3632 = tpu.vector_load %arg15[%parallel_loop3A_3631] {strides = array<i32>} : memref<4096xf32, #tpu.memory_space<vmem>>, vector<16xf32>,
      tpu.vector_store %arg15[%parallel_loop3A_3631], %parallel_loop3A_3630 {strides = array<i32>} : memref<4096xf32, #tpu.memory_space<vmem>>, vector<16xf32>,
    } {sc.loop_unroll_factor = 8 : i64, sc.parallel_access}
    %add3A_1593 = arith.constant 5 : i32
    %add3A_1594 = arith.addi %mul3A_2, %add3A_1593 : i32
    %jit3A_1595 = arith.constant 4 : i32
    %div3A_1596 = arith.divsi %add3A_1594, %jit3A_1595 : i32
    %sign3A_1597 = arith.constant 0 : i32
    %sign3A_1598 = arith.cmpi sgt, %add3A_1594, %sign3A_1597 : i32
    %sign3A_1599 = arith.extui %sign3A_1598 : i1 to i32
    %sign3A_1600 = arith.constant 0 : i32
    %sign3A_1601 = arith.cmpi slt, %add3A_1594, %sign3A_1600 : i32
    %sign3A_1602 = arith.extui %sign3A_1601 : i1 to i32
    %sign3A_1603 = arith.subi %sign3A_1599, %sign3A_1602 : i32
    %sign3A_1604 = arith.constant 0 : i32
    %sign3A_1605 = arith.cmpi sgt, %jit3A_1595, %sign3A_1604 : i32
    %sign3A_1606 = arith.extui %sign3A_1605 : i1 to i32
    %sign3A_1607 = arith.constant 0 : i32
    %sign3A_1608 = arith.cmpi slt, %jit3A_1595, %sign3A_1607 : i32
    %sign3A_1609 = arith.extui %sign3A_1608 : i1 to i32
    %sign3A_1610 = arith.subi %sign3A_1606, %sign3A_1609 : i32
    %ne3A_1611 = arith.cmpi ne, %sign3A_1603, %sign3A_1610 : i32
    %rem3A_1612 = arith.remsi %add3A_1594, %jit3A_1595 : i32
    %ne3A_1613 = arith.constant 0 : i32
    %ne3A_1614 = arith.cmpi ne, %rem3A_1612, %ne3A_1613 : i32
    %and3A_1615 = arith.andi %ne3A_1611, %ne3A_1614 : i1
    %sub3A_1616 = arith.constant 1 : i32
    %sub3A_1617 = arith.subi %div3A_1596, %sub3A_1616 : i32
    %select_n3A_1618 = arith.select %and3A_1615, %sub3A_1617, %div3A_1596 : i32
    %jit3A_1619 = arith.constant 4 : i32
    %eq3A_1620 = arith.constant 0 : i32
    %eq3A_1621 = arith.cmpi eq, %jit3A_1619, %eq3A_1620 : i32
    %jit3A_1622 = arith.constant 1 : i32
    %select_n3A_1623 = arith.select %eq3A_1621, %jit3A_1622, %jit3A_1619 : i32
    %rem3A_1624 = arith.remsi %add3A_1594, %select_n3A_1623 : i32
    %ne3A_1625 = arith.constant 0 : i32
    %ne3A_1626 = arith.cmpi ne, %rem3A_1624, %ne3A_1625 : i32
    %lt3A_1627 = arith.constant 0 : i32
    %lt3A_1628 = arith.cmpi slt, %rem3A_1624, %lt3A_1627 : i32
    %lt3A_1629 = arith.constant 0 : i32
    %lt3A_1630 = arith.cmpi slt, %select_n3A_1623, %lt3A_1629 : i32
    %ne3A_1631 = arith.xori %lt3A_1628, %lt3A_1630 : i1
    %and3A_1632 = arith.andi %ne3A_1631, %ne3A_1626 : i1
    %add3A_1633 = arith.addi %rem3A_1624, %select_n3A_1623 : i32
    %select_n3A_1634 = arith.select %and3A_1632, %add3A_1633, %rem3A_1624 : i32
    %mul3A_1635 = arith.constant 4096 : i32
    %mul3A_1636 = arith.muli %select_n3A_1634, %mul3A_1635 : i32
    %dma_start3A_1637 = arith.constant 0 : i32
    %dma_start3A_1638 = tpu.memref_slice %arg6[%select_n3A_1618, %dma_start3A_1637, %mul3A_1636] : memref<200x1x16384xf32, #tpu.memory_space<hbm>> -> memref<1x1x4096xf32, #tpu.memory_space<hbm>>
    %dma_start3A_1639 = tpu.memref_squeeze %dma_start3A_1638 : memref<1x1x4096xf32, #tpu.memory_space<hbm>> -> memref<4096xf32, #tpu.memory_space<hbm>>
    %dma_start3A_1640 = tpu.memref_slice %arg6[%select_n3A_1618, %dma_start3A_1637, %mul3A_1636] : memref<200x1x16384xf32, #tpu.memory_space<hbm>> -> memref<1x1x4096xf32, #tpu.memory_space<hbm>>
    %dma_start3A_1641 = tpu.memref_squeeze %dma_start3A_1640 : memref<1x1x4096xf32, #tpu.memory_space<hbm>> -> memref<4096xf32, #tpu.memory_space<hbm>>
    tpu.enqueue_dma source(%arg15 : memref<4096xf32, #tpu.memory_space<vmem>>) target(%dma_start3A_1641 : memref<4096xf32, #tpu.memory_space<hbm>>) target_semaphore(%arg20 : memref<!tpu.dma_semaphore, #tpu.memory_space<semaphore_mem>>)
    %add3A_1642 = arith.constant 8 : i32
    %add3A_1643 = arith.addi %mul3A_2, %add3A_1642 : i32
    %jit3A_1644 = arith.constant 4 : i32
    %div3A_1645 = arith.divsi %add3A_1643, %jit3A_1644 : i32
    %sign3A_1646 = arith.constant 0 : i32
    %sign3A_1647 = arith.cmpi sgt, %add3A_1643, %sign3A_1646 : i32
    %sign3A_1648 = arith.extui %sign3A_1647 : i1 to i32
    %sign3A_1649 = arith.constant 0 : i32
    %sign3A_1650 = arith.cmpi slt, %add3A_1643, %sign3A_1649 : i32
    %sign3A_1651 = arith.extui %sign3A_1650 : i1 to i32
    %sign3A_1652 = arith.subi %sign3A_1648, %sign3A_1651 : i32
    %sign3A_1653 = arith.constant 0 : i32
    %sign3A_1654 = arith.cmpi sgt, %jit3A_1644, %sign3A_1653 : i32
    %sign3A_1655 = arith.extui %sign3A_1654 : i1 to i32
    %sign3A_1656 = arith.constant 0 : i32
    %sign3A_1657 = arith.cmpi slt, %jit3A_1644, %sign3A_1656 : i32
    %sign3A_1658 = arith.extui %sign3A_1657 : i1 to i32
    %sign3A_1659 = arith.subi %sign3A_1655, %sign3A_1658 : i32
    %ne3A_1660 = arith.cmpi ne, %sign3A_1652, %sign3A_1659 : i32
    %rem3A_1661 = arith.remsi %add3A_1643, %jit3A_1644 : i32
    %ne3A_1662 = arith.constant 0 : i32
    %ne3A_1663 = arith.cmpi ne, %rem3A_1661, %ne3A_1662 : i32
    %and3A_1664 = arith.andi %ne3A_1660, %ne3A_1663 : i1
    %sub3A_1665 = arith.constant 1 : i32
    %sub3A_1666 = arith.subi %div3A_1645, %sub3A_1665 : i32
    %select_n3A_1667 = arith.select %and3A_1664, %sub3A_1666, %div3A_1645 : i32
    %jit3A_1668 = arith.constant 4 : i32
    %eq3A_1669 = arith.constant 0 : i32
    %eq3A_1670 = arith.cmpi eq, %jit3A_1668, %eq3A_1669 : i32
    %jit3A_1671 = arith.constant 1 : i32
    %select_n3A_1672 = arith.select %eq3A_1670, %jit3A_1671, %jit3A_1668 : i32
    %rem3A_1673 = arith.remsi %add3A_1643, %select_n3A_1672 : i32
    %ne3A_1674 = arith.constant 0 : i32
    %ne3A_1675 = arith.cmpi ne, %rem3A_1673, %ne3A_1674 : i32
    %lt3A_1676 = arith.constant 0 : i32
    %lt3A_1677 = arith.cmpi slt, %rem3A_1673, %lt3A_1676 : i32
    %lt3A_1678 = arith.constant 0 : i32
    %lt3A_1679 = arith.cmpi slt, %select_n3A_1672, %lt3A_1678 : i32
    %ne3A_1680 = arith.xori %lt3A_1677, %lt3A_1679 : i1
    %and3A_1681 = arith.andi %ne3A_1680, %ne3A_1675 : i1
    %add3A_1682 = arith.addi %rem3A_1673, %select_n3A_1672 : i32
    %select_n3A_1683 = arith.select %and3A_1681, %add3A_1682, %rem3A_1673 : i32
    %mul3A_1684 = arith.constant 4096 : i32
    %mul3A_1685 = arith.muli %select_n3A_1683, %mul3A_1684 : i32
    %dma_start3A_1686 = tpu.memref_slice %arg2[%select_n3A_1667, %mul3A_1685] : memref<200x16384xi32, #tpu.memory_space<hbm>> -> memref<1x4096xi32, #tpu.memory_space<hbm>>
    %dma_start3A_1687 = tpu.memref_squeeze %dma_start3A_1686 : memref<1x4096xi32, #tpu.memory_space<hbm>> -> memref<4096xi32, #tpu.memory_space<hbm>>
    %dma_start3A_1688 = tpu.memref_slice %arg2[%select_n3A_1667, %mul3A_1685] : memref<200x16384xi32, #tpu.memory_space<hbm>> -> memref<1x4096xi32, #tpu.memory_space<hbm>>
    %dma_start3A_1689 = tpu.memref_squeeze %dma_start3A_1688 : memref<1x4096xi32, #tpu.memory_space<hbm>> -> memref<4096xi32, #tpu.memory_space<hbm>>
    tpu.enqueue_dma source(%dma_start3A_1689 : memref<4096xi32, #tpu.memory_space<hbm>>) target(%arg13 : memref<4096xi32, #tpu.memory_space<vmem>>) target_semaphore(%arg18 : memref<!tpu.dma_semaphore, #tpu.memory_space<semaphore_mem>>)
    %dma_wait3A_1690 = tpu.memref_slice %arg2[%select_n3A_1449, %mul3A_1467] : memref<200x16384xi32, #tpu.memory_space<hbm>> -> memref<1x4096xi32, #tpu.memory_space<hbm>>
    %dma_wait3A_1691 = tpu.memref_squeeze %dma_wait3A_1690 : memref<1x4096xi32, #tpu.memory_space<hbm>> -> memref<4096xi32, #tpu.memory_space<hbm>>
    %dma_wait3A_1692 = tpu.memref_slice %arg2[%select_n3A_1449, %mul3A_1467] : memref<200x16384xi32, #tpu.memory_space<hbm>> -> memref<1x4096xi32, #tpu.memory_space<hbm>>
    %dma_wait3A_1693 = tpu.memref_squeeze %dma_wait3A_1692 : memref<1x4096xi32, #tpu.memory_space<hbm>> -> memref<4096xi32, #tpu.memory_space<hbm>>
    tpu.wait_dma2 semaphore(%arg16 : memref<!tpu.dma_semaphore, #tpu.memory_space<semaphore_mem>>) src(%dma_wait3A_1693 : memref<4096xi32, #tpu.memory_space<hbm>>) dst(%arg11 : memref<4096xi32, #tpu.memory_space<vmem>>)
    %dma_wait3A_1694 = arith.constant 0 : i32
    %dma_wait3A_1695 = tpu.memref_slice %arg6[%select_n3A_1509, %dma_wait3A_1694, %mul3A_1527] : memref<200x1x16384xf32, #tpu.memory_space<hbm>> -> memref<1x1x4096xf32, #tpu.memory_space<hbm>>
    %dma_wait3A_1696 = tpu.memref_squeeze %dma_wait3A_1695 : memref<1x1x4096xf32, #tpu.memory_space<hbm>> -> memref<4096xf32, #tpu.memory_space<hbm>>
    %dma_wait3A_1697 = tpu.memref_slice %arg6[%select_n3A_1509, %dma_wait3A_1694, %mul3A_1527] : memref<200x1x16384xf32, #tpu.memory_space<hbm>> -> memref<1x1x4096xf32, #tpu.memory_space<hbm>>
    %dma_wait3A_1698 = tpu.memref_squeeze %dma_wait3A_1697 : memref<1x1x4096xf32, #tpu.memory_space<hbm>> -> memref<4096xf32, #tpu.memory_space<hbm>>
    tpu.wait_dma2 semaphore(%arg19 : memref<!tpu.dma_semaphore, #tpu.memory_space<semaphore_mem>>) src(%arg14 : memref<4096xf32, #tpu.memory_space<vmem>>) dst(%dma_wait3A_1698 : memref<4096xf32, #tpu.memory_space<hbm>>)
    %parallel_loop3A_1699 = arith.constant 0 : i32
    %parallel_loop3A_1700 = arith.constant 4096 : i32
    %parallel_loop3A_1701 = arith.constant 16 : i32
    scf.for %parallel_loop3A_3627 = %parallel_loop3A_1699 to %parallel_loop3A_1700 step %parallel_loop3A_1701  : i32 {
      %parallel_loop3A_3628 = arith.index_cast %parallel_loop3A_3627 : i32 to index
      %parallel_loop3A_3629 = tpu.vector_load %arg11[%parallel_loop3A_3628] {strides = array<i32>} : memref<4096xi32, #tpu.memory_space<vmem>>, vector<16xi32>,
      %parallel_loop3A_3630 = tpu.vector_load_idx %arg10[%parallel_loop3A_3629] : memref<16xf32, #tpu.memory_space<vmem>>[vector<16xi32>], vector<16xf32>,
      %parallel_loop3A_3631 = arith.index_cast %parallel_loop3A_3627 : i32 to index
      %parallel_loop3A_3632 = tpu.vector_load %arg14[%parallel_loop3A_3631] {strides = array<i32>} : memref<4096xf32, #tpu.memory_space<vmem>>, vector<16xf32>,
      tpu.vector_store %arg14[%parallel_loop3A_3631], %parallel_loop3A_3630 {strides = array<i32>} : memref<4096xf32, #tpu.memory_space<vmem>>, vector<16xf32>,
    } {sc.loop_unroll_factor = 8 : i64, sc.parallel_access}
    %add3A_1702 = arith.constant 6 : i32
    %add3A_1703 = arith.addi %mul3A_2, %add3A_1702 : i32
    %jit3A_1704 = arith.constant 4 : i32
    %div3A_1705 = arith.divsi %add3A_1703, %jit3A_1704 : i32
    %sign3A_1706 = arith.constant 0 : i32
    %sign3A_1707 = arith.cmpi sgt, %add3A_1703, %sign3A_1706 : i32
    %sign3A_1708 = arith.extui %sign3A_1707 : i1 to i32
    %sign3A_1709 = arith.constant 0 : i32
    %sign3A_1710 = arith.cmpi slt, %add3A_1703, %sign3A_1709 : i32
    %sign3A_1711 = arith.extui %sign3A_1710 : i1 to i32
    %sign3A_1712 = arith.subi %sign3A_1708, %sign3A_1711 : i32
    %sign3A_1713 = arith.constant 0 : i32
    %sign3A_1714 = arith.cmpi sgt, %jit3A_1704, %sign3A_1713 : i32
    %sign3A_1715 = arith.extui %sign3A_1714 : i1 to i32
    %sign3A_1716 = arith.constant 0 : i32
    %sign3A_1717 = arith.cmpi slt, %jit3A_1704, %sign3A_1716 : i32
    %sign3A_1718 = arith.extui %sign3A_1717 : i1 to i32
    %sign3A_1719 = arith.subi %sign3A_1715, %sign3A_1718 : i32
    %ne3A_1720 = arith.cmpi ne, %sign3A_1712, %sign3A_1719 : i32
    %rem3A_1721 = arith.remsi %add3A_1703, %jit3A_1704 : i32
    %ne3A_1722 = arith.constant 0 : i32
    %ne3A_1723 = arith.cmpi ne, %rem3A_1721, %ne3A_1722 : i32
    %and3A_1724 = arith.andi %ne3A_1720, %ne3A_1723 : i1
    %sub3A_1725 = arith.constant 1 : i32
    %sub3A_1726 = arith.subi %div3A_1705, %sub3A_1725 : i32
    %select_n3A_1727 = arith.select %and3A_1724, %sub3A_1726, %div3A_1705 : i32
    %jit3A_1728 = arith.constant 4 : i32
    %eq3A_1729 = arith.constant 0 : i32
    %eq3A_1730 = arith.cmpi eq, %jit3A_1728, %eq3A_1729 : i32
    %jit3A_1731 = arith.constant 1 : i32
    %select_n3A_1732 = arith.select %eq3A_1730, %jit3A_1731, %jit3A_1728 : i32
    %rem3A_1733 = arith.remsi %add3A_1703, %select_n3A_1732 : i32
    %ne3A_1734 = arith.constant 0 : i32
    %ne3A_1735 = arith.cmpi ne, %rem3A_1733, %ne3A_1734 : i32
    %lt3A_1736 = arith.constant 0 : i32
    %lt3A_1737 = arith.cmpi slt, %rem3A_1733, %lt3A_1736 : i32
    %lt3A_1738 = arith.constant 0 : i32
    %lt3A_1739 = arith.cmpi slt, %select_n3A_1732, %lt3A_1738 : i32
    %ne3A_1740 = arith.xori %lt3A_1737, %lt3A_1739 : i1
    %and3A_1741 = arith.andi %ne3A_1740, %ne3A_1735 : i1
    %add3A_1742 = arith.addi %rem3A_1733, %select_n3A_1732 : i32
    %select_n3A_1743 = arith.select %and3A_1741, %add3A_1742, %rem3A_1733 : i32
    %mul3A_1744 = arith.constant 4096 : i32
    %mul3A_1745 = arith.muli %select_n3A_1743, %mul3A_1744 : i32
    %dma_start3A_1746 = arith.constant 0 : i32
    %dma_start3A_1747 = tpu.memref_slice %arg6[%select_n3A_1727, %dma_start3A_1746, %mul3A_1745] : memref<200x1x16384xf32, #tpu.memory_space<hbm>> -> memref<1x1x4096xf32, #tpu.memory_space<hbm>>
    %dma_start3A_1748 = tpu.memref_squeeze %dma_start3A_1747 : memref<1x1x4096xf32, #tpu.memory_space<hbm>> -> memref<4096xf32, #tpu.memory_space<hbm>>
    %dma_start3A_1749 = tpu.memref_slice %arg6[%select_n3A_1727, %dma_start3A_1746, %mul3A_1745] : memref<200x1x16384xf32, #tpu.memory_space<hbm>> -> memref<1x1x4096xf32, #tpu.memory_space<hbm>>
    %dma_start3A_1750 = tpu.memref_squeeze %dma_start3A_1749 : memref<1x1x4096xf32, #tpu.memory_space<hbm>> -> memref<4096xf32, #tpu.memory_space<hbm>>
    tpu.enqueue_dma source(%arg14 : memref<4096xf32, #tpu.memory_space<vmem>>) target(%dma_start3A_1750 : memref<4096xf32, #tpu.memory_space<hbm>>) target_semaphore(%arg19 : memref<!tpu.dma_semaphore, #tpu.memory_space<semaphore_mem>>)
    %add3A_1751 = arith.constant 9 : i32
    %add3A_1752 = arith.addi %mul3A_2, %add3A_1751 : i32
    %jit3A_1753 = arith.constant 4 : i32
    %div3A_1754 = arith.divsi %add3A_1752, %jit3A_1753 : i32
    %sign3A_1755 = arith.constant 0 : i32
    %sign3A_1756 = arith.cmpi sgt, %add3A_1752, %sign3A_1755 : i32
    %sign3A_1757 = arith.extui %sign3A_1756 : i1 to i32
    %sign3A_1758 = arith.constant 0 : i32
    %sign3A_1759 = arith.cmpi slt, %add3A_1752, %sign3A_1758 : i32
    %sign3A_1760 = arith.extui %sign3A_1759 : i1 to i32
    %sign3A_1761 = arith.subi %sign3A_1757, %sign3A_1760 : i32
    %sign3A_1762 = arith.constant 0 : i32
    %sign3A_1763 = arith.cmpi sgt, %jit3A_1753, %sign3A_1762 : i32
    %sign3A_1764 = arith.extui %sign3A_1763 : i1 to i32
    %sign3A_1765 = arith.constant 0 : i32
    %sign3A_1766 = arith.cmpi slt, %jit3A_1753, %sign3A_1765 : i32
    %sign3A_1767 = arith.extui %sign3A_1766 : i1 to i32
    %sign3A_1768 = arith.subi %sign3A_1764, %sign3A_1767 : i32
    %ne3A_1769 = arith.cmpi ne, %sign3A_1761, %sign3A_1768 : i32
    %rem3A_1770 = arith.remsi %add3A_1752, %jit3A_1753 : i32
    %ne3A_1771 = arith.constant 0 : i32
    %ne3A_1772 = arith.cmpi ne, %rem3A_1770, %ne3A_1771 : i32
    %and3A_1773 = arith.andi %ne3A_1769, %ne3A_1772 : i1
    %sub3A_1774 = arith.constant 1 : i32
    %sub3A_1775 = arith.subi %div3A_1754, %sub3A_1774 : i32
    %select_n3A_1776 = arith.select %and3A_1773, %sub3A_1775, %div3A_1754 : i32
    %jit3A_1777 = arith.constant 4 : i32
    %eq3A_1778 = arith.constant 0 : i32
    %eq3A_1779 = arith.cmpi eq, %jit3A_1777, %eq3A_1778 : i32
    %jit3A_1780 = arith.constant 1 : i32
    %select_n3A_1781 = arith.select %eq3A_1779, %jit3A_1780, %jit3A_1777 : i32
    %rem3A_1782 = arith.remsi %add3A_1752, %select_n3A_1781 : i32
    %ne3A_1783 = arith.constant 0 : i32
    %ne3A_1784 = arith.cmpi ne, %rem3A_1782, %ne3A_1783 : i32
    %lt3A_1785 = arith.constant 0 : i32
    %lt3A_1786 = arith.cmpi slt, %rem3A_1782, %lt3A_1785 : i32
    %lt3A_1787 = arith.constant 0 : i32
    %lt3A_1788 = arith.cmpi slt, %select_n3A_1781, %lt3A_1787 : i32
    %ne3A_1789 = arith.xori %lt3A_1786, %lt3A_1788 : i1
    %and3A_1790 = arith.andi %ne3A_1789, %ne3A_1784 : i1
    %add3A_1791 = arith.addi %rem3A_1782, %select_n3A_1781 : i32
    %select_n3A_1792 = arith.select %and3A_1790, %add3A_1791, %rem3A_1782 : i32
    %mul3A_1793 = arith.constant 4096 : i32
    %mul3A_1794 = arith.muli %select_n3A_1792, %mul3A_1793 : i32
    %dma_start3A_1795 = tpu.memref_slice %arg2[%select_n3A_1776, %mul3A_1794] : memref<200x16384xi32, #tpu.memory_space<hbm>> -> memref<1x4096xi32, #tpu.memory_space<hbm>>
    %dma_start3A_1796 = tpu.memref_squeeze %dma_start3A_1795 : memref<1x4096xi32, #tpu.memory_space<hbm>> -> memref<4096xi32, #tpu.memory_space<hbm>>
    %dma_start3A_1797 = tpu.memref_slice %arg2[%select_n3A_1776, %mul3A_1794] : memref<200x16384xi32, #tpu.memory_space<hbm>> -> memref<1x4096xi32, #tpu.memory_space<hbm>>
    %dma_start3A_1798 = tpu.memref_squeeze %dma_start3A_1797 : memref<1x4096xi32, #tpu.memory_space<hbm>> -> memref<4096xi32, #tpu.memory_space<hbm>>
    tpu.enqueue_dma source(%dma_start3A_1798 : memref<4096xi32, #tpu.memory_space<hbm>>) target(%arg11 : memref<4096xi32, #tpu.memory_space<vmem>>) target_semaphore(%arg16 : memref<!tpu.dma_semaphore, #tpu.memory_space<semaphore_mem>>)
    %dma_wait3A_1799 = tpu.memref_slice %arg2[%select_n3A_1558, %mul3A_1576] : memref<200x16384xi32, #tpu.memory_space<hbm>> -> memref<1x4096xi32, #tpu.memory_space<hbm>>
    %dma_wait3A_1800 = tpu.memref_squeeze %dma_wait3A_1799 : memref<1x4096xi32, #tpu.memory_space<hbm>> -> memref<4096xi32, #tpu.memory_space<hbm>>
    %dma_wait3A_1801 = tpu.memref_slice %arg2[%select_n3A_1558, %mul3A_1576] : memref<200x16384xi32, #tpu.memory_space<hbm>> -> memref<1x4096xi32, #tpu.memory_space<hbm>>
    %dma_wait3A_1802 = tpu.memref_squeeze %dma_wait3A_1801 : memref<1x4096xi32, #tpu.memory_space<hbm>> -> memref<4096xi32, #tpu.memory_space<hbm>>
    tpu.wait_dma2 semaphore(%arg17 : memref<!tpu.dma_semaphore, #tpu.memory_space<semaphore_mem>>) src(%dma_wait3A_1802 : memref<4096xi32, #tpu.memory_space<hbm>>) dst(%arg12 : memref<4096xi32, #tpu.memory_space<vmem>>)
    %dma_wait3A_1803 = arith.constant 0 : i32
    %dma_wait3A_1804 = tpu.memref_slice %arg6[%select_n3A_1618, %dma_wait3A_1803, %mul3A_1636] : memref<200x1x16384xf32, #tpu.memory_space<hbm>> -> memref<1x1x4096xf32, #tpu.memory_space<hbm>>
    %dma_wait3A_1805 = tpu.memref_squeeze %dma_wait3A_1804 : memref<1x1x4096xf32, #tpu.memory_space<hbm>> -> memref<4096xf32, #tpu.memory_space<hbm>>
    %dma_wait3A_1806 = tpu.memref_slice %arg6[%select_n3A_1618, %dma_wait3A_1803, %mul3A_1636] : memref<200x1x16384xf32, #tpu.memory_space<hbm>> -> memref<1x1x4096xf32, #tpu.memory_space<hbm>>
    %dma_wait3A_1807 = tpu.memref_squeeze %dma_wait3A_1806 : memref<1x1x4096xf32, #tpu.memory_space<hbm>> -> memref<4096xf32, #tpu.memory_space<hbm>>
    tpu.wait_dma2 semaphore(%arg20 : memref<!tpu.dma_semaphore, #tpu.memory_space<semaphore_mem>>) src(%arg15 : memref<4096xf32, #tpu.memory_space<vmem>>) dst(%dma_wait3A_1807 : memref<4096xf32, #tpu.memory_space<hbm>>)
    %parallel_loop3A_1808 = arith.constant 0 : i32
    %parallel_loop3A_1809 = arith.constant 4096 : i32
    %parallel_loop3A_1810 = arith.constant 16 : i32
    scf.for %parallel_loop3A_3627 = %parallel_loop3A_1808 to %parallel_loop3A_1809 step %parallel_loop3A_1810  : i32 {
      %parallel_loop3A_3628 = arith.index_cast %parallel_loop3A_3627 : i32 to index
      %parallel_loop3A_3629 = tpu.vector_load %arg12[%parallel_loop3A_3628] {strides = array<i32>} : memref<4096xi32, #tpu.memory_space<vmem>>, vector<16xi32>,
      %parallel_loop3A_3630 = tpu.vector_load_idx %arg10[%parallel_loop3A_3629] : memref<16xf32, #tpu.memory_space<vmem>>[vector<16xi32>], vector<16xf32>,
      %parallel_loop3A_3631 = arith.index_cast %parallel_loop3A_3627 : i32 to index
      %parallel_loop3A_3632 = tpu.vector_load %arg15[%parallel_loop3A_3631] {strides = array<i32>} : memref<4096xf32, #tpu.memory_space<vmem>>, vector<16xf32>,
      tpu.vector_store %arg15[%parallel_loop3A_3631], %parallel_loop3A_3630 {strides = array<i32>} : memref<4096xf32, #tpu.memory_space<vmem>>, vector<16xf32>,
    } {sc.loop_unroll_factor = 8 : i64, sc.parallel_access}
    %add3A_1811 = arith.constant 7 : i32
    %add3A_1812 = arith.addi %mul3A_2, %add3A_1811 : i32
    %jit3A_1813 = arith.constant 4 : i32
    %div3A_1814 = arith.divsi %add3A_1812, %jit3A_1813 : i32
    %sign3A_1815 = arith.constant 0 : i32
    %sign3A_1816 = arith.cmpi sgt, %add3A_1812, %sign3A_1815 : i32
    %sign3A_1817 = arith.extui %sign3A_1816 : i1 to i32
    %sign3A_1818 = arith.constant 0 : i32
    %sign3A_1819 = arith.cmpi slt, %add3A_1812, %sign3A_1818 : i32
    %sign3A_1820 = arith.extui %sign3A_1819 : i1 to i32
    %sign3A_1821 = arith.subi %sign3A_1817, %sign3A_1820 : i32
    %sign3A_1822 = arith.constant 0 : i32
    %sign3A_1823 = arith.cmpi sgt, %jit3A_1813, %sign3A_1822 : i32
    %sign3A_1824 = arith.extui %sign3A_1823 : i1 to i32
    %sign3A_1825 = arith.constant 0 : i32
    %sign3A_1826 = arith.cmpi slt, %jit3A_1813, %sign3A_1825 : i32
    %sign3A_1827 = arith.extui %sign3A_1826 : i1 to i32
    %sign3A_1828 = arith.subi %sign3A_1824, %sign3A_1827 : i32
    %ne3A_1829 = arith.cmpi ne, %sign3A_1821, %sign3A_1828 : i32
    %rem3A_1830 = arith.remsi %add3A_1812, %jit3A_1813 : i32
    %ne3A_1831 = arith.constant 0 : i32
    %ne3A_1832 = arith.cmpi ne, %rem3A_1830, %ne3A_1831 : i32
    %and3A_1833 = arith.andi %ne3A_1829, %ne3A_1832 : i1
    %sub3A_1834 = arith.constant 1 : i32
    %sub3A_1835 = arith.subi %div3A_1814, %sub3A_1834 : i32
    %select_n3A_1836 = arith.select %and3A_1833, %sub3A_1835, %div3A_1814 : i32
    %jit3A_1837 = arith.constant 4 : i32
    %eq3A_1838 = arith.constant 0 : i32
    %eq3A_1839 = arith.cmpi eq, %jit3A_1837, %eq3A_1838 : i32
    %jit3A_1840 = arith.constant 1 : i32
    %select_n3A_1841 = arith.select %eq3A_1839, %jit3A_1840, %jit3A_1837 : i32
    %rem3A_1842 = arith.remsi %add3A_1812, %select_n3A_1841 : i32
    %ne3A_1843 = arith.constant 0 : i32
    %ne3A_1844 = arith.cmpi ne, %rem3A_1842, %ne3A_1843 : i32
    %lt3A_1845 = arith.constant 0 : i32
    %lt3A_1846 = arith.cmpi slt, %rem3A_1842, %lt3A_1845 : i32
    %lt3A_1847 = arith.constant 0 : i32
    %lt3A_1848 = arith.cmpi slt, %select_n3A_1841, %lt3A_1847 : i32
    %ne3A_1849 = arith.xori %lt3A_1846, %lt3A_1848 : i1
    %and3A_1850 = arith.andi %ne3A_1849, %ne3A_1844 : i1
    %add3A_1851 = arith.addi %rem3A_1842, %select_n3A_1841 : i32
    %select_n3A_1852 = arith.select %and3A_1850, %add3A_1851, %rem3A_1842 : i32
    %mul3A_1853 = arith.constant 4096 : i32
    %mul3A_1854 = arith.muli %select_n3A_1852, %mul3A_1853 : i32
    %dma_start3A_1855 = arith.constant 0 : i32
    %dma_start3A_1856 = tpu.memref_slice %arg6[%select_n3A_1836, %dma_start3A_1855, %mul3A_1854] : memref<200x1x16384xf32, #tpu.memory_space<hbm>> -> memref<1x1x4096xf32, #tpu.memory_space<hbm>>
    %dma_start3A_1857 = tpu.memref_squeeze %dma_start3A_1856 : memref<1x1x4096xf32, #tpu.memory_space<hbm>> -> memref<4096xf32, #tpu.memory_space<hbm>>
    %dma_start3A_1858 = tpu.memref_slice %arg6[%select_n3A_1836, %dma_start3A_1855, %mul3A_1854] : memref<200x1x16384xf32, #tpu.memory_space<hbm>> -> memref<1x1x4096xf32, #tpu.memory_space<hbm>>
    %dma_start3A_1859 = tpu.memref_squeeze %dma_start3A_1858 : memref<1x1x4096xf32, #tpu.memory_space<hbm>> -> memref<4096xf32, #tpu.memory_space<hbm>>
    tpu.enqueue_dma source(%arg15 : memref<4096xf32, #tpu.memory_space<vmem>>) target(%dma_start3A_1859 : memref<4096xf32, #tpu.memory_space<hbm>>) target_semaphore(%arg20 : memref<!tpu.dma_semaphore, #tpu.memory_space<semaphore_mem>>)
    %add3A_1860 = arith.constant 10 : i32
    %add3A_1861 = arith.addi %mul3A_2, %add3A_1860 : i32
    %jit3A_1862 = arith.constant 4 : i32
    %div3A_1863 = arith.divsi %add3A_1861, %jit3A_1862 : i32
    %sign3A_1864 = arith.constant 0 : i32
    %sign3A_1865 = arith.cmpi sgt, %add3A_1861, %sign3A_1864 : i32
    %sign3A_1866 = arith.extui %sign3A_1865 : i1 to i32
    %sign3A_1867 = arith.constant 0 : i32
    %sign3A_1868 = arith.cmpi slt, %add3A_1861, %sign3A_1867 : i32
    %sign3A_1869 = arith.extui %sign3A_1868 : i1 to i32
    %sign3A_1870 = arith.subi %sign3A_1866, %sign3A_1869 : i32
    %sign3A_1871 = arith.constant 0 : i32
    %sign3A_1872 = arith.cmpi sgt, %jit3A_1862, %sign3A_1871 : i32
    %sign3A_1873 = arith.extui %sign3A_1872 : i1 to i32
    %sign3A_1874 = arith.constant 0 : i32
    %sign3A_1875 = arith.cmpi slt, %jit3A_1862, %sign3A_1874 : i32
    %sign3A_1876 = arith.extui %sign3A_1875 : i1 to i32
    %sign3A_1877 = arith.subi %sign3A_1873, %sign3A_1876 : i32
    %ne3A_1878 = arith.cmpi ne, %sign3A_1870, %sign3A_1877 : i32
    %rem3A_1879 = arith.remsi %add3A_1861, %jit3A_1862 : i32
    %ne3A_1880 = arith.constant 0 : i32
    %ne3A_1881 = arith.cmpi ne, %rem3A_1879, %ne3A_1880 : i32
    %and3A_1882 = arith.andi %ne3A_1878, %ne3A_1881 : i1
    %sub3A_1883 = arith.constant 1 : i32
    %sub3A_1884 = arith.subi %div3A_1863, %sub3A_1883 : i32
    %select_n3A_1885 = arith.select %and3A_1882, %sub3A_1884, %div3A_1863 : i32
    %jit3A_1886 = arith.constant 4 : i32
    %eq3A_1887 = arith.constant 0 : i32
    %eq3A_1888 = arith.cmpi eq, %jit3A_1886, %eq3A_1887 : i32
    %jit3A_1889 = arith.constant 1 : i32
    %select_n3A_1890 = arith.select %eq3A_1888, %jit3A_1889, %jit3A_1886 : i32
    %rem3A_1891 = arith.remsi %add3A_1861, %select_n3A_1890 : i32
    %ne3A_1892 = arith.constant 0 : i32
    %ne3A_1893 = arith.cmpi ne, %rem3A_1891, %ne3A_1892 : i32
    %lt3A_1894 = arith.constant 0 : i32
    %lt3A_1895 = arith.cmpi slt, %rem3A_1891, %lt3A_1894 : i32
    %lt3A_1896 = arith.constant 0 : i32
    %lt3A_1897 = arith.cmpi slt, %select_n3A_1890, %lt3A_1896 : i32
    %ne3A_1898 = arith.xori %lt3A_1895, %lt3A_1897 : i1
    %and3A_1899 = arith.andi %ne3A_1898, %ne3A_1893 : i1
    %add3A_1900 = arith.addi %rem3A_1891, %select_n3A_1890 : i32
    %select_n3A_1901 = arith.select %and3A_1899, %add3A_1900, %rem3A_1891 : i32
    %mul3A_1902 = arith.constant 4096 : i32
    %mul3A_1903 = arith.muli %select_n3A_1901, %mul3A_1902 : i32
    %dma_start3A_1904 = tpu.memref_slice %arg2[%select_n3A_1885, %mul3A_1903] : memref<200x16384xi32, #tpu.memory_space<hbm>> -> memref<1x4096xi32, #tpu.memory_space<hbm>>
    %dma_start3A_1905 = tpu.memref_squeeze %dma_start3A_1904 : memref<1x4096xi32, #tpu.memory_space<hbm>> -> memref<4096xi32, #tpu.memory_space<hbm>>
    %dma_start3A_1906 = tpu.memref_slice %arg2[%select_n3A_1885, %mul3A_1903] : memref<200x16384xi32, #tpu.memory_space<hbm>> -> memref<1x4096xi32, #tpu.memory_space<hbm>>
    %dma_start3A_1907 = tpu.memref_squeeze %dma_start3A_1906 : memref<1x4096xi32, #tpu.memory_space<hbm>> -> memref<4096xi32, #tpu.memory_space<hbm>>
    tpu.enqueue_dma source(%dma_start3A_1907 : memref<4096xi32, #tpu.memory_space<hbm>>) target(%arg12 : memref<4096xi32, #tpu.memory_space<vmem>>) target_semaphore(%arg17 : memref<!tpu.dma_semaphore, #tpu.memory_space<semaphore_mem>>)
    %dma_wait3A_1908 = tpu.memref_slice %arg2[%select_n3A_1667, %mul3A_1685] : memref<200x16384xi32, #tpu.memory_space<hbm>> -> memref<1x4096xi32, #tpu.memory_space<hbm>>
    %dma_wait3A_1909 = tpu.memref_squeeze %dma_wait3A_1908 : memref<1x4096xi32, #tpu.memory_space<hbm>> -> memref<4096xi32, #tpu.memory_space<hbm>>
    %dma_wait3A_1910 = tpu.memref_slice %arg2[%select_n3A_1667, %mul3A_1685] : memref<200x16384xi32, #tpu.memory_space<hbm>> -> memref<1x4096xi32, #tpu.memory_space<hbm>>
    %dma_wait3A_1911 = tpu.memref_squeeze %dma_wait3A_1910 : memref<1x4096xi32, #tpu.memory_space<hbm>> -> memref<4096xi32, #tpu.memory_space<hbm>>
    tpu.wait_dma2 semaphore(%arg18 : memref<!tpu.dma_semaphore, #tpu.memory_space<semaphore_mem>>) src(%dma_wait3A_1911 : memref<4096xi32, #tpu.memory_space<hbm>>) dst(%arg13 : memref<4096xi32, #tpu.memory_space<vmem>>)
    %dma_wait3A_1912 = arith.constant 0 : i32
    %dma_wait3A_1913 = tpu.memref_slice %arg6[%select_n3A_1727, %dma_wait3A_1912, %mul3A_1745] : memref<200x1x16384xf32, #tpu.memory_space<hbm>> -> memref<1x1x4096xf32, #tpu.memory_space<hbm>>
    %dma_wait3A_1914 = tpu.memref_squeeze %dma_wait3A_1913 : memref<1x1x4096xf32, #tpu.memory_space<hbm>> -> memref<4096xf32, #tpu.memory_space<hbm>>
    %dma_wait3A_1915 = tpu.memref_slice %arg6[%select_n3A_1727, %dma_wait3A_1912, %mul3A_1745] : memref<200x1x16384xf32, #tpu.memory_space<hbm>> -> memref<1x1x4096xf32, #tpu.memory_space<hbm>>
    %dma_wait3A_1916 = tpu.memref_squeeze %dma_wait3A_1915 : memref<1x1x4096xf32, #tpu.memory_space<hbm>> -> memref<4096xf32, #tpu.memory_space<hbm>>
    tpu.wait_dma2 semaphore(%arg19 : memref<!tpu.dma_semaphore, #tpu.memory_space<semaphore_mem>>) src(%arg14 : memref<4096xf32, #tpu.memory_space<vmem>>) dst(%dma_wait3A_1916 : memref<4096xf32, #tpu.memory_space<hbm>>)
    %parallel_loop3A_1917 = arith.constant 0 : i32
    %parallel_loop3A_1918 = arith.constant 4096 : i32
    %parallel_loop3A_1919 = arith.constant 16 : i32
    scf.for %parallel_loop3A_3627 = %parallel_loop3A_1917 to %parallel_loop3A_1918 step %parallel_loop3A_1919  : i32 {
      %parallel_loop3A_3628 = arith.index_cast %parallel_loop3A_3627 : i32 to index
      %parallel_loop3A_3629 = tpu.vector_load %arg13[%parallel_loop3A_3628] {strides = array<i32>} : memref<4096xi32, #tpu.memory_space<vmem>>, vector<16xi32>,
      %parallel_loop3A_3630 = tpu.vector_load_idx %arg10[%parallel_loop3A_3629] : memref<16xf32, #tpu.memory_space<vmem>>[vector<16xi32>], vector<16xf32>,
      %parallel_loop3A_3631 = arith.index_cast %parallel_loop3A_3627 : i32 to index
      %parallel_loop3A_3632 = tpu.vector_load %arg14[%parallel_loop3A_3631] {strides = array<i32>} : memref<4096xf32, #tpu.memory_space<vmem>>, vector<16xf32>,
      tpu.vector_store %arg14[%parallel_loop3A_3631], %parallel_loop3A_3630 {strides = array<i32>} : memref<4096xf32, #tpu.memory_space<vmem>>, vector<16xf32>,
    } {sc.loop_unroll_factor = 8 : i64, sc.parallel_access}
    %add3A_1920 = arith.constant 8 : i32
    %add3A_1921 = arith.addi %mul3A_2, %add3A_1920 : i32
    %jit3A_1922 = arith.constant 4 : i32
    %div3A_1923 = arith.divsi %add3A_1921, %jit3A_1922 : i32
    %sign3A_1924 = arith.constant 0 : i32
    %sign3A_1925 = arith.cmpi sgt, %add3A_1921, %sign3A_1924 : i32
    %sign3A_1926 = arith.extui %sign3A_1925 : i1 to i32
    %sign3A_1927 = arith.constant 0 : i32
    %sign3A_1928 = arith.cmpi slt, %add3A_1921, %sign3A_1927 : i32
    %sign3A_1929 = arith.extui %sign3A_1928 : i1 to i32
    %sign3A_1930 = arith.subi %sign3A_1926, %sign3A_1929 : i32
    %sign3A_1931 = arith.constant 0 : i32
    %sign3A_1932 = arith.cmpi sgt, %jit3A_1922, %sign3A_1931 : i32
    %sign3A_1933 = arith.extui %sign3A_1932 : i1 to i32
    %sign3A_1934 = arith.constant 0 : i32
    %sign3A_1935 = arith.cmpi slt, %jit3A_1922, %sign3A_1934 : i32
    %sign3A_1936 = arith.extui %sign3A_1935 : i1 to i32
    %sign3A_1937 = arith.subi %sign3A_1933, %sign3A_1936 : i32
    %ne3A_1938 = arith.cmpi ne, %sign3A_1930, %sign3A_1937 : i32
    %rem3A_1939 = arith.remsi %add3A_1921, %jit3A_1922 : i32
    %ne3A_1940 = arith.constant 0 : i32
    %ne3A_1941 = arith.cmpi ne, %rem3A_1939, %ne3A_1940 : i32
    %and3A_1942 = arith.andi %ne3A_1938, %ne3A_1941 : i1
    %sub3A_1943 = arith.constant 1 : i32
    %sub3A_1944 = arith.subi %div3A_1923, %sub3A_1943 : i32
    %select_n3A_1945 = arith.select %and3A_1942, %sub3A_1944, %div3A_1923 : i32
    %jit3A_1946 = arith.constant 4 : i32
    %eq3A_1947 = arith.constant 0 : i32
    %eq3A_1948 = arith.cmpi eq, %jit3A_1946, %eq3A_1947 : i32
    %jit3A_1949 = arith.constant 1 : i32
    %select_n3A_1950 = arith.select %eq3A_1948, %jit3A_1949, %jit3A_1946 : i32
    %rem3A_1951 = arith.remsi %add3A_1921, %select_n3A_1950 : i32
    %ne3A_1952 = arith.constant 0 : i32
    %ne3A_1953 = arith.cmpi ne, %rem3A_1951, %ne3A_1952 : i32
    %lt3A_1954 = arith.constant 0 : i32
    %lt3A_1955 = arith.cmpi slt, %rem3A_1951, %lt3A_1954 : i32
    %lt3A_1956 = arith.constant 0 : i32
    %lt3A_1957 = arith.cmpi slt, %select_n3A_1950, %lt3A_1956 : i32
    %ne3A_1958 = arith.xori %lt3A_1955, %lt3A_1957 : i1
    %and3A_1959 = arith.andi %ne3A_1958, %ne3A_1953 : i1
    %add3A_1960 = arith.addi %rem3A_1951, %select_n3A_1950 : i32
    %select_n3A_1961 = arith.select %and3A_1959, %add3A_1960, %rem3A_1951 : i32
    %mul3A_1962 = arith.constant 4096 : i32
    %mul3A_1963 = arith.muli %select_n3A_1961, %mul3A_1962 : i32
    %dma_start3A_1964 = arith.constant 0 : i32
    %dma_start3A_1965 = tpu.memref_slice %arg6[%select_n3A_1945, %dma_start3A_1964, %mul3A_1963] : memref<200x1x16384xf32, #tpu.memory_space<hbm>> -> memref<1x1x4096xf32, #tpu.memory_space<hbm>>
    %dma_start3A_1966 = tpu.memref_squeeze %dma_start3A_1965 : memref<1x1x4096xf32, #tpu.memory_space<hbm>> -> memref<4096xf32, #tpu.memory_space<hbm>>
    %dma_start3A_1967 = tpu.memref_slice %arg6[%select_n3A_1945, %dma_start3A_1964, %mul3A_1963] : memref<200x1x16384xf32, #tpu.memory_space<hbm>> -> memref<1x1x4096xf32, #tpu.memory_space<hbm>>
    %dma_start3A_1968 = tpu.memref_squeeze %dma_start3A_1967 : memref<1x1x4096xf32, #tpu.memory_space<hbm>> -> memref<4096xf32, #tpu.memory_space<hbm>>
    tpu.enqueue_dma source(%arg14 : memref<4096xf32, #tpu.memory_space<vmem>>) target(%dma_start3A_1968 : memref<4096xf32, #tpu.memory_space<hbm>>) target_semaphore(%arg19 : memref<!tpu.dma_semaphore, #tpu.memory_space<semaphore_mem>>)
    %add3A_1969 = arith.constant 11 : i32
    %add3A_1970 = arith.addi %mul3A_2, %add3A_1969 : i32
    %jit3A_1971 = arith.constant 4 : i32
    %div3A_1972 = arith.divsi %add3A_1970, %jit3A_1971 : i32
    %sign3A_1973 = arith.constant 0 : i32
    %sign3A_1974 = arith.cmpi sgt, %add3A_1970, %sign3A_1973 : i32
    %sign3A_1975 = arith.extui %sign3A_1974 : i1 to i32
    %sign3A_1976 = arith.constant 0 : i32
    %sign3A_1977 = arith.cmpi slt, %add3A_1970, %sign3A_1976 : i32
    %sign3A_1978 = arith.extui %sign3A_1977 : i1 to i32
    %sign3A_1979 = arith.subi %sign3A_1975, %sign3A_1978 : i32
    %sign3A_1980 = arith.constant 0 : i32
    %sign3A_1981 = arith.cmpi sgt, %jit3A_1971, %sign3A_1980 : i32
    %sign3A_1982 = arith.extui %sign3A_1981 : i1 to i32
    %sign3A_1983 = arith.constant 0 : i32
    %sign3A_1984 = arith.cmpi slt, %jit3A_1971, %sign3A_1983 : i32
    %sign3A_1985 = arith.extui %sign3A_1984 : i1 to i32
    %sign3A_1986 = arith.subi %sign3A_1982, %sign3A_1985 : i32
    %ne3A_1987 = arith.cmpi ne, %sign3A_1979, %sign3A_1986 : i32
    %rem3A_1988 = arith.remsi %add3A_1970, %jit3A_1971 : i32
    %ne3A_1989 = arith.constant 0 : i32
    %ne3A_1990 = arith.cmpi ne, %rem3A_1988, %ne3A_1989 : i32
    %and3A_1991 = arith.andi %ne3A_1987, %ne3A_1990 : i1
    %sub3A_1992 = arith.constant 1 : i32
    %sub3A_1993 = arith.subi %div3A_1972, %sub3A_1992 : i32
    %select_n3A_1994 = arith.select %and3A_1991, %sub3A_1993, %div3A_1972 : i32
    %jit3A_1995 = arith.constant 4 : i32
    %eq3A_1996 = arith.constant 0 : i32
    %eq3A_1997 = arith.cmpi eq, %jit3A_1995, %eq3A_1996 : i32
    %jit3A_1998 = arith.constant 1 : i32
    %select_n3A_1999 = arith.select %eq3A_1997, %jit3A_1998, %jit3A_1995 : i32
    %rem3A_2000 = arith.remsi %add3A_1970, %select_n3A_1999 : i32
    %ne3A_2001 = arith.constant 0 : i32
    %ne3A_2002 = arith.cmpi ne, %rem3A_2000, %ne3A_2001 : i32
    %lt3A_2003 = arith.constant 0 : i32
    %lt3A_2004 = arith.cmpi slt, %rem3A_2000, %lt3A_2003 : i32
    %lt3A_2005 = arith.constant 0 : i32
    %lt3A_2006 = arith.cmpi slt, %select_n3A_1999, %lt3A_2005 : i32
    %ne3A_2007 = arith.xori %lt3A_2004, %lt3A_2006 : i1
    %and3A_2008 = arith.andi %ne3A_2007, %ne3A_2002 : i1
    %add3A_2009 = arith.addi %rem3A_2000, %select_n3A_1999 : i32
    %select_n3A_2010 = arith.select %and3A_2008, %add3A_2009, %rem3A_2000 : i32
    %mul3A_2011 = arith.constant 4096 : i32
    %mul3A_2012 = arith.muli %select_n3A_2010, %mul3A_2011 : i32
    %dma_start3A_2013 = tpu.memref_slice %arg2[%select_n3A_1994, %mul3A_2012] : memref<200x16384xi32, #tpu.memory_space<hbm>> -> memref<1x4096xi32, #tpu.memory_space<hbm>>
    %dma_start3A_2014 = tpu.memref_squeeze %dma_start3A_2013 : memref<1x4096xi32, #tpu.memory_space<hbm>> -> memref<4096xi32, #tpu.memory_space<hbm>>
    %dma_start3A_2015 = tpu.memref_slice %arg2[%select_n3A_1994, %mul3A_2012] : memref<200x16384xi32, #tpu.memory_space<hbm>> -> memref<1x4096xi32, #tpu.memory_space<hbm>>
    %dma_start3A_2016 = tpu.memref_squeeze %dma_start3A_2015 : memref<1x4096xi32, #tpu.memory_space<hbm>> -> memref<4096xi32, #tpu.memory_space<hbm>>
    tpu.enqueue_dma source(%dma_start3A_2016 : memref<4096xi32, #tpu.memory_space<hbm>>) target(%arg13 : memref<4096xi32, #tpu.memory_space<vmem>>) target_semaphore(%arg18 : memref<!tpu.dma_semaphore, #tpu.memory_space<semaphore_mem>>)
    %dma_wait3A_2017 = tpu.memref_slice %arg2[%select_n3A_1776, %mul3A_1794] : memref<200x16384xi32, #tpu.memory_space<hbm>> -> memref<1x4096xi32, #tpu.memory_space<hbm>>
    %dma_wait3A_2018 = tpu.memref_squeeze %dma_wait3A_2017 : memref<1x4096xi32, #tpu.memory_space<hbm>> -> memref<4096xi32, #tpu.memory_space<hbm>>
    %dma_wait3A_2019 = tpu.memref_slice %arg2[%select_n3A_1776, %mul3A_1794] : memref<200x16384xi32, #tpu.memory_space<hbm>> -> memref<1x4096xi32, #tpu.memory_space<hbm>>
    %dma_wait3A_2020 = tpu.memref_squeeze %dma_wait3A_2019 : memref<1x4096xi32, #tpu.memory_space<hbm>> -> memref<4096xi32, #tpu.memory_space<hbm>>
    tpu.wait_dma2 semaphore(%arg16 : memref<!tpu.dma_semaphore, #tpu.memory_space<semaphore_mem>>) src(%dma_wait3A_2020 : memref<4096xi32, #tpu.memory_space<hbm>>) dst(%arg11 : memref<4096xi32, #tpu.memory_space<vmem>>)
    %dma_wait3A_2021 = arith.constant 0 : i32
    %dma_wait3A_2022 = tpu.memref_slice %arg6[%select_n3A_1836, %dma_wait3A_2021, %mul3A_1854] : memref<200x1x16384xf32, #tpu.memory_space<hbm>> -> memref<1x1x4096xf32, #tpu.memory_space<hbm>>
    %dma_wait3A_2023 = tpu.memref_squeeze %dma_wait3A_2022 : memref<1x1x4096xf32, #tpu.memory_space<hbm>> -> memref<4096xf32, #tpu.memory_space<hbm>>
    %dma_wait3A_2024 = tpu.memref_slice %arg6[%select_n3A_1836, %dma_wait3A_2021, %mul3A_1854] : memref<200x1x16384xf32, #tpu.memory_space<hbm>> -> memref<1x1x4096xf32, #tpu.memory_space<hbm>>
    %dma_wait3A_2025 = tpu.memref_squeeze %dma_wait3A_2024 : memref<1x1x4096xf32, #tpu.memory_space<hbm>> -> memref<4096xf32, #tpu.memory_space<hbm>>
    tpu.wait_dma2 semaphore(%arg20 : memref<!tpu.dma_semaphore, #tpu.memory_space<semaphore_mem>>) src(%arg15 : memref<4096xf32, #tpu.memory_space<vmem>>) dst(%dma_wait3A_2025 : memref<4096xf32, #tpu.memory_space<hbm>>)
    %parallel_loop3A_2026 = arith.constant 0 : i32
    %parallel_loop3A_2027 = arith.constant 4096 : i32
    %parallel_loop3A_2028 = arith.constant 16 : i32
    scf.for %parallel_loop3A_3627 = %parallel_loop3A_2026 to %parallel_loop3A_2027 step %parallel_loop3A_2028  : i32 {
      %parallel_loop3A_3628 = arith.index_cast %parallel_loop3A_3627 : i32 to index
      %parallel_loop3A_3629 = tpu.vector_load %arg11[%parallel_loop3A_3628] {strides = array<i32>} : memref<4096xi32, #tpu.memory_space<vmem>>, vector<16xi32>,
      %parallel_loop3A_3630 = tpu.vector_load_idx %arg10[%parallel_loop3A_3629] : memref<16xf32, #tpu.memory_space<vmem>>[vector<16xi32>], vector<16xf32>,
      %parallel_loop3A_3631 = arith.index_cast %parallel_loop3A_3627 : i32 to index
      %parallel_loop3A_3632 = tpu.vector_load %arg15[%parallel_loop3A_3631] {strides = array<i32>} : memref<4096xf32, #tpu.memory_space<vmem>>, vector<16xf32>,
      tpu.vector_store %arg15[%parallel_loop3A_3631], %parallel_loop3A_3630 {strides = array<i32>} : memref<4096xf32, #tpu.memory_space<vmem>>, vector<16xf32>,
    } {sc.loop_unroll_factor = 8 : i64, sc.parallel_access}
    %add3A_2029 = arith.constant 9 : i32
    %add3A_2030 = arith.addi %mul3A_2, %add3A_2029 : i32
    %jit3A_2031 = arith.constant 4 : i32
    %div3A_2032 = arith.divsi %add3A_2030, %jit3A_2031 : i32
    %sign3A_2033 = arith.constant 0 : i32
    %sign3A_2034 = arith.cmpi sgt, %add3A_2030, %sign3A_2033 : i32
    %sign3A_2035 = arith.extui %sign3A_2034 : i1 to i32
    %sign3A_2036 = arith.constant 0 : i32
    %sign3A_2037 = arith.cmpi slt, %add3A_2030, %sign3A_2036 : i32
    %sign3A_2038 = arith.extui %sign3A_2037 : i1 to i32
    %sign3A_2039 = arith.subi %sign3A_2035, %sign3A_2038 : i32
    %sign3A_2040 = arith.constant 0 : i32
    %sign3A_2041 = arith.cmpi sgt, %jit3A_2031, %sign3A_2040 : i32
    %sign3A_2042 = arith.extui %sign3A_2041 : i1 to i32
    %sign3A_2043 = arith.constant 0 : i32
    %sign3A_2044 = arith.cmpi slt, %jit3A_2031, %sign3A_2043 : i32
    %sign3A_2045 = arith.extui %sign3A_2044 : i1 to i32
    %sign3A_2046 = arith.subi %sign3A_2042, %sign3A_2045 : i32
    %ne3A_2047 = arith.cmpi ne, %sign3A_2039, %sign3A_2046 : i32
    %rem3A_2048 = arith.remsi %add3A_2030, %jit3A_2031 : i32
    %ne3A_2049 = arith.constant 0 : i32
    %ne3A_2050 = arith.cmpi ne, %rem3A_2048, %ne3A_2049 : i32
    %and3A_2051 = arith.andi %ne3A_2047, %ne3A_2050 : i1
    %sub3A_2052 = arith.constant 1 : i32
    %sub3A_2053 = arith.subi %div3A_2032, %sub3A_2052 : i32
    %select_n3A_2054 = arith.select %and3A_2051, %sub3A_2053, %div3A_2032 : i32
    %jit3A_2055 = arith.constant 4 : i32
    %eq3A_2056 = arith.constant 0 : i32
    %eq3A_2057 = arith.cmpi eq, %jit3A_2055, %eq3A_2056 : i32
    %jit3A_2058 = arith.constant 1 : i32
    %select_n3A_2059 = arith.select %eq3A_2057, %jit3A_2058, %jit3A_2055 : i32
    %rem3A_2060 = arith.remsi %add3A_2030, %select_n3A_2059 : i32
    %ne3A_2061 = arith.constant 0 : i32
    %ne3A_2062 = arith.cmpi ne, %rem3A_2060, %ne3A_2061 : i32
    %lt3A_2063 = arith.constant 0 : i32
    %lt3A_2064 = arith.cmpi slt, %rem3A_2060, %lt3A_2063 : i32
    %lt3A_2065 = arith.constant 0 : i32
    %lt3A_2066 = arith.cmpi slt, %select_n3A_2059, %lt3A_2065 : i32
    %ne3A_2067 = arith.xori %lt3A_2064, %lt3A_2066 : i1
    %and3A_2068 = arith.andi %ne3A_2067, %ne3A_2062 : i1
    %add3A_2069 = arith.addi %rem3A_2060, %select_n3A_2059 : i32
    %select_n3A_2070 = arith.select %and3A_2068, %add3A_2069, %rem3A_2060 : i32
    %mul3A_2071 = arith.constant 4096 : i32
    %mul3A_2072 = arith.muli %select_n3A_2070, %mul3A_2071 : i32
    %dma_start3A_2073 = arith.constant 0 : i32
    %dma_start3A_2074 = tpu.memref_slice %arg6[%select_n3A_2054, %dma_start3A_2073, %mul3A_2072] : memref<200x1x16384xf32, #tpu.memory_space<hbm>> -> memref<1x1x4096xf32, #tpu.memory_space<hbm>>
    %dma_start3A_2075 = tpu.memref_squeeze %dma_start3A_2074 : memref<1x1x4096xf32, #tpu.memory_space<hbm>> -> memref<4096xf32, #tpu.memory_space<hbm>>
    %dma_start3A_2076 = tpu.memref_slice %arg6[%select_n3A_2054, %dma_start3A_2073, %mul3A_2072] : memref<200x1x16384xf32, #tpu.memory_space<hbm>> -> memref<1x1x4096xf32, #tpu.memory_space<hbm>>
    %dma_start3A_2077 = tpu.memref_squeeze %dma_start3A_2076 : memref<1x1x4096xf32, #tpu.memory_space<hbm>> -> memref<4096xf32, #tpu.memory_space<hbm>>
    tpu.enqueue_dma source(%arg15 : memref<4096xf32, #tpu.memory_space<vmem>>) target(%dma_start3A_2077 : memref<4096xf32, #tpu.memory_space<hbm>>) target_semaphore(%arg20 : memref<!tpu.dma_semaphore, #tpu.memory_space<semaphore_mem>>)
    %add3A_2078 = arith.constant 12 : i32
    %add3A_2079 = arith.addi %mul3A_2, %add3A_2078 : i32
    %jit3A_2080 = arith.constant 4 : i32
    %div3A_2081 = arith.divsi %add3A_2079, %jit3A_2080 : i32
    %sign3A_2082 = arith.constant 0 : i32
    %sign3A_2083 = arith.cmpi sgt, %add3A_2079, %sign3A_2082 : i32
    %sign3A_2084 = arith.extui %sign3A_2083 : i1 to i32
    %sign3A_2085 = arith.constant 0 : i32
    %sign3A_2086 = arith.cmpi slt, %add3A_2079, %sign3A_2085 : i32
    %sign3A_2087 = arith.extui %sign3A_2086 : i1 to i32
    %sign3A_2088 = arith.subi %sign3A_2084, %sign3A_2087 : i32
    %sign3A_2089 = arith.constant 0 : i32
    %sign3A_2090 = arith.cmpi sgt, %jit3A_2080, %sign3A_2089 : i32
    %sign3A_2091 = arith.extui %sign3A_2090 : i1 to i32
    %sign3A_2092 = arith.constant 0 : i32
    %sign3A_2093 = arith.cmpi slt, %jit3A_2080, %sign3A_2092 : i32
    %sign3A_2094 = arith.extui %sign3A_2093 : i1 to i32
    %sign3A_2095 = arith.subi %sign3A_2091, %sign3A_2094 : i32
    %ne3A_2096 = arith.cmpi ne, %sign3A_2088, %sign3A_2095 : i32
    %rem3A_2097 = arith.remsi %add3A_2079, %jit3A_2080 : i32
    %ne3A_2098 = arith.constant 0 : i32
    %ne3A_2099 = arith.cmpi ne, %rem3A_2097, %ne3A_2098 : i32
    %and3A_2100 = arith.andi %ne3A_2096, %ne3A_2099 : i1
    %sub3A_2101 = arith.constant 1 : i32
    %sub3A_2102 = arith.subi %div3A_2081, %sub3A_2101 : i32
    %select_n3A_2103 = arith.select %and3A_2100, %sub3A_2102, %div3A_2081 : i32
    %jit3A_2104 = arith.constant 4 : i32
    %eq3A_2105 = arith.constant 0 : i32
    %eq3A_2106 = arith.cmpi eq, %jit3A_2104, %eq3A_2105 : i32
    %jit3A_2107 = arith.constant 1 : i32
    %select_n3A_2108 = arith.select %eq3A_2106, %jit3A_2107, %jit3A_2104 : i32
    %rem3A_2109 = arith.remsi %add3A_2079, %select_n3A_2108 : i32
    %ne3A_2110 = arith.constant 0 : i32
    %ne3A_2111 = arith.cmpi ne, %rem3A_2109, %ne3A_2110 : i32
    %lt3A_2112 = arith.constant 0 : i32
    %lt3A_2113 = arith.cmpi slt, %rem3A_2109, %lt3A_2112 : i32
    %lt3A_2114 = arith.constant 0 : i32
    %lt3A_2115 = arith.cmpi slt, %select_n3A_2108, %lt3A_2114 : i32
    %ne3A_2116 = arith.xori %lt3A_2113, %lt3A_2115 : i1
    %and3A_2117 = arith.andi %ne3A_2116, %ne3A_2111 : i1
    %add3A_2118 = arith.addi %rem3A_2109, %select_n3A_2108 : i32
    %select_n3A_2119 = arith.select %and3A_2117, %add3A_2118, %rem3A_2109 : i32
    %mul3A_2120 = arith.constant 4096 : i32
    %mul3A_2121 = arith.muli %select_n3A_2119, %mul3A_2120 : i32
    %dma_start3A_2122 = tpu.memref_slice %arg2[%select_n3A_2103, %mul3A_2121] : memref<200x16384xi32, #tpu.memory_space<hbm>> -> memref<1x4096xi32, #tpu.memory_space<hbm>>
    %dma_start3A_2123 = tpu.memref_squeeze %dma_start3A_2122 : memref<1x4096xi32, #tpu.memory_space<hbm>> -> memref<4096xi32, #tpu.memory_space<hbm>>
    %dma_start3A_2124 = tpu.memref_slice %arg2[%select_n3A_2103, %mul3A_2121] : memref<200x16384xi32, #tpu.memory_space<hbm>> -> memref<1x4096xi32, #tpu.memory_space<hbm>>
    %dma_start3A_2125 = tpu.memref_squeeze %dma_start3A_2124 : memref<1x4096xi32, #tpu.memory_space<hbm>> -> memref<4096xi32, #tpu.memory_space<hbm>>
    tpu.enqueue_dma source(%dma_start3A_2125 : memref<4096xi32, #tpu.memory_space<hbm>>) target(%arg11 : memref<4096xi32, #tpu.memory_space<vmem>>) target_semaphore(%arg16 : memref<!tpu.dma_semaphore, #tpu.memory_space<semaphore_mem>>)
    %dma_wait3A_2126 = tpu.memref_slice %arg2[%select_n3A_1885, %mul3A_1903] : memref<200x16384xi32, #tpu.memory_space<hbm>> -> memref<1x4096xi32, #tpu.memory_space<hbm>>
    %dma_wait3A_2127 = tpu.memref_squeeze %dma_wait3A_2126 : memref<1x4096xi32, #tpu.memory_space<hbm>> -> memref<4096xi32, #tpu.memory_space<hbm>>
    %dma_wait3A_2128 = tpu.memref_slice %arg2[%select_n3A_1885, %mul3A_1903] : memref<200x16384xi32, #tpu.memory_space<hbm>> -> memref<1x4096xi32, #tpu.memory_space<hbm>>
    %dma_wait3A_2129 = tpu.memref_squeeze %dma_wait3A_2128 : memref<1x4096xi32, #tpu.memory_space<hbm>> -> memref<4096xi32, #tpu.memory_space<hbm>>
    tpu.wait_dma2 semaphore(%arg17 : memref<!tpu.dma_semaphore, #tpu.memory_space<semaphore_mem>>) src(%dma_wait3A_2129 : memref<4096xi32, #tpu.memory_space<hbm>>) dst(%arg12 : memref<4096xi32, #tpu.memory_space<vmem>>)
    %dma_wait3A_2130 = arith.constant 0 : i32
    %dma_wait3A_2131 = tpu.memref_slice %arg6[%select_n3A_1945, %dma_wait3A_2130, %mul3A_1963] : memref<200x1x16384xf32, #tpu.memory_space<hbm>> -> memref<1x1x4096xf32, #tpu.memory_space<hbm>>
    %dma_wait3A_2132 = tpu.memref_squeeze %dma_wait3A_2131 : memref<1x1x4096xf32, #tpu.memory_space<hbm>> -> memref<4096xf32, #tpu.memory_space<hbm>>
    %dma_wait3A_2133 = tpu.memref_slice %arg6[%select_n3A_1945, %dma_wait3A_2130, %mul3A_1963] : memref<200x1x16384xf32, #tpu.memory_space<hbm>> -> memref<1x1x4096xf32, #tpu.memory_space<hbm>>
    %dma_wait3A_2134 = tpu.memref_squeeze %dma_wait3A_2133 : memref<1x1x4096xf32, #tpu.memory_space<hbm>> -> memref<4096xf32, #tpu.memory_space<hbm>>
    tpu.wait_dma2 semaphore(%arg19 : memref<!tpu.dma_semaphore, #tpu.memory_space<semaphore_mem>>) src(%arg14 : memref<4096xf32, #tpu.memory_space<vmem>>) dst(%dma_wait3A_2134 : memref<4096xf32, #tpu.memory_space<hbm>>)
    %parallel_loop3A_2135 = arith.constant 0 : i32
    %parallel_loop3A_2136 = arith.constant 4096 : i32
    %parallel_loop3A_2137 = arith.constant 16 : i32
    scf.for %parallel_loop3A_3627 = %parallel_loop3A_2135 to %parallel_loop3A_2136 step %parallel_loop3A_2137  : i32 {
      %parallel_loop3A_3628 = arith.index_cast %parallel_loop3A_3627 : i32 to index
      %parallel_loop3A_3629 = tpu.vector_load %arg12[%parallel_loop3A_3628] {strides = array<i32>} : memref<4096xi32, #tpu.memory_space<vmem>>, vector<16xi32>,
      %parallel_loop3A_3630 = tpu.vector_load_idx %arg10[%parallel_loop3A_3629] : memref<16xf32, #tpu.memory_space<vmem>>[vector<16xi32>], vector<16xf32>,
      %parallel_loop3A_3631 = arith.index_cast %parallel_loop3A_3627 : i32 to index
      %parallel_loop3A_3632 = tpu.vector_load %arg14[%parallel_loop3A_3631] {strides = array<i32>} : memref<4096xf32, #tpu.memory_space<vmem>>, vector<16xf32>,
      tpu.vector_store %arg14[%parallel_loop3A_3631], %parallel_loop3A_3630 {strides = array<i32>} : memref<4096xf32, #tpu.memory_space<vmem>>, vector<16xf32>,
    } {sc.loop_unroll_factor = 8 : i64, sc.parallel_access}
    %add3A_2138 = arith.constant 10 : i32
    %add3A_2139 = arith.addi %mul3A_2, %add3A_2138 : i32
    %jit3A_2140 = arith.constant 4 : i32
    %div3A_2141 = arith.divsi %add3A_2139, %jit3A_2140 : i32
    %sign3A_2142 = arith.constant 0 : i32
    %sign3A_2143 = arith.cmpi sgt, %add3A_2139, %sign3A_2142 : i32
    %sign3A_2144 = arith.extui %sign3A_2143 : i1 to i32
    %sign3A_2145 = arith.constant 0 : i32
    %sign3A_2146 = arith.cmpi slt, %add3A_2139, %sign3A_2145 : i32
    %sign3A_2147 = arith.extui %sign3A_2146 : i1 to i32
    %sign3A_2148 = arith.subi %sign3A_2144, %sign3A_2147 : i32
    %sign3A_2149 = arith.constant 0 : i32
    %sign3A_2150 = arith.cmpi sgt, %jit3A_2140, %sign3A_2149 : i32
    %sign3A_2151 = arith.extui %sign3A_2150 : i1 to i32
    %sign3A_2152 = arith.constant 0 : i32
    %sign3A_2153 = arith.cmpi slt, %jit3A_2140, %sign3A_2152 : i32
    %sign3A_2154 = arith.extui %sign3A_2153 : i1 to i32
    %sign3A_2155 = arith.subi %sign3A_2151, %sign3A_2154 : i32
    %ne3A_2156 = arith.cmpi ne, %sign3A_2148, %sign3A_2155 : i32
    %rem3A_2157 = arith.remsi %add3A_2139, %jit3A_2140 : i32
    %ne3A_2158 = arith.constant 0 : i32
    %ne3A_2159 = arith.cmpi ne, %rem3A_2157, %ne3A_2158 : i32
    %and3A_2160 = arith.andi %ne3A_2156, %ne3A_2159 : i1
    %sub3A_2161 = arith.constant 1 : i32
    %sub3A_2162 = arith.subi %div3A_2141, %sub3A_2161 : i32
    %select_n3A_2163 = arith.select %and3A_2160, %sub3A_2162, %div3A_2141 : i32
    %jit3A_2164 = arith.constant 4 : i32
    %eq3A_2165 = arith.constant 0 : i32
    %eq3A_2166 = arith.cmpi eq, %jit3A_2164, %eq3A_2165 : i32
    %jit3A_2167 = arith.constant 1 : i32
    %select_n3A_2168 = arith.select %eq3A_2166, %jit3A_2167, %jit3A_2164 : i32
    %rem3A_2169 = arith.remsi %add3A_2139, %select_n3A_2168 : i32
    %ne3A_2170 = arith.constant 0 : i32
    %ne3A_2171 = arith.cmpi ne, %rem3A_2169, %ne3A_2170 : i32
    %lt3A_2172 = arith.constant 0 : i32
    %lt3A_2173 = arith.cmpi slt, %rem3A_2169, %lt3A_2172 : i32
    %lt3A_2174 = arith.constant 0 : i32
    %lt3A_2175 = arith.cmpi slt, %select_n3A_2168, %lt3A_2174 : i32
    %ne3A_2176 = arith.xori %lt3A_2173, %lt3A_2175 : i1
    %and3A_2177 = arith.andi %ne3A_2176, %ne3A_2171 : i1
    %add3A_2178 = arith.addi %rem3A_2169, %select_n3A_2168 : i32
    %select_n3A_2179 = arith.select %and3A_2177, %add3A_2178, %rem3A_2169 : i32
    %mul3A_2180 = arith.constant 4096 : i32
    %mul3A_2181 = arith.muli %select_n3A_2179, %mul3A_2180 : i32
    %dma_start3A_2182 = arith.constant 0 : i32
    %dma_start3A_2183 = tpu.memref_slice %arg6[%select_n3A_2163, %dma_start3A_2182, %mul3A_2181] : memref<200x1x16384xf32, #tpu.memory_space<hbm>> -> memref<1x1x4096xf32, #tpu.memory_space<hbm>>
    %dma_start3A_2184 = tpu.memref_squeeze %dma_start3A_2183 : memref<1x1x4096xf32, #tpu.memory_space<hbm>> -> memref<4096xf32, #tpu.memory_space<hbm>>
    %dma_start3A_2185 = tpu.memref_slice %arg6[%select_n3A_2163, %dma_start3A_2182, %mul3A_2181] : memref<200x1x16384xf32, #tpu.memory_space<hbm>> -> memref<1x1x4096xf32, #tpu.memory_space<hbm>>
    %dma_start3A_2186 = tpu.memref_squeeze %dma_start3A_2185 : memref<1x1x4096xf32, #tpu.memory_space<hbm>> -> memref<4096xf32, #tpu.memory_space<hbm>>
    tpu.enqueue_dma source(%arg14 : memref<4096xf32, #tpu.memory_space<vmem>>) target(%dma_start3A_2186 : memref<4096xf32, #tpu.memory_space<hbm>>) target_semaphore(%arg19 : memref<!tpu.dma_semaphore, #tpu.memory_space<semaphore_mem>>)
    %add3A_2187 = arith.constant 13 : i32
    %add3A_2188 = arith.addi %mul3A_2, %add3A_2187 : i32
    %jit3A_2189 = arith.constant 4 : i32
    %div3A_2190 = arith.divsi %add3A_2188, %jit3A_2189 : i32
    %sign3A_2191 = arith.constant 0 : i32
    %sign3A_2192 = arith.cmpi sgt, %add3A_2188, %sign3A_2191 : i32
    %sign3A_2193 = arith.extui %sign3A_2192 : i1 to i32
    %sign3A_2194 = arith.constant 0 : i32
    %sign3A_2195 = arith.cmpi slt, %add3A_2188, %sign3A_2194 : i32
    %sign3A_2196 = arith.extui %sign3A_2195 : i1 to i32
    %sign3A_2197 = arith.subi %sign3A_2193, %sign3A_2196 : i32
    %sign3A_2198 = arith.constant 0 : i32
    %sign3A_2199 = arith.cmpi sgt, %jit3A_2189, %sign3A_2198 : i32
    %sign3A_2200 = arith.extui %sign3A_2199 : i1 to i32
    %sign3A_2201 = arith.constant 0 : i32
    %sign3A_2202 = arith.cmpi slt, %jit3A_2189, %sign3A_2201 : i32
    %sign3A_2203 = arith.extui %sign3A_2202 : i1 to i32
    %sign3A_2204 = arith.subi %sign3A_2200, %sign3A_2203 : i32
    %ne3A_2205 = arith.cmpi ne, %sign3A_2197, %sign3A_2204 : i32
    %rem3A_2206 = arith.remsi %add3A_2188, %jit3A_2189 : i32
    %ne3A_2207 = arith.constant 0 : i32
    %ne3A_2208 = arith.cmpi ne, %rem3A_2206, %ne3A_2207 : i32
    %and3A_2209 = arith.andi %ne3A_2205, %ne3A_2208 : i1
    %sub3A_2210 = arith.constant 1 : i32
    %sub3A_2211 = arith.subi %div3A_2190, %sub3A_2210 : i32
    %select_n3A_2212 = arith.select %and3A_2209, %sub3A_2211, %div3A_2190 : i32
    %jit3A_2213 = arith.constant 4 : i32
    %eq3A_2214 = arith.constant 0 : i32
    %eq3A_2215 = arith.cmpi eq, %jit3A_2213, %eq3A_2214 : i32
    %jit3A_2216 = arith.constant 1 : i32
    %select_n3A_2217 = arith.select %eq3A_2215, %jit3A_2216, %jit3A_2213 : i32
    %rem3A_2218 = arith.remsi %add3A_2188, %select_n3A_2217 : i32
    %ne3A_2219 = arith.constant 0 : i32
    %ne3A_2220 = arith.cmpi ne, %rem3A_2218, %ne3A_2219 : i32
    %lt3A_2221 = arith.constant 0 : i32
    %lt3A_2222 = arith.cmpi slt, %rem3A_2218, %lt3A_2221 : i32
    %lt3A_2223 = arith.constant 0 : i32
    %lt3A_2224 = arith.cmpi slt, %select_n3A_2217, %lt3A_2223 : i32
    %ne3A_2225 = arith.xori %lt3A_2222, %lt3A_2224 : i1
    %and3A_2226 = arith.andi %ne3A_2225, %ne3A_2220 : i1
    %add3A_2227 = arith.addi %rem3A_2218, %select_n3A_2217 : i32
    %select_n3A_2228 = arith.select %and3A_2226, %add3A_2227, %rem3A_2218 : i32
    %mul3A_2229 = arith.constant 4096 : i32
    %mul3A_2230 = arith.muli %select_n3A_2228, %mul3A_2229 : i32
    %dma_start3A_2231 = tpu.memref_slice %arg2[%select_n3A_2212, %mul3A_2230] : memref<200x16384xi32, #tpu.memory_space<hbm>> -> memref<1x4096xi32, #tpu.memory_space<hbm>>
    %dma_start3A_2232 = tpu.memref_squeeze %dma_start3A_2231 : memref<1x4096xi32, #tpu.memory_space<hbm>> -> memref<4096xi32, #tpu.memory_space<hbm>>
    %dma_start3A_2233 = tpu.memref_slice %arg2[%select_n3A_2212, %mul3A_2230] : memref<200x16384xi32, #tpu.memory_space<hbm>> -> memref<1x4096xi32, #tpu.memory_space<hbm>>
    %dma_start3A_2234 = tpu.memref_squeeze %dma_start3A_2233 : memref<1x4096xi32, #tpu.memory_space<hbm>> -> memref<4096xi32, #tpu.memory_space<hbm>>
    tpu.enqueue_dma source(%dma_start3A_2234 : memref<4096xi32, #tpu.memory_space<hbm>>) target(%arg12 : memref<4096xi32, #tpu.memory_space<vmem>>) target_semaphore(%arg17 : memref<!tpu.dma_semaphore, #tpu.memory_space<semaphore_mem>>)
    %dma_wait3A_2235 = tpu.memref_slice %arg2[%select_n3A_1994, %mul3A_2012] : memref<200x16384xi32, #tpu.memory_space<hbm>> -> memref<1x4096xi32, #tpu.memory_space<hbm>>
    %dma_wait3A_2236 = tpu.memref_squeeze %dma_wait3A_2235 : memref<1x4096xi32, #tpu.memory_space<hbm>> -> memref<4096xi32, #tpu.memory_space<hbm>>
    %dma_wait3A_2237 = tpu.memref_slice %arg2[%select_n3A_1994, %mul3A_2012] : memref<200x16384xi32, #tpu.memory_space<hbm>> -> memref<1x4096xi32, #tpu.memory_space<hbm>>
    %dma_wait3A_2238 = tpu.memref_squeeze %dma_wait3A_2237 : memref<1x4096xi32, #tpu.memory_space<hbm>> -> memref<4096xi32, #tpu.memory_space<hbm>>
    tpu.wait_dma2 semaphore(%arg18 : memref<!tpu.dma_semaphore, #tpu.memory_space<semaphore_mem>>) src(%dma_wait3A_2238 : memref<4096xi32, #tpu.memory_space<hbm>>) dst(%arg13 : memref<4096xi32, #tpu.memory_space<vmem>>)
    %dma_wait3A_2239 = arith.constant 0 : i32
    %dma_wait3A_2240 = tpu.memref_slice %arg6[%select_n3A_2054, %dma_wait3A_2239, %mul3A_2072] : memref<200x1x16384xf32, #tpu.memory_space<hbm>> -> memref<1x1x4096xf32, #tpu.memory_space<hbm>>
    %dma_wait3A_2241 = tpu.memref_squeeze %dma_wait3A_2240 : memref<1x1x4096xf32, #tpu.memory_space<hbm>> -> memref<4096xf32, #tpu.memory_space<hbm>>
    %dma_wait3A_2242 = tpu.memref_slice %arg6[%select_n3A_2054, %dma_wait3A_2239, %mul3A_2072] : memref<200x1x16384xf32, #tpu.memory_space<hbm>> -> memref<1x1x4096xf32, #tpu.memory_space<hbm>>
    %dma_wait3A_2243 = tpu.memref_squeeze %dma_wait3A_2242 : memref<1x1x4096xf32, #tpu.memory_space<hbm>> -> memref<4096xf32, #tpu.memory_space<hbm>>
    tpu.wait_dma2 semaphore(%arg20 : memref<!tpu.dma_semaphore, #tpu.memory_space<semaphore_mem>>) src(%arg15 : memref<4096xf32, #tpu.memory_space<vmem>>) dst(%dma_wait3A_2243 : memref<4096xf32, #tpu.memory_space<hbm>>)
    %parallel_loop3A_2244 = arith.constant 0 : i32
    %parallel_loop3A_2245 = arith.constant 4096 : i32
    %parallel_loop3A_2246 = arith.constant 16 : i32
    scf.for %parallel_loop3A_3627 = %parallel_loop3A_2244 to %parallel_loop3A_2245 step %parallel_loop3A_2246  : i32 {
      %parallel_loop3A_3628 = arith.index_cast %parallel_loop3A_3627 : i32 to index
      %parallel_loop3A_3629 = tpu.vector_load %arg13[%parallel_loop3A_3628] {strides = array<i32>} : memref<4096xi32, #tpu.memory_space<vmem>>, vector<16xi32>,
      %parallel_loop3A_3630 = tpu.vector_load_idx %arg10[%parallel_loop3A_3629] : memref<16xf32, #tpu.memory_space<vmem>>[vector<16xi32>], vector<16xf32>,
      %parallel_loop3A_3631 = arith.index_cast %parallel_loop3A_3627 : i32 to index
      %parallel_loop3A_3632 = tpu.vector_load %arg15[%parallel_loop3A_3631] {strides = array<i32>} : memref<4096xf32, #tpu.memory_space<vmem>>, vector<16xf32>,
      tpu.vector_store %arg15[%parallel_loop3A_3631], %parallel_loop3A_3630 {strides = array<i32>} : memref<4096xf32, #tpu.memory_space<vmem>>, vector<16xf32>,
    } {sc.loop_unroll_factor = 8 : i64, sc.parallel_access}
    %add3A_2247 = arith.constant 11 : i32
    %add3A_2248 = arith.addi %mul3A_2, %add3A_2247 : i32
    %jit3A_2249 = arith.constant 4 : i32
    %div3A_2250 = arith.divsi %add3A_2248, %jit3A_2249 : i32
    %sign3A_2251 = arith.constant 0 : i32
    %sign3A_2252 = arith.cmpi sgt, %add3A_2248, %sign3A_2251 : i32
    %sign3A_2253 = arith.extui %sign3A_2252 : i1 to i32
    %sign3A_2254 = arith.constant 0 : i32
    %sign3A_2255 = arith.cmpi slt, %add3A_2248, %sign3A_2254 : i32
    %sign3A_2256 = arith.extui %sign3A_2255 : i1 to i32
    %sign3A_2257 = arith.subi %sign3A_2253, %sign3A_2256 : i32
    %sign3A_2258 = arith.constant 0 : i32
    %sign3A_2259 = arith.cmpi sgt, %jit3A_2249, %sign3A_2258 : i32
    %sign3A_2260 = arith.extui %sign3A_2259 : i1 to i32
    %sign3A_2261 = arith.constant 0 : i32
    %sign3A_2262 = arith.cmpi slt, %jit3A_2249, %sign3A_2261 : i32
    %sign3A_2263 = arith.extui %sign3A_2262 : i1 to i32
    %sign3A_2264 = arith.subi %sign3A_2260, %sign3A_2263 : i32
    %ne3A_2265 = arith.cmpi ne, %sign3A_2257, %sign3A_2264 : i32
    %rem3A_2266 = arith.remsi %add3A_2248, %jit3A_2249 : i32
    %ne3A_2267 = arith.constant 0 : i32
    %ne3A_2268 = arith.cmpi ne, %rem3A_2266, %ne3A_2267 : i32
    %and3A_2269 = arith.andi %ne3A_2265, %ne3A_2268 : i1
    %sub3A_2270 = arith.constant 1 : i32
    %sub3A_2271 = arith.subi %div3A_2250, %sub3A_2270 : i32
    %select_n3A_2272 = arith.select %and3A_2269, %sub3A_2271, %div3A_2250 : i32
    %jit3A_2273 = arith.constant 4 : i32
    %eq3A_2274 = arith.constant 0 : i32
    %eq3A_2275 = arith.cmpi eq, %jit3A_2273, %eq3A_2274 : i32
    %jit3A_2276 = arith.constant 1 : i32
    %select_n3A_2277 = arith.select %eq3A_2275, %jit3A_2276, %jit3A_2273 : i32
    %rem3A_2278 = arith.remsi %add3A_2248, %select_n3A_2277 : i32
    %ne3A_2279 = arith.constant 0 : i32
    %ne3A_2280 = arith.cmpi ne, %rem3A_2278, %ne3A_2279 : i32
    %lt3A_2281 = arith.constant 0 : i32
    %lt3A_2282 = arith.cmpi slt, %rem3A_2278, %lt3A_2281 : i32
    %lt3A_2283 = arith.constant 0 : i32
    %lt3A_2284 = arith.cmpi slt, %select_n3A_2277, %lt3A_2283 : i32
    %ne3A_2285 = arith.xori %lt3A_2282, %lt3A_2284 : i1
    %and3A_2286 = arith.andi %ne3A_2285, %ne3A_2280 : i1
    %add3A_2287 = arith.addi %rem3A_2278, %select_n3A_2277 : i32
    %select_n3A_2288 = arith.select %and3A_2286, %add3A_2287, %rem3A_2278 : i32
    %mul3A_2289 = arith.constant 4096 : i32
    %mul3A_2290 = arith.muli %select_n3A_2288, %mul3A_2289 : i32
    %dma_start3A_2291 = arith.constant 0 : i32
    %dma_start3A_2292 = tpu.memref_slice %arg6[%select_n3A_2272, %dma_start3A_2291, %mul3A_2290] : memref<200x1x16384xf32, #tpu.memory_space<hbm>> -> memref<1x1x4096xf32, #tpu.memory_space<hbm>>
    %dma_start3A_2293 = tpu.memref_squeeze %dma_start3A_2292 : memref<1x1x4096xf32, #tpu.memory_space<hbm>> -> memref<4096xf32, #tpu.memory_space<hbm>>
    %dma_start3A_2294 = tpu.memref_slice %arg6[%select_n3A_2272, %dma_start3A_2291, %mul3A_2290] : memref<200x1x16384xf32, #tpu.memory_space<hbm>> -> memref<1x1x4096xf32, #tpu.memory_space<hbm>>
    %dma_start3A_2295 = tpu.memref_squeeze %dma_start3A_2294 : memref<1x1x4096xf32, #tpu.memory_space<hbm>> -> memref<4096xf32, #tpu.memory_space<hbm>>
    tpu.enqueue_dma source(%arg15 : memref<4096xf32, #tpu.memory_space<vmem>>) target(%dma_start3A_2295 : memref<4096xf32, #tpu.memory_space<hbm>>) target_semaphore(%arg20 : memref<!tpu.dma_semaphore, #tpu.memory_space<semaphore_mem>>)
    %add3A_2296 = arith.constant 14 : i32
    %add3A_2297 = arith.addi %mul3A_2, %add3A_2296 : i32
    %jit3A_2298 = arith.constant 4 : i32
    %div3A_2299 = arith.divsi %add3A_2297, %jit3A_2298 : i32
    %sign3A_2300 = arith.constant 0 : i32
    %sign3A_2301 = arith.cmpi sgt, %add3A_2297, %sign3A_2300 : i32
    %sign3A_2302 = arith.extui %sign3A_2301 : i1 to i32
    %sign3A_2303 = arith.constant 0 : i32
    %sign3A_2304 = arith.cmpi slt, %add3A_2297, %sign3A_2303 : i32
    %sign3A_2305 = arith.extui %sign3A_2304 : i1 to i32
    %sign3A_2306 = arith.subi %sign3A_2302, %sign3A_2305 : i32
    %sign3A_2307 = arith.constant 0 : i32
    %sign3A_2308 = arith.cmpi sgt, %jit3A_2298, %sign3A_2307 : i32
    %sign3A_2309 = arith.extui %sign3A_2308 : i1 to i32
    %sign3A_2310 = arith.constant 0 : i32
    %sign3A_2311 = arith.cmpi slt, %jit3A_2298, %sign3A_2310 : i32
    %sign3A_2312 = arith.extui %sign3A_2311 : i1 to i32
    %sign3A_2313 = arith.subi %sign3A_2309, %sign3A_2312 : i32
    %ne3A_2314 = arith.cmpi ne, %sign3A_2306, %sign3A_2313 : i32
    %rem3A_2315 = arith.remsi %add3A_2297, %jit3A_2298 : i32
    %ne3A_2316 = arith.constant 0 : i32
    %ne3A_2317 = arith.cmpi ne, %rem3A_2315, %ne3A_2316 : i32
    %and3A_2318 = arith.andi %ne3A_2314, %ne3A_2317 : i1
    %sub3A_2319 = arith.constant 1 : i32
    %sub3A_2320 = arith.subi %div3A_2299, %sub3A_2319 : i32
    %select_n3A_2321 = arith.select %and3A_2318, %sub3A_2320, %div3A_2299 : i32
    %jit3A_2322 = arith.constant 4 : i32
    %eq3A_2323 = arith.constant 0 : i32
    %eq3A_2324 = arith.cmpi eq, %jit3A_2322, %eq3A_2323 : i32
    %jit3A_2325 = arith.constant 1 : i32
    %select_n3A_2326 = arith.select %eq3A_2324, %jit3A_2325, %jit3A_2322 : i32
    %rem3A_2327 = arith.remsi %add3A_2297, %select_n3A_2326 : i32
    %ne3A_2328 = arith.constant 0 : i32
    %ne3A_2329 = arith.cmpi ne, %rem3A_2327, %ne3A_2328 : i32
    %lt3A_2330 = arith.constant 0 : i32
    %lt3A_2331 = arith.cmpi slt, %rem3A_2327, %lt3A_2330 : i32
    %lt3A_2332 = arith.constant 0 : i32
    %lt3A_2333 = arith.cmpi slt, %select_n3A_2326, %lt3A_2332 : i32
    %ne3A_2334 = arith.xori %lt3A_2331, %lt3A_2333 : i1
    %and3A_2335 = arith.andi %ne3A_2334, %ne3A_2329 : i1
    %add3A_2336 = arith.addi %rem3A_2327, %select_n3A_2326 : i32
    %select_n3A_2337 = arith.select %and3A_2335, %add3A_2336, %rem3A_2327 : i32
    %mul3A_2338 = arith.constant 4096 : i32
    %mul3A_2339 = arith.muli %select_n3A_2337, %mul3A_2338 : i32
    %dma_start3A_2340 = tpu.memref_slice %arg2[%select_n3A_2321, %mul3A_2339] : memref<200x16384xi32, #tpu.memory_space<hbm>> -> memref<1x4096xi32, #tpu.memory_space<hbm>>
    %dma_start3A_2341 = tpu.memref_squeeze %dma_start3A_2340 : memref<1x4096xi32, #tpu.memory_space<hbm>> -> memref<4096xi32, #tpu.memory_space<hbm>>
    %dma_start3A_2342 = tpu.memref_slice %arg2[%select_n3A_2321, %mul3A_2339] : memref<200x16384xi32, #tpu.memory_space<hbm>> -> memref<1x4096xi32, #tpu.memory_space<hbm>>
    %dma_start3A_2343 = tpu.memref_squeeze %dma_start3A_2342 : memref<1x4096xi32, #tpu.memory_space<hbm>> -> memref<4096xi32, #tpu.memory_space<hbm>>
    tpu.enqueue_dma source(%dma_start3A_2343 : memref<4096xi32, #tpu.memory_space<hbm>>) target(%arg13 : memref<4096xi32, #tpu.memory_space<vmem>>) target_semaphore(%arg18 : memref<!tpu.dma_semaphore, #tpu.memory_space<semaphore_mem>>)
    %dma_wait3A_2344 = tpu.memref_slice %arg2[%select_n3A_2103, %mul3A_2121] : memref<200x16384xi32, #tpu.memory_space<hbm>> -> memref<1x4096xi32, #tpu.memory_space<hbm>>
    %dma_wait3A_2345 = tpu.memref_squeeze %dma_wait3A_2344 : memref<1x4096xi32, #tpu.memory_space<hbm>> -> memref<4096xi32, #tpu.memory_space<hbm>>
    %dma_wait3A_2346 = tpu.memref_slice %arg2[%select_n3A_2103, %mul3A_2121] : memref<200x16384xi32, #tpu.memory_space<hbm>> -> memref<1x4096xi32, #tpu.memory_space<hbm>>
    %dma_wait3A_2347 = tpu.memref_squeeze %dma_wait3A_2346 : memref<1x4096xi32, #tpu.memory_space<hbm>> -> memref<4096xi32, #tpu.memory_space<hbm>>
    tpu.wait_dma2 semaphore(%arg16 : memref<!tpu.dma_semaphore, #tpu.memory_space<semaphore_mem>>) src(%dma_wait3A_2347 : memref<4096xi32, #tpu.memory_space<hbm>>) dst(%arg11 : memref<4096xi32, #tpu.memory_space<vmem>>)
    %dma_wait3A_2348 = arith.constant 0 : i32
    %dma_wait3A_2349 = tpu.memref_slice %arg6[%select_n3A_2163, %dma_wait3A_2348, %mul3A_2181] : memref<200x1x16384xf32, #tpu.memory_space<hbm>> -> memref<1x1x4096xf32, #tpu.memory_space<hbm>>
    %dma_wait3A_2350 = tpu.memref_squeeze %dma_wait3A_2349 : memref<1x1x4096xf32, #tpu.memory_space<hbm>> -> memref<4096xf32, #tpu.memory_space<hbm>>
    %dma_wait3A_2351 = tpu.memref_slice %arg6[%select_n3A_2163, %dma_wait3A_2348, %mul3A_2181] : memref<200x1x16384xf32, #tpu.memory_space<hbm>> -> memref<1x1x4096xf32, #tpu.memory_space<hbm>>
    %dma_wait3A_2352 = tpu.memref_squeeze %dma_wait3A_2351 : memref<1x1x4096xf32, #tpu.memory_space<hbm>> -> memref<4096xf32, #tpu.memory_space<hbm>>
    tpu.wait_dma2 semaphore(%arg19 : memref<!tpu.dma_semaphore, #tpu.memory_space<semaphore_mem>>) src(%arg14 : memref<4096xf32, #tpu.memory_space<vmem>>) dst(%dma_wait3A_2352 : memref<4096xf32, #tpu.memory_space<hbm>>)
    %parallel_loop3A_2353 = arith.constant 0 : i32
    %parallel_loop3A_2354 = arith.constant 4096 : i32
    %parallel_loop3A_2355 = arith.constant 16 : i32
    scf.for %parallel_loop3A_3627 = %parallel_loop3A_2353 to %parallel_loop3A_2354 step %parallel_loop3A_2355  : i32 {
      %parallel_loop3A_3628 = arith.index_cast %parallel_loop3A_3627 : i32 to index
      %parallel_loop3A_3629 = tpu.vector_load %arg11[%parallel_loop3A_3628] {strides = array<i32>} : memref<4096xi32, #tpu.memory_space<vmem>>, vector<16xi32>,
      %parallel_loop3A_3630 = tpu.vector_load_idx %arg10[%parallel_loop3A_3629] : memref<16xf32, #tpu.memory_space<vmem>>[vector<16xi32>], vector<16xf32>,
      %parallel_loop3A_3631 = arith.index_cast %parallel_loop3A_3627 : i32 to index
      %parallel_loop3A_3632 = tpu.vector_load %arg14[%parallel_loop3A_3631] {strides = array<i32>} : memref<4096xf32, #tpu.memory_space<vmem>>, vector<16xf32>,
      tpu.vector_store %arg14[%parallel_loop3A_3631], %parallel_loop3A_3630 {strides = array<i32>} : memref<4096xf32, #tpu.memory_space<vmem>>, vector<16xf32>,
    } {sc.loop_unroll_factor = 8 : i64, sc.parallel_access}
    %add3A_2356 = arith.constant 12 : i32
    %add3A_2357 = arith.addi %mul3A_2, %add3A_2356 : i32
    %jit3A_2358 = arith.constant 4 : i32
    %div3A_2359 = arith.divsi %add3A_2357, %jit3A_2358 : i32
    %sign3A_2360 = arith.constant 0 : i32
    %sign3A_2361 = arith.cmpi sgt, %add3A_2357, %sign3A_2360 : i32
    %sign3A_2362 = arith.extui %sign3A_2361 : i1 to i32
    %sign3A_2363 = arith.constant 0 : i32
    %sign3A_2364 = arith.cmpi slt, %add3A_2357, %sign3A_2363 : i32
    %sign3A_2365 = arith.extui %sign3A_2364 : i1 to i32
    %sign3A_2366 = arith.subi %sign3A_2362, %sign3A_2365 : i32
    %sign3A_2367 = arith.constant 0 : i32
    %sign3A_2368 = arith.cmpi sgt, %jit3A_2358, %sign3A_2367 : i32
    %sign3A_2369 = arith.extui %sign3A_2368 : i1 to i32
    %sign3A_2370 = arith.constant 0 : i32
    %sign3A_2371 = arith.cmpi slt, %jit3A_2358, %sign3A_2370 : i32
    %sign3A_2372 = arith.extui %sign3A_2371 : i1 to i32
    %sign3A_2373 = arith.subi %sign3A_2369, %sign3A_2372 : i32
    %ne3A_2374 = arith.cmpi ne, %sign3A_2366, %sign3A_2373 : i32
    %rem3A_2375 = arith.remsi %add3A_2357, %jit3A_2358 : i32
    %ne3A_2376 = arith.constant 0 : i32
    %ne3A_2377 = arith.cmpi ne, %rem3A_2375, %ne3A_2376 : i32
    %and3A_2378 = arith.andi %ne3A_2374, %ne3A_2377 : i1
    %sub3A_2379 = arith.constant 1 : i32
    %sub3A_2380 = arith.subi %div3A_2359, %sub3A_2379 : i32
    %select_n3A_2381 = arith.select %and3A_2378, %sub3A_2380, %div3A_2359 : i32
    %jit3A_2382 = arith.constant 4 : i32
    %eq3A_2383 = arith.constant 0 : i32
    %eq3A_2384 = arith.cmpi eq, %jit3A_2382, %eq3A_2383 : i32
    %jit3A_2385 = arith.constant 1 : i32
    %select_n3A_2386 = arith.select %eq3A_2384, %jit3A_2385, %jit3A_2382 : i32
    %rem3A_2387 = arith.remsi %add3A_2357, %select_n3A_2386 : i32
    %ne3A_2388 = arith.constant 0 : i32
    %ne3A_2389 = arith.cmpi ne, %rem3A_2387, %ne3A_2388 : i32
    %lt3A_2390 = arith.constant 0 : i32
    %lt3A_2391 = arith.cmpi slt, %rem3A_2387, %lt3A_2390 : i32
    %lt3A_2392 = arith.constant 0 : i32
    %lt3A_2393 = arith.cmpi slt, %select_n3A_2386, %lt3A_2392 : i32
    %ne3A_2394 = arith.xori %lt3A_2391, %lt3A_2393 : i1
    %and3A_2395 = arith.andi %ne3A_2394, %ne3A_2389 : i1
    %add3A_2396 = arith.addi %rem3A_2387, %select_n3A_2386 : i32
    %select_n3A_2397 = arith.select %and3A_2395, %add3A_2396, %rem3A_2387 : i32
    %mul3A_2398 = arith.constant 4096 : i32
    %mul3A_2399 = arith.muli %select_n3A_2397, %mul3A_2398 : i32
    %dma_start3A_2400 = arith.constant 0 : i32
    %dma_start3A_2401 = tpu.memref_slice %arg6[%select_n3A_2381, %dma_start3A_2400, %mul3A_2399] : memref<200x1x16384xf32, #tpu.memory_space<hbm>> -> memref<1x1x4096xf32, #tpu.memory_space<hbm>>
    %dma_start3A_2402 = tpu.memref_squeeze %dma_start3A_2401 : memref<1x1x4096xf32, #tpu.memory_space<hbm>> -> memref<4096xf32, #tpu.memory_space<hbm>>
    %dma_start3A_2403 = tpu.memref_slice %arg6[%select_n3A_2381, %dma_start3A_2400, %mul3A_2399] : memref<200x1x16384xf32, #tpu.memory_space<hbm>> -> memref<1x1x4096xf32, #tpu.memory_space<hbm>>
    %dma_start3A_2404 = tpu.memref_squeeze %dma_start3A_2403 : memref<1x1x4096xf32, #tpu.memory_space<hbm>> -> memref<4096xf32, #tpu.memory_space<hbm>>
    tpu.enqueue_dma source(%arg14 : memref<4096xf32, #tpu.memory_space<vmem>>) target(%dma_start3A_2404 : memref<4096xf32, #tpu.memory_space<hbm>>) target_semaphore(%arg19 : memref<!tpu.dma_semaphore, #tpu.memory_space<semaphore_mem>>)
    %add3A_2405 = arith.constant 15 : i32
    %add3A_2406 = arith.addi %mul3A_2, %add3A_2405 : i32
    %jit3A_2407 = arith.constant 4 : i32
    %div3A_2408 = arith.divsi %add3A_2406, %jit3A_2407 : i32
    %sign3A_2409 = arith.constant 0 : i32
    %sign3A_2410 = arith.cmpi sgt, %add3A_2406, %sign3A_2409 : i32
    %sign3A_2411 = arith.extui %sign3A_2410 : i1 to i32
    %sign3A_2412 = arith.constant 0 : i32
    %sign3A_2413 = arith.cmpi slt, %add3A_2406, %sign3A_2412 : i32
    %sign3A_2414 = arith.extui %sign3A_2413 : i1 to i32
    %sign3A_2415 = arith.subi %sign3A_2411, %sign3A_2414 : i32
    %sign3A_2416 = arith.constant 0 : i32
    %sign3A_2417 = arith.cmpi sgt, %jit3A_2407, %sign3A_2416 : i32
    %sign3A_2418 = arith.extui %sign3A_2417 : i1 to i32
    %sign3A_2419 = arith.constant 0 : i32
    %sign3A_2420 = arith.cmpi slt, %jit3A_2407, %sign3A_2419 : i32
    %sign3A_2421 = arith.extui %sign3A_2420 : i1 to i32
    %sign3A_2422 = arith.subi %sign3A_2418, %sign3A_2421 : i32
    %ne3A_2423 = arith.cmpi ne, %sign3A_2415, %sign3A_2422 : i32
    %rem3A_2424 = arith.remsi %add3A_2406, %jit3A_2407 : i32
    %ne3A_2425 = arith.constant 0 : i32
    %ne3A_2426 = arith.cmpi ne, %rem3A_2424, %ne3A_2425 : i32
    %and3A_2427 = arith.andi %ne3A_2423, %ne3A_2426 : i1
    %sub3A_2428 = arith.constant 1 : i32
    %sub3A_2429 = arith.subi %div3A_2408, %sub3A_2428 : i32
    %select_n3A_2430 = arith.select %and3A_2427, %sub3A_2429, %div3A_2408 : i32
    %jit3A_2431 = arith.constant 4 : i32
    %eq3A_2432 = arith.constant 0 : i32
    %eq3A_2433 = arith.cmpi eq, %jit3A_2431, %eq3A_2432 : i32
    %jit3A_2434 = arith.constant 1 : i32
    %select_n3A_2435 = arith.select %eq3A_2433, %jit3A_2434, %jit3A_2431 : i32
    %rem3A_2436 = arith.remsi %add3A_2406, %select_n3A_2435 : i32
    %ne3A_2437 = arith.constant 0 : i32
    %ne3A_2438 = arith.cmpi ne, %rem3A_2436, %ne3A_2437 : i32
    %lt3A_2439 = arith.constant 0 : i32
    %lt3A_2440 = arith.cmpi slt, %rem3A_2436, %lt3A_2439 : i32
    %lt3A_2441 = arith.constant 0 : i32
    %lt3A_2442 = arith.cmpi slt, %select_n3A_2435, %lt3A_2441 : i32
    %ne3A_2443 = arith.xori %lt3A_2440, %lt3A_2442 : i1
    %and3A_2444 = arith.andi %ne3A_2443, %ne3A_2438 : i1
    %add3A_2445 = arith.addi %rem3A_2436, %select_n3A_2435 : i32
    %select_n3A_2446 = arith.select %and3A_2444, %add3A_2445, %rem3A_2436 : i32
    %mul3A_2447 = arith.constant 4096 : i32
    %mul3A_2448 = arith.muli %select_n3A_2446, %mul3A_2447 : i32
    %dma_start3A_2449 = tpu.memref_slice %arg2[%select_n3A_2430, %mul3A_2448] : memref<200x16384xi32, #tpu.memory_space<hbm>> -> memref<1x4096xi32, #tpu.memory_space<hbm>>
    %dma_start3A_2450 = tpu.memref_squeeze %dma_start3A_2449 : memref<1x4096xi32, #tpu.memory_space<hbm>> -> memref<4096xi32, #tpu.memory_space<hbm>>
    %dma_start3A_2451 = tpu.memref_slice %arg2[%select_n3A_2430, %mul3A_2448] : memref<200x16384xi32, #tpu.memory_space<hbm>> -> memref<1x4096xi32, #tpu.memory_space<hbm>>
    %dma_start3A_2452 = tpu.memref_squeeze %dma_start3A_2451 : memref<1x4096xi32, #tpu.memory_space<hbm>> -> memref<4096xi32, #tpu.memory_space<hbm>>
    tpu.enqueue_dma source(%dma_start3A_2452 : memref<4096xi32, #tpu.memory_space<hbm>>) target(%arg11 : memref<4096xi32, #tpu.memory_space<vmem>>) target_semaphore(%arg16 : memref<!tpu.dma_semaphore, #tpu.memory_space<semaphore_mem>>)
    %dma_wait3A_2453 = tpu.memref_slice %arg2[%select_n3A_2212, %mul3A_2230] : memref<200x16384xi32, #tpu.memory_space<hbm>> -> memref<1x4096xi32, #tpu.memory_space<hbm>>
    %dma_wait3A_2454 = tpu.memref_squeeze %dma_wait3A_2453 : memref<1x4096xi32, #tpu.memory_space<hbm>> -> memref<4096xi32, #tpu.memory_space<hbm>>
    %dma_wait3A_2455 = tpu.memref_slice %arg2[%select_n3A_2212, %mul3A_2230] : memref<200x16384xi32, #tpu.memory_space<hbm>> -> memref<1x4096xi32, #tpu.memory_space<hbm>>
    %dma_wait3A_2456 = tpu.memref_squeeze %dma_wait3A_2455 : memref<1x4096xi32, #tpu.memory_space<hbm>> -> memref<4096xi32, #tpu.memory_space<hbm>>
    tpu.wait_dma2 semaphore(%arg17 : memref<!tpu.dma_semaphore, #tpu.memory_space<semaphore_mem>>) src(%dma_wait3A_2456 : memref<4096xi32, #tpu.memory_space<hbm>>) dst(%arg12 : memref<4096xi32, #tpu.memory_space<vmem>>)
    %dma_wait3A_2457 = arith.constant 0 : i32
    %dma_wait3A_2458 = tpu.memref_slice %arg6[%select_n3A_2272, %dma_wait3A_2457, %mul3A_2290] : memref<200x1x16384xf32, #tpu.memory_space<hbm>> -> memref<1x1x4096xf32, #tpu.memory_space<hbm>>
    %dma_wait3A_2459 = tpu.memref_squeeze %dma_wait3A_2458 : memref<1x1x4096xf32, #tpu.memory_space<hbm>> -> memref<4096xf32, #tpu.memory_space<hbm>>
    %dma_wait3A_2460 = tpu.memref_slice %arg6[%select_n3A_2272, %dma_wait3A_2457, %mul3A_2290] : memref<200x1x16384xf32, #tpu.memory_space<hbm>> -> memref<1x1x4096xf32, #tpu.memory_space<hbm>>
    %dma_wait3A_2461 = tpu.memref_squeeze %dma_wait3A_2460 : memref<1x1x4096xf32, #tpu.memory_space<hbm>> -> memref<4096xf32, #tpu.memory_space<hbm>>
    tpu.wait_dma2 semaphore(%arg20 : memref<!tpu.dma_semaphore, #tpu.memory_space<semaphore_mem>>) src(%arg15 : memref<4096xf32, #tpu.memory_space<vmem>>) dst(%dma_wait3A_2461 : memref<4096xf32, #tpu.memory_space<hbm>>)
    %parallel_loop3A_2462 = arith.constant 0 : i32
    %parallel_loop3A_2463 = arith.constant 4096 : i32
    %parallel_loop3A_2464 = arith.constant 16 : i32
    scf.for %parallel_loop3A_3627 = %parallel_loop3A_2462 to %parallel_loop3A_2463 step %parallel_loop3A_2464  : i32 {
      %parallel_loop3A_3628 = arith.index_cast %parallel_loop3A_3627 : i32 to index
      %parallel_loop3A_3629 = tpu.vector_load %arg12[%parallel_loop3A_3628] {strides = array<i32>} : memref<4096xi32, #tpu.memory_space<vmem>>, vector<16xi32>,
      %parallel_loop3A_3630 = tpu.vector_load_idx %arg10[%parallel_loop3A_3629] : memref<16xf32, #tpu.memory_space<vmem>>[vector<16xi32>], vector<16xf32>,
      %parallel_loop3A_3631 = arith.index_cast %parallel_loop3A_3627 : i32 to index
      %parallel_loop3A_3632 = tpu.vector_load %arg15[%parallel_loop3A_3631] {strides = array<i32>} : memref<4096xf32, #tpu.memory_space<vmem>>, vector<16xf32>,
      tpu.vector_store %arg15[%parallel_loop3A_3631], %parallel_loop3A_3630 {strides = array<i32>} : memref<4096xf32, #tpu.memory_space<vmem>>, vector<16xf32>,
    } {sc.loop_unroll_factor = 8 : i64, sc.parallel_access}
    %add3A_2465 = arith.constant 13 : i32
    %add3A_2466 = arith.addi %mul3A_2, %add3A_2465 : i32
    %jit3A_2467 = arith.constant 4 : i32
    %div3A_2468 = arith.divsi %add3A_2466, %jit3A_2467 : i32
    %sign3A_2469 = arith.constant 0 : i32
    %sign3A_2470 = arith.cmpi sgt, %add3A_2466, %sign3A_2469 : i32
    %sign3A_2471 = arith.extui %sign3A_2470 : i1 to i32
    %sign3A_2472 = arith.constant 0 : i32
    %sign3A_2473 = arith.cmpi slt, %add3A_2466, %sign3A_2472 : i32
    %sign3A_2474 = arith.extui %sign3A_2473 : i1 to i32
    %sign3A_2475 = arith.subi %sign3A_2471, %sign3A_2474 : i32
    %sign3A_2476 = arith.constant 0 : i32
    %sign3A_2477 = arith.cmpi sgt, %jit3A_2467, %sign3A_2476 : i32
    %sign3A_2478 = arith.extui %sign3A_2477 : i1 to i32
    %sign3A_2479 = arith.constant 0 : i32
    %sign3A_2480 = arith.cmpi slt, %jit3A_2467, %sign3A_2479 : i32
    %sign3A_2481 = arith.extui %sign3A_2480 : i1 to i32
    %sign3A_2482 = arith.subi %sign3A_2478, %sign3A_2481 : i32
    %ne3A_2483 = arith.cmpi ne, %sign3A_2475, %sign3A_2482 : i32
    %rem3A_2484 = arith.remsi %add3A_2466, %jit3A_2467 : i32
    %ne3A_2485 = arith.constant 0 : i32
    %ne3A_2486 = arith.cmpi ne, %rem3A_2484, %ne3A_2485 : i32
    %and3A_2487 = arith.andi %ne3A_2483, %ne3A_2486 : i1
    %sub3A_2488 = arith.constant 1 : i32
    %sub3A_2489 = arith.subi %div3A_2468, %sub3A_2488 : i32
    %select_n3A_2490 = arith.select %and3A_2487, %sub3A_2489, %div3A_2468 : i32
    %jit3A_2491 = arith.constant 4 : i32
    %eq3A_2492 = arith.constant 0 : i32
    %eq3A_2493 = arith.cmpi eq, %jit3A_2491, %eq3A_2492 : i32
    %jit3A_2494 = arith.constant 1 : i32
    %select_n3A_2495 = arith.select %eq3A_2493, %jit3A_2494, %jit3A_2491 : i32
    %rem3A_2496 = arith.remsi %add3A_2466, %select_n3A_2495 : i32
    %ne3A_2497 = arith.constant 0 : i32
    %ne3A_2498 = arith.cmpi ne, %rem3A_2496, %ne3A_2497 : i32
    %lt3A_2499 = arith.constant 0 : i32
    %lt3A_2500 = arith.cmpi slt, %rem3A_2496, %lt3A_2499 : i32
    %lt3A_2501 = arith.constant 0 : i32
    %lt3A_2502 = arith.cmpi slt, %select_n3A_2495, %lt3A_2501 : i32
    %ne3A_2503 = arith.xori %lt3A_2500, %lt3A_2502 : i1
    %and3A_2504 = arith.andi %ne3A_2503, %ne3A_2498 : i1
    %add3A_2505 = arith.addi %rem3A_2496, %select_n3A_2495 : i32
    %select_n3A_2506 = arith.select %and3A_2504, %add3A_2505, %rem3A_2496 : i32
    %mul3A_2507 = arith.constant 4096 : i32
    %mul3A_2508 = arith.muli %select_n3A_2506, %mul3A_2507 : i32
    %dma_start3A_2509 = arith.constant 0 : i32
    %dma_start3A_2510 = tpu.memref_slice %arg6[%select_n3A_2490, %dma_start3A_2509, %mul3A_2508] : memref<200x1x16384xf32, #tpu.memory_space<hbm>> -> memref<1x1x4096xf32, #tpu.memory_space<hbm>>
    %dma_start3A_2511 = tpu.memref_squeeze %dma_start3A_2510 : memref<1x1x4096xf32, #tpu.memory_space<hbm>> -> memref<4096xf32, #tpu.memory_space<hbm>>
    %dma_start3A_2512 = tpu.memref_slice %arg6[%select_n3A_2490, %dma_start3A_2509, %mul3A_2508] : memref<200x1x16384xf32, #tpu.memory_space<hbm>> -> memref<1x1x4096xf32, #tpu.memory_space<hbm>>
    %dma_start3A_2513 = tpu.memref_squeeze %dma_start3A_2512 : memref<1x1x4096xf32, #tpu.memory_space<hbm>> -> memref<4096xf32, #tpu.memory_space<hbm>>
    tpu.enqueue_dma source(%arg15 : memref<4096xf32, #tpu.memory_space<vmem>>) target(%dma_start3A_2513 : memref<4096xf32, #tpu.memory_space<hbm>>) target_semaphore(%arg20 : memref<!tpu.dma_semaphore, #tpu.memory_space<semaphore_mem>>)
    %add3A_2514 = arith.constant 16 : i32
    %add3A_2515 = arith.addi %mul3A_2, %add3A_2514 : i32
    %jit3A_2516 = arith.constant 4 : i32
    %div3A_2517 = arith.divsi %add3A_2515, %jit3A_2516 : i32
    %sign3A_2518 = arith.constant 0 : i32
    %sign3A_2519 = arith.cmpi sgt, %add3A_2515, %sign3A_2518 : i32
    %sign3A_2520 = arith.extui %sign3A_2519 : i1 to i32
    %sign3A_2521 = arith.constant 0 : i32
    %sign3A_2522 = arith.cmpi slt, %add3A_2515, %sign3A_2521 : i32
    %sign3A_2523 = arith.extui %sign3A_2522 : i1 to i32
    %sign3A_2524 = arith.subi %sign3A_2520, %sign3A_2523 : i32
    %sign3A_2525 = arith.constant 0 : i32
    %sign3A_2526 = arith.cmpi sgt, %jit3A_2516, %sign3A_2525 : i32
    %sign3A_2527 = arith.extui %sign3A_2526 : i1 to i32
    %sign3A_2528 = arith.constant 0 : i32
    %sign3A_2529 = arith.cmpi slt, %jit3A_2516, %sign3A_2528 : i32
    %sign3A_2530 = arith.extui %sign3A_2529 : i1 to i32
    %sign3A_2531 = arith.subi %sign3A_2527, %sign3A_2530 : i32
    %ne3A_2532 = arith.cmpi ne, %sign3A_2524, %sign3A_2531 : i32
    %rem3A_2533 = arith.remsi %add3A_2515, %jit3A_2516 : i32
    %ne3A_2534 = arith.constant 0 : i32
    %ne3A_2535 = arith.cmpi ne, %rem3A_2533, %ne3A_2534 : i32
    %and3A_2536 = arith.andi %ne3A_2532, %ne3A_2535 : i1
    %sub3A_2537 = arith.constant 1 : i32
    %sub3A_2538 = arith.subi %div3A_2517, %sub3A_2537 : i32
    %select_n3A_2539 = arith.select %and3A_2536, %sub3A_2538, %div3A_2517 : i32
    %jit3A_2540 = arith.constant 4 : i32
    %eq3A_2541 = arith.constant 0 : i32
    %eq3A_2542 = arith.cmpi eq, %jit3A_2540, %eq3A_2541 : i32
    %jit3A_2543 = arith.constant 1 : i32
    %select_n3A_2544 = arith.select %eq3A_2542, %jit3A_2543, %jit3A_2540 : i32
    %rem3A_2545 = arith.remsi %add3A_2515, %select_n3A_2544 : i32
    %ne3A_2546 = arith.constant 0 : i32
    %ne3A_2547 = arith.cmpi ne, %rem3A_2545, %ne3A_2546 : i32
    %lt3A_2548 = arith.constant 0 : i32
    %lt3A_2549 = arith.cmpi slt, %rem3A_2545, %lt3A_2548 : i32
    %lt3A_2550 = arith.constant 0 : i32
    %lt3A_2551 = arith.cmpi slt, %select_n3A_2544, %lt3A_2550 : i32
    %ne3A_2552 = arith.xori %lt3A_2549, %lt3A_2551 : i1
    %and3A_2553 = arith.andi %ne3A_2552, %ne3A_2547 : i1
    %add3A_2554 = arith.addi %rem3A_2545, %select_n3A_2544 : i32
    %select_n3A_2555 = arith.select %and3A_2553, %add3A_2554, %rem3A_2545 : i32
    %mul3A_2556 = arith.constant 4096 : i32
    %mul3A_2557 = arith.muli %select_n3A_2555, %mul3A_2556 : i32
    %dma_start3A_2558 = tpu.memref_slice %arg2[%select_n3A_2539, %mul3A_2557] : memref<200x16384xi32, #tpu.memory_space<hbm>> -> memref<1x4096xi32, #tpu.memory_space<hbm>>
    %dma_start3A_2559 = tpu.memref_squeeze %dma_start3A_2558 : memref<1x4096xi32, #tpu.memory_space<hbm>> -> memref<4096xi32, #tpu.memory_space<hbm>>
    %dma_start3A_2560 = tpu.memref_slice %arg2[%select_n3A_2539, %mul3A_2557] : memref<200x16384xi32, #tpu.memory_space<hbm>> -> memref<1x4096xi32, #tpu.memory_space<hbm>>
    %dma_start3A_2561 = tpu.memref_squeeze %dma_start3A_2560 : memref<1x4096xi32, #tpu.memory_space<hbm>> -> memref<4096xi32, #tpu.memory_space<hbm>>
    tpu.enqueue_dma source(%dma_start3A_2561 : memref<4096xi32, #tpu.memory_space<hbm>>) target(%arg12 : memref<4096xi32, #tpu.memory_space<vmem>>) target_semaphore(%arg17 : memref<!tpu.dma_semaphore, #tpu.memory_space<semaphore_mem>>)
    %dma_wait3A_2562 = tpu.memref_slice %arg2[%select_n3A_2321, %mul3A_2339] : memref<200x16384xi32, #tpu.memory_space<hbm>> -> memref<1x4096xi32, #tpu.memory_space<hbm>>
    %dma_wait3A_2563 = tpu.memref_squeeze %dma_wait3A_2562 : memref<1x4096xi32, #tpu.memory_space<hbm>> -> memref<4096xi32, #tpu.memory_space<hbm>>
    %dma_wait3A_2564 = tpu.memref_slice %arg2[%select_n3A_2321, %mul3A_2339] : memref<200x16384xi32, #tpu.memory_space<hbm>> -> memref<1x4096xi32, #tpu.memory_space<hbm>>
    %dma_wait3A_2565 = tpu.memref_squeeze %dma_wait3A_2564 : memref<1x4096xi32, #tpu.memory_space<hbm>> -> memref<4096xi32, #tpu.memory_space<hbm>>
    tpu.wait_dma2 semaphore(%arg18 : memref<!tpu.dma_semaphore, #tpu.memory_space<semaphore_mem>>) src(%dma_wait3A_2565 : memref<4096xi32, #tpu.memory_space<hbm>>) dst(%arg13 : memref<4096xi32, #tpu.memory_space<vmem>>)
    %dma_wait3A_2566 = arith.constant 0 : i32
    %dma_wait3A_2567 = tpu.memref_slice %arg6[%select_n3A_2381, %dma_wait3A_2566, %mul3A_2399] : memref<200x1x16384xf32, #tpu.memory_space<hbm>> -> memref<1x1x4096xf32, #tpu.memory_space<hbm>>
    %dma_wait3A_2568 = tpu.memref_squeeze %dma_wait3A_2567 : memref<1x1x4096xf32, #tpu.memory_space<hbm>> -> memref<4096xf32, #tpu.memory_space<hbm>>
    %dma_wait3A_2569 = tpu.memref_slice %arg6[%select_n3A_2381, %dma_wait3A_2566, %mul3A_2399] : memref<200x1x16384xf32, #tpu.memory_space<hbm>> -> memref<1x1x4096xf32, #tpu.memory_space<hbm>>
    %dma_wait3A_2570 = tpu.memref_squeeze %dma_wait3A_2569 : memref<1x1x4096xf32, #tpu.memory_space<hbm>> -> memref<4096xf32, #tpu.memory_space<hbm>>
    tpu.wait_dma2 semaphore(%arg19 : memref<!tpu.dma_semaphore, #tpu.memory_space<semaphore_mem>>) src(%arg14 : memref<4096xf32, #tpu.memory_space<vmem>>) dst(%dma_wait3A_2570 : memref<4096xf32, #tpu.memory_space<hbm>>)
    %parallel_loop3A_2571 = arith.constant 0 : i32
    %parallel_loop3A_2572 = arith.constant 4096 : i32
    %parallel_loop3A_2573 = arith.constant 16 : i32
    scf.for %parallel_loop3A_3627 = %parallel_loop3A_2571 to %parallel_loop3A_2572 step %parallel_loop3A_2573  : i32 {
      %parallel_loop3A_3628 = arith.index_cast %parallel_loop3A_3627 : i32 to index
      %parallel_loop3A_3629 = tpu.vector_load %arg13[%parallel_loop3A_3628] {strides = array<i32>} : memref<4096xi32, #tpu.memory_space<vmem>>, vector<16xi32>,
      %parallel_loop3A_3630 = tpu.vector_load_idx %arg10[%parallel_loop3A_3629] : memref<16xf32, #tpu.memory_space<vmem>>[vector<16xi32>], vector<16xf32>,
      %parallel_loop3A_3631 = arith.index_cast %parallel_loop3A_3627 : i32 to index
      %parallel_loop3A_3632 = tpu.vector_load %arg14[%parallel_loop3A_3631] {strides = array<i32>} : memref<4096xf32, #tpu.memory_space<vmem>>, vector<16xf32>,
      tpu.vector_store %arg14[%parallel_loop3A_3631], %parallel_loop3A_3630 {strides = array<i32>} : memref<4096xf32, #tpu.memory_space<vmem>>, vector<16xf32>,
    } {sc.loop_unroll_factor = 8 : i64, sc.parallel_access}
    %add3A_2574 = arith.constant 14 : i32
    %add3A_2575 = arith.addi %mul3A_2, %add3A_2574 : i32
    %jit3A_2576 = arith.constant 4 : i32
    %div3A_2577 = arith.divsi %add3A_2575, %jit3A_2576 : i32
    %sign3A_2578 = arith.constant 0 : i32
    %sign3A_2579 = arith.cmpi sgt, %add3A_2575, %sign3A_2578 : i32
    %sign3A_2580 = arith.extui %sign3A_2579 : i1 to i32
    %sign3A_2581 = arith.constant 0 : i32
    %sign3A_2582 = arith.cmpi slt, %add3A_2575, %sign3A_2581 : i32
    %sign3A_2583 = arith.extui %sign3A_2582 : i1 to i32
    %sign3A_2584 = arith.subi %sign3A_2580, %sign3A_2583 : i32
    %sign3A_2585 = arith.constant 0 : i32
    %sign3A_2586 = arith.cmpi sgt, %jit3A_2576, %sign3A_2585 : i32
    %sign3A_2587 = arith.extui %sign3A_2586 : i1 to i32
    %sign3A_2588 = arith.constant 0 : i32
    %sign3A_2589 = arith.cmpi slt, %jit3A_2576, %sign3A_2588 : i32
    %sign3A_2590 = arith.extui %sign3A_2589 : i1 to i32
    %sign3A_2591 = arith.subi %sign3A_2587, %sign3A_2590 : i32
    %ne3A_2592 = arith.cmpi ne, %sign3A_2584, %sign3A_2591 : i32
    %rem3A_2593 = arith.remsi %add3A_2575, %jit3A_2576 : i32
    %ne3A_2594 = arith.constant 0 : i32
    %ne3A_2595 = arith.cmpi ne, %rem3A_2593, %ne3A_2594 : i32
    %and3A_2596 = arith.andi %ne3A_2592, %ne3A_2595 : i1
    %sub3A_2597 = arith.constant 1 : i32
    %sub3A_2598 = arith.subi %div3A_2577, %sub3A_2597 : i32
    %select_n3A_2599 = arith.select %and3A_2596, %sub3A_2598, %div3A_2577 : i32
    %jit3A_2600 = arith.constant 4 : i32
    %eq3A_2601 = arith.constant 0 : i32
    %eq3A_2602 = arith.cmpi eq, %jit3A_2600, %eq3A_2601 : i32
    %jit3A_2603 = arith.constant 1 : i32
    %select_n3A_2604 = arith.select %eq3A_2602, %jit3A_2603, %jit3A_2600 : i32
    %rem3A_2605 = arith.remsi %add3A_2575, %select_n3A_2604 : i32
    %ne3A_2606 = arith.constant 0 : i32
    %ne3A_2607 = arith.cmpi ne, %rem3A_2605, %ne3A_2606 : i32
    %lt3A_2608 = arith.constant 0 : i32
    %lt3A_2609 = arith.cmpi slt, %rem3A_2605, %lt3A_2608 : i32
    %lt3A_2610 = arith.constant 0 : i32
    %lt3A_2611 = arith.cmpi slt, %select_n3A_2604, %lt3A_2610 : i32
    %ne3A_2612 = arith.xori %lt3A_2609, %lt3A_2611 : i1
    %and3A_2613 = arith.andi %ne3A_2612, %ne3A_2607 : i1
    %add3A_2614 = arith.addi %rem3A_2605, %select_n3A_2604 : i32
    %select_n3A_2615 = arith.select %and3A_2613, %add3A_2614, %rem3A_2605 : i32
    %mul3A_2616 = arith.constant 4096 : i32
    %mul3A_2617 = arith.muli %select_n3A_2615, %mul3A_2616 : i32
    %dma_start3A_2618 = arith.constant 0 : i32
    %dma_start3A_2619 = tpu.memref_slice %arg6[%select_n3A_2599, %dma_start3A_2618, %mul3A_2617] : memref<200x1x16384xf32, #tpu.memory_space<hbm>> -> memref<1x1x4096xf32, #tpu.memory_space<hbm>>
    %dma_start3A_2620 = tpu.memref_squeeze %dma_start3A_2619 : memref<1x1x4096xf32, #tpu.memory_space<hbm>> -> memref<4096xf32, #tpu.memory_space<hbm>>
    %dma_start3A_2621 = tpu.memref_slice %arg6[%select_n3A_2599, %dma_start3A_2618, %mul3A_2617] : memref<200x1x16384xf32, #tpu.memory_space<hbm>> -> memref<1x1x4096xf32, #tpu.memory_space<hbm>>
    %dma_start3A_2622 = tpu.memref_squeeze %dma_start3A_2621 : memref<1x1x4096xf32, #tpu.memory_space<hbm>> -> memref<4096xf32, #tpu.memory_space<hbm>>
    tpu.enqueue_dma source(%arg14 : memref<4096xf32, #tpu.memory_space<vmem>>) target(%dma_start3A_2622 : memref<4096xf32, #tpu.memory_space<hbm>>) target_semaphore(%arg19 : memref<!tpu.dma_semaphore, #tpu.memory_space<semaphore_mem>>)
    %add3A_2623 = arith.constant 17 : i32
    %add3A_2624 = arith.addi %mul3A_2, %add3A_2623 : i32
    %jit3A_2625 = arith.constant 4 : i32
    %div3A_2626 = arith.divsi %add3A_2624, %jit3A_2625 : i32
    %sign3A_2627 = arith.constant 0 : i32
    %sign3A_2628 = arith.cmpi sgt, %add3A_2624, %sign3A_2627 : i32
    %sign3A_2629 = arith.extui %sign3A_2628 : i1 to i32
    %sign3A_2630 = arith.constant 0 : i32
    %sign3A_2631 = arith.cmpi slt, %add3A_2624, %sign3A_2630 : i32
    %sign3A_2632 = arith.extui %sign3A_2631 : i1 to i32
    %sign3A_2633 = arith.subi %sign3A_2629, %sign3A_2632 : i32
    %sign3A_2634 = arith.constant 0 : i32
    %sign3A_2635 = arith.cmpi sgt, %jit3A_2625, %sign3A_2634 : i32
    %sign3A_2636 = arith.extui %sign3A_2635 : i1 to i32
    %sign3A_2637 = arith.constant 0 : i32
    %sign3A_2638 = arith.cmpi slt, %jit3A_2625, %sign3A_2637 : i32
    %sign3A_2639 = arith.extui %sign3A_2638 : i1 to i32
    %sign3A_2640 = arith.subi %sign3A_2636, %sign3A_2639 : i32
    %ne3A_2641 = arith.cmpi ne, %sign3A_2633, %sign3A_2640 : i32
    %rem3A_2642 = arith.remsi %add3A_2624, %jit3A_2625 : i32
    %ne3A_2643 = arith.constant 0 : i32
    %ne3A_2644 = arith.cmpi ne, %rem3A_2642, %ne3A_2643 : i32
    %and3A_2645 = arith.andi %ne3A_2641, %ne3A_2644 : i1
    %sub3A_2646 = arith.constant 1 : i32
    %sub3A_2647 = arith.subi %div3A_2626, %sub3A_2646 : i32
    %select_n3A_2648 = arith.select %and3A_2645, %sub3A_2647, %div3A_2626 : i32
    %jit3A_2649 = arith.constant 4 : i32
    %eq3A_2650 = arith.constant 0 : i32
    %eq3A_2651 = arith.cmpi eq, %jit3A_2649, %eq3A_2650 : i32
    %jit3A_2652 = arith.constant 1 : i32
    %select_n3A_2653 = arith.select %eq3A_2651, %jit3A_2652, %jit3A_2649 : i32
    %rem3A_2654 = arith.remsi %add3A_2624, %select_n3A_2653 : i32
    %ne3A_2655 = arith.constant 0 : i32
    %ne3A_2656 = arith.cmpi ne, %rem3A_2654, %ne3A_2655 : i32
    %lt3A_2657 = arith.constant 0 : i32
    %lt3A_2658 = arith.cmpi slt, %rem3A_2654, %lt3A_2657 : i32
    %lt3A_2659 = arith.constant 0 : i32
    %lt3A_2660 = arith.cmpi slt, %select_n3A_2653, %lt3A_2659 : i32
    %ne3A_2661 = arith.xori %lt3A_2658, %lt3A_2660 : i1
    %and3A_2662 = arith.andi %ne3A_2661, %ne3A_2656 : i1
    %add3A_2663 = arith.addi %rem3A_2654, %select_n3A_2653 : i32
    %select_n3A_2664 = arith.select %and3A_2662, %add3A_2663, %rem3A_2654 : i32
    %mul3A_2665 = arith.constant 4096 : i32
    %mul3A_2666 = arith.muli %select_n3A_2664, %mul3A_2665 : i32
    %dma_start3A_2667 = tpu.memref_slice %arg2[%select_n3A_2648, %mul3A_2666] : memref<200x16384xi32, #tpu.memory_space<hbm>> -> memref<1x4096xi32, #tpu.memory_space<hbm>>
    %dma_start3A_2668 = tpu.memref_squeeze %dma_start3A_2667 : memref<1x4096xi32, #tpu.memory_space<hbm>> -> memref<4096xi32, #tpu.memory_space<hbm>>
    %dma_start3A_2669 = tpu.memref_slice %arg2[%select_n3A_2648, %mul3A_2666] : memref<200x16384xi32, #tpu.memory_space<hbm>> -> memref<1x4096xi32, #tpu.memory_space<hbm>>
    %dma_start3A_2670 = tpu.memref_squeeze %dma_start3A_2669 : memref<1x4096xi32, #tpu.memory_space<hbm>> -> memref<4096xi32, #tpu.memory_space<hbm>>
    tpu.enqueue_dma source(%dma_start3A_2670 : memref<4096xi32, #tpu.memory_space<hbm>>) target(%arg13 : memref<4096xi32, #tpu.memory_space<vmem>>) target_semaphore(%arg18 : memref<!tpu.dma_semaphore, #tpu.memory_space<semaphore_mem>>)
    %dma_wait3A_2671 = tpu.memref_slice %arg2[%select_n3A_2430, %mul3A_2448] : memref<200x16384xi32, #tpu.memory_space<hbm>> -> memref<1x4096xi32, #tpu.memory_space<hbm>>
    %dma_wait3A_2672 = tpu.memref_squeeze %dma_wait3A_2671 : memref<1x4096xi32, #tpu.memory_space<hbm>> -> memref<4096xi32, #tpu.memory_space<hbm>>
    %dma_wait3A_2673 = tpu.memref_slice %arg2[%select_n3A_2430, %mul3A_2448] : memref<200x16384xi32, #tpu.memory_space<hbm>> -> memref<1x4096xi32, #tpu.memory_space<hbm>>
    %dma_wait3A_2674 = tpu.memref_squeeze %dma_wait3A_2673 : memref<1x4096xi32, #tpu.memory_space<hbm>> -> memref<4096xi32, #tpu.memory_space<hbm>>
    tpu.wait_dma2 semaphore(%arg16 : memref<!tpu.dma_semaphore, #tpu.memory_space<semaphore_mem>>) src(%dma_wait3A_2674 : memref<4096xi32, #tpu.memory_space<hbm>>) dst(%arg11 : memref<4096xi32, #tpu.memory_space<vmem>>)
    %dma_wait3A_2675 = arith.constant 0 : i32
    %dma_wait3A_2676 = tpu.memref_slice %arg6[%select_n3A_2490, %dma_wait3A_2675, %mul3A_2508] : memref<200x1x16384xf32, #tpu.memory_space<hbm>> -> memref<1x1x4096xf32, #tpu.memory_space<hbm>>
    %dma_wait3A_2677 = tpu.memref_squeeze %dma_wait3A_2676 : memref<1x1x4096xf32, #tpu.memory_space<hbm>> -> memref<4096xf32, #tpu.memory_space<hbm>>
    %dma_wait3A_2678 = tpu.memref_slice %arg6[%select_n3A_2490, %dma_wait3A_2675, %mul3A_2508] : memref<200x1x16384xf32, #tpu.memory_space<hbm>> -> memref<1x1x4096xf32, #tpu.memory_space<hbm>>
    %dma_wait3A_2679 = tpu.memref_squeeze %dma_wait3A_2678 : memref<1x1x4096xf32, #tpu.memory_space<hbm>> -> memref<4096xf32, #tpu.memory_space<hbm>>
    tpu.wait_dma2 semaphore(%arg20 : memref<!tpu.dma_semaphore, #tpu.memory_space<semaphore_mem>>) src(%arg15 : memref<4096xf32, #tpu.memory_space<vmem>>) dst(%dma_wait3A_2679 : memref<4096xf32, #tpu.memory_space<hbm>>)
    %parallel_loop3A_2680 = arith.constant 0 : i32
    %parallel_loop3A_2681 = arith.constant 4096 : i32
    %parallel_loop3A_2682 = arith.constant 16 : i32
    scf.for %parallel_loop3A_3627 = %parallel_loop3A_2680 to %parallel_loop3A_2681 step %parallel_loop3A_2682  : i32 {
      %parallel_loop3A_3628 = arith.index_cast %parallel_loop3A_3627 : i32 to index
      %parallel_loop3A_3629 = tpu.vector_load %arg11[%parallel_loop3A_3628] {strides = array<i32>} : memref<4096xi32, #tpu.memory_space<vmem>>, vector<16xi32>,
      %parallel_loop3A_3630 = tpu.vector_load_idx %arg10[%parallel_loop3A_3629] : memref<16xf32, #tpu.memory_space<vmem>>[vector<16xi32>], vector<16xf32>,
      %parallel_loop3A_3631 = arith.index_cast %parallel_loop3A_3627 : i32 to index
      %parallel_loop3A_3632 = tpu.vector_load %arg15[%parallel_loop3A_3631] {strides = array<i32>} : memref<4096xf32, #tpu.memory_space<vmem>>, vector<16xf32>,
      tpu.vector_store %arg15[%parallel_loop3A_3631], %parallel_loop3A_3630 {strides = array<i32>} : memref<4096xf32, #tpu.memory_space<vmem>>, vector<16xf32>,
    } {sc.loop_unroll_factor = 8 : i64, sc.parallel_access}
    %add3A_2683 = arith.constant 15 : i32
    %add3A_2684 = arith.addi %mul3A_2, %add3A_2683 : i32
    %jit3A_2685 = arith.constant 4 : i32
    %div3A_2686 = arith.divsi %add3A_2684, %jit3A_2685 : i32
    %sign3A_2687 = arith.constant 0 : i32
    %sign3A_2688 = arith.cmpi sgt, %add3A_2684, %sign3A_2687 : i32
    %sign3A_2689 = arith.extui %sign3A_2688 : i1 to i32
    %sign3A_2690 = arith.constant 0 : i32
    %sign3A_2691 = arith.cmpi slt, %add3A_2684, %sign3A_2690 : i32
    %sign3A_2692 = arith.extui %sign3A_2691 : i1 to i32
    %sign3A_2693 = arith.subi %sign3A_2689, %sign3A_2692 : i32
    %sign3A_2694 = arith.constant 0 : i32
    %sign3A_2695 = arith.cmpi sgt, %jit3A_2685, %sign3A_2694 : i32
    %sign3A_2696 = arith.extui %sign3A_2695 : i1 to i32
    %sign3A_2697 = arith.constant 0 : i32
    %sign3A_2698 = arith.cmpi slt, %jit3A_2685, %sign3A_2697 : i32
    %sign3A_2699 = arith.extui %sign3A_2698 : i1 to i32
    %sign3A_2700 = arith.subi %sign3A_2696, %sign3A_2699 : i32
    %ne3A_2701 = arith.cmpi ne, %sign3A_2693, %sign3A_2700 : i32
    %rem3A_2702 = arith.remsi %add3A_2684, %jit3A_2685 : i32
    %ne3A_2703 = arith.constant 0 : i32
    %ne3A_2704 = arith.cmpi ne, %rem3A_2702, %ne3A_2703 : i32
    %and3A_2705 = arith.andi %ne3A_2701, %ne3A_2704 : i1
    %sub3A_2706 = arith.constant 1 : i32
    %sub3A_2707 = arith.subi %div3A_2686, %sub3A_2706 : i32
    %select_n3A_2708 = arith.select %and3A_2705, %sub3A_2707, %div3A_2686 : i32
    %jit3A_2709 = arith.constant 4 : i32
    %eq3A_2710 = arith.constant 0 : i32
    %eq3A_2711 = arith.cmpi eq, %jit3A_2709, %eq3A_2710 : i32
    %jit3A_2712 = arith.constant 1 : i32
    %select_n3A_2713 = arith.select %eq3A_2711, %jit3A_2712, %jit3A_2709 : i32
    %rem3A_2714 = arith.remsi %add3A_2684, %select_n3A_2713 : i32
    %ne3A_2715 = arith.constant 0 : i32
    %ne3A_2716 = arith.cmpi ne, %rem3A_2714, %ne3A_2715 : i32
    %lt3A_2717 = arith.constant 0 : i32
    %lt3A_2718 = arith.cmpi slt, %rem3A_2714, %lt3A_2717 : i32
    %lt3A_2719 = arith.constant 0 : i32
    %lt3A_2720 = arith.cmpi slt, %select_n3A_2713, %lt3A_2719 : i32
    %ne3A_2721 = arith.xori %lt3A_2718, %lt3A_2720 : i1
    %and3A_2722 = arith.andi %ne3A_2721, %ne3A_2716 : i1
    %add3A_2723 = arith.addi %rem3A_2714, %select_n3A_2713 : i32
    %select_n3A_2724 = arith.select %and3A_2722, %add3A_2723, %rem3A_2714 : i32
    %mul3A_2725 = arith.constant 4096 : i32
    %mul3A_2726 = arith.muli %select_n3A_2724, %mul3A_2725 : i32
    %dma_start3A_2727 = arith.constant 0 : i32
    %dma_start3A_2728 = tpu.memref_slice %arg6[%select_n3A_2708, %dma_start3A_2727, %mul3A_2726] : memref<200x1x16384xf32, #tpu.memory_space<hbm>> -> memref<1x1x4096xf32, #tpu.memory_space<hbm>>
    %dma_start3A_2729 = tpu.memref_squeeze %dma_start3A_2728 : memref<1x1x4096xf32, #tpu.memory_space<hbm>> -> memref<4096xf32, #tpu.memory_space<hbm>>
    %dma_start3A_2730 = tpu.memref_slice %arg6[%select_n3A_2708, %dma_start3A_2727, %mul3A_2726] : memref<200x1x16384xf32, #tpu.memory_space<hbm>> -> memref<1x1x4096xf32, #tpu.memory_space<hbm>>
    %dma_start3A_2731 = tpu.memref_squeeze %dma_start3A_2730 : memref<1x1x4096xf32, #tpu.memory_space<hbm>> -> memref<4096xf32, #tpu.memory_space<hbm>>
    tpu.enqueue_dma source(%arg15 : memref<4096xf32, #tpu.memory_space<vmem>>) target(%dma_start3A_2731 : memref<4096xf32, #tpu.memory_space<hbm>>) target_semaphore(%arg20 : memref<!tpu.dma_semaphore, #tpu.memory_space<semaphore_mem>>)
    %add3A_2732 = arith.constant 18 : i32
    %add3A_2733 = arith.addi %mul3A_2, %add3A_2732 : i32
    %jit3A_2734 = arith.constant 4 : i32
    %div3A_2735 = arith.divsi %add3A_2733, %jit3A_2734 : i32
    %sign3A_2736 = arith.constant 0 : i32
    %sign3A_2737 = arith.cmpi sgt, %add3A_2733, %sign3A_2736 : i32
    %sign3A_2738 = arith.extui %sign3A_2737 : i1 to i32
    %sign3A_2739 = arith.constant 0 : i32
    %sign3A_2740 = arith.cmpi slt, %add3A_2733, %sign3A_2739 : i32
    %sign3A_2741 = arith.extui %sign3A_2740 : i1 to i32
    %sign3A_2742 = arith.subi %sign3A_2738, %sign3A_2741 : i32
    %sign3A_2743 = arith.constant 0 : i32
    %sign3A_2744 = arith.cmpi sgt, %jit3A_2734, %sign3A_2743 : i32
    %sign3A_2745 = arith.extui %sign3A_2744 : i1 to i32
    %sign3A_2746 = arith.constant 0 : i32
    %sign3A_2747 = arith.cmpi slt, %jit3A_2734, %sign3A_2746 : i32
    %sign3A_2748 = arith.extui %sign3A_2747 : i1 to i32
    %sign3A_2749 = arith.subi %sign3A_2745, %sign3A_2748 : i32
    %ne3A_2750 = arith.cmpi ne, %sign3A_2742, %sign3A_2749 : i32
    %rem3A_2751 = arith.remsi %add3A_2733, %jit3A_2734 : i32
    %ne3A_2752 = arith.constant 0 : i32
    %ne3A_2753 = arith.cmpi ne, %rem3A_2751, %ne3A_2752 : i32
    %and3A_2754 = arith.andi %ne3A_2750, %ne3A_2753 : i1
    %sub3A_2755 = arith.constant 1 : i32
    %sub3A_2756 = arith.subi %div3A_2735, %sub3A_2755 : i32
    %select_n3A_2757 = arith.select %and3A_2754, %sub3A_2756, %div3A_2735 : i32
    %jit3A_2758 = arith.constant 4 : i32
    %eq3A_2759 = arith.constant 0 : i32
    %eq3A_2760 = arith.cmpi eq, %jit3A_2758, %eq3A_2759 : i32
    %jit3A_2761 = arith.constant 1 : i32
    %select_n3A_2762 = arith.select %eq3A_2760, %jit3A_2761, %jit3A_2758 : i32
    %rem3A_2763 = arith.remsi %add3A_2733, %select_n3A_2762 : i32
    %ne3A_2764 = arith.constant 0 : i32
    %ne3A_2765 = arith.cmpi ne, %rem3A_2763, %ne3A_2764 : i32
    %lt3A_2766 = arith.constant 0 : i32
    %lt3A_2767 = arith.cmpi slt, %rem3A_2763, %lt3A_2766 : i32
    %lt3A_2768 = arith.constant 0 : i32
    %lt3A_2769 = arith.cmpi slt, %select_n3A_2762, %lt3A_2768 : i32
    %ne3A_2770 = arith.xori %lt3A_2767, %lt3A_2769 : i1
    %and3A_2771 = arith.andi %ne3A_2770, %ne3A_2765 : i1
    %add3A_2772 = arith.addi %rem3A_2763, %select_n3A_2762 : i32
    %select_n3A_2773 = arith.select %and3A_2771, %add3A_2772, %rem3A_2763 : i32
    %mul3A_2774 = arith.constant 4096 : i32
    %mul3A_2775 = arith.muli %select_n3A_2773, %mul3A_2774 : i32
    %dma_start3A_2776 = tpu.memref_slice %arg2[%select_n3A_2757, %mul3A_2775] : memref<200x16384xi32, #tpu.memory_space<hbm>> -> memref<1x4096xi32, #tpu.memory_space<hbm>>
    %dma_start3A_2777 = tpu.memref_squeeze %dma_start3A_2776 : memref<1x4096xi32, #tpu.memory_space<hbm>> -> memref<4096xi32, #tpu.memory_space<hbm>>
    %dma_start3A_2778 = tpu.memref_slice %arg2[%select_n3A_2757, %mul3A_2775] : memref<200x16384xi32, #tpu.memory_space<hbm>> -> memref<1x4096xi32, #tpu.memory_space<hbm>>
    %dma_start3A_2779 = tpu.memref_squeeze %dma_start3A_2778 : memref<1x4096xi32, #tpu.memory_space<hbm>> -> memref<4096xi32, #tpu.memory_space<hbm>>
    tpu.enqueue_dma source(%dma_start3A_2779 : memref<4096xi32, #tpu.memory_space<hbm>>) target(%arg11 : memref<4096xi32, #tpu.memory_space<vmem>>) target_semaphore(%arg16 : memref<!tpu.dma_semaphore, #tpu.memory_space<semaphore_mem>>)
    %dma_wait3A_2780 = tpu.memref_slice %arg2[%select_n3A_2539, %mul3A_2557] : memref<200x16384xi32, #tpu.memory_space<hbm>> -> memref<1x4096xi32, #tpu.memory_space<hbm>>
    %dma_wait3A_2781 = tpu.memref_squeeze %dma_wait3A_2780 : memref<1x4096xi32, #tpu.memory_space<hbm>> -> memref<4096xi32, #tpu.memory_space<hbm>>
    %dma_wait3A_2782 = tpu.memref_slice %arg2[%select_n3A_2539, %mul3A_2557] : memref<200x16384xi32, #tpu.memory_space<hbm>> -> memref<1x4096xi32, #tpu.memory_space<hbm>>
    %dma_wait3A_2783 = tpu.memref_squeeze %dma_wait3A_2782 : memref<1x4096xi32, #tpu.memory_space<hbm>> -> memref<4096xi32, #tpu.memory_space<hbm>>
    tpu.wait_dma2 semaphore(%arg17 : memref<!tpu.dma_semaphore, #tpu.memory_space<semaphore_mem>>) src(%dma_wait3A_2783 : memref<4096xi32, #tpu.memory_space<hbm>>) dst(%arg12 : memref<4096xi32, #tpu.memory_space<vmem>>)
    %dma_wait3A_2784 = arith.constant 0 : i32
    %dma_wait3A_2785 = tpu.memref_slice %arg6[%select_n3A_2599, %dma_wait3A_2784, %mul3A_2617] : memref<200x1x16384xf32, #tpu.memory_space<hbm>> -> memref<1x1x4096xf32, #tpu.memory_space<hbm>>
    %dma_wait3A_2786 = tpu.memref_squeeze %dma_wait3A_2785 : memref<1x1x4096xf32, #tpu.memory_space<hbm>> -> memref<4096xf32, #tpu.memory_space<hbm>>
    %dma_wait3A_2787 = tpu.memref_slice %arg6[%select_n3A_2599, %dma_wait3A_2784, %mul3A_2617] : memref<200x1x16384xf32, #tpu.memory_space<hbm>> -> memref<1x1x4096xf32, #tpu.memory_space<hbm>>
    %dma_wait3A_2788 = tpu.memref_squeeze %dma_wait3A_2787 : memref<1x1x4096xf32, #tpu.memory_space<hbm>> -> memref<4096xf32, #tpu.memory_space<hbm>>
    tpu.wait_dma2 semaphore(%arg19 : memref<!tpu.dma_semaphore, #tpu.memory_space<semaphore_mem>>) src(%arg14 : memref<4096xf32, #tpu.memory_space<vmem>>) dst(%dma_wait3A_2788 : memref<4096xf32, #tpu.memory_space<hbm>>)
    %parallel_loop3A_2789 = arith.constant 0 : i32
    %parallel_loop3A_2790 = arith.constant 4096 : i32
    %parallel_loop3A_2791 = arith.constant 16 : i32
    scf.for %parallel_loop3A_3627 = %parallel_loop3A_2789 to %parallel_loop3A_2790 step %parallel_loop3A_2791  : i32 {
      %parallel_loop3A_3628 = arith.index_cast %parallel_loop3A_3627 : i32 to index
      %parallel_loop3A_3629 = tpu.vector_load %arg12[%parallel_loop3A_3628] {strides = array<i32>} : memref<4096xi32, #tpu.memory_space<vmem>>, vector<16xi32>,
      %parallel_loop3A_3630 = tpu.vector_load_idx %arg10[%parallel_loop3A_3629] : memref<16xf32, #tpu.memory_space<vmem>>[vector<16xi32>], vector<16xf32>,
      %parallel_loop3A_3631 = arith.index_cast %parallel_loop3A_3627 : i32 to index
      %parallel_loop3A_3632 = tpu.vector_load %arg14[%parallel_loop3A_3631] {strides = array<i32>} : memref<4096xf32, #tpu.memory_space<vmem>>, vector<16xf32>,
      tpu.vector_store %arg14[%parallel_loop3A_3631], %parallel_loop3A_3630 {strides = array<i32>} : memref<4096xf32, #tpu.memory_space<vmem>>, vector<16xf32>,
    } {sc.loop_unroll_factor = 8 : i64, sc.parallel_access}
    %add3A_2792 = arith.constant 16 : i32
    %add3A_2793 = arith.addi %mul3A_2, %add3A_2792 : i32
    %jit3A_2794 = arith.constant 4 : i32
    %div3A_2795 = arith.divsi %add3A_2793, %jit3A_2794 : i32
    %sign3A_2796 = arith.constant 0 : i32
    %sign3A_2797 = arith.cmpi sgt, %add3A_2793, %sign3A_2796 : i32
    %sign3A_2798 = arith.extui %sign3A_2797 : i1 to i32
    %sign3A_2799 = arith.constant 0 : i32
    %sign3A_2800 = arith.cmpi slt, %add3A_2793, %sign3A_2799 : i32
    %sign3A_2801 = arith.extui %sign3A_2800 : i1 to i32
    %sign3A_2802 = arith.subi %sign3A_2798, %sign3A_2801 : i32
    %sign3A_2803 = arith.constant 0 : i32
    %sign3A_2804 = arith.cmpi sgt, %jit3A_2794, %sign3A_2803 : i32
    %sign3A_2805 = arith.extui %sign3A_2804 : i1 to i32
    %sign3A_2806 = arith.constant 0 : i32
    %sign3A_2807 = arith.cmpi slt, %jit3A_2794, %sign3A_2806 : i32
    %sign3A_2808 = arith.extui %sign3A_2807 : i1 to i32
    %sign3A_2809 = arith.subi %sign3A_2805, %sign3A_2808 : i32
    %ne3A_2810 = arith.cmpi ne, %sign3A_2802, %sign3A_2809 : i32
    %rem3A_2811 = arith.remsi %add3A_2793, %jit3A_2794 : i32
    %ne3A_2812 = arith.constant 0 : i32
    %ne3A_2813 = arith.cmpi ne, %rem3A_2811, %ne3A_2812 : i32
    %and3A_2814 = arith.andi %ne3A_2810, %ne3A_2813 : i1
    %sub3A_2815 = arith.constant 1 : i32
    %sub3A_2816 = arith.subi %div3A_2795, %sub3A_2815 : i32
    %select_n3A_2817 = arith.select %and3A_2814, %sub3A_2816, %div3A_2795 : i32
    %jit3A_2818 = arith.constant 4 : i32
    %eq3A_2819 = arith.constant 0 : i32
    %eq3A_2820 = arith.cmpi eq, %jit3A_2818, %eq3A_2819 : i32
    %jit3A_2821 = arith.constant 1 : i32
    %select_n3A_2822 = arith.select %eq3A_2820, %jit3A_2821, %jit3A_2818 : i32
    %rem3A_2823 = arith.remsi %add3A_2793, %select_n3A_2822 : i32
    %ne3A_2824 = arith.constant 0 : i32
    %ne3A_2825 = arith.cmpi ne, %rem3A_2823, %ne3A_2824 : i32
    %lt3A_2826 = arith.constant 0 : i32
    %lt3A_2827 = arith.cmpi slt, %rem3A_2823, %lt3A_2826 : i32
    %lt3A_2828 = arith.constant 0 : i32
    %lt3A_2829 = arith.cmpi slt, %select_n3A_2822, %lt3A_2828 : i32
    %ne3A_2830 = arith.xori %lt3A_2827, %lt3A_2829 : i1
    %and3A_2831 = arith.andi %ne3A_2830, %ne3A_2825 : i1
    %add3A_2832 = arith.addi %rem3A_2823, %select_n3A_2822 : i32
    %select_n3A_2833 = arith.select %and3A_2831, %add3A_2832, %rem3A_2823 : i32
    %mul3A_2834 = arith.constant 4096 : i32
    %mul3A_2835 = arith.muli %select_n3A_2833, %mul3A_2834 : i32
    %dma_start3A_2836 = arith.constant 0 : i32
    %dma_start3A_2837 = tpu.memref_slice %arg6[%select_n3A_2817, %dma_start3A_2836, %mul3A_2835] : memref<200x1x16384xf32, #tpu.memory_space<hbm>> -> memref<1x1x4096xf32, #tpu.memory_space<hbm>>
    %dma_start3A_2838 = tpu.memref_squeeze %dma_start3A_2837 : memref<1x1x4096xf32, #tpu.memory_space<hbm>> -> memref<4096xf32, #tpu.memory_space<hbm>>
    %dma_start3A_2839 = tpu.memref_slice %arg6[%select_n3A_2817, %dma_start3A_2836, %mul3A_2835] : memref<200x1x16384xf32, #tpu.memory_space<hbm>> -> memref<1x1x4096xf32, #tpu.memory_space<hbm>>
    %dma_start3A_2840 = tpu.memref_squeeze %dma_start3A_2839 : memref<1x1x4096xf32, #tpu.memory_space<hbm>> -> memref<4096xf32, #tpu.memory_space<hbm>>
    tpu.enqueue_dma source(%arg14 : memref<4096xf32, #tpu.memory_space<vmem>>) target(%dma_start3A_2840 : memref<4096xf32, #tpu.memory_space<hbm>>) target_semaphore(%arg19 : memref<!tpu.dma_semaphore, #tpu.memory_space<semaphore_mem>>)
    %add3A_2841 = arith.constant 19 : i32
    %add3A_2842 = arith.addi %mul3A_2, %add3A_2841 : i32
    %jit3A_2843 = arith.constant 4 : i32
    %div3A_2844 = arith.divsi %add3A_2842, %jit3A_2843 : i32
    %sign3A_2845 = arith.constant 0 : i32
    %sign3A_2846 = arith.cmpi sgt, %add3A_2842, %sign3A_2845 : i32
    %sign3A_2847 = arith.extui %sign3A_2846 : i1 to i32
    %sign3A_2848 = arith.constant 0 : i32
    %sign3A_2849 = arith.cmpi slt, %add3A_2842, %sign3A_2848 : i32
    %sign3A_2850 = arith.extui %sign3A_2849 : i1 to i32
    %sign3A_2851 = arith.subi %sign3A_2847, %sign3A_2850 : i32
    %sign3A_2852 = arith.constant 0 : i32
    %sign3A_2853 = arith.cmpi sgt, %jit3A_2843, %sign3A_2852 : i32
    %sign3A_2854 = arith.extui %sign3A_2853 : i1 to i32
    %sign3A_2855 = arith.constant 0 : i32
    %sign3A_2856 = arith.cmpi slt, %jit3A_2843, %sign3A_2855 : i32
    %sign3A_2857 = arith.extui %sign3A_2856 : i1 to i32
    %sign3A_2858 = arith.subi %sign3A_2854, %sign3A_2857 : i32
    %ne3A_2859 = arith.cmpi ne, %sign3A_2851, %sign3A_2858 : i32
    %rem3A_2860 = arith.remsi %add3A_2842, %jit3A_2843 : i32
    %ne3A_2861 = arith.constant 0 : i32
    %ne3A_2862 = arith.cmpi ne, %rem3A_2860, %ne3A_2861 : i32
    %and3A_2863 = arith.andi %ne3A_2859, %ne3A_2862 : i1
    %sub3A_2864 = arith.constant 1 : i32
    %sub3A_2865 = arith.subi %div3A_2844, %sub3A_2864 : i32
    %select_n3A_2866 = arith.select %and3A_2863, %sub3A_2865, %div3A_2844 : i32
    %jit3A_2867 = arith.constant 4 : i32
    %eq3A_2868 = arith.constant 0 : i32
    %eq3A_2869 = arith.cmpi eq, %jit3A_2867, %eq3A_2868 : i32
    %jit3A_2870 = arith.constant 1 : i32
    %select_n3A_2871 = arith.select %eq3A_2869, %jit3A_2870, %jit3A_2867 : i32
    %rem3A_2872 = arith.remsi %add3A_2842, %select_n3A_2871 : i32
    %ne3A_2873 = arith.constant 0 : i32
    %ne3A_2874 = arith.cmpi ne, %rem3A_2872, %ne3A_2873 : i32
    %lt3A_2875 = arith.constant 0 : i32
    %lt3A_2876 = arith.cmpi slt, %rem3A_2872, %lt3A_2875 : i32
    %lt3A_2877 = arith.constant 0 : i32
    %lt3A_2878 = arith.cmpi slt, %select_n3A_2871, %lt3A_2877 : i32
    %ne3A_2879 = arith.xori %lt3A_2876, %lt3A_2878 : i1
    %and3A_2880 = arith.andi %ne3A_2879, %ne3A_2874 : i1
    %add3A_2881 = arith.addi %rem3A_2872, %select_n3A_2871 : i32
    %select_n3A_2882 = arith.select %and3A_2880, %add3A_2881, %rem3A_2872 : i32
    %mul3A_2883 = arith.constant 4096 : i32
    %mul3A_2884 = arith.muli %select_n3A_2882, %mul3A_2883 : i32
    %dma_start3A_2885 = tpu.memref_slice %arg2[%select_n3A_2866, %mul3A_2884] : memref<200x16384xi32, #tpu.memory_space<hbm>> -> memref<1x4096xi32, #tpu.memory_space<hbm>>
    %dma_start3A_2886 = tpu.memref_squeeze %dma_start3A_2885 : memref<1x4096xi32, #tpu.memory_space<hbm>> -> memref<4096xi32, #tpu.memory_space<hbm>>
    %dma_start3A_2887 = tpu.memref_slice %arg2[%select_n3A_2866, %mul3A_2884] : memref<200x16384xi32, #tpu.memory_space<hbm>> -> memref<1x4096xi32, #tpu.memory_space<hbm>>
    %dma_start3A_2888 = tpu.memref_squeeze %dma_start3A_2887 : memref<1x4096xi32, #tpu.memory_space<hbm>> -> memref<4096xi32, #tpu.memory_space<hbm>>
    tpu.enqueue_dma source(%dma_start3A_2888 : memref<4096xi32, #tpu.memory_space<hbm>>) target(%arg12 : memref<4096xi32, #tpu.memory_space<vmem>>) target_semaphore(%arg17 : memref<!tpu.dma_semaphore, #tpu.memory_space<semaphore_mem>>)
    %dma_wait3A_2889 = tpu.memref_slice %arg2[%select_n3A_2648, %mul3A_2666] : memref<200x16384xi32, #tpu.memory_space<hbm>> -> memref<1x4096xi32, #tpu.memory_space<hbm>>
    %dma_wait3A_2890 = tpu.memref_squeeze %dma_wait3A_2889 : memref<1x4096xi32, #tpu.memory_space<hbm>> -> memref<4096xi32, #tpu.memory_space<hbm>>
    %dma_wait3A_2891 = tpu.memref_slice %arg2[%select_n3A_2648, %mul3A_2666] : memref<200x16384xi32, #tpu.memory_space<hbm>> -> memref<1x4096xi32, #tpu.memory_space<hbm>>
    %dma_wait3A_2892 = tpu.memref_squeeze %dma_wait3A_2891 : memref<1x4096xi32, #tpu.memory_space<hbm>> -> memref<4096xi32, #tpu.memory_space<hbm>>
    tpu.wait_dma2 semaphore(%arg18 : memref<!tpu.dma_semaphore, #tpu.memory_space<semaphore_mem>>) src(%dma_wait3A_2892 : memref<4096xi32, #tpu.memory_space<hbm>>) dst(%arg13 : memref<4096xi32, #tpu.memory_space<vmem>>)
    %dma_wait3A_2893 = arith.constant 0 : i32
    %dma_wait3A_2894 = tpu.memref_slice %arg6[%select_n3A_2708, %dma_wait3A_2893, %mul3A_2726] : memref<200x1x16384xf32, #tpu.memory_space<hbm>> -> memref<1x1x4096xf32, #tpu.memory_space<hbm>>
    %dma_wait3A_2895 = tpu.memref_squeeze %dma_wait3A_2894 : memref<1x1x4096xf32, #tpu.memory_space<hbm>> -> memref<4096xf32, #tpu.memory_space<hbm>>
    %dma_wait3A_2896 = tpu.memref_slice %arg6[%select_n3A_2708, %dma_wait3A_2893, %mul3A_2726] : memref<200x1x16384xf32, #tpu.memory_space<hbm>> -> memref<1x1x4096xf32, #tpu.memory_space<hbm>>
    %dma_wait3A_2897 = tpu.memref_squeeze %dma_wait3A_2896 : memref<1x1x4096xf32, #tpu.memory_space<hbm>> -> memref<4096xf32, #tpu.memory_space<hbm>>
    tpu.wait_dma2 semaphore(%arg20 : memref<!tpu.dma_semaphore, #tpu.memory_space<semaphore_mem>>) src(%arg15 : memref<4096xf32, #tpu.memory_space<vmem>>) dst(%dma_wait3A_2897 : memref<4096xf32, #tpu.memory_space<hbm>>)
    %parallel_loop3A_2898 = arith.constant 0 : i32
    %parallel_loop3A_2899 = arith.constant 4096 : i32
    %parallel_loop3A_2900 = arith.constant 16 : i32
    scf.for %parallel_loop3A_3627 = %parallel_loop3A_2898 to %parallel_loop3A_2899 step %parallel_loop3A_2900  : i32 {
      %parallel_loop3A_3628 = arith.index_cast %parallel_loop3A_3627 : i32 to index
      %parallel_loop3A_3629 = tpu.vector_load %arg13[%parallel_loop3A_3628] {strides = array<i32>} : memref<4096xi32, #tpu.memory_space<vmem>>, vector<16xi32>,
      %parallel_loop3A_3630 = tpu.vector_load_idx %arg10[%parallel_loop3A_3629] : memref<16xf32, #tpu.memory_space<vmem>>[vector<16xi32>], vector<16xf32>,
      %parallel_loop3A_3631 = arith.index_cast %parallel_loop3A_3627 : i32 to index
      %parallel_loop3A_3632 = tpu.vector_load %arg15[%parallel_loop3A_3631] {strides = array<i32>} : memref<4096xf32, #tpu.memory_space<vmem>>, vector<16xf32>,
      tpu.vector_store %arg15[%parallel_loop3A_3631], %parallel_loop3A_3630 {strides = array<i32>} : memref<4096xf32, #tpu.memory_space<vmem>>, vector<16xf32>,
    } {sc.loop_unroll_factor = 8 : i64, sc.parallel_access}
    %add3A_2901 = arith.constant 17 : i32
    %add3A_2902 = arith.addi %mul3A_2, %add3A_2901 : i32
    %jit3A_2903 = arith.constant 4 : i32
    %div3A_2904 = arith.divsi %add3A_2902, %jit3A_2903 : i32
    %sign3A_2905 = arith.constant 0 : i32
    %sign3A_2906 = arith.cmpi sgt, %add3A_2902, %sign3A_2905 : i32
    %sign3A_2907 = arith.extui %sign3A_2906 : i1 to i32
    %sign3A_2908 = arith.constant 0 : i32
    %sign3A_2909 = arith.cmpi slt, %add3A_2902, %sign3A_2908 : i32
    %sign3A_2910 = arith.extui %sign3A_2909 : i1 to i32
    %sign3A_2911 = arith.subi %sign3A_2907, %sign3A_2910 : i32
    %sign3A_2912 = arith.constant 0 : i32
    %sign3A_2913 = arith.cmpi sgt, %jit3A_2903, %sign3A_2912 : i32
    %sign3A_2914 = arith.extui %sign3A_2913 : i1 to i32
    %sign3A_2915 = arith.constant 0 : i32
    %sign3A_2916 = arith.cmpi slt, %jit3A_2903, %sign3A_2915 : i32
    %sign3A_2917 = arith.extui %sign3A_2916 : i1 to i32
    %sign3A_2918 = arith.subi %sign3A_2914, %sign3A_2917 : i32
    %ne3A_2919 = arith.cmpi ne, %sign3A_2911, %sign3A_2918 : i32
    %rem3A_2920 = arith.remsi %add3A_2902, %jit3A_2903 : i32
    %ne3A_2921 = arith.constant 0 : i32
    %ne3A_2922 = arith.cmpi ne, %rem3A_2920, %ne3A_2921 : i32
    %and3A_2923 = arith.andi %ne3A_2919, %ne3A_2922 : i1
    %sub3A_2924 = arith.constant 1 : i32
    %sub3A_2925 = arith.subi %div3A_2904, %sub3A_2924 : i32
    %select_n3A_2926 = arith.select %and3A_2923, %sub3A_2925, %div3A_2904 : i32
    %jit3A_2927 = arith.constant 4 : i32
    %eq3A_2928 = arith.constant 0 : i32
    %eq3A_2929 = arith.cmpi eq, %jit3A_2927, %eq3A_2928 : i32
    %jit3A_2930 = arith.constant 1 : i32
    %select_n3A_2931 = arith.select %eq3A_2929, %jit3A_2930, %jit3A_2927 : i32
    %rem3A_2932 = arith.remsi %add3A_2902, %select_n3A_2931 : i32
    %ne3A_2933 = arith.constant 0 : i32
    %ne3A_2934 = arith.cmpi ne, %rem3A_2932, %ne3A_2933 : i32
    %lt3A_2935 = arith.constant 0 : i32
    %lt3A_2936 = arith.cmpi slt, %rem3A_2932, %lt3A_2935 : i32
    %lt3A_2937 = arith.constant 0 : i32
    %lt3A_2938 = arith.cmpi slt, %select_n3A_2931, %lt3A_2937 : i32
    %ne3A_2939 = arith.xori %lt3A_2936, %lt3A_2938 : i1
    %and3A_2940 = arith.andi %ne3A_2939, %ne3A_2934 : i1
    %add3A_2941 = arith.addi %rem3A_2932, %select_n3A_2931 : i32
    %select_n3A_2942 = arith.select %and3A_2940, %add3A_2941, %rem3A_2932 : i32
    %mul3A_2943 = arith.constant 4096 : i32
    %mul3A_2944 = arith.muli %select_n3A_2942, %mul3A_2943 : i32
    %dma_start3A_2945 = arith.constant 0 : i32
    %dma_start3A_2946 = tpu.memref_slice %arg6[%select_n3A_2926, %dma_start3A_2945, %mul3A_2944] : memref<200x1x16384xf32, #tpu.memory_space<hbm>> -> memref<1x1x4096xf32, #tpu.memory_space<hbm>>
    %dma_start3A_2947 = tpu.memref_squeeze %dma_start3A_2946 : memref<1x1x4096xf32, #tpu.memory_space<hbm>> -> memref<4096xf32, #tpu.memory_space<hbm>>
    %dma_start3A_2948 = tpu.memref_slice %arg6[%select_n3A_2926, %dma_start3A_2945, %mul3A_2944] : memref<200x1x16384xf32, #tpu.memory_space<hbm>> -> memref<1x1x4096xf32, #tpu.memory_space<hbm>>
    %dma_start3A_2949 = tpu.memref_squeeze %dma_start3A_2948 : memref<1x1x4096xf32, #tpu.memory_space<hbm>> -> memref<4096xf32, #tpu.memory_space<hbm>>
    tpu.enqueue_dma source(%arg15 : memref<4096xf32, #tpu.memory_space<vmem>>) target(%dma_start3A_2949 : memref<4096xf32, #tpu.memory_space<hbm>>) target_semaphore(%arg20 : memref<!tpu.dma_semaphore, #tpu.memory_space<semaphore_mem>>)
    %add3A_2950 = arith.constant 20 : i32
    %add3A_2951 = arith.addi %mul3A_2, %add3A_2950 : i32
    %jit3A_2952 = arith.constant 4 : i32
    %div3A_2953 = arith.divsi %add3A_2951, %jit3A_2952 : i32
    %sign3A_2954 = arith.constant 0 : i32
    %sign3A_2955 = arith.cmpi sgt, %add3A_2951, %sign3A_2954 : i32
    %sign3A_2956 = arith.extui %sign3A_2955 : i1 to i32
    %sign3A_2957 = arith.constant 0 : i32
    %sign3A_2958 = arith.cmpi slt, %add3A_2951, %sign3A_2957 : i32
    %sign3A_2959 = arith.extui %sign3A_2958 : i1 to i32
    %sign3A_2960 = arith.subi %sign3A_2956, %sign3A_2959 : i32
    %sign3A_2961 = arith.constant 0 : i32
    %sign3A_2962 = arith.cmpi sgt, %jit3A_2952, %sign3A_2961 : i32
    %sign3A_2963 = arith.extui %sign3A_2962 : i1 to i32
    %sign3A_2964 = arith.constant 0 : i32
    %sign3A_2965 = arith.cmpi slt, %jit3A_2952, %sign3A_2964 : i32
    %sign3A_2966 = arith.extui %sign3A_2965 : i1 to i32
    %sign3A_2967 = arith.subi %sign3A_2963, %sign3A_2966 : i32
    %ne3A_2968 = arith.cmpi ne, %sign3A_2960, %sign3A_2967 : i32
    %rem3A_2969 = arith.remsi %add3A_2951, %jit3A_2952 : i32
    %ne3A_2970 = arith.constant 0 : i32
    %ne3A_2971 = arith.cmpi ne, %rem3A_2969, %ne3A_2970 : i32
    %and3A_2972 = arith.andi %ne3A_2968, %ne3A_2971 : i1
    %sub3A_2973 = arith.constant 1 : i32
    %sub3A_2974 = arith.subi %div3A_2953, %sub3A_2973 : i32
    %select_n3A_2975 = arith.select %and3A_2972, %sub3A_2974, %div3A_2953 : i32
    %jit3A_2976 = arith.constant 4 : i32
    %eq3A_2977 = arith.constant 0 : i32
    %eq3A_2978 = arith.cmpi eq, %jit3A_2976, %eq3A_2977 : i32
    %jit3A_2979 = arith.constant 1 : i32
    %select_n3A_2980 = arith.select %eq3A_2978, %jit3A_2979, %jit3A_2976 : i32
    %rem3A_2981 = arith.remsi %add3A_2951, %select_n3A_2980 : i32
    %ne3A_2982 = arith.constant 0 : i32
    %ne3A_2983 = arith.cmpi ne, %rem3A_2981, %ne3A_2982 : i32
    %lt3A_2984 = arith.constant 0 : i32
    %lt3A_2985 = arith.cmpi slt, %rem3A_2981, %lt3A_2984 : i32
    %lt3A_2986 = arith.constant 0 : i32
    %lt3A_2987 = arith.cmpi slt, %select_n3A_2980, %lt3A_2986 : i32
    %ne3A_2988 = arith.xori %lt3A_2985, %lt3A_2987 : i1
    %and3A_2989 = arith.andi %ne3A_2988, %ne3A_2983 : i1
    %add3A_2990 = arith.addi %rem3A_2981, %select_n3A_2980 : i32
    %select_n3A_2991 = arith.select %and3A_2989, %add3A_2990, %rem3A_2981 : i32
    %mul3A_2992 = arith.constant 4096 : i32
    %mul3A_2993 = arith.muli %select_n3A_2991, %mul3A_2992 : i32
    %dma_start3A_2994 = tpu.memref_slice %arg2[%select_n3A_2975, %mul3A_2993] : memref<200x16384xi32, #tpu.memory_space<hbm>> -> memref<1x4096xi32, #tpu.memory_space<hbm>>
    %dma_start3A_2995 = tpu.memref_squeeze %dma_start3A_2994 : memref<1x4096xi32, #tpu.memory_space<hbm>> -> memref<4096xi32, #tpu.memory_space<hbm>>
    %dma_start3A_2996 = tpu.memref_slice %arg2[%select_n3A_2975, %mul3A_2993] : memref<200x16384xi32, #tpu.memory_space<hbm>> -> memref<1x4096xi32, #tpu.memory_space<hbm>>
    %dma_start3A_2997 = tpu.memref_squeeze %dma_start3A_2996 : memref<1x4096xi32, #tpu.memory_space<hbm>> -> memref<4096xi32, #tpu.memory_space<hbm>>
    tpu.enqueue_dma source(%dma_start3A_2997 : memref<4096xi32, #tpu.memory_space<hbm>>) target(%arg13 : memref<4096xi32, #tpu.memory_space<vmem>>) target_semaphore(%arg18 : memref<!tpu.dma_semaphore, #tpu.memory_space<semaphore_mem>>)
    %dma_wait3A_2998 = tpu.memref_slice %arg2[%select_n3A_2757, %mul3A_2775] : memref<200x16384xi32, #tpu.memory_space<hbm>> -> memref<1x4096xi32, #tpu.memory_space<hbm>>
    %dma_wait3A_2999 = tpu.memref_squeeze %dma_wait3A_2998 : memref<1x4096xi32, #tpu.memory_space<hbm>> -> memref<4096xi32, #tpu.memory_space<hbm>>
    %dma_wait3A_3000 = tpu.memref_slice %arg2[%select_n3A_2757, %mul3A_2775] : memref<200x16384xi32, #tpu.memory_space<hbm>> -> memref<1x4096xi32, #tpu.memory_space<hbm>>
    %dma_wait3A_3001 = tpu.memref_squeeze %dma_wait3A_3000 : memref<1x4096xi32, #tpu.memory_space<hbm>> -> memref<4096xi32, #tpu.memory_space<hbm>>
    tpu.wait_dma2 semaphore(%arg16 : memref<!tpu.dma_semaphore, #tpu.memory_space<semaphore_mem>>) src(%dma_wait3A_3001 : memref<4096xi32, #tpu.memory_space<hbm>>) dst(%arg11 : memref<4096xi32, #tpu.memory_space<vmem>>)
    %dma_wait3A_3002 = arith.constant 0 : i32
    %dma_wait3A_3003 = tpu.memref_slice %arg6[%select_n3A_2817, %dma_wait3A_3002, %mul3A_2835] : memref<200x1x16384xf32, #tpu.memory_space<hbm>> -> memref<1x1x4096xf32, #tpu.memory_space<hbm>>
    %dma_wait3A_3004 = tpu.memref_squeeze %dma_wait3A_3003 : memref<1x1x4096xf32, #tpu.memory_space<hbm>> -> memref<4096xf32, #tpu.memory_space<hbm>>
    %dma_wait3A_3005 = tpu.memref_slice %arg6[%select_n3A_2817, %dma_wait3A_3002, %mul3A_2835] : memref<200x1x16384xf32, #tpu.memory_space<hbm>> -> memref<1x1x4096xf32, #tpu.memory_space<hbm>>
    %dma_wait3A_3006 = tpu.memref_squeeze %dma_wait3A_3005 : memref<1x1x4096xf32, #tpu.memory_space<hbm>> -> memref<4096xf32, #tpu.memory_space<hbm>>
    tpu.wait_dma2 semaphore(%arg19 : memref<!tpu.dma_semaphore, #tpu.memory_space<semaphore_mem>>) src(%arg14 : memref<4096xf32, #tpu.memory_space<vmem>>) dst(%dma_wait3A_3006 : memref<4096xf32, #tpu.memory_space<hbm>>)
    %parallel_loop3A_3007 = arith.constant 0 : i32
    %parallel_loop3A_3008 = arith.constant 4096 : i32
    %parallel_loop3A_3009 = arith.constant 16 : i32
    scf.for %parallel_loop3A_3627 = %parallel_loop3A_3007 to %parallel_loop3A_3008 step %parallel_loop3A_3009  : i32 {
      %parallel_loop3A_3628 = arith.index_cast %parallel_loop3A_3627 : i32 to index
      %parallel_loop3A_3629 = tpu.vector_load %arg11[%parallel_loop3A_3628] {strides = array<i32>} : memref<4096xi32, #tpu.memory_space<vmem>>, vector<16xi32>,
      %parallel_loop3A_3630 = tpu.vector_load_idx %arg10[%parallel_loop3A_3629] : memref<16xf32, #tpu.memory_space<vmem>>[vector<16xi32>], vector<16xf32>,
      %parallel_loop3A_3631 = arith.index_cast %parallel_loop3A_3627 : i32 to index
      %parallel_loop3A_3632 = tpu.vector_load %arg14[%parallel_loop3A_3631] {strides = array<i32>} : memref<4096xf32, #tpu.memory_space<vmem>>, vector<16xf32>,
      tpu.vector_store %arg14[%parallel_loop3A_3631], %parallel_loop3A_3630 {strides = array<i32>} : memref<4096xf32, #tpu.memory_space<vmem>>, vector<16xf32>,
    } {sc.loop_unroll_factor = 8 : i64, sc.parallel_access}
    %add3A_3010 = arith.constant 18 : i32
    %add3A_3011 = arith.addi %mul3A_2, %add3A_3010 : i32
    %jit3A_3012 = arith.constant 4 : i32
    %div3A_3013 = arith.divsi %add3A_3011, %jit3A_3012 : i32
    %sign3A_3014 = arith.constant 0 : i32
    %sign3A_3015 = arith.cmpi sgt, %add3A_3011, %sign3A_3014 : i32
    %sign3A_3016 = arith.extui %sign3A_3015 : i1 to i32
    %sign3A_3017 = arith.constant 0 : i32
    %sign3A_3018 = arith.cmpi slt, %add3A_3011, %sign3A_3017 : i32
    %sign3A_3019 = arith.extui %sign3A_3018 : i1 to i32
    %sign3A_3020 = arith.subi %sign3A_3016, %sign3A_3019 : i32
    %sign3A_3021 = arith.constant 0 : i32
    %sign3A_3022 = arith.cmpi sgt, %jit3A_3012, %sign3A_3021 : i32
    %sign3A_3023 = arith.extui %sign3A_3022 : i1 to i32
    %sign3A_3024 = arith.constant 0 : i32
    %sign3A_3025 = arith.cmpi slt, %jit3A_3012, %sign3A_3024 : i32
    %sign3A_3026 = arith.extui %sign3A_3025 : i1 to i32
    %sign3A_3027 = arith.subi %sign3A_3023, %sign3A_3026 : i32
    %ne3A_3028 = arith.cmpi ne, %sign3A_3020, %sign3A_3027 : i32
    %rem3A_3029 = arith.remsi %add3A_3011, %jit3A_3012 : i32
    %ne3A_3030 = arith.constant 0 : i32
    %ne3A_3031 = arith.cmpi ne, %rem3A_3029, %ne3A_3030 : i32
    %and3A_3032 = arith.andi %ne3A_3028, %ne3A_3031 : i1
    %sub3A_3033 = arith.constant 1 : i32
    %sub3A_3034 = arith.subi %div3A_3013, %sub3A_3033 : i32
    %select_n3A_3035 = arith.select %and3A_3032, %sub3A_3034, %div3A_3013 : i32
    %jit3A_3036 = arith.constant 4 : i32
    %eq3A_3037 = arith.constant 0 : i32
    %eq3A_3038 = arith.cmpi eq, %jit3A_3036, %eq3A_3037 : i32
    %jit3A_3039 = arith.constant 1 : i32
    %select_n3A_3040 = arith.select %eq3A_3038, %jit3A_3039, %jit3A_3036 : i32
    %rem3A_3041 = arith.remsi %add3A_3011, %select_n3A_3040 : i32
    %ne3A_3042 = arith.constant 0 : i32
    %ne3A_3043 = arith.cmpi ne, %rem3A_3041, %ne3A_3042 : i32
    %lt3A_3044 = arith.constant 0 : i32
    %lt3A_3045 = arith.cmpi slt, %rem3A_3041, %lt3A_3044 : i32
    %lt3A_3046 = arith.constant 0 : i32
    %lt3A_3047 = arith.cmpi slt, %select_n3A_3040, %lt3A_3046 : i32
    %ne3A_3048 = arith.xori %lt3A_3045, %lt3A_3047 : i1
    %and3A_3049 = arith.andi %ne3A_3048, %ne3A_3043 : i1
    %add3A_3050 = arith.addi %rem3A_3041, %select_n3A_3040 : i32
    %select_n3A_3051 = arith.select %and3A_3049, %add3A_3050, %rem3A_3041 : i32
    %mul3A_3052 = arith.constant 4096 : i32
    %mul3A_3053 = arith.muli %select_n3A_3051, %mul3A_3052 : i32
    %dma_start3A_3054 = arith.constant 0 : i32
    %dma_start3A_3055 = tpu.memref_slice %arg6[%select_n3A_3035, %dma_start3A_3054, %mul3A_3053] : memref<200x1x16384xf32, #tpu.memory_space<hbm>> -> memref<1x1x4096xf32, #tpu.memory_space<hbm>>
    %dma_start3A_3056 = tpu.memref_squeeze %dma_start3A_3055 : memref<1x1x4096xf32, #tpu.memory_space<hbm>> -> memref<4096xf32, #tpu.memory_space<hbm>>
    %dma_start3A_3057 = tpu.memref_slice %arg6[%select_n3A_3035, %dma_start3A_3054, %mul3A_3053] : memref<200x1x16384xf32, #tpu.memory_space<hbm>> -> memref<1x1x4096xf32, #tpu.memory_space<hbm>>
    %dma_start3A_3058 = tpu.memref_squeeze %dma_start3A_3057 : memref<1x1x4096xf32, #tpu.memory_space<hbm>> -> memref<4096xf32, #tpu.memory_space<hbm>>
    tpu.enqueue_dma source(%arg14 : memref<4096xf32, #tpu.memory_space<vmem>>) target(%dma_start3A_3058 : memref<4096xf32, #tpu.memory_space<hbm>>) target_semaphore(%arg19 : memref<!tpu.dma_semaphore, #tpu.memory_space<semaphore_mem>>)
    %add3A_3059 = arith.constant 21 : i32
    %add3A_3060 = arith.addi %mul3A_2, %add3A_3059 : i32
    %jit3A_3061 = arith.constant 4 : i32
    %div3A_3062 = arith.divsi %add3A_3060, %jit3A_3061 : i32
    %sign3A_3063 = arith.constant 0 : i32
    %sign3A_3064 = arith.cmpi sgt, %add3A_3060, %sign3A_3063 : i32
    %sign3A_3065 = arith.extui %sign3A_3064 : i1 to i32
    %sign3A_3066 = arith.constant 0 : i32
    %sign3A_3067 = arith.cmpi slt, %add3A_3060, %sign3A_3066 : i32
    %sign3A_3068 = arith.extui %sign3A_3067 : i1 to i32
    %sign3A_3069 = arith.subi %sign3A_3065, %sign3A_3068 : i32
    %sign3A_3070 = arith.constant 0 : i32
    %sign3A_3071 = arith.cmpi sgt, %jit3A_3061, %sign3A_3070 : i32
    %sign3A_3072 = arith.extui %sign3A_3071 : i1 to i32
    %sign3A_3073 = arith.constant 0 : i32
    %sign3A_3074 = arith.cmpi slt, %jit3A_3061, %sign3A_3073 : i32
    %sign3A_3075 = arith.extui %sign3A_3074 : i1 to i32
    %sign3A_3076 = arith.subi %sign3A_3072, %sign3A_3075 : i32
    %ne3A_3077 = arith.cmpi ne, %sign3A_3069, %sign3A_3076 : i32
    %rem3A_3078 = arith.remsi %add3A_3060, %jit3A_3061 : i32
    %ne3A_3079 = arith.constant 0 : i32
    %ne3A_3080 = arith.cmpi ne, %rem3A_3078, %ne3A_3079 : i32
    %and3A_3081 = arith.andi %ne3A_3077, %ne3A_3080 : i1
    %sub3A_3082 = arith.constant 1 : i32
    %sub3A_3083 = arith.subi %div3A_3062, %sub3A_3082 : i32
    %select_n3A_3084 = arith.select %and3A_3081, %sub3A_3083, %div3A_3062 : i32
    %jit3A_3085 = arith.constant 4 : i32
    %eq3A_3086 = arith.constant 0 : i32
    %eq3A_3087 = arith.cmpi eq, %jit3A_3085, %eq3A_3086 : i32
    %jit3A_3088 = arith.constant 1 : i32
    %select_n3A_3089 = arith.select %eq3A_3087, %jit3A_3088, %jit3A_3085 : i32
    %rem3A_3090 = arith.remsi %add3A_3060, %select_n3A_3089 : i32
    %ne3A_3091 = arith.constant 0 : i32
    %ne3A_3092 = arith.cmpi ne, %rem3A_3090, %ne3A_3091 : i32
    %lt3A_3093 = arith.constant 0 : i32
    %lt3A_3094 = arith.cmpi slt, %rem3A_3090, %lt3A_3093 : i32
    %lt3A_3095 = arith.constant 0 : i32
    %lt3A_3096 = arith.cmpi slt, %select_n3A_3089, %lt3A_3095 : i32
    %ne3A_3097 = arith.xori %lt3A_3094, %lt3A_3096 : i1
    %and3A_3098 = arith.andi %ne3A_3097, %ne3A_3092 : i1
    %add3A_3099 = arith.addi %rem3A_3090, %select_n3A_3089 : i32
    %select_n3A_3100 = arith.select %and3A_3098, %add3A_3099, %rem3A_3090 : i32
    %mul3A_3101 = arith.constant 4096 : i32
    %mul3A_3102 = arith.muli %select_n3A_3100, %mul3A_3101 : i32
    %dma_start3A_3103 = tpu.memref_slice %arg2[%select_n3A_3084, %mul3A_3102] : memref<200x16384xi32, #tpu.memory_space<hbm>> -> memref<1x4096xi32, #tpu.memory_space<hbm>>
    %dma_start3A_3104 = tpu.memref_squeeze %dma_start3A_3103 : memref<1x4096xi32, #tpu.memory_space<hbm>> -> memref<4096xi32, #tpu.memory_space<hbm>>
    %dma_start3A_3105 = tpu.memref_slice %arg2[%select_n3A_3084, %mul3A_3102] : memref<200x16384xi32, #tpu.memory_space<hbm>> -> memref<1x4096xi32, #tpu.memory_space<hbm>>
    %dma_start3A_3106 = tpu.memref_squeeze %dma_start3A_3105 : memref<1x4096xi32, #tpu.memory_space<hbm>> -> memref<4096xi32, #tpu.memory_space<hbm>>
    tpu.enqueue_dma source(%dma_start3A_3106 : memref<4096xi32, #tpu.memory_space<hbm>>) target(%arg11 : memref<4096xi32, #tpu.memory_space<vmem>>) target_semaphore(%arg16 : memref<!tpu.dma_semaphore, #tpu.memory_space<semaphore_mem>>)
    %dma_wait3A_3107 = tpu.memref_slice %arg2[%select_n3A_2866, %mul3A_2884] : memref<200x16384xi32, #tpu.memory_space<hbm>> -> memref<1x4096xi32, #tpu.memory_space<hbm>>
    %dma_wait3A_3108 = tpu.memref_squeeze %dma_wait3A_3107 : memref<1x4096xi32, #tpu.memory_space<hbm>> -> memref<4096xi32, #tpu.memory_space<hbm>>
    %dma_wait3A_3109 = tpu.memref_slice %arg2[%select_n3A_2866, %mul3A_2884] : memref<200x16384xi32, #tpu.memory_space<hbm>> -> memref<1x4096xi32, #tpu.memory_space<hbm>>
    %dma_wait3A_3110 = tpu.memref_squeeze %dma_wait3A_3109 : memref<1x4096xi32, #tpu.memory_space<hbm>> -> memref<4096xi32, #tpu.memory_space<hbm>>
    tpu.wait_dma2 semaphore(%arg17 : memref<!tpu.dma_semaphore, #tpu.memory_space<semaphore_mem>>) src(%dma_wait3A_3110 : memref<4096xi32, #tpu.memory_space<hbm>>) dst(%arg12 : memref<4096xi32, #tpu.memory_space<vmem>>)
    %dma_wait3A_3111 = arith.constant 0 : i32
    %dma_wait3A_3112 = tpu.memref_slice %arg6[%select_n3A_2926, %dma_wait3A_3111, %mul3A_2944] : memref<200x1x16384xf32, #tpu.memory_space<hbm>> -> memref<1x1x4096xf32, #tpu.memory_space<hbm>>
    %dma_wait3A_3113 = tpu.memref_squeeze %dma_wait3A_3112 : memref<1x1x4096xf32, #tpu.memory_space<hbm>> -> memref<4096xf32, #tpu.memory_space<hbm>>
    %dma_wait3A_3114 = tpu.memref_slice %arg6[%select_n3A_2926, %dma_wait3A_3111, %mul3A_2944] : memref<200x1x16384xf32, #tpu.memory_space<hbm>> -> memref<1x1x4096xf32, #tpu.memory_space<hbm>>
    %dma_wait3A_3115 = tpu.memref_squeeze %dma_wait3A_3114 : memref<1x1x4096xf32, #tpu.memory_space<hbm>> -> memref<4096xf32, #tpu.memory_space<hbm>>
    tpu.wait_dma2 semaphore(%arg20 : memref<!tpu.dma_semaphore, #tpu.memory_space<semaphore_mem>>) src(%arg15 : memref<4096xf32, #tpu.memory_space<vmem>>) dst(%dma_wait3A_3115 : memref<4096xf32, #tpu.memory_space<hbm>>)
    %parallel_loop3A_3116 = arith.constant 0 : i32
    %parallel_loop3A_3117 = arith.constant 4096 : i32
    %parallel_loop3A_3118 = arith.constant 16 : i32
    scf.for %parallel_loop3A_3627 = %parallel_loop3A_3116 to %parallel_loop3A_3117 step %parallel_loop3A_3118  : i32 {
      %parallel_loop3A_3628 = arith.index_cast %parallel_loop3A_3627 : i32 to index
      %parallel_loop3A_3629 = tpu.vector_load %arg12[%parallel_loop3A_3628] {strides = array<i32>} : memref<4096xi32, #tpu.memory_space<vmem>>, vector<16xi32>,
      %parallel_loop3A_3630 = tpu.vector_load_idx %arg10[%parallel_loop3A_3629] : memref<16xf32, #tpu.memory_space<vmem>>[vector<16xi32>], vector<16xf32>,
      %parallel_loop3A_3631 = arith.index_cast %parallel_loop3A_3627 : i32 to index
      %parallel_loop3A_3632 = tpu.vector_load %arg15[%parallel_loop3A_3631] {strides = array<i32>} : memref<4096xf32, #tpu.memory_space<vmem>>, vector<16xf32>,
      tpu.vector_store %arg15[%parallel_loop3A_3631], %parallel_loop3A_3630 {strides = array<i32>} : memref<4096xf32, #tpu.memory_space<vmem>>, vector<16xf32>,
    } {sc.loop_unroll_factor = 8 : i64, sc.parallel_access}
    %add3A_3119 = arith.constant 19 : i32
    %add3A_3120 = arith.addi %mul3A_2, %add3A_3119 : i32
    %jit3A_3121 = arith.constant 4 : i32
    %div3A_3122 = arith.divsi %add3A_3120, %jit3A_3121 : i32
    %sign3A_3123 = arith.constant 0 : i32
    %sign3A_3124 = arith.cmpi sgt, %add3A_3120, %sign3A_3123 : i32
    %sign3A_3125 = arith.extui %sign3A_3124 : i1 to i32
    %sign3A_3126 = arith.constant 0 : i32
    %sign3A_3127 = arith.cmpi slt, %add3A_3120, %sign3A_3126 : i32
    %sign3A_3128 = arith.extui %sign3A_3127 : i1 to i32
    %sign3A_3129 = arith.subi %sign3A_3125, %sign3A_3128 : i32
    %sign3A_3130 = arith.constant 0 : i32
    %sign3A_3131 = arith.cmpi sgt, %jit3A_3121, %sign3A_3130 : i32
    %sign3A_3132 = arith.extui %sign3A_3131 : i1 to i32
    %sign3A_3133 = arith.constant 0 : i32
    %sign3A_3134 = arith.cmpi slt, %jit3A_3121, %sign3A_3133 : i32
    %sign3A_3135 = arith.extui %sign3A_3134 : i1 to i32
    %sign3A_3136 = arith.subi %sign3A_3132, %sign3A_3135 : i32
    %ne3A_3137 = arith.cmpi ne, %sign3A_3129, %sign3A_3136 : i32
    %rem3A_3138 = arith.remsi %add3A_3120, %jit3A_3121 : i32
    %ne3A_3139 = arith.constant 0 : i32
    %ne3A_3140 = arith.cmpi ne, %rem3A_3138, %ne3A_3139 : i32
    %and3A_3141 = arith.andi %ne3A_3137, %ne3A_3140 : i1
    %sub3A_3142 = arith.constant 1 : i32
    %sub3A_3143 = arith.subi %div3A_3122, %sub3A_3142 : i32
    %select_n3A_3144 = arith.select %and3A_3141, %sub3A_3143, %div3A_3122 : i32
    %jit3A_3145 = arith.constant 4 : i32
    %eq3A_3146 = arith.constant 0 : i32
    %eq3A_3147 = arith.cmpi eq, %jit3A_3145, %eq3A_3146 : i32
    %jit3A_3148 = arith.constant 1 : i32
    %select_n3A_3149 = arith.select %eq3A_3147, %jit3A_3148, %jit3A_3145 : i32
    %rem3A_3150 = arith.remsi %add3A_3120, %select_n3A_3149 : i32
    %ne3A_3151 = arith.constant 0 : i32
    %ne3A_3152 = arith.cmpi ne, %rem3A_3150, %ne3A_3151 : i32
    %lt3A_3153 = arith.constant 0 : i32
    %lt3A_3154 = arith.cmpi slt, %rem3A_3150, %lt3A_3153 : i32
    %lt3A_3155 = arith.constant 0 : i32
    %lt3A_3156 = arith.cmpi slt, %select_n3A_3149, %lt3A_3155 : i32
    %ne3A_3157 = arith.xori %lt3A_3154, %lt3A_3156 : i1
    %and3A_3158 = arith.andi %ne3A_3157, %ne3A_3152 : i1
    %add3A_3159 = arith.addi %rem3A_3150, %select_n3A_3149 : i32
    %select_n3A_3160 = arith.select %and3A_3158, %add3A_3159, %rem3A_3150 : i32
    %mul3A_3161 = arith.constant 4096 : i32
    %mul3A_3162 = arith.muli %select_n3A_3160, %mul3A_3161 : i32
    %dma_start3A_3163 = arith.constant 0 : i32
    %dma_start3A_3164 = tpu.memref_slice %arg6[%select_n3A_3144, %dma_start3A_3163, %mul3A_3162] : memref<200x1x16384xf32, #tpu.memory_space<hbm>> -> memref<1x1x4096xf32, #tpu.memory_space<hbm>>
    %dma_start3A_3165 = tpu.memref_squeeze %dma_start3A_3164 : memref<1x1x4096xf32, #tpu.memory_space<hbm>> -> memref<4096xf32, #tpu.memory_space<hbm>>
    %dma_start3A_3166 = tpu.memref_slice %arg6[%select_n3A_3144, %dma_start3A_3163, %mul3A_3162] : memref<200x1x16384xf32, #tpu.memory_space<hbm>> -> memref<1x1x4096xf32, #tpu.memory_space<hbm>>
    %dma_start3A_3167 = tpu.memref_squeeze %dma_start3A_3166 : memref<1x1x4096xf32, #tpu.memory_space<hbm>> -> memref<4096xf32, #tpu.memory_space<hbm>>
    tpu.enqueue_dma source(%arg15 : memref<4096xf32, #tpu.memory_space<vmem>>) target(%dma_start3A_3167 : memref<4096xf32, #tpu.memory_space<hbm>>) target_semaphore(%arg20 : memref<!tpu.dma_semaphore, #tpu.memory_space<semaphore_mem>>)
    %add3A_3168 = arith.constant 22 : i32
    %add3A_3169 = arith.addi %mul3A_2, %add3A_3168 : i32
    %jit3A_3170 = arith.constant 4 : i32
    %div3A_3171 = arith.divsi %add3A_3169, %jit3A_3170 : i32
    %sign3A_3172 = arith.constant 0 : i32
    %sign3A_3173 = arith.cmpi sgt, %add3A_3169, %sign3A_3172 : i32
    %sign3A_3174 = arith.extui %sign3A_3173 : i1 to i32
    %sign3A_3175 = arith.constant 0 : i32
    %sign3A_3176 = arith.cmpi slt, %add3A_3169, %sign3A_3175 : i32
    %sign3A_3177 = arith.extui %sign3A_3176 : i1 to i32
    %sign3A_3178 = arith.subi %sign3A_3174, %sign3A_3177 : i32
    %sign3A_3179 = arith.constant 0 : i32
    %sign3A_3180 = arith.cmpi sgt, %jit3A_3170, %sign3A_3179 : i32
    %sign3A_3181 = arith.extui %sign3A_3180 : i1 to i32
    %sign3A_3182 = arith.constant 0 : i32
    %sign3A_3183 = arith.cmpi slt, %jit3A_3170, %sign3A_3182 : i32
    %sign3A_3184 = arith.extui %sign3A_3183 : i1 to i32
    %sign3A_3185 = arith.subi %sign3A_3181, %sign3A_3184 : i32
    %ne3A_3186 = arith.cmpi ne, %sign3A_3178, %sign3A_3185 : i32
    %rem3A_3187 = arith.remsi %add3A_3169, %jit3A_3170 : i32
    %ne3A_3188 = arith.constant 0 : i32
    %ne3A_3189 = arith.cmpi ne, %rem3A_3187, %ne3A_3188 : i32
    %and3A_3190 = arith.andi %ne3A_3186, %ne3A_3189 : i1
    %sub3A_3191 = arith.constant 1 : i32
    %sub3A_3192 = arith.subi %div3A_3171, %sub3A_3191 : i32
    %select_n3A_3193 = arith.select %and3A_3190, %sub3A_3192, %div3A_3171 : i32
    %jit3A_3194 = arith.constant 4 : i32
    %eq3A_3195 = arith.constant 0 : i32
    %eq3A_3196 = arith.cmpi eq, %jit3A_3194, %eq3A_3195 : i32
    %jit3A_3197 = arith.constant 1 : i32
    %select_n3A_3198 = arith.select %eq3A_3196, %jit3A_3197, %jit3A_3194 : i32
    %rem3A_3199 = arith.remsi %add3A_3169, %select_n3A_3198 : i32
    %ne3A_3200 = arith.constant 0 : i32
    %ne3A_3201 = arith.cmpi ne, %rem3A_3199, %ne3A_3200 : i32
    %lt3A_3202 = arith.constant 0 : i32
    %lt3A_3203 = arith.cmpi slt, %rem3A_3199, %lt3A_3202 : i32
    %lt3A_3204 = arith.constant 0 : i32
    %lt3A_3205 = arith.cmpi slt, %select_n3A_3198, %lt3A_3204 : i32
    %ne3A_3206 = arith.xori %lt3A_3203, %lt3A_3205 : i1
    %and3A_3207 = arith.andi %ne3A_3206, %ne3A_3201 : i1
    %add3A_3208 = arith.addi %rem3A_3199, %select_n3A_3198 : i32
    %select_n3A_3209 = arith.select %and3A_3207, %add3A_3208, %rem3A_3199 : i32
    %mul3A_3210 = arith.constant 4096 : i32
    %mul3A_3211 = arith.muli %select_n3A_3209, %mul3A_3210 : i32
    %dma_start3A_3212 = tpu.memref_slice %arg2[%select_n3A_3193, %mul3A_3211] : memref<200x16384xi32, #tpu.memory_space<hbm>> -> memref<1x4096xi32, #tpu.memory_space<hbm>>
    %dma_start3A_3213 = tpu.memref_squeeze %dma_start3A_3212 : memref<1x4096xi32, #tpu.memory_space<hbm>> -> memref<4096xi32, #tpu.memory_space<hbm>>
    %dma_start3A_3214 = tpu.memref_slice %arg2[%select_n3A_3193, %mul3A_3211] : memref<200x16384xi32, #tpu.memory_space<hbm>> -> memref<1x4096xi32, #tpu.memory_space<hbm>>
    %dma_start3A_3215 = tpu.memref_squeeze %dma_start3A_3214 : memref<1x4096xi32, #tpu.memory_space<hbm>> -> memref<4096xi32, #tpu.memory_space<hbm>>
    tpu.enqueue_dma source(%dma_start3A_3215 : memref<4096xi32, #tpu.memory_space<hbm>>) target(%arg12 : memref<4096xi32, #tpu.memory_space<vmem>>) target_semaphore(%arg17 : memref<!tpu.dma_semaphore, #tpu.memory_space<semaphore_mem>>)
    %dma_wait3A_3216 = tpu.memref_slice %arg2[%select_n3A_2975, %mul3A_2993] : memref<200x16384xi32, #tpu.memory_space<hbm>> -> memref<1x4096xi32, #tpu.memory_space<hbm>>
    %dma_wait3A_3217 = tpu.memref_squeeze %dma_wait3A_3216 : memref<1x4096xi32, #tpu.memory_space<hbm>> -> memref<4096xi32, #tpu.memory_space<hbm>>
    %dma_wait3A_3218 = tpu.memref_slice %arg2[%select_n3A_2975, %mul3A_2993] : memref<200x16384xi32, #tpu.memory_space<hbm>> -> memref<1x4096xi32, #tpu.memory_space<hbm>>
    %dma_wait3A_3219 = tpu.memref_squeeze %dma_wait3A_3218 : memref<1x4096xi32, #tpu.memory_space<hbm>> -> memref<4096xi32, #tpu.memory_space<hbm>>
    tpu.wait_dma2 semaphore(%arg18 : memref<!tpu.dma_semaphore, #tpu.memory_space<semaphore_mem>>) src(%dma_wait3A_3219 : memref<4096xi32, #tpu.memory_space<hbm>>) dst(%arg13 : memref<4096xi32, #tpu.memory_space<vmem>>)
    %dma_wait3A_3220 = arith.constant 0 : i32
    %dma_wait3A_3221 = tpu.memref_slice %arg6[%select_n3A_3035, %dma_wait3A_3220, %mul3A_3053] : memref<200x1x16384xf32, #tpu.memory_space<hbm>> -> memref<1x1x4096xf32, #tpu.memory_space<hbm>>
    %dma_wait3A_3222 = tpu.memref_squeeze %dma_wait3A_3221 : memref<1x1x4096xf32, #tpu.memory_space<hbm>> -> memref<4096xf32, #tpu.memory_space<hbm>>
    %dma_wait3A_3223 = tpu.memref_slice %arg6[%select_n3A_3035, %dma_wait3A_3220, %mul3A_3053] : memref<200x1x16384xf32, #tpu.memory_space<hbm>> -> memref<1x1x4096xf32, #tpu.memory_space<hbm>>
    %dma_wait3A_3224 = tpu.memref_squeeze %dma_wait3A_3223 : memref<1x1x4096xf32, #tpu.memory_space<hbm>> -> memref<4096xf32, #tpu.memory_space<hbm>>
    tpu.wait_dma2 semaphore(%arg19 : memref<!tpu.dma_semaphore, #tpu.memory_space<semaphore_mem>>) src(%arg14 : memref<4096xf32, #tpu.memory_space<vmem>>) dst(%dma_wait3A_3224 : memref<4096xf32, #tpu.memory_space<hbm>>)
    %parallel_loop3A_3225 = arith.constant 0 : i32
    %parallel_loop3A_3226 = arith.constant 4096 : i32
    %parallel_loop3A_3227 = arith.constant 16 : i32
    scf.for %parallel_loop3A_3627 = %parallel_loop3A_3225 to %parallel_loop3A_3226 step %parallel_loop3A_3227  : i32 {
      %parallel_loop3A_3628 = arith.index_cast %parallel_loop3A_3627 : i32 to index
      %parallel_loop3A_3629 = tpu.vector_load %arg13[%parallel_loop3A_3628] {strides = array<i32>} : memref<4096xi32, #tpu.memory_space<vmem>>, vector<16xi32>,
      %parallel_loop3A_3630 = tpu.vector_load_idx %arg10[%parallel_loop3A_3629] : memref<16xf32, #tpu.memory_space<vmem>>[vector<16xi32>], vector<16xf32>,
      %parallel_loop3A_3631 = arith.index_cast %parallel_loop3A_3627 : i32 to index
      %parallel_loop3A_3632 = tpu.vector_load %arg14[%parallel_loop3A_3631] {strides = array<i32>} : memref<4096xf32, #tpu.memory_space<vmem>>, vector<16xf32>,
      tpu.vector_store %arg14[%parallel_loop3A_3631], %parallel_loop3A_3630 {strides = array<i32>} : memref<4096xf32, #tpu.memory_space<vmem>>, vector<16xf32>,
    } {sc.loop_unroll_factor = 8 : i64, sc.parallel_access}
    %add3A_3228 = arith.constant 20 : i32
    %add3A_3229 = arith.addi %mul3A_2, %add3A_3228 : i32
    %jit3A_3230 = arith.constant 4 : i32
    %div3A_3231 = arith.divsi %add3A_3229, %jit3A_3230 : i32
    %sign3A_3232 = arith.constant 0 : i32
    %sign3A_3233 = arith.cmpi sgt, %add3A_3229, %sign3A_3232 : i32
    %sign3A_3234 = arith.extui %sign3A_3233 : i1 to i32
    %sign3A_3235 = arith.constant 0 : i32
    %sign3A_3236 = arith.cmpi slt, %add3A_3229, %sign3A_3235 : i32
    %sign3A_3237 = arith.extui %sign3A_3236 : i1 to i32
    %sign3A_3238 = arith.subi %sign3A_3234, %sign3A_3237 : i32
    %sign3A_3239 = arith.constant 0 : i32
    %sign3A_3240 = arith.cmpi sgt, %jit3A_3230, %sign3A_3239 : i32
    %sign3A_3241 = arith.extui %sign3A_3240 : i1 to i32
    %sign3A_3242 = arith.constant 0 : i32
    %sign3A_3243 = arith.cmpi slt, %jit3A_3230, %sign3A_3242 : i32
    %sign3A_3244 = arith.extui %sign3A_3243 : i1 to i32
    %sign3A_3245 = arith.subi %sign3A_3241, %sign3A_3244 : i32
    %ne3A_3246 = arith.cmpi ne, %sign3A_3238, %sign3A_3245 : i32
    %rem3A_3247 = arith.remsi %add3A_3229, %jit3A_3230 : i32
    %ne3A_3248 = arith.constant 0 : i32
    %ne3A_3249 = arith.cmpi ne, %rem3A_3247, %ne3A_3248 : i32
    %and3A_3250 = arith.andi %ne3A_3246, %ne3A_3249 : i1
    %sub3A_3251 = arith.constant 1 : i32
    %sub3A_3252 = arith.subi %div3A_3231, %sub3A_3251 : i32
    %select_n3A_3253 = arith.select %and3A_3250, %sub3A_3252, %div3A_3231 : i32
    %jit3A_3254 = arith.constant 4 : i32
    %eq3A_3255 = arith.constant 0 : i32
    %eq3A_3256 = arith.cmpi eq, %jit3A_3254, %eq3A_3255 : i32
    %jit3A_3257 = arith.constant 1 : i32
    %select_n3A_3258 = arith.select %eq3A_3256, %jit3A_3257, %jit3A_3254 : i32
    %rem3A_3259 = arith.remsi %add3A_3229, %select_n3A_3258 : i32
    %ne3A_3260 = arith.constant 0 : i32
    %ne3A_3261 = arith.cmpi ne, %rem3A_3259, %ne3A_3260 : i32
    %lt3A_3262 = arith.constant 0 : i32
    %lt3A_3263 = arith.cmpi slt, %rem3A_3259, %lt3A_3262 : i32
    %lt3A_3264 = arith.constant 0 : i32
    %lt3A_3265 = arith.cmpi slt, %select_n3A_3258, %lt3A_3264 : i32
    %ne3A_3266 = arith.xori %lt3A_3263, %lt3A_3265 : i1
    %and3A_3267 = arith.andi %ne3A_3266, %ne3A_3261 : i1
    %add3A_3268 = arith.addi %rem3A_3259, %select_n3A_3258 : i32
    %select_n3A_3269 = arith.select %and3A_3267, %add3A_3268, %rem3A_3259 : i32
    %mul3A_3270 = arith.constant 4096 : i32
    %mul3A_3271 = arith.muli %select_n3A_3269, %mul3A_3270 : i32
    %dma_start3A_3272 = arith.constant 0 : i32
    %dma_start3A_3273 = tpu.memref_slice %arg6[%select_n3A_3253, %dma_start3A_3272, %mul3A_3271] : memref<200x1x16384xf32, #tpu.memory_space<hbm>> -> memref<1x1x4096xf32, #tpu.memory_space<hbm>>
    %dma_start3A_3274 = tpu.memref_squeeze %dma_start3A_3273 : memref<1x1x4096xf32, #tpu.memory_space<hbm>> -> memref<4096xf32, #tpu.memory_space<hbm>>
    %dma_start3A_3275 = tpu.memref_slice %arg6[%select_n3A_3253, %dma_start3A_3272, %mul3A_3271] : memref<200x1x16384xf32, #tpu.memory_space<hbm>> -> memref<1x1x4096xf32, #tpu.memory_space<hbm>>
    %dma_start3A_3276 = tpu.memref_squeeze %dma_start3A_3275 : memref<1x1x4096xf32, #tpu.memory_space<hbm>> -> memref<4096xf32, #tpu.memory_space<hbm>>
    tpu.enqueue_dma source(%arg14 : memref<4096xf32, #tpu.memory_space<vmem>>) target(%dma_start3A_3276 : memref<4096xf32, #tpu.memory_space<hbm>>) target_semaphore(%arg19 : memref<!tpu.dma_semaphore, #tpu.memory_space<semaphore_mem>>)
    %add3A_3277 = arith.constant 23 : i32
    %add3A_3278 = arith.addi %mul3A_2, %add3A_3277 : i32
    %jit3A_3279 = arith.constant 4 : i32
    %div3A_3280 = arith.divsi %add3A_3278, %jit3A_3279 : i32
    %sign3A_3281 = arith.constant 0 : i32
    %sign3A_3282 = arith.cmpi sgt, %add3A_3278, %sign3A_3281 : i32
    %sign3A_3283 = arith.extui %sign3A_3282 : i1 to i32
    %sign3A_3284 = arith.constant 0 : i32
    %sign3A_3285 = arith.cmpi slt, %add3A_3278, %sign3A_3284 : i32
    %sign3A_3286 = arith.extui %sign3A_3285 : i1 to i32
    %sign3A_3287 = arith.subi %sign3A_3283, %sign3A_3286 : i32
    %sign3A_3288 = arith.constant 0 : i32
    %sign3A_3289 = arith.cmpi sgt, %jit3A_3279, %sign3A_3288 : i32
    %sign3A_3290 = arith.extui %sign3A_3289 : i1 to i32
    %sign3A_3291 = arith.constant 0 : i32
    %sign3A_3292 = arith.cmpi slt, %jit3A_3279, %sign3A_3291 : i32
    %sign3A_3293 = arith.extui %sign3A_3292 : i1 to i32
    %sign3A_3294 = arith.subi %sign3A_3290, %sign3A_3293 : i32
    %ne3A_3295 = arith.cmpi ne, %sign3A_3287, %sign3A_3294 : i32
    %rem3A_3296 = arith.remsi %add3A_3278, %jit3A_3279 : i32
    %ne3A_3297 = arith.constant 0 : i32
    %ne3A_3298 = arith.cmpi ne, %rem3A_3296, %ne3A_3297 : i32
    %and3A_3299 = arith.andi %ne3A_3295, %ne3A_3298 : i1
    %sub3A_3300 = arith.constant 1 : i32
    %sub3A_3301 = arith.subi %div3A_3280, %sub3A_3300 : i32
    %select_n3A_3302 = arith.select %and3A_3299, %sub3A_3301, %div3A_3280 : i32
    %jit3A_3303 = arith.constant 4 : i32
    %eq3A_3304 = arith.constant 0 : i32
    %eq3A_3305 = arith.cmpi eq, %jit3A_3303, %eq3A_3304 : i32
    %jit3A_3306 = arith.constant 1 : i32
    %select_n3A_3307 = arith.select %eq3A_3305, %jit3A_3306, %jit3A_3303 : i32
    %rem3A_3308 = arith.remsi %add3A_3278, %select_n3A_3307 : i32
    %ne3A_3309 = arith.constant 0 : i32
    %ne3A_3310 = arith.cmpi ne, %rem3A_3308, %ne3A_3309 : i32
    %lt3A_3311 = arith.constant 0 : i32
    %lt3A_3312 = arith.cmpi slt, %rem3A_3308, %lt3A_3311 : i32
    %lt3A_3313 = arith.constant 0 : i32
    %lt3A_3314 = arith.cmpi slt, %select_n3A_3307, %lt3A_3313 : i32
    %ne3A_3315 = arith.xori %lt3A_3312, %lt3A_3314 : i1
    %and3A_3316 = arith.andi %ne3A_3315, %ne3A_3310 : i1
    %add3A_3317 = arith.addi %rem3A_3308, %select_n3A_3307 : i32
    %select_n3A_3318 = arith.select %and3A_3316, %add3A_3317, %rem3A_3308 : i32
    %mul3A_3319 = arith.constant 4096 : i32
    %mul3A_3320 = arith.muli %select_n3A_3318, %mul3A_3319 : i32
    %dma_start3A_3321 = tpu.memref_slice %arg2[%select_n3A_3302, %mul3A_3320] : memref<200x16384xi32, #tpu.memory_space<hbm>> -> memref<1x4096xi32, #tpu.memory_space<hbm>>
    %dma_start3A_3322 = tpu.memref_squeeze %dma_start3A_3321 : memref<1x4096xi32, #tpu.memory_space<hbm>> -> memref<4096xi32, #tpu.memory_space<hbm>>
    %dma_start3A_3323 = tpu.memref_slice %arg2[%select_n3A_3302, %mul3A_3320] : memref<200x16384xi32, #tpu.memory_space<hbm>> -> memref<1x4096xi32, #tpu.memory_space<hbm>>
    %dma_start3A_3324 = tpu.memref_squeeze %dma_start3A_3323 : memref<1x4096xi32, #tpu.memory_space<hbm>> -> memref<4096xi32, #tpu.memory_space<hbm>>
    tpu.enqueue_dma source(%dma_start3A_3324 : memref<4096xi32, #tpu.memory_space<hbm>>) target(%arg13 : memref<4096xi32, #tpu.memory_space<vmem>>) target_semaphore(%arg18 : memref<!tpu.dma_semaphore, #tpu.memory_space<semaphore_mem>>)
    %dma_wait3A_3325 = tpu.memref_slice %arg2[%select_n3A_3084, %mul3A_3102] : memref<200x16384xi32, #tpu.memory_space<hbm>> -> memref<1x4096xi32, #tpu.memory_space<hbm>>
    %dma_wait3A_3326 = tpu.memref_squeeze %dma_wait3A_3325 : memref<1x4096xi32, #tpu.memory_space<hbm>> -> memref<4096xi32, #tpu.memory_space<hbm>>
    %dma_wait3A_3327 = tpu.memref_slice %arg2[%select_n3A_3084, %mul3A_3102] : memref<200x16384xi32, #tpu.memory_space<hbm>> -> memref<1x4096xi32, #tpu.memory_space<hbm>>
    %dma_wait3A_3328 = tpu.memref_squeeze %dma_wait3A_3327 : memref<1x4096xi32, #tpu.memory_space<hbm>> -> memref<4096xi32, #tpu.memory_space<hbm>>
    tpu.wait_dma2 semaphore(%arg16 : memref<!tpu.dma_semaphore, #tpu.memory_space<semaphore_mem>>) src(%dma_wait3A_3328 : memref<4096xi32, #tpu.memory_space<hbm>>) dst(%arg11 : memref<4096xi32, #tpu.memory_space<vmem>>)
    %dma_wait3A_3329 = arith.constant 0 : i32
    %dma_wait3A_3330 = tpu.memref_slice %arg6[%select_n3A_3144, %dma_wait3A_3329, %mul3A_3162] : memref<200x1x16384xf32, #tpu.memory_space<hbm>> -> memref<1x1x4096xf32, #tpu.memory_space<hbm>>
    %dma_wait3A_3331 = tpu.memref_squeeze %dma_wait3A_3330 : memref<1x1x4096xf32, #tpu.memory_space<hbm>> -> memref<4096xf32, #tpu.memory_space<hbm>>
    %dma_wait3A_3332 = tpu.memref_slice %arg6[%select_n3A_3144, %dma_wait3A_3329, %mul3A_3162] : memref<200x1x16384xf32, #tpu.memory_space<hbm>> -> memref<1x1x4096xf32, #tpu.memory_space<hbm>>
    %dma_wait3A_3333 = tpu.memref_squeeze %dma_wait3A_3332 : memref<1x1x4096xf32, #tpu.memory_space<hbm>> -> memref<4096xf32, #tpu.memory_space<hbm>>
    tpu.wait_dma2 semaphore(%arg20 : memref<!tpu.dma_semaphore, #tpu.memory_space<semaphore_mem>>) src(%arg15 : memref<4096xf32, #tpu.memory_space<vmem>>) dst(%dma_wait3A_3333 : memref<4096xf32, #tpu.memory_space<hbm>>)
    %parallel_loop3A_3334 = arith.constant 0 : i32
    %parallel_loop3A_3335 = arith.constant 4096 : i32
    %parallel_loop3A_3336 = arith.constant 16 : i32
    scf.for %parallel_loop3A_3627 = %parallel_loop3A_3334 to %parallel_loop3A_3335 step %parallel_loop3A_3336  : i32 {
      %parallel_loop3A_3628 = arith.index_cast %parallel_loop3A_3627 : i32 to index
      %parallel_loop3A_3629 = tpu.vector_load %arg11[%parallel_loop3A_3628] {strides = array<i32>} : memref<4096xi32, #tpu.memory_space<vmem>>, vector<16xi32>,
      %parallel_loop3A_3630 = tpu.vector_load_idx %arg10[%parallel_loop3A_3629] : memref<16xf32, #tpu.memory_space<vmem>>[vector<16xi32>], vector<16xf32>,
      %parallel_loop3A_3631 = arith.index_cast %parallel_loop3A_3627 : i32 to index
      %parallel_loop3A_3632 = tpu.vector_load %arg15[%parallel_loop3A_3631] {strides = array<i32>} : memref<4096xf32, #tpu.memory_space<vmem>>, vector<16xf32>,
      tpu.vector_store %arg15[%parallel_loop3A_3631], %parallel_loop3A_3630 {strides = array<i32>} : memref<4096xf32, #tpu.memory_space<vmem>>, vector<16xf32>,
    } {sc.loop_unroll_factor = 8 : i64, sc.parallel_access}
    %add3A_3337 = arith.constant 21 : i32
    %add3A_3338 = arith.addi %mul3A_2, %add3A_3337 : i32
    %jit3A_3339 = arith.constant 4 : i32
    %div3A_3340 = arith.divsi %add3A_3338, %jit3A_3339 : i32
    %sign3A_3341 = arith.constant 0 : i32
    %sign3A_3342 = arith.cmpi sgt, %add3A_3338, %sign3A_3341 : i32
    %sign3A_3343 = arith.extui %sign3A_3342 : i1 to i32
    %sign3A_3344 = arith.constant 0 : i32
    %sign3A_3345 = arith.cmpi slt, %add3A_3338, %sign3A_3344 : i32
    %sign3A_3346 = arith.extui %sign3A_3345 : i1 to i32
    %sign3A_3347 = arith.subi %sign3A_3343, %sign3A_3346 : i32
    %sign3A_3348 = arith.constant 0 : i32
    %sign3A_3349 = arith.cmpi sgt, %jit3A_3339, %sign3A_3348 : i32
    %sign3A_3350 = arith.extui %sign3A_3349 : i1 to i32
    %sign3A_3351 = arith.constant 0 : i32
    %sign3A_3352 = arith.cmpi slt, %jit3A_3339, %sign3A_3351 : i32
    %sign3A_3353 = arith.extui %sign3A_3352 : i1 to i32
    %sign3A_3354 = arith.subi %sign3A_3350, %sign3A_3353 : i32
    %ne3A_3355 = arith.cmpi ne, %sign3A_3347, %sign3A_3354 : i32
    %rem3A_3356 = arith.remsi %add3A_3338, %jit3A_3339 : i32
    %ne3A_3357 = arith.constant 0 : i32
    %ne3A_3358 = arith.cmpi ne, %rem3A_3356, %ne3A_3357 : i32
    %and3A_3359 = arith.andi %ne3A_3355, %ne3A_3358 : i1
    %sub3A_3360 = arith.constant 1 : i32
    %sub3A_3361 = arith.subi %div3A_3340, %sub3A_3360 : i32
    %select_n3A_3362 = arith.select %and3A_3359, %sub3A_3361, %div3A_3340 : i32
    %jit3A_3363 = arith.constant 4 : i32
    %eq3A_3364 = arith.constant 0 : i32
    %eq3A_3365 = arith.cmpi eq, %jit3A_3363, %eq3A_3364 : i32
    %jit3A_3366 = arith.constant 1 : i32
    %select_n3A_3367 = arith.select %eq3A_3365, %jit3A_3366, %jit3A_3363 : i32
    %rem3A_3368 = arith.remsi %add3A_3338, %select_n3A_3367 : i32
    %ne3A_3369 = arith.constant 0 : i32
    %ne3A_3370 = arith.cmpi ne, %rem3A_3368, %ne3A_3369 : i32
    %lt3A_3371 = arith.constant 0 : i32
    %lt3A_3372 = arith.cmpi slt, %rem3A_3368, %lt3A_3371 : i32
    %lt3A_3373 = arith.constant 0 : i32
    %lt3A_3374 = arith.cmpi slt, %select_n3A_3367, %lt3A_3373 : i32
    %ne3A_3375 = arith.xori %lt3A_3372, %lt3A_3374 : i1
    %and3A_3376 = arith.andi %ne3A_3375, %ne3A_3370 : i1
    %add3A_3377 = arith.addi %rem3A_3368, %select_n3A_3367 : i32
    %select_n3A_3378 = arith.select %and3A_3376, %add3A_3377, %rem3A_3368 : i32
    %mul3A_3379 = arith.constant 4096 : i32
    %mul3A_3380 = arith.muli %select_n3A_3378, %mul3A_3379 : i32
    %dma_start3A_3381 = arith.constant 0 : i32
    %dma_start3A_3382 = tpu.memref_slice %arg6[%select_n3A_3362, %dma_start3A_3381, %mul3A_3380] : memref<200x1x16384xf32, #tpu.memory_space<hbm>> -> memref<1x1x4096xf32, #tpu.memory_space<hbm>>
    %dma_start3A_3383 = tpu.memref_squeeze %dma_start3A_3382 : memref<1x1x4096xf32, #tpu.memory_space<hbm>> -> memref<4096xf32, #tpu.memory_space<hbm>>
    %dma_start3A_3384 = tpu.memref_slice %arg6[%select_n3A_3362, %dma_start3A_3381, %mul3A_3380] : memref<200x1x16384xf32, #tpu.memory_space<hbm>> -> memref<1x1x4096xf32, #tpu.memory_space<hbm>>
    %dma_start3A_3385 = tpu.memref_squeeze %dma_start3A_3384 : memref<1x1x4096xf32, #tpu.memory_space<hbm>> -> memref<4096xf32, #tpu.memory_space<hbm>>
    tpu.enqueue_dma source(%arg15 : memref<4096xf32, #tpu.memory_space<vmem>>) target(%dma_start3A_3385 : memref<4096xf32, #tpu.memory_space<hbm>>) target_semaphore(%arg20 : memref<!tpu.dma_semaphore, #tpu.memory_space<semaphore_mem>>)
    %add3A_3386 = arith.constant 24 : i32
    %add3A_3387 = arith.addi %mul3A_2, %add3A_3386 : i32
    %jit3A_3388 = arith.constant 4 : i32
    %div3A_3389 = arith.divsi %add3A_3387, %jit3A_3388 : i32
    %sign3A_3390 = arith.constant 0 : i32
    %sign3A_3391 = arith.cmpi sgt, %add3A_3387, %sign3A_3390 : i32
    %sign3A_3392 = arith.extui %sign3A_3391 : i1 to i32
    %sign3A_3393 = arith.constant 0 : i32
    %sign3A_3394 = arith.cmpi slt, %add3A_3387, %sign3A_3393 : i32
    %sign3A_3395 = arith.extui %sign3A_3394 : i1 to i32
    %sign3A_3396 = arith.subi %sign3A_3392, %sign3A_3395 : i32
    %sign3A_3397 = arith.constant 0 : i32
    %sign3A_3398 = arith.cmpi sgt, %jit3A_3388, %sign3A_3397 : i32
    %sign3A_3399 = arith.extui %sign3A_3398 : i1 to i32
    %sign3A_3400 = arith.constant 0 : i32
    %sign3A_3401 = arith.cmpi slt, %jit3A_3388, %sign3A_3400 : i32
    %sign3A_3402 = arith.extui %sign3A_3401 : i1 to i32
    %sign3A_3403 = arith.subi %sign3A_3399, %sign3A_3402 : i32
    %ne3A_3404 = arith.cmpi ne, %sign3A_3396, %sign3A_3403 : i32
    %rem3A_3405 = arith.remsi %add3A_3387, %jit3A_3388 : i32
    %ne3A_3406 = arith.constant 0 : i32
    %ne3A_3407 = arith.cmpi ne, %rem3A_3405, %ne3A_3406 : i32
    %and3A_3408 = arith.andi %ne3A_3404, %ne3A_3407 : i1
    %sub3A_3409 = arith.constant 1 : i32
    %sub3A_3410 = arith.subi %div3A_3389, %sub3A_3409 : i32
    %select_n3A_3411 = arith.select %and3A_3408, %sub3A_3410, %div3A_3389 : i32
    %jit3A_3412 = arith.constant 4 : i32
    %eq3A_3413 = arith.constant 0 : i32
    %eq3A_3414 = arith.cmpi eq, %jit3A_3412, %eq3A_3413 : i32
    %jit3A_3415 = arith.constant 1 : i32
    %select_n3A_3416 = arith.select %eq3A_3414, %jit3A_3415, %jit3A_3412 : i32
    %rem3A_3417 = arith.remsi %add3A_3387, %select_n3A_3416 : i32
    %ne3A_3418 = arith.constant 0 : i32
    %ne3A_3419 = arith.cmpi ne, %rem3A_3417, %ne3A_3418 : i32
    %lt3A_3420 = arith.constant 0 : i32
    %lt3A_3421 = arith.cmpi slt, %rem3A_3417, %lt3A_3420 : i32
    %lt3A_3422 = arith.constant 0 : i32
    %lt3A_3423 = arith.cmpi slt, %select_n3A_3416, %lt3A_3422 : i32
    %ne3A_3424 = arith.xori %lt3A_3421, %lt3A_3423 : i1
    %and3A_3425 = arith.andi %ne3A_3424, %ne3A_3419 : i1
    %add3A_3426 = arith.addi %rem3A_3417, %select_n3A_3416 : i32
    %select_n3A_3427 = arith.select %and3A_3425, %add3A_3426, %rem3A_3417 : i32
    %mul3A_3428 = arith.constant 4096 : i32
    %mul3A_3429 = arith.muli %select_n3A_3427, %mul3A_3428 : i32
    %dma_start3A_3430 = tpu.memref_slice %arg2[%select_n3A_3411, %mul3A_3429] : memref<200x16384xi32, #tpu.memory_space<hbm>> -> memref<1x4096xi32, #tpu.memory_space<hbm>>
    %dma_start3A_3431 = tpu.memref_squeeze %dma_start3A_3430 : memref<1x4096xi32, #tpu.memory_space<hbm>> -> memref<4096xi32, #tpu.memory_space<hbm>>
    %dma_start3A_3432 = tpu.memref_slice %arg2[%select_n3A_3411, %mul3A_3429] : memref<200x16384xi32, #tpu.memory_space<hbm>> -> memref<1x4096xi32, #tpu.memory_space<hbm>>
    %dma_start3A_3433 = tpu.memref_squeeze %dma_start3A_3432 : memref<1x4096xi32, #tpu.memory_space<hbm>> -> memref<4096xi32, #tpu.memory_space<hbm>>
    tpu.enqueue_dma source(%dma_start3A_3433 : memref<4096xi32, #tpu.memory_space<hbm>>) target(%arg11 : memref<4096xi32, #tpu.memory_space<vmem>>) target_semaphore(%arg16 : memref<!tpu.dma_semaphore, #tpu.memory_space<semaphore_mem>>)
    %dma_wait3A_3434 = tpu.memref_slice %arg2[%select_n3A_3193, %mul3A_3211] : memref<200x16384xi32, #tpu.memory_space<hbm>> -> memref<1x4096xi32, #tpu.memory_space<hbm>>
    %dma_wait3A_3435 = tpu.memref_squeeze %dma_wait3A_3434 : memref<1x4096xi32, #tpu.memory_space<hbm>> -> memref<4096xi32, #tpu.memory_space<hbm>>
    %dma_wait3A_3436 = tpu.memref_slice %arg2[%select_n3A_3193, %mul3A_3211] : memref<200x16384xi32, #tpu.memory_space<hbm>> -> memref<1x4096xi32, #tpu.memory_space<hbm>>
    %dma_wait3A_3437 = tpu.memref_squeeze %dma_wait3A_3436 : memref<1x4096xi32, #tpu.memory_space<hbm>> -> memref<4096xi32, #tpu.memory_space<hbm>>
    tpu.wait_dma2 semaphore(%arg17 : memref<!tpu.dma_semaphore, #tpu.memory_space<semaphore_mem>>) src(%dma_wait3A_3437 : memref<4096xi32, #tpu.memory_space<hbm>>) dst(%arg12 : memref<4096xi32, #tpu.memory_space<vmem>>)
    %dma_wait3A_3438 = arith.constant 0 : i32
    %dma_wait3A_3439 = tpu.memref_slice %arg6[%select_n3A_3253, %dma_wait3A_3438, %mul3A_3271] : memref<200x1x16384xf32, #tpu.memory_space<hbm>> -> memref<1x1x4096xf32, #tpu.memory_space<hbm>>
    %dma_wait3A_3440 = tpu.memref_squeeze %dma_wait3A_3439 : memref<1x1x4096xf32, #tpu.memory_space<hbm>> -> memref<4096xf32, #tpu.memory_space<hbm>>
    %dma_wait3A_3441 = tpu.memref_slice %arg6[%select_n3A_3253, %dma_wait3A_3438, %mul3A_3271] : memref<200x1x16384xf32, #tpu.memory_space<hbm>> -> memref<1x1x4096xf32, #tpu.memory_space<hbm>>
    %dma_wait3A_3442 = tpu.memref_squeeze %dma_wait3A_3441 : memref<1x1x4096xf32, #tpu.memory_space<hbm>> -> memref<4096xf32, #tpu.memory_space<hbm>>
    tpu.wait_dma2 semaphore(%arg19 : memref<!tpu.dma_semaphore, #tpu.memory_space<semaphore_mem>>) src(%arg14 : memref<4096xf32, #tpu.memory_space<vmem>>) dst(%dma_wait3A_3442 : memref<4096xf32, #tpu.memory_space<hbm>>)
    %parallel_loop3A_3443 = arith.constant 0 : i32
    %parallel_loop3A_3444 = arith.constant 4096 : i32
    %parallel_loop3A_3445 = arith.constant 16 : i32
    scf.for %parallel_loop3A_3627 = %parallel_loop3A_3443 to %parallel_loop3A_3444 step %parallel_loop3A_3445  : i32 {
      %parallel_loop3A_3628 = arith.index_cast %parallel_loop3A_3627 : i32 to index
      %parallel_loop3A_3629 = tpu.vector_load %arg12[%parallel_loop3A_3628] {strides = array<i32>} : memref<4096xi32, #tpu.memory_space<vmem>>, vector<16xi32>,
      %parallel_loop3A_3630 = tpu.vector_load_idx %arg10[%parallel_loop3A_3629] : memref<16xf32, #tpu.memory_space<vmem>>[vector<16xi32>], vector<16xf32>,
      %parallel_loop3A_3631 = arith.index_cast %parallel_loop3A_3627 : i32 to index
      %parallel_loop3A_3632 = tpu.vector_load %arg14[%parallel_loop3A_3631] {strides = array<i32>} : memref<4096xf32, #tpu.memory_space<vmem>>, vector<16xf32>,
      tpu.vector_store %arg14[%parallel_loop3A_3631], %parallel_loop3A_3630 {strides = array<i32>} : memref<4096xf32, #tpu.memory_space<vmem>>, vector<16xf32>,
    } {sc.loop_unroll_factor = 8 : i64, sc.parallel_access}
    %add3A_3446 = arith.constant 22 : i32
    %add3A_3447 = arith.addi %mul3A_2, %add3A_3446 : i32
    %jit3A_3448 = arith.constant 4 : i32
    %div3A_3449 = arith.divsi %add3A_3447, %jit3A_3448 : i32
    %sign3A_3450 = arith.constant 0 : i32
    %sign3A_3451 = arith.cmpi sgt, %add3A_3447, %sign3A_3450 : i32
    %sign3A_3452 = arith.extui %sign3A_3451 : i1 to i32
    %sign3A_3453 = arith.constant 0 : i32
    %sign3A_3454 = arith.cmpi slt, %add3A_3447, %sign3A_3453 : i32
    %sign3A_3455 = arith.extui %sign3A_3454 : i1 to i32
    %sign3A_3456 = arith.subi %sign3A_3452, %sign3A_3455 : i32
    %sign3A_3457 = arith.constant 0 : i32
    %sign3A_3458 = arith.cmpi sgt, %jit3A_3448, %sign3A_3457 : i32
    %sign3A_3459 = arith.extui %sign3A_3458 : i1 to i32
    %sign3A_3460 = arith.constant 0 : i32
    %sign3A_3461 = arith.cmpi slt, %jit3A_3448, %sign3A_3460 : i32
    %sign3A_3462 = arith.extui %sign3A_3461 : i1 to i32
    %sign3A_3463 = arith.subi %sign3A_3459, %sign3A_3462 : i32
    %ne3A_3464 = arith.cmpi ne, %sign3A_3456, %sign3A_3463 : i32
    %rem3A_3465 = arith.remsi %add3A_3447, %jit3A_3448 : i32
    %ne3A_3466 = arith.constant 0 : i32
    %ne3A_3467 = arith.cmpi ne, %rem3A_3465, %ne3A_3466 : i32
    %and3A_3468 = arith.andi %ne3A_3464, %ne3A_3467 : i1
    %sub3A_3469 = arith.constant 1 : i32
    %sub3A_3470 = arith.subi %div3A_3449, %sub3A_3469 : i32
    %select_n3A_3471 = arith.select %and3A_3468, %sub3A_3470, %div3A_3449 : i32
    %jit3A_3472 = arith.constant 4 : i32
    %eq3A_3473 = arith.constant 0 : i32
    %eq3A_3474 = arith.cmpi eq, %jit3A_3472, %eq3A_3473 : i32
    %jit3A_3475 = arith.constant 1 : i32
    %select_n3A_3476 = arith.select %eq3A_3474, %jit3A_3475, %jit3A_3472 : i32
    %rem3A_3477 = arith.remsi %add3A_3447, %select_n3A_3476 : i32
    %ne3A_3478 = arith.constant 0 : i32
    %ne3A_3479 = arith.cmpi ne, %rem3A_3477, %ne3A_3478 : i32
    %lt3A_3480 = arith.constant 0 : i32
    %lt3A_3481 = arith.cmpi slt, %rem3A_3477, %lt3A_3480 : i32
    %lt3A_3482 = arith.constant 0 : i32
    %lt3A_3483 = arith.cmpi slt, %select_n3A_3476, %lt3A_3482 : i32
    %ne3A_3484 = arith.xori %lt3A_3481, %lt3A_3483 : i1
    %and3A_3485 = arith.andi %ne3A_3484, %ne3A_3479 : i1
    %add3A_3486 = arith.addi %rem3A_3477, %select_n3A_3476 : i32
    %select_n3A_3487 = arith.select %and3A_3485, %add3A_3486, %rem3A_3477 : i32
    %mul3A_3488 = arith.constant 4096 : i32
    %mul3A_3489 = arith.muli %select_n3A_3487, %mul3A_3488 : i32
    %dma_start3A_3490 = arith.constant 0 : i32
    %dma_start3A_3491 = tpu.memref_slice %arg6[%select_n3A_3471, %dma_start3A_3490, %mul3A_3489] : memref<200x1x16384xf32, #tpu.memory_space<hbm>> -> memref<1x1x4096xf32, #tpu.memory_space<hbm>>
    %dma_start3A_3492 = tpu.memref_squeeze %dma_start3A_3491 : memref<1x1x4096xf32, #tpu.memory_space<hbm>> -> memref<4096xf32, #tpu.memory_space<hbm>>
    %dma_start3A_3493 = tpu.memref_slice %arg6[%select_n3A_3471, %dma_start3A_3490, %mul3A_3489] : memref<200x1x16384xf32, #tpu.memory_space<hbm>> -> memref<1x1x4096xf32, #tpu.memory_space<hbm>>
    %dma_start3A_3494 = tpu.memref_squeeze %dma_start3A_3493 : memref<1x1x4096xf32, #tpu.memory_space<hbm>> -> memref<4096xf32, #tpu.memory_space<hbm>>
    tpu.enqueue_dma source(%arg14 : memref<4096xf32, #tpu.memory_space<vmem>>) target(%dma_start3A_3494 : memref<4096xf32, #tpu.memory_space<hbm>>) target_semaphore(%arg19 : memref<!tpu.dma_semaphore, #tpu.memory_space<semaphore_mem>>)
    %dma_wait3A_3495 = tpu.memref_slice %arg2[%select_n3A_3302, %mul3A_3320] : memref<200x16384xi32, #tpu.memory_space<hbm>> -> memref<1x4096xi32, #tpu.memory_space<hbm>>
    %dma_wait3A_3496 = tpu.memref_squeeze %dma_wait3A_3495 : memref<1x4096xi32, #tpu.memory_space<hbm>> -> memref<4096xi32, #tpu.memory_space<hbm>>
    %dma_wait3A_3497 = tpu.memref_slice %arg2[%select_n3A_3302, %mul3A_3320] : memref<200x16384xi32, #tpu.memory_space<hbm>> -> memref<1x4096xi32, #tpu.memory_space<hbm>>
    %dma_wait3A_3498 = tpu.memref_squeeze %dma_wait3A_3497 : memref<1x4096xi32, #tpu.memory_space<hbm>> -> memref<4096xi32, #tpu.memory_space<hbm>>
    tpu.wait_dma2 semaphore(%arg18 : memref<!tpu.dma_semaphore, #tpu.memory_space<semaphore_mem>>) src(%dma_wait3A_3498 : memref<4096xi32, #tpu.memory_space<hbm>>) dst(%arg13 : memref<4096xi32, #tpu.memory_space<vmem>>)
    %dma_wait3A_3499 = arith.constant 0 : i32
    %dma_wait3A_3500 = tpu.memref_slice %arg6[%select_n3A_3362, %dma_wait3A_3499, %mul3A_3380] : memref<200x1x16384xf32, #tpu.memory_space<hbm>> -> memref<1x1x4096xf32, #tpu.memory_space<hbm>>
    %dma_wait3A_3501 = tpu.memref_squeeze %dma_wait3A_3500 : memref<1x1x4096xf32, #tpu.memory_space<hbm>> -> memref<4096xf32, #tpu.memory_space<hbm>>
    %dma_wait3A_3502 = tpu.memref_slice %arg6[%select_n3A_3362, %dma_wait3A_3499, %mul3A_3380] : memref<200x1x16384xf32, #tpu.memory_space<hbm>> -> memref<1x1x4096xf32, #tpu.memory_space<hbm>>
    %dma_wait3A_3503 = tpu.memref_squeeze %dma_wait3A_3502 : memref<1x1x4096xf32, #tpu.memory_space<hbm>> -> memref<4096xf32, #tpu.memory_space<hbm>>
    tpu.wait_dma2 semaphore(%arg20 : memref<!tpu.dma_semaphore, #tpu.memory_space<semaphore_mem>>) src(%arg15 : memref<4096xf32, #tpu.memory_space<vmem>>) dst(%dma_wait3A_3503 : memref<4096xf32, #tpu.memory_space<hbm>>)
    %parallel_loop3A_3504 = arith.constant 0 : i32
    %parallel_loop3A_3505 = arith.constant 4096 : i32
    %parallel_loop3A_3506 = arith.constant 16 : i32
    scf.for %parallel_loop3A_3627 = %parallel_loop3A_3504 to %parallel_loop3A_3505 step %parallel_loop3A_3506  : i32 {
      %parallel_loop3A_3628 = arith.index_cast %parallel_loop3A_3627 : i32 to index
      %parallel_loop3A_3629 = tpu.vector_load %arg13[%parallel_loop3A_3628] {strides = array<i32>} : memref<4096xi32, #tpu.memory_space<vmem>>, vector<16xi32>,
      %parallel_loop3A_3630 = tpu.vector_load_idx %arg10[%parallel_loop3A_3629] : memref<16xf32, #tpu.memory_space<vmem>>[vector<16xi32>], vector<16xf32>,
      %parallel_loop3A_3631 = arith.index_cast %parallel_loop3A_3627 : i32 to index
      %parallel_loop3A_3632 = tpu.vector_load %arg15[%parallel_loop3A_3631] {strides = array<i32>} : memref<4096xf32, #tpu.memory_space<vmem>>, vector<16xf32>,
      tpu.vector_store %arg15[%parallel_loop3A_3631], %parallel_loop3A_3630 {strides = array<i32>} : memref<4096xf32, #tpu.memory_space<vmem>>, vector<16xf32>,
    } {sc.loop_unroll_factor = 8 : i64, sc.parallel_access}
    %add3A_3507 = arith.constant 23 : i32
    %add3A_3508 = arith.addi %mul3A_2, %add3A_3507 : i32
    %jit3A_3509 = arith.constant 4 : i32
    %div3A_3510 = arith.divsi %add3A_3508, %jit3A_3509 : i32
    %sign3A_3511 = arith.constant 0 : i32
    %sign3A_3512 = arith.cmpi sgt, %add3A_3508, %sign3A_3511 : i32
    %sign3A_3513 = arith.extui %sign3A_3512 : i1 to i32
    %sign3A_3514 = arith.constant 0 : i32
    %sign3A_3515 = arith.cmpi slt, %add3A_3508, %sign3A_3514 : i32
    %sign3A_3516 = arith.extui %sign3A_3515 : i1 to i32
    %sign3A_3517 = arith.subi %sign3A_3513, %sign3A_3516 : i32
    %sign3A_3518 = arith.constant 0 : i32
    %sign3A_3519 = arith.cmpi sgt, %jit3A_3509, %sign3A_3518 : i32
    %sign3A_3520 = arith.extui %sign3A_3519 : i1 to i32
    %sign3A_3521 = arith.constant 0 : i32
    %sign3A_3522 = arith.cmpi slt, %jit3A_3509, %sign3A_3521 : i32
    %sign3A_3523 = arith.extui %sign3A_3522 : i1 to i32
    %sign3A_3524 = arith.subi %sign3A_3520, %sign3A_3523 : i32
    %ne3A_3525 = arith.cmpi ne, %sign3A_3517, %sign3A_3524 : i32
    %rem3A_3526 = arith.remsi %add3A_3508, %jit3A_3509 : i32
    %ne3A_3527 = arith.constant 0 : i32
    %ne3A_3528 = arith.cmpi ne, %rem3A_3526, %ne3A_3527 : i32
    %and3A_3529 = arith.andi %ne3A_3525, %ne3A_3528 : i1
    %sub3A_3530 = arith.constant 1 : i32
    %sub3A_3531 = arith.subi %div3A_3510, %sub3A_3530 : i32
    %select_n3A_3532 = arith.select %and3A_3529, %sub3A_3531, %div3A_3510 : i32
    %jit3A_3533 = arith.constant 4 : i32
    %eq3A_3534 = arith.constant 0 : i32
    %eq3A_3535 = arith.cmpi eq, %jit3A_3533, %eq3A_3534 : i32
    %jit3A_3536 = arith.constant 1 : i32
    %select_n3A_3537 = arith.select %eq3A_3535, %jit3A_3536, %jit3A_3533 : i32
    %rem3A_3538 = arith.remsi %add3A_3508, %select_n3A_3537 : i32
    %ne3A_3539 = arith.constant 0 : i32
    %ne3A_3540 = arith.cmpi ne, %rem3A_3538, %ne3A_3539 : i32
    %lt3A_3541 = arith.constant 0 : i32
    %lt3A_3542 = arith.cmpi slt, %rem3A_3538, %lt3A_3541 : i32
    %lt3A_3543 = arith.constant 0 : i32
    %lt3A_3544 = arith.cmpi slt, %select_n3A_3537, %lt3A_3543 : i32
    %ne3A_3545 = arith.xori %lt3A_3542, %lt3A_3544 : i1
    %and3A_3546 = arith.andi %ne3A_3545, %ne3A_3540 : i1
    %add3A_3547 = arith.addi %rem3A_3538, %select_n3A_3537 : i32
    %select_n3A_3548 = arith.select %and3A_3546, %add3A_3547, %rem3A_3538 : i32
    %mul3A_3549 = arith.constant 4096 : i32
    %mul3A_3550 = arith.muli %select_n3A_3548, %mul3A_3549 : i32
    %dma_start3A_3551 = arith.constant 0 : i32
    %dma_start3A_3552 = tpu.memref_slice %arg6[%select_n3A_3532, %dma_start3A_3551, %mul3A_3550] : memref<200x1x16384xf32, #tpu.memory_space<hbm>> -> memref<1x1x4096xf32, #tpu.memory_space<hbm>>
    %dma_start3A_3553 = tpu.memref_squeeze %dma_start3A_3552 : memref<1x1x4096xf32, #tpu.memory_space<hbm>> -> memref<4096xf32, #tpu.memory_space<hbm>>
    %dma_start3A_3554 = tpu.memref_slice %arg6[%select_n3A_3532, %dma_start3A_3551, %mul3A_3550] : memref<200x1x16384xf32, #tpu.memory_space<hbm>> -> memref<1x1x4096xf32, #tpu.memory_space<hbm>>
    %dma_start3A_3555 = tpu.memref_squeeze %dma_start3A_3554 : memref<1x1x4096xf32, #tpu.memory_space<hbm>> -> memref<4096xf32, #tpu.memory_space<hbm>>
    tpu.enqueue_dma source(%arg15 : memref<4096xf32, #tpu.memory_space<vmem>>) target(%dma_start3A_3555 : memref<4096xf32, #tpu.memory_space<hbm>>) target_semaphore(%arg20 : memref<!tpu.dma_semaphore, #tpu.memory_space<semaphore_mem>>)
    %dma_wait3A_3556 = tpu.memref_slice %arg2[%select_n3A_3411, %mul3A_3429] : memref<200x16384xi32, #tpu.memory_space<hbm>> -> memref<1x4096xi32, #tpu.memory_space<hbm>>
    %dma_wait3A_3557 = tpu.memref_squeeze %dma_wait3A_3556 : memref<1x4096xi32, #tpu.memory_space<hbm>> -> memref<4096xi32, #tpu.memory_space<hbm>>
    %dma_wait3A_3558 = tpu.memref_slice %arg2[%select_n3A_3411, %mul3A_3429] : memref<200x16384xi32, #tpu.memory_space<hbm>> -> memref<1x4096xi32, #tpu.memory_space<hbm>>
    %dma_wait3A_3559 = tpu.memref_squeeze %dma_wait3A_3558 : memref<1x4096xi32, #tpu.memory_space<hbm>> -> memref<4096xi32, #tpu.memory_space<hbm>>
    tpu.wait_dma2 semaphore(%arg16 : memref<!tpu.dma_semaphore, #tpu.memory_space<semaphore_mem>>) src(%dma_wait3A_3559 : memref<4096xi32, #tpu.memory_space<hbm>>) dst(%arg11 : memref<4096xi32, #tpu.memory_space<vmem>>)
    %dma_wait3A_3560 = arith.constant 0 : i32
    %dma_wait3A_3561 = tpu.memref_slice %arg6[%select_n3A_3471, %dma_wait3A_3560, %mul3A_3489] : memref<200x1x16384xf32, #tpu.memory_space<hbm>> -> memref<1x1x4096xf32, #tpu.memory_space<hbm>>
    %dma_wait3A_3562 = tpu.memref_squeeze %dma_wait3A_3561 : memref<1x1x4096xf32, #tpu.memory_space<hbm>> -> memref<4096xf32, #tpu.memory_space<hbm>>
    %dma_wait3A_3563 = tpu.memref_slice %arg6[%select_n3A_3471, %dma_wait3A_3560, %mul3A_3489] : memref<200x1x16384xf32, #tpu.memory_space<hbm>> -> memref<1x1x4096xf32, #tpu.memory_space<hbm>>
    %dma_wait3A_3564 = tpu.memref_squeeze %dma_wait3A_3563 : memref<1x1x4096xf32, #tpu.memory_space<hbm>> -> memref<4096xf32, #tpu.memory_space<hbm>>
    tpu.wait_dma2 semaphore(%arg19 : memref<!tpu.dma_semaphore, #tpu.memory_space<semaphore_mem>>) src(%arg14 : memref<4096xf32, #tpu.memory_space<vmem>>) dst(%dma_wait3A_3564 : memref<4096xf32, #tpu.memory_space<hbm>>)
    %parallel_loop3A_3565 = arith.constant 0 : i32
    %parallel_loop3A_3566 = arith.constant 4096 : i32
    %parallel_loop3A_3567 = arith.constant 16 : i32
    scf.for %parallel_loop3A_3627 = %parallel_loop3A_3565 to %parallel_loop3A_3566 step %parallel_loop3A_3567  : i32 {
      %parallel_loop3A_3628 = arith.index_cast %parallel_loop3A_3627 : i32 to index
      %parallel_loop3A_3629 = tpu.vector_load %arg11[%parallel_loop3A_3628] {strides = array<i32>} : memref<4096xi32, #tpu.memory_space<vmem>>, vector<16xi32>,
      %parallel_loop3A_3630 = tpu.vector_load_idx %arg10[%parallel_loop3A_3629] : memref<16xf32, #tpu.memory_space<vmem>>[vector<16xi32>], vector<16xf32>,
      %parallel_loop3A_3631 = arith.index_cast %parallel_loop3A_3627 : i32 to index
      %parallel_loop3A_3632 = tpu.vector_load %arg14[%parallel_loop3A_3631] {strides = array<i32>} : memref<4096xf32, #tpu.memory_space<vmem>>, vector<16xf32>,
      tpu.vector_store %arg14[%parallel_loop3A_3631], %parallel_loop3A_3630 {strides = array<i32>} : memref<4096xf32, #tpu.memory_space<vmem>>, vector<16xf32>,
    } {sc.loop_unroll_factor = 8 : i64, sc.parallel_access}
    %add3A_3568 = arith.constant 24 : i32
    %add3A_3569 = arith.addi %mul3A_2, %add3A_3568 : i32
    %jit3A_3570 = arith.constant 4 : i32
    %div3A_3571 = arith.divsi %add3A_3569, %jit3A_3570 : i32
    %sign3A_3572 = arith.constant 0 : i32
    %sign3A_3573 = arith.cmpi sgt, %add3A_3569, %sign3A_3572 : i32
    %sign3A_3574 = arith.extui %sign3A_3573 : i1 to i32
    %sign3A_3575 = arith.constant 0 : i32
    %sign3A_3576 = arith.cmpi slt, %add3A_3569, %sign3A_3575 : i32
    %sign3A_3577 = arith.extui %sign3A_3576 : i1 to i32
    %sign3A_3578 = arith.subi %sign3A_3574, %sign3A_3577 : i32
    %sign3A_3579 = arith.constant 0 : i32
    %sign3A_3580 = arith.cmpi sgt, %jit3A_3570, %sign3A_3579 : i32
    %sign3A_3581 = arith.extui %sign3A_3580 : i1 to i32
    %sign3A_3582 = arith.constant 0 : i32
    %sign3A_3583 = arith.cmpi slt, %jit3A_3570, %sign3A_3582 : i32
    %sign3A_3584 = arith.extui %sign3A_3583 : i1 to i32
    %sign3A_3585 = arith.subi %sign3A_3581, %sign3A_3584 : i32
    %ne3A_3586 = arith.cmpi ne, %sign3A_3578, %sign3A_3585 : i32
    %rem3A_3587 = arith.remsi %add3A_3569, %jit3A_3570 : i32
    %ne3A_3588 = arith.constant 0 : i32
    %ne3A_3589 = arith.cmpi ne, %rem3A_3587, %ne3A_3588 : i32
    %and3A_3590 = arith.andi %ne3A_3586, %ne3A_3589 : i1
    %sub3A_3591 = arith.constant 1 : i32
    %sub3A_3592 = arith.subi %div3A_3571, %sub3A_3591 : i32
    %select_n3A_3593 = arith.select %and3A_3590, %sub3A_3592, %div3A_3571 : i32
    %jit3A_3594 = arith.constant 4 : i32
    %eq3A_3595 = arith.constant 0 : i32
    %eq3A_3596 = arith.cmpi eq, %jit3A_3594, %eq3A_3595 : i32
    %jit3A_3597 = arith.constant 1 : i32
    %select_n3A_3598 = arith.select %eq3A_3596, %jit3A_3597, %jit3A_3594 : i32
    %rem3A_3599 = arith.remsi %add3A_3569, %select_n3A_3598 : i32
    %ne3A_3600 = arith.constant 0 : i32
    %ne3A_3601 = arith.cmpi ne, %rem3A_3599, %ne3A_3600 : i32
    %lt3A_3602 = arith.constant 0 : i32
    %lt3A_3603 = arith.cmpi slt, %rem3A_3599, %lt3A_3602 : i32
    %lt3A_3604 = arith.constant 0 : i32
    %lt3A_3605 = arith.cmpi slt, %select_n3A_3598, %lt3A_3604 : i32
    %ne3A_3606 = arith.xori %lt3A_3603, %lt3A_3605 : i1
    %and3A_3607 = arith.andi %ne3A_3606, %ne3A_3601 : i1
    %add3A_3608 = arith.addi %rem3A_3599, %select_n3A_3598 : i32
    %select_n3A_3609 = arith.select %and3A_3607, %add3A_3608, %rem3A_3599 : i32
    %mul3A_3610 = arith.constant 4096 : i32
    %mul3A_3611 = arith.muli %select_n3A_3609, %mul3A_3610 : i32
    %dma_start3A_3612 = arith.constant 0 : i32
    %dma_start3A_3613 = tpu.memref_slice %arg6[%select_n3A_3593, %dma_start3A_3612, %mul3A_3611] : memref<200x1x16384xf32, #tpu.memory_space<hbm>> -> memref<1x1x4096xf32, #tpu.memory_space<hbm>>
    %dma_start3A_3614 = tpu.memref_squeeze %dma_start3A_3613 : memref<1x1x4096xf32, #tpu.memory_space<hbm>> -> memref<4096xf32, #tpu.memory_space<hbm>>
    %dma_start3A_3615 = tpu.memref_slice %arg6[%select_n3A_3593, %dma_start3A_3612, %mul3A_3611] : memref<200x1x16384xf32, #tpu.memory_space<hbm>> -> memref<1x1x4096xf32, #tpu.memory_space<hbm>>
    %dma_start3A_3616 = tpu.memref_squeeze %dma_start3A_3615 : memref<1x1x4096xf32, #tpu.memory_space<hbm>> -> memref<4096xf32, #tpu.memory_space<hbm>>
    tpu.enqueue_dma source(%arg14 : memref<4096xf32, #tpu.memory_space<vmem>>) target(%dma_start3A_3616 : memref<4096xf32, #tpu.memory_space<hbm>>) target_semaphore(%arg19 : memref<!tpu.dma_semaphore, #tpu.memory_space<semaphore_mem>>)
    %dma_wait3A_3617 = arith.constant 0 : i32
    %dma_wait3A_3618 = tpu.memref_slice %arg6[%select_n3A_3532, %dma_wait3A_3617, %mul3A_3550] : memref<200x1x16384xf32, #tpu.memory_space<hbm>> -> memref<1x1x4096xf32, #tpu.memory_space<hbm>>
    %dma_wait3A_3619 = tpu.memref_squeeze %dma_wait3A_3618 : memref<1x1x4096xf32, #tpu.memory_space<hbm>> -> memref<4096xf32, #tpu.memory_space<hbm>>
    %dma_wait3A_3620 = tpu.memref_slice %arg6[%select_n3A_3532, %dma_wait3A_3617, %mul3A_3550] : memref<200x1x16384xf32, #tpu.memory_space<hbm>> -> memref<1x1x4096xf32, #tpu.memory_space<hbm>>
    %dma_wait3A_3621 = tpu.memref_squeeze %dma_wait3A_3620 : memref<1x1x4096xf32, #tpu.memory_space<hbm>> -> memref<4096xf32, #tpu.memory_space<hbm>>
    tpu.wait_dma2 semaphore(%arg20 : memref<!tpu.dma_semaphore, #tpu.memory_space<semaphore_mem>>) src(%arg15 : memref<4096xf32, #tpu.memory_space<vmem>>) dst(%dma_wait3A_3621 : memref<4096xf32, #tpu.memory_space<hbm>>)
    %dma_wait3A_3622 = arith.constant 0 : i32
    %dma_wait3A_3623 = tpu.memref_slice %arg6[%select_n3A_3593, %dma_wait3A_3622, %mul3A_3611] : memref<200x1x16384xf32, #tpu.memory_space<hbm>> -> memref<1x1x4096xf32, #tpu.memory_space<hbm>>
    %dma_wait3A_3624 = tpu.memref_squeeze %dma_wait3A_3623 : memref<1x1x4096xf32, #tpu.memory_space<hbm>> -> memref<4096xf32, #tpu.memory_space<hbm>>
    %dma_wait3A_3625 = tpu.memref_slice %arg6[%select_n3A_3593, %dma_wait3A_3622, %mul3A_3611] : memref<200x1x16384xf32, #tpu.memory_space<hbm>> -> memref<1x1x4096xf32, #tpu.memory_space<hbm>>
    %dma_wait3A_3626 = tpu.memref_squeeze %dma_wait3A_3625 : memref<1x1x4096xf32, #tpu.memory_space<hbm>> -> memref<4096xf32, #tpu.memory_space<hbm>>
    tpu.wait_dma2 semaphore(%arg19 : memref<!tpu.dma_semaphore, #tpu.memory_space<semaphore_mem>>) src(%arg14 : memref<4096xf32, #tpu.memory_space<vmem>>) dst(%dma_wait3A_3626 : memref<4096xf32, #tpu.memory_space<hbm>>)
    return
  }
}

</mosaic_0001>

<sc_bundles>
// kernel: kernel.3.cloned.1.call-start
scs
__scs_entry_jumppad:
0x0: {  	(pc) =	sbr.rel $0x88, $3  }
0x1: {  	(tag) =	ssettag $0x0;
	lr =	simm.s32 $0x1  }
0x2: {  	[smem:$0x3F9D] =	sst lr;
	_ =	strace $0xD0000000  }
0x3: {  	_ = 	snop  }
0x4: {  	_ = 	snop  }
0x5: {  	_ = 	snop  }
0x6: {  	_ = 	snop  }
0x7: {  	_ = 	snop  }
__scs_overlays_trampoline_lowered:
0x8: {  	[smem:$0x3FAC] =	sst s0  }
0x9: {  	[smem:$0x3FAD] =	sst s1  }
0xa: {  	[smem:$0x3FAE] =	sst s2  }
0xb: {  	[smem:$0x3FAF] =	sst s3  }
0xc: {  	[smem:$0x3FB0] =	sst s4  }
0xd: {  	[smem:$0x3FB1] =	sst s5  }
0xe: {  	[smem:$0x3FB2] =	sst s6  }
0xf: {  	[smem:$0x3FB3] =	sst s7  }
0x10: {  	[smem:$0x3FB4] =	sst s8  }
0x11: {  	[smem:$0x3FB5] =	sst s9;
	s0 =	simm.s32 @!p0 $0x0  }
0x12: {  	s1 =	sld [smem:$0x3F9B];
	s0 =	simm.s32 @p0 $0x1  }
0x13: {  	[smem:$0x3FB6] =	sst s0;
	s0 =	simm.s32 @!p1 $0x0  }
0x14: {  	s2 =	sld [smem:$0x3F9A];
	s0 =	simm.s32 @p1 $0x1  }
0x15: {  	[smem:$0x3FB7] =	sst s0;
	s0 =	simm.s32 @!p2 $0x0  }
0x16: {  	s3 =	sld [smem:$0x3FDB];
	s0 =	simm.s32 @p2 $0x1  }
0x17: {  	s4 =	simm.s32 $0x1BF5;
	[smem:$0x3FB9] =	sst s0  }
0x18: {  	s0 =	sld [smem:$0x3F9C];
	_ =	swait.ge [sflag:s4], $0x0  }
0x19: {  	s7 =	sld [smem:$0x3F9D]  }
0x1a: {  	s8 =	sadd.s32 $0xFFFFE003, lr  }
0x1b: {  	s9 =	sadd.s32 $0xFFFFFEF7, lr;
	s5 =	simm.s32 $0xFFFFFFFF;
	p2 =	slt.u32 s8, $0xFFFFF086  }
0x1c: {  	p1 =	slt.u32 s9, $0xF7A;
	s5 =	simm.s32 @!p2 $0x0  }
0x1d: {  	s5 =	simm.s32 @p1 $0x1;
	p0 =	seq.s32 s7, s2  }
0x1e: {  	s7 =	smul.u32 @!p0 $0xF7A, s2;
	p2 =	seq.s32 @!p0 s5, $0x0  }
0x1f: {  	s9 =	smul.u32 $0xF7A, s1;
	s8 =	simm.s32 @!p0 $0x1BF5;
	p2 =	por !p2, p0  }
0x20: {  	[sflag:s8] =	ssyncset.s32 @!p0 $0xFFFFF086;
	s6 =	sadd.s32 @!p0 s3, s7;
	s7 =	simm.s32 @!p0 $0x108  }
0x21: {  	s3 =	sadd.s32 s3, s9;
	s6 =	sadd.s32 @!p0 $0x88, s6;
	s7 =	simm.s32 @p2 $0x1082  }
0x22: {  	[simem:s7], [sflag:s8] =	dma.local @!p0 [hbm:s6], $0xF7A  }
0x23: {  	s9 =	sor.u32 $0xD0000000, s2;
	s6 =	simm.s32 $0x108;
	_ =	swait.ge @!p0 [sflag:s8], $0x0  }
0x24: {  	s3 =	sadd.s32 $0x88, s3;
	s6 =	simm.s32 @!p1 $0x1082;
	[sflag:s4] =	ssyncset.s32 $0xFFFFF086  }
0x25: {  	[simem:s6], [sflag:s4] =	dma.local [hbm:s3], $0xF7A  }
0x26: {  	[smem:$0x3F9D] =	sst s1;
	(tag) =	ssettag s2;
	_ =	strace s9  }
0x27: {  	s1 =	sld [smem:$0x3FAD]  }
0x28: {  	s2 =	sld [smem:$0x3FAE]  }
0x29: {  	s4 =	sld [smem:$0x3FB0]  }
0x2a: {  	p0 =	seq.s32 s5, $0x0;
	s5 =	sld [smem:$0x3FB1]  }
0x2b: {  	s6 =	sld [smem:$0x3FB2]  }
0x2c: {  	s7 =	sld [smem:$0x3FB3]  }
0x2d: {  	s3 =	simm.s32 $0x108;
	s8 =	sld [smem:$0x3FB4]  }
0x2e: {  	s3 =	simm.s32 @!p0 $0x1082;
	s9 =	sld [smem:$0x3FB5]  }
0x2f: {  	lr =	sadd.s32 s0, s3;
	s0 =	sld [smem:$0x3FAC]  }
0x30: {  	s3 =	sld [smem:$0x3FAF]  }
0x31: {  	[smem:$0x3FB8] =	sst s10  }
0x32: {  	s10 =	sld [smem:$0x3FB6];
	_ =	sdelay $0x3  }
0x33: {  	p0 =	seq.s32 s10, $0x1;
	s10 =	sld [smem:$0x3FB8];
	_ =	sdelay $0x3  }
0x34: {  	[smem:$0x3FB8] =	sst s10  }
0x35: {  	s10 =	sld [smem:$0x3FB7];
	_ =	sdelay $0x3  }
0x36: {  	p1 =	seq.s32 s10, $0x1;
	s10 =	sld [smem:$0x3FB8];
	_ =	sdelay $0x3  }
0x37: {  	[smem:$0x3FB8] =	sst s10  }
0x38: {  	s10 =	sld [smem:$0x3FB9]  }
0x39: {  	_ = 	snop;
	(pc) =	sbr.ind lr, $3  }
0x3a: {  	_ = 	snop  }
0x3b: {  	_ = 	snop  }
0x3c: {  	p2 =	seq.s32 s10, $0x1;
	s10 =	sld [smem:$0x3FB8]  }
0x3d: {  	_ =	shalt  }
0x3e: {  	_ =	shalt  }
0x3f: {  	_ =	shalt  }
0x40: {  	_ =	shalt  }
0x41: {  	_ =	shalt  }
0x42: {  	_ =	shalt  }
0x43: {  	_ =	shalt  }
0x44: {  	_ =	shalt  }
0x45: {  	_ =	shalt  }
0x46: {  	_ =	shalt  }
0x47: {  	_ =	shalt  }
0x48: {  	_ =	shalt  }
0x49: {  	_ =	shalt  }
0x4a: {  	_ =	shalt  }
0x4b: {  	_ =	shalt  }
0x4c: {  	_ =	shalt  }
0x4d: {  	_ =	shalt  }
0x4e: {  	_ =	shalt  }
0x4f: {  	_ =	shalt  }
0x50: {  	_ =	shalt  }
0x51: {  	_ =	shalt  }
0x52: {  	_ =	shalt  }
0x53: {  	_ =	shalt  }
0x54: {  	_ =	shalt  }
0x55: {  	_ =	shalt  }
0x56: {  	_ =	shalt  }
0x57: {  	_ =	shalt  }
0x58: {  	_ =	shalt  }
0x59: {  	_ =	shalt  }
0x5a: {  	_ =	shalt  }
0x5b: {  	_ =	shalt  }
0x5c: {  	_ =	shalt  }
0x5d: {  	_ =	shalt  }
0x5e: {  	_ =	shalt  }
0x5f: {  	_ =	shalt  }
0x60: {  	_ =	shalt  }
0x61: {  	_ =	shalt  }
0x62: {  	_ =	shalt  }
0x63: {  	_ =	shalt  }
0x64: {  	_ =	shalt  }
0x65: {  	_ =	shalt  }
0x66: {  	_ =	shalt  }
0x67: {  	_ =	shalt  }
0x68: {  	_ =	shalt  }
0x69: {  	_ =	shalt  }
0x6a: {  	_ =	shalt  }
0x6b: {  	_ =	shalt  }
0x6c: {  	_ =	shalt  }
0x6d: {  	_ =	shalt  }
0x6e: {  	_ =	shalt  }
0x6f: {  	_ =	shalt  }
0x70: {  	_ =	shalt  }
0x71: {  	_ =	shalt  }
0x72: {  	_ =	shalt  }
0x73: {  	_ =	shalt  }
0x74: {  	_ =	shalt  }
0x75: {  	_ =	shalt  }
0x76: {  	_ =	shalt  }
0x77: {  	_ =	shalt  }
0x78: {  	_ =	shalt  }
0x79: {  	_ =	shalt  }
0x7a: {  	_ =	shalt  }
0x7b: {  	_ =	shalt  }
0x7c: {  	_ =	shalt  }
0x7d: {  	_ =	shalt  }
0x7e: {  	_ =	shalt  }
0x7f: {  	_ =	shalt  }
0x80: {  	_ =	shalt  }
0x81: {  	_ =	shalt  }
0x82: {  	_ =	shalt  }
0x83: {  	_ =	shalt  }
0x84: {  	_ =	shalt  }
0x85: {  	_ =	shalt  }
0x86: {  	_ =	shalt  }
0x87: {  	_ =	shalt  }
.Lfunc_end0:
.L_simem_size_0:
called_computation_lowered:
.L_overlay_start_0:
0x88: {  	s2 =	sld [smem:$0x3FD9]  }
0x89: {  	s3 =	sld [smem:$0x3FFE];
	_ =	sdelay $0x1  }
0x8a: {  	s1 =	srdreg.scid  }
0x8b: {  	s0 =	sand.u32 $0x1, s1  }
0x8c: {  	s17 =	sshll.u32 s0, $0xA;
	s2 =	sadd.s32 s3, s2  }
0x8d: {  	s2 =	sadd.s32 s2, s17  }
0x8e: {  	[smem:$0x3FC4] =	sst s2  }
0x8f: {  	_ = 	snop  }
0x90: {  	s2 =	sld [smem:$0x3FC9]  }
0x91: {  	s18 =	sld [smem:$0x3FC7]  }
0x92: {  	s4 =	sld [smem:$0x3FD0];
	(tm) =	ssettm $0x1  }
0x93: {  	s5 =	sld [smem:$0x3FFB];
	_ =	sdelay $0x3  }
0x94: {  	_ =	strace s5  }
0x95: {  	s5 =	sld [smem:$0x3FFC];
	_ =	sdelay $0x3  }
0x96: {  	_ =	strace s5  }
0x97: {  	s5 =	sld [smem:$0x3FFD];
	_ =	sdelay $0x3  }
0x98: {  	_ =	strace s5  }
0x99: {  	_ =	strace $0x8FFFFFFF  }
0x9a: {  	s19 =	sld [smem:$0x3FDB];
	_ =	sdelay $0x1  }
0x9b: {  	s6 =	simm.s32 $_scs_section_size  }
0x9c: {  	s7 =	simm.s32 $_size__tile_overlayer_lowered;
	s8 =	simm.s32 $_tile_overlayer_lowered  }
0x9d: {  	s22 =	simm.s32 $0x1BFF;
	s21 =	sshll.u32 s8, $0x1;
	s5 =	sadd.s32 s6, s19  }
0x9e: {  	s9 =	simm.s32 $0x0;
	s20 =	sshll.u32 s7, $0x1;
	s7 =	sadd.s32 s21, s5  }
0x9f: {  	[timem:s9], [sflag:s22] =	dma.local [hbm:s7], s20  }
0xa0: {  	_ =	swait.ge [sflag:s22], s20  }
0xa1: {  	s6 =	ssub.s32 $0x0, s20;
	[sflag:s22] =	ssyncset.done $0x0  }
0xa2: {  	[sflag:s22] =	ssyncadd.s32 s6;
	_ =	sdelay $0x1  }
0xa3: {  	s23 =	simm.s32 $0x1B8B  }
0xa4: {  	_ =	swait.ge [sflag:s23], $0x1  }
0xa5: {  	[sflag:s23] =	ssyncset.done $0x0  }
0xa6: {  	s25 =	simm.s32 $0x1B8E;
	s24 =	sld [smem:$0x3FFE];
	[sflag:s23] =	ssyncadd.s32 $0xFFFFFFFF  }
0xa7: {  	s26 =	simm.s32 $execute0_lowered;
	[smem:$0x3FD2] =	sst s25  }
0xa8: {  	s7 =	sshll.u32 s26, $0x1;
	_ =	strace $0x80000046;
	[dreg:$0x1] =	wrdreg $0xFFFFFFFF  }
0xa9: {  	s28 =	simm.s32 $_size_execute0_lowered;
	s5 =	sadd.s32 s5, s7;
	[dreg:$0x0] =	wrdreg $0x0  }
0xaa: {  	s7 =	sshll.u32 s28, $0x1;
	[dreg:$0x2] =	wrdreg s5  }
0xab: {  	[dreg:$0x3] =	wrdreg s7  }
0xac: {  	[dreg:$0x4] =	wrdreg $0xC0  }
0xad: {  	_ =	task [dreg:s9], $0x5FFFF  }
0xae: {  	[dreg:$0x1] =	wrdreg $0xFFFFFFFF  }
0xaf: {  	[dreg:$0x0] =	wrdreg $0x60  }
0xb0: {  	[dreg:$0x2] =	wrdreg s2  }
0xb1: {  	[dreg:$0x3] =	wrdreg s24  }
0xb2: {  	[dreg:$0x4] =	wrdreg s18  }
0xb3: {  	[dreg:$0x5] =	wrdreg s4  }
0xb4: {  	[dreg:$0x6] =	wrdreg $0x9  }
0xb5: {  	_ =	task.clear_ibuf [dreg:s9], $0x7FFFF;
	_ =	strace $0x90000046  }
0xb6: {  	s29 =	simm.s32 $0x9;
	_ =	strace $0x80000048  }
0xb7: {  	_ =	swait.ge [sflag:s29], $0x1  }
0xb8: {  	[sflag:s29] =	ssyncadd.s32 $0xFFFFFFFF  }
0xb9: {  	_ =	strace $0x90000048  }
0xba: {  	_ =	sfence  }
0xbb: {  	s30 =	sld [smem:$0x0];
	_ =	sdelay $0x2  }
0xbc: {  	s31 =	sshll.u32 s1, $0xD;
	s1 =	sshrl.u32 s1, $0x2  }
0xbd: {  	s3 =	sand.u32 $0x4000, s31;
	s1 =	sadd.s32 s1, s30  }
0xbe: {  	s0 =	sor.u32 s3, s0;
	s1 =	sshll.u32 s1, $0x11  }
0xbf: {  	s0 =	sor.u32 s1, s0  }
0xc0: {  	s0 =	sadd.s32 $0x8F2B, s0  }
0xc1: {  	[sflag:s0] =	ssyncadd.remote.s32 $0x1  }
0xc2: {  	_ =	sfence.sel $0xFFFF  }
0xc3: {  	[dreg:$0x0] =	wrdreg $0xFFFFFFFF;
	(pc) =	sbr.abs _section_cstart, $3  }
0xc4: {  	[dreg:$0x1] =	wrdreg $0xFFFFFFFF  }
0xc5: {  	_ =	task.clear_ibuf [dreg:s9], $0x2FFFF;
	_ =	strace $0x9FFFFFFF  }
0xc6: {  	(tm) =	ssettm $0x7FFFFFFF  }
0xc7: {  	_ =	shalt  }
tec
execute0_lowered:
.L_overlay_start_1:
0x0: {  	(tag) =	ssettag $0x1  }
0x1: {  	s0 =	srdreg.scid;
	s1 =	stileid.u32  }
0x2: {  	s0 =	sand.u32 $0x1, s0;
	s1 =	sshll.u32 s1, $0x1  }
0x3: {  	s18 =	sor.u32 s0, s1;
	s0 =	ssub.s32 $0x2, s0  }
0x4: {  	s7 =	smul.u32 $0x19, s18;
	s2 =	sshrl.u32 s0, $0x1  }
0x5: {  	s0 =	ssub.s32 s0, s2  }
0x6: {  	s26 =	sadd.s32 $0x1, s7;
	[smem:$0x7FD] =	sst s0  }
0x7: {  	s13 =	sadd.s32 $0x2, s7;
	s6 =	sadd.s32 $0x3, s7;
	s22 =	sadd.s32 $0x5, s7  }
0x8: {  	s3 =	sshll.u32 s26, $0x5;
	s1 =	sshll.u32 s26, $0xC;
	s14 =	sshll.u32 s13, $0x5  }
0x9: {  	s15 =	sshll.u32 s13, $0xC;
	s9 =	sshll.u32 s6, $0x5;
	s6 =	sshll.u32 s6, $0xC  }
0xa: {  	s23 =	sshll.u32 s22, $0x5;
	s26 =	sshll.u32 s22, $0xC;
	s2 =	sand.u32 $0x60, s3  }
0xb: {  	s12 =	sand.u32 $0x7FC000, s1;
	s1 =	sand.u32 $0x7E0000, s1;
	s3 =	sand.u32 $0x380, s3  }
0xc: {  	s16 =	sand.u32 $0x60, s14;
	s5 =	sand.u32 $0x7FC000, s15;
	s17 =	sand.u32 $0x60, s9  }
0xd: {  	s10 =	sand.u32 $0x7E0000, s6;
	s19 =	sand.u32 $0x7FC000, s6;
	s21 =	sand.u32 $0x380, s9  }
0xe: {  	s25 =	sand.u32 $0x60, s23;
	s9 =	sadd.s32 $0x6, s7;
	s4 =	sshll.u32 s2, $0xA  }
0xf: {  	s8 =	sshll.u32 s16, $0xA;
	s11 =	sshll.u32 s17, $0xA;
	s0 =	sshll.u32 s2, $0x7  }
0x10: {  	s24 =	sshll.u32 s16, $0x7;
	s6 =	sshll.u32 s25, $0xA;
	s22 =	sshll.u32 s25, $0x7  }
0x11: {  	s1 =	sor.u32 s4, s1;
	s20 =	sor.u32 s11, s10;
	s0 =	sor.u32 s12, s0  }
0x12: {  	s2 =	sor.u32 s5, s24;
	s5 =	sand.u32 $0x7E0000, s26;
	s4 =	sand.u32 $0x7FC000, s26  }
0x13: {  	s10 =	sshll.u32 s9, $0x5;
	s11 =	sshll.u32 s9, $0xC;
	[smem:$0x7E0] =	sst s0  }
0x14: {  	s1 =	sor.u32 s3, s1;
	s3 =	sand.u32 $0x7E0000, s15;
	[smem:$0x7E1] =	sst s2  }
0x15: {  	s2 =	sor.u32 s6, s5;
	s0 =	sand.u32 $0x380, s23;
	s12 =	sand.u32 $0x60, s10  }
0x16: {  	s13 =	sand.u32 $0x7FC000, s11;
	s23 =	sadd.s32 $0x9, s7;
	[smem:$0x7D7] =	sst s1  }
0x17: {  	s3 =	sor.u32 s8, s3;
	s1 =	sand.u32 $0x380, s14;
	s0 =	sor.u32 s0, s2  }
0x18: {  	s8 =	sshll.u32 s17, $0x7;
	s14 =	sadd.s32 $0x7, s7;
	s15 =	sshll.u32 s12, $0xA  }
0x19: {  	s24 =	sshll.u32 s12, $0x7;
	s25 =	sshll.u32 s23, $0x5;
	s12 =	sadd.s32 $0xA, s7  }
0x1a: {  	s1 =	sor.u32 s1, s3;
	s3 =	sor.u32 s21, s20;
	[smem:$0x7DA] =	sst s0  }
0x1b: {  	s0 =	sor.u32 s19, s8;
	s16 =	sshll.u32 s14, $0x5;
	[smem:$0x7D8] =	sst s1  }
0x1c: {  	s6 =	sshll.u32 s14, $0xC;
	s26 =	sand.u32 $0x60, s25;
	[smem:$0x7D9] =	sst s3  }
0x1d: {  	s2 =	sand.u32 $0x380, s25;
	[smem:$0x7E3] =	sst s0;
	s1 =	sand.u32 $0x7E0000, s11  }
0x1e: {  	s8 =	sand.u32 $0x60, s16;
	s0 =	sand.u32 $0x380, s10;
	s17 =	sand.u32 $0x7E0000, s6  }
0x1f: {  	s21 =	sand.u32 $0x380, s16;
	s11 =	sshll.u32 s26, $0xA;
	s6 =	sand.u32 $0x7FC000, s6  }
0x20: {  	s1 =	sor.u32 s15, s1;
	s19 =	sshll.u32 s8, $0xA;
	s15 =	sshll.u32 s12, $0xC  }
0x21: {  	s8 =	sshll.u32 s8, $0x7;
	s0 =	sor.u32 s0, s1;
	s20 =	sor.u32 s19, s17  }
0x22: {  	s1 =	sshll.u32 s23, $0xC;
	s5 =	sand.u32 $0x7E0000, s15;
	s17 =	sadd.s32 $0xB, s7  }
0x23: {  	s6 =	sor.u32 s6, s8;
	[smem:$0x7DB] =	sst s0;
	s0 =	sor.u32 s21, s20  }
0x24: {  	s10 =	sand.u32 $0x7E0000, s1;
	s19 =	sshll.u32 s17, $0x5;
	[smem:$0x7E9] =	sst s6  }
0x25: {  	s1 =	sand.u32 $0x7FC000, s1;
	[smem:$0x7DC] =	sst s0;
	s0 =	sor.u32 s4, s22  }
0x26: {  	s3 =	sor.u32 s11, s10;
	s10 =	sshll.u32 s17, $0xC;
	s11 =	sand.u32 $0x60, s19  }
0x27: {  	s21 =	sand.u32 $0x380, s19;
	s22 =	sadd.s32 $0xD, s7;
	s17 =	sadd.s32 $0xF, s7  }
0x28: {  	[smem:$0x7E6] =	sst s0;
	s0 =	sor.u32 s13, s24;
	s13 =	sshll.u32 s12, $0x5  }
0x29: {  	s2 =	sor.u32 s2, s3;
	s12 =	sand.u32 $0x7E0000, s10;
	s3 =	sand.u32 $0x7FC000, s15  }
0x2a: {  	s24 =	sshll.u32 s22, $0x5;
	s25 =	sshll.u32 s22, $0xC;
	[smem:$0x7E8] =	sst s0  }
0x2b: {  	s19 =	sand.u32 $0x7FC000, s10;
	[smem:$0x7DD] =	sst s2;
	s14 =	sand.u32 $0x60, s13  }
0x2c: {  	s4 =	sand.u32 $0x380, s13;
	s13 =	sshll.u32 s11, $0xA;
	s0 =	sshll.u32 s26, $0x7  }
0x2d: {  	s8 =	sand.u32 $0x7E0000, s25;
	s2 =	sand.u32 $0x7FC000, s25;
	s16 =	sshll.u32 s14, $0xA  }
0x2e: {  	s20 =	sor.u32 s13, s12;
	s0 =	sor.u32 s1, s0;
	s23 =	sshll.u32 s14, $0x7  }
0x2f: {  	s12 =	sadd.s32 $0xE, s7;
	s1 =	sand.u32 $0x380, s24;
	s5 =	sor.u32 s16, s5  }
0x30: {  	[smem:$0x7ED] =	sst s0;
	s0 =	sor.u32 s3, s23;
	s13 =	sshll.u32 s12, $0x5  }
0x31: {  	s14 =	sshll.u32 s12, $0xC;
	s4 =	sor.u32 s4, s5;
	[smem:$0x7EE] =	sst s0  }
0x32: {  	s0 =	sand.u32 $0x60, s24;
	s15 =	sand.u32 $0x60, s13;
	s5 =	sand.u32 $0x7E0000, s14  }
0x33: {  	[smem:$0x7DE] =	sst s4;
	s4 =	sor.u32 s21, s20;
	s9 =	sshll.u32 s0, $0xA  }
0x34: {  	s16 =	sshll.u32 s15, $0xA;
	s20 =	sshll.u32 s17, $0x5;
	s21 =	sshll.u32 s11, $0x7  }
0x35: {  	s0 =	sshll.u32 s0, $0x7;
	[smem:$0x7DF] =	sst s4;
	s3 =	sor.u32 s9, s8  }
0x36: {  	s5 =	sor.u32 s16, s5;
	s8 =	sshll.u32 s17, $0xC;
	s11 =	sand.u32 $0x60, s20  }
0x37: {  	s4 =	sand.u32 $0x380, s13;
	s6 =	sor.u32 s19, s21;
	s25 =	sand.u32 $0x380, s20  }
0x38: {  	s0 =	sor.u32 s2, s0;
	s9 =	sshll.u32 s15, $0x7;
	s19 =	sadd.s32 $0x13, s7  }
0x39: {  	s26 =	sor.u32 s1, s3;
	s22 =	sand.u32 $0x7E0000, s8;
	[smem:$0x7F1] =	sst s6  }
0x3a: {  	s23 =	sshll.u32 s11, $0xA;
	s29 =	sor.u32 s4, s5;
	[smem:$0x7F3] =	sst s0  }
0x3b: {  	s6 =	sadd.s32 $0x11, s7;
	s1 =	sand.u32 $0x7FC000, s14;
	s14 =	sadd.s32 $0x12, s7  }
0x3c: {  	s20 =	sand.u32 $0x7FC000, s8;
	s21 =	sshll.u32 s19, $0x5;
	s24 =	sor.u32 s23, s22  }
0x3d: {  	s10 =	sshll.u32 s6, $0x5;
	s1 =	sor.u32 s1, s9;
	s0 =	sshll.u32 s6, $0xC  }
0x3e: {  	s15 =	sshll.u32 s14, $0x5;
	s16 =	sshll.u32 s14, $0xC;
	s22 =	sshll.u32 s11, $0x7  }
0x3f: {  	s9 =	sshll.u32 s19, $0xC;
	s14 =	sand.u32 $0x380, s21;
	s30 =	sor.u32 s25, s24  }
0x40: {  	[smem:$0x7F6] =	sst s1;
	s1 =	sand.u32 $0x60, s10;
	s12 =	sand.u32 $0x7E0000, s0  }
0x41: {  	s3 =	sand.u32 $0x380, s10;
	s5 =	sand.u32 $0x7E0000, s16;
	s4 =	sand.u32 $0x380, s15  }
0x42: {  	s23 =	sand.u32 $0x7E0000, s9;
	s6 =	sor.u32 s20, s22;
	s0 =	sand.u32 $0x7FC000, s0  }
0x43: {  	s16 =	sand.u32 $0x7FC000, s16;
	s22 =	sadd.s32 $0x16, s7;
	s9 =	sand.u32 $0x7FC000, s9  }
0x44: {  	s13 =	sshll.u32 s1, $0xA;
	[smem:$0x7F8] =	sst s6;
	s1 =	sshll.u32 s1, $0x7  }
0x45: {  	s6 =	sadd.s32 $0x17, s7;
	s2 =	sor.u32 s13, s12;
	s12 =	sand.u32 $0x60, s21  }
0x46: {  	s0 =	sor.u32 s0, s1;
	s10 =	sshll.u32 s6, $0x5;
	s31 =	sor.u32 s3, s2  }
0x47: {  	s3 =	sand.u32 $0x60, s15;
	s24 =	sshll.u32 s12, $0xA;
	[smem:$0x7FA] =	sst s0  }
0x48: {  	s15 =	sadd.s32 $0x15, s7;
	s0 =	sshll.u32 s22, $0x5;
	s12 =	sshll.u32 s12, $0x7  }
0x49: {  	s17 =	sshll.u32 s3, $0xA;
	s13 =	sor.u32 s24, s23;
	s19 =	sshll.u32 s15, $0x5  }
0x4a: {  	s8 =	sshll.u32 s15, $0xC;
	s15 =	sshll.u32 s7, $0xC;
	s5 =	sor.u32 s17, s5  }
0x4b: {  	s24 =	sor.u32 s14, s13;
	s17 =	sshll.u32 s3, $0x7;
	s20 =	sand.u32 $0x7E0000, s8  }
0x4c: {  	s3 =	sand.u32 $0x380, s19;
	s13 =	sand.u32 $0x380, s10;
	s14 =	sshll.u32 s7, $0x5  }
0x4d: {  	s25 =	sor.u32 s4, s5;
	s1 =	sor.u32 s16, s17;
	s17 =	sshll.u32 s6, $0xC  }
0x4e: {  	s16 =	sand.u32 $0x60, s10;
	[smem:$0x7FB] =	sst s1;
	s1 =	sand.u32 $0x60, s19  }
0x4f: {  	s4 =	sand.u32 $0x380, s0;
	s10 =	sadd.s32 $0x4, s7;
	s21 =	sshll.u32 s1, $0xA  }
0x50: {  	s19 =	sand.u32 $0x60, s0;
	s2 =	sor.u32 s21, s20;
	s20 =	sshll.u32 s22, $0xC  }
0x51: {  	s5 =	sshll.u32 s19, $0xA;
	s23 =	sor.u32 s3, s2;
	s3 =	sand.u32 $0x7E0000, s20  }
0x52: {  	s11 =	sshll.u32 s16, $0xA;
	s1 =	sshll.u32 s1, $0x7;
	s2 =	sor.u32 s5, s3  }
0x53: {  	s5 =	sand.u32 $0x7E0000, s17;
	s3 =	sor.u32 s9, s12;
	s9 =	sand.u32 $0x7FC000, s8  }
0x54: {  	s12 =	sshll.u32 s10, $0x5;
	[smem:$0x7FC] =	sst s3;
	s22 =	sor.u32 s4, s2  }
0x55: {  	s0 =	sor.u32 s11, s5;
	s4 =	sshll.u32 s18, $0x5;
	s5 =	sor.u32 s15, s14  }
0x56: {  	s28 =	sor.u32 s9, s1;
	s11 =	sshll.u32 s10, $0xC;
	s1 =	sadd.s32 $0x8, s7  }
0x57: {  	s9 =	sadd.s32 $0xC, s7;
	s3 =	sadd.s32 $0x10, s7;
	s21 =	sor.u32 s13, s0  }
0x58: {  	s14 =	sand.u32 $0x60, s4;
	s6 =	sand.u32 $0x3E0380, s5;
	s13 =	sand.u32 $0x7FC000, s11  }
0x59: {  	s11 =	sshll.u32 s9, $0xC;
	s2 =	sshll.u32 s1, $0x5;
	s0 =	sshll.u32 s9, $0x5  }
0x5a: {  	s4 =	sadd.s32 $0x14, s7;
	s18 =	sshll.u32 s14, $0xA;
	s5 =	sor.u32 s13, s12  }
0x5b: {  	s11 =	sand.u32 $0x7FC000, s11;
	s8 =	sor.u32 s18, s6;
	s6 =	sshll.u32 s1, $0xC  }
0x5c: {  	s10 =	sand.u32 $0x7FFE0380, s5;
	s0 =	sor.u32 s11, s0;
	s12 =	sand.u32 $0x7FC000, s6  }
0x5d: {  	s1 =	sadd.s32 $0x18, s7;
	s5 =	sor.u32 s18, s10;
	s2 =	sor.u32 s12, s2  }
0x5e: {  	s0 =	sand.u32 $0x7FFE0380, s0;
	s8 =	sshrl.u32 s8, $0x3;
	s2 =	sand.u32 $0x7FFE0380, s2  }
0x5f: {  	s9 =	sor.u32 s18, s0;
	s6 =	sor.u32 s18, s2;
	s2 =	sshll.u32 s3, $0xC  }
0x60: {  	s0 =	sshll.u32 s4, $0x5;
	s3 =	sshll.u32 s3, $0x5;
	s10 =	sand.u32 $0x7FC000, s2  }
0x61: {  	s2 =	sshll.u32 s4, $0xC;
	s4 =	sshll.u32 s1, $0xC;
	s1 =	sshll.u32 s1, $0x5  }
0x62: {  	s3 =	sor.u32 s10, s3;
	s7 =	sand.u32 $0x7FC000, s2;
	s2 =	sand.u32 $0x7FC000, s4  }
0x63: {  	s0 =	sor.u32 s7, s0;
	s3 =	sand.u32 $0x7FFE0380, s3;
	s1 =	sor.u32 s2, s1  }
0x64: {  	s0 =	sand.u32 $0x7FFE0380, s0;
	s3 =	sor.u32 s18, s3;
	s1 =	sand.u32 $0x7FFE0380, s1  }
0x65: {  	s4 =	sor.u32 s18, s0;
	s1 =	sor.u32 s18, s1;
	s18 =	rddreg [dreg:$0x0]  }
0x66: {  	s8 =	sadd.s32 s18, s8  }
0x67: {  	[dreg:$0x5] =	wrdreg s8  }
0x68: {  	s8 =	sld [smem:$0x7D7];
	_ =	sdelay $0x2  }
0x69: {  	s0 =	sld [smem:$0x7D8];
	s8 =	sshrl.u32 s8, $0x3  }
0x6a: {  	s8 =	sadd.s32 s18, s8  }
0x6b: {  	[dreg:$0x6] =	wrdreg s8  }
0x6c: {  	s0 =	sshrl.u32 s0, $0x3;
	s8 =	sld [smem:$0x7D9]  }
0x6d: {  	s0 =	sadd.s32 s18, s0  }
0x6e: {  	[dreg:$0x7] =	wrdreg s0  }
0x6f: {  	s0 =	sshrl.u32 s8, $0x3;
	s8 =	sld [smem:$0x7DA]  }
0x70: {  	s0 =	sadd.s32 s18, s0  }
0x71: {  	[dreg:$0x8] =	wrdreg s0;
	s0 =	sshrl.u32 s5, $0x3  }
0x72: {  	s5 =	sshrl.u32 s8, $0x3;
	s0 =	sadd.s32 s18, s0;
	s8 =	sld [smem:$0x7DB]  }
0x73: {  	[dreg:$0x9] =	wrdreg s0;
	s5 =	sadd.s32 s18, s5  }
0x74: {  	s6 =	sshrl.u32 s6, $0x3;
	[dreg:$0xa] =	wrdreg s5  }
0x75: {  	s5 =	sld [smem:$0x7DC];
	s0 =	sshrl.u32 s8, $0x3;
	s8 =	sadd.s32 s18, s6  }
0x76: {  	[dreg:$0xd] =	wrdreg s8  }
0x77: {  	s0 =	sadd.s32 s18, s0;
	s8 =	sld [smem:$0x7DF]  }
0x78: {  	[dreg:$0xb] =	wrdreg s0  }
0x79: {  	s0 =	sshrl.u32 s5, $0x3;
	s5 =	sld [smem:$0x7DD]  }
0x7a: {  	s6 =	sld [smem:$0x7DE];
	s0 =	sadd.s32 s18, s0  }
0x7b: {  	[dreg:$0xc] =	wrdreg s0  }
0x7c: {  	s0 =	sshrl.u32 s5, $0x3;
	s5 =	sshrl.u32 s8, $0x3;
	s8 =	sshrl.u32 s9, $0x3  }
0x7d: {  	s9 =	sshrl.u32 s26, $0x3;
	s26 =	sshrl.u32 s29, $0x3;
	s0 =	sadd.s32 s18, s0  }
0x7e: {  	[dreg:$0xe] =	wrdreg s0;
	s0 =	sshrl.u32 s6, $0x3;
	s6 =	sadd.s32 s18, s5  }
0x7f: {  	s5 =	sadd.s32 s18, s26;
	s0 =	sadd.s32 s18, s0;
	[dreg:$0x10] =	wrdreg s6  }
0x80: {  	[dreg:$0x13] =	wrdreg s5;
	s5 =	sshrl.u32 s24, $0x3;
	s24 =	sshrl.u32 s21, $0x3  }
0x81: {  	[dreg:$0xf] =	wrdreg s0;
	s0 =	sadd.s32 s18, s8;
	s8 =	sshrl.u32 s3, $0x3  }
0x82: {  	s3 =	sshrl.u32 s25, $0x3;
	s25 =	sadd.s32 s18, s24;
	s24 =	sld [smem:$0x7E9]  }
0x83: {  	s6 =	sshrl.u32 s30, $0x3;
	[dreg:$0x11] =	wrdreg s0  }
0x84: {  	s0 =	sadd.s32 s18, s9;
	s9 =	sshrl.u32 s31, $0x3;
	[dreg:$0x1c] =	wrdreg s25  }
0x85: {  	[dreg:$0x12] =	wrdreg s0;
	s0 =	sadd.s32 s18, s6;
	s26 =	sadd.s32 s18, s9  }
0x86: {  	s9 =	sshrl.u32 s23, $0x3;
	s23 =	sshrl.u32 s22, $0x3;
	s22 =	sld [smem:$0x7E6]  }
0x87: {  	[dreg:$0x14] =	wrdreg s0  }
0x88: {  	s6 =	sshrl.u32 s4, $0x3;
	s0 =	sadd.s32 s18, s8;
	[dreg:$0x16] =	wrdreg s26  }
0x89: {  	s8 =	sadd.s32 s18, s6;
	[dreg:$0x15] =	wrdreg s0  }
0x8a: {  	[dreg:$0x19] =	wrdreg s8  }
0x8b: {  	s0 =	sadd.s32 s18, s3;
	s3 =	sshll.u32 s19, $0x7;
	s19 =	sld [smem:$0x7E3]  }
0x8c: {  	s8 =	sshll.u32 s14, $0x7;
	[dreg:$0x17] =	wrdreg s0  }
0x8d: {  	s0 =	sadd.s32 s18, s5;
	s5 =	sshll.u32 s16, $0x7;
	s16 =	sld [smem:$0x7E0]  }
0x8e: {  	s14 =	sor.u32 s8, s12;
	s12 =	sld [smem:$0x7F1]  }
0x8f: {  	s26 =	sshrl.u32 s1, $0x3;
	[dreg:$0x18] =	wrdreg s0  }
0x90: {  	s0 =	sadd.s32 s18, s9;
	s9 =	sor.u32 s8, s10;
	s10 =	rddreg [dreg:$0x3]  }
0x91: {  	s1 =	sand.u32 $0x7FC000, s20;
	s13 =	sor.u32 s8, s13;
	[dreg:$0x1a] =	wrdreg s0  }
0x92: {  	s20 =	sshrl.u32 s13, $0x3;
	s0 =	sadd.s32 s18, s23;
	s23 =	sld [smem:$0x7E8]  }
0x93: {  	s21 =	sadd.s32 s10, s20;
	s20 =	sld [smem:$0x7FB]  }
0x94: {  	[dreg:$0x1b] =	wrdreg s0  }
0x95: {  	s0 =	sadd.s32 s18, s26;
	s18 =	sld [smem:$0x7E1]  }
0x96: {  	[smem:$0x7E5] =	sst s21  }
0x97: {  	s29 =	simm.s32 $0x1980;
	s30 =	simm.s32 $0x6;
	s21 =	sld [smem:$0x7FC]  }
0x98: {  	s31 =	simm.s32 $0x2980;
	s26 =	simm.s32 $0x0;
	[dreg:$0x1d] =	wrdreg s0  }
0x99: {  	s4 =	sand.u32 $0x7FC000, s17;
	s6 =	sand.u32 $0x3FC000, s15;
	[smem:$0x7FF] =	sst s26  }
0x9a: {  	s0 =	sor.u32 s1, s3;
	s1 =	sor.u32 s4, s5;
	s5 =	sld [smem:$0x7ED]  }
0x9b: {  	s15 =	sor.u32 s8, s11;
	s3 =	sor.u32 s8, s6;
	s6 =	sld [smem:$0x7EE]  }
0x9c: {  	s4 =	sshrl.u32 s16, $0x3;
	s16 =	sld [smem:$0x7F6];
	s3 =	sshrl.u32 s3, $0x3  }
0x9d: {  	s17 =	sadd.s32 s10, s4;
	s4 =	sshrl.u32 s24, $0x3;
	s24 =	rddreg [dreg:$0x1]  }
0x9e: {  	s7 =	sor.u32 s8, s7;
	s3 =	sadd.s32 s10, s3;
	[dreg:$0x1f] =	wrdreg s17  }
0x9f: {  	s25 =	sadd.s32 s10, s4;
	s4 =	sshrl.u32 s14, $0x3;
	s14 =	sld [smem:$0x7F3]  }
0xa0: {  	s2 =	sor.u32 s8, s2;
	[dreg:$0x1e] =	wrdreg s3;
	s3 =	sshrl.u32 s18, $0x3  }
0xa1: {  	s13 =	sshrl.u32 s15, $0x3;
	s17 =	sld [smem:$0x7F8];
	s3 =	sadd.s32 s10, s3  }
0xa2: {  	s2 =	sshrl.u32 s2, $0x3;
	[smem:$0x7E2] =	sst s3;
	s3 =	sshrl.u32 s19, $0x3  }
0xa3: {  	s8 =	simm.s32 $0x0;
	[smem:$0x7EB] =	sst s25;
	s3 =	sadd.s32 s10, s3  }
0xa4: {  	s0 =	sshrl.u32 s0, $0x3;
	[smem:$0x7E4] =	sst s3;
	s3 =	sshrl.u32 s22, $0x3  }
0xa5: {  	s1 =	sshrl.u32 s1, $0x3;
	s19 =	sld [smem:$0x7FA];
	s3 =	sadd.s32 s10, s3  }
0xa6: {  	s18 =	sshrl.u32 s9, $0x3;
	[smem:$0x7E7] =	sst s3;
	s3 =	sshrl.u32 s23, $0x3  }
0xa7: {  	s22 =	sshrl.u32 s7, $0x3;
	s7 =	simm.s32 $0x5;
	s3 =	sadd.s32 s10, s3  }
0xa8: {  	s23 =	sshrl.u32 s28, $0x3;
	s28 =	simm.s32 $0x980;
	[smem:$0x7EA] =	sst s3  }
0xa9: {  	s3 =	sadd.s32 s10, s4;
	s4 =	sshrl.u32 s6, $0x3;
	s6 =	simm.s32 $0x4  }
0xaa: {  	[smem:$0x7EC] =	sst s3;
	s3 =	sshrl.u32 s5, $0x3;
	s11 =	sadd.s32 s10, s4  }
0xab: {  	s4 =	sshrl.u32 s14, $0x3;
	s3 =	sadd.s32 s10, s3;
	[smem:$0x7F0] =	sst s11  }
0xac: {  	s15 =	sadd.s32 s10, s4;
	[smem:$0x7EF] =	sst s3;
	s3 =	sshrl.u32 s12, $0x3  }
0xad: {  	s5 =	simm.s32 $0x3;
	[smem:$0x7F5] =	sst s15;
	s3 =	sadd.s32 s10, s3  }
0xae: {  	s4 =	sshrl.u32 s21, $0x3;
	[smem:$0x7F2] =	sst s3;
	s3 =	sadd.s32 s10, s13  }
0xaf: {  	s21 =	sadd.s32 $0x400, s24;
	[smem:$0x7F4] =	sst s3;
	s3 =	sshrl.u32 s16, $0x3  }
0xb0: {  	s12 =	sadd.s32 s10, s18;
	s15 =	sadd.s32 s10, s4;
	s3 =	sadd.s32 s10, s3  }
0xb1: {  	s18 =	sadd.s32 s10, s0;
	[smem:$0x7F7] =	sst s3;
	s3 =	sshrl.u32 s17, $0x3  }
0xb2: {  	s0 =	simm.s32 $0x1;
	s4 =	simm.s32 $0x4980;
	s3 =	sadd.s32 s10, s3  }
0xb3: {  	s16 =	sadd.s32 s10, s22;
	s22 =	sadd.s32 $0x600, s24;
	[smem:$0x7F9] =	sst s3  }
0xb4: {  	s24 =	simm.s32 $0x80;
	s17 =	sadd.s32 s10, s23;
	_ =	strace $0x80000047  }
0xb5: {  	s3 =	sshrl.u32 s19, $0x3;
	s19 =	sadd.s32 s10, s1;
	s25 =	sld [smem:$0x7FD]  }
0xb6: {  	s1 =	simm.s32 $0x900;
	s13 =	sadd.s32 s10, s3;
	s3 =	sshrl.u32 s20, $0x3  }
0xb7: {  	s20 =	sadd.s32 s10, s2;
	s2 =	simm.s32 $0x3980;
	s14 =	sadd.s32 s10, s3  }
0xb8: {  	s3 =	simm.s32 $0x2;
	s23 =	smax.u32 s25, $0x1;
	s25 =	simm.s32 $0x400  }
.LBB2_1:
0xb9: {  	s9 =	rddreg [dreg:$0x5]  }
0xba: {  	[tilespmem:s28], [sflag:$0x1] =	stream.strided.gather [hbm4b:s9+s24], $0x1000, s25, s24, $0x38;
	[tilespmem:$0x5980] =	vst v63  }
0xbb: {  	s10 =	rddreg [dreg:$0x6]  }
0xbc: {  	[tilespmem:s29], [sflag:$0x2] =	stream.strided.gather [hbm4b:s10+s24], $0x1000, s25, s24, $0x38;
	[tilespmem:$0x5980] =	vst v63  }
0xbd: {  	_ = 	snop  }
0xbe: {  	[tilespmem:s26], [sflag:$0x6] =	stream.linear.gather [hbm4b:s21+s26], $0x800, $0x38;
	[tilespmem:$0x5980] =	vst v63  }
0xbf: {  	_ =	swait.ge [sflag:s30], $0x800  }
0xc0: {  	[sflag:s30] =	ssyncset.done $0x0  }
0xc1: {  	[sflag:s30] =	ssyncadd.s32 $0xFFFFF800  }
0xc2: {  	s10 =	simm.s32 $0x800;
	s11 =	rddreg [dreg:$0x2]  }
0xc3: {  	[tilespmem:s10], [sflag:$0x6] =	stream.linear.gather [hbm4b:s11+s26], $0x80, $0x38;
	[tilespmem:$0x5980] =	vst v63  }
0xc4: {  	_ =	swait.ge [sflag:s30], $0x80  }
0xc5: {  	[sflag:s30] =	ssyncset.done $0x0  }
0xc6: {  	s11 =	simm.s32 $0x880;
	[sflag:s30] =	ssyncadd.s32 $0xFFFFFF80  }
0xc7: {  	[tilespmem:s11], [sflag:$0x6] =	stream.linear.gather [hbm4b:s22+s26], $0x80, $0x38;
	[tilespmem:$0x5980] =	vst v63  }
0xc8: {  	_ =	swait.ge [sflag:s30], $0x80  }
0xc9: {  	[sflag:s30] =	ssyncset.done $0x0  }
0xca: {  	[sflag:s30] =	ssyncadd.s32 $0xFFFFFF80  }
0xcb: {  	v0 =	vld [tilespmem:$0x800];
	_ =	sdelay $0x1  }
0xcc: {  	v1 =	vld [tilespmem:$0x0]  }
0xcd: {  	v2 =	vld [tilespmem:$0x880]  }
0xce: {  	v3 =	vld [tilespmem:$0x10]  }
0xcf: {  	v4 =	vbroadcast v0, $0x0  }
0xd0: {  	v5 =	vld [tilespmem:$0x20]  }
0xd1: {  	v1 =	vmul.f32 v4, v1;
	v4 =	vbroadcast v0, $0x1  }
0xd2: {  	v6 =	vld [tilespmem:$0x30]  }
0xd3: {  	v1 =	vadd.f32 v1, v2;
	v2 =	vmul.f32 v3, v4;
	v3 =	vbroadcast v0, $0x2  }
0xd4: {  	v4 =	vld [tilespmem:$0x40]  }
0xd5: {  	v1 =	vadd.f32 v2, v1;
	v2 =	vmul.f32 v5, v3;
	v3 =	vbroadcast v0, $0x3  }
0xd6: {  	v5 =	vld [tilespmem:$0x50]  }
0xd7: {  	v1 =	vadd.f32 v2, v1;
	v2 =	vmul.f32 v6, v3;
	v3 =	vbroadcast v0, $0x4  }
0xd8: {  	v6 =	vld [tilespmem:$0x60]  }
0xd9: {  	v1 =	vadd.f32 v2, v1;
	v2 =	vmul.f32 v4, v3;
	v3 =	vbroadcast v0, $0x5  }
0xda: {  	v4 =	vld [tilespmem:$0x70]  }
0xdb: {  	v1 =	vadd.f32 v2, v1;
	v2 =	vmul.f32 v5, v3;
	v3 =	vbroadcast v0, $0x6  }
0xdc: {  	v5 =	vld [tilespmem:$0x80]  }
0xdd: {  	v1 =	vadd.f32 v2, v1;
	v2 =	vmul.f32 v6, v3;
	v3 =	vbroadcast v0, $0x7  }
0xde: {  	v6 =	vld [tilespmem:$0x90]  }
0xdf: {  	v1 =	vadd.f32 v2, v1;
	v2 =	vmul.f32 v4, v3;
	v3 =	vbroadcast v0, $0x8  }
0xe0: {  	v4 =	vld [tilespmem:$0xA0]  }
0xe1: {  	v1 =	vadd.f32 v2, v1;
	v2 =	vmul.f32 v5, v3;
	v3 =	vbroadcast v0, $0x9  }
0xe2: {  	v5 =	vld [tilespmem:$0xB0]  }
0xe3: {  	v1 =	vadd.f32 v2, v1;
	v2 =	vmul.f32 v6, v3;
	v3 =	vbroadcast v0, $0xA  }
0xe4: {  	v6 =	vld [tilespmem:$0xC0]  }
0xe5: {  	v1 =	vadd.f32 v2, v1;
	v2 =	vmul.f32 v4, v3;
	v3 =	vbroadcast v0, $0xB  }
0xe6: {  	v4 =	vld [tilespmem:$0xD0]  }
0xe7: {  	v1 =	vadd.f32 v2, v1;
	v2 =	vmul.f32 v5, v3;
	v3 =	vbroadcast v0, $0xC  }
0xe8: {  	v5 =	vld [tilespmem:$0xE0]  }
0xe9: {  	v7 =	vld [tilespmem:$0x810];
	v1 =	vadd.f32 v2, v1;
	v2 =	vmul.f32 v6, v3;
	v3 =	vbroadcast v0, $0xD  }
0xea: {  	v6 =	vld [tilespmem:$0xF0]  }
0xeb: {  	v1 =	vadd.f32 v2, v1;
	v2 =	vmul.f32 v4, v3;
	v3 =	vbroadcast v0, $0xE  }
0xec: {  	v4 =	vld [tilespmem:$0x100]  }
0xed: {  	v0 =	vbroadcast v0, $0xF;
	v1 =	vadd.f32 v2, v1;
	v2 =	vmul.f32 v5, v3  }
0xee: {  	v3 =	vld [tilespmem:$0x110]  }
0xef: {  	v0 =	vmul.f32 v6, v0;
	v1 =	vadd.f32 v2, v1;
	v2 =	vbroadcast v7, $0x0  }
0xf0: {  	v5 =	vld [tilespmem:$0x120]  }
0xf1: {  	v0 =	vadd.f32 v0, v1;
	v1 =	vmul.f32 v2, v4;
	v2 =	vbroadcast v7, $0x1  }
0xf2: {  	v4 =	vld [tilespmem:$0x130]  }
0xf3: {  	v0 =	vadd.f32 v1, v0;
	v1 =	vmul.f32 v3, v2;
	v2 =	vbroadcast v7, $0x2  }
0xf4: {  	v3 =	vld [tilespmem:$0x140]  }
0xf5: {  	v0 =	vadd.f32 v1, v0;
	v1 =	vmul.f32 v5, v2;
	v2 =	vbroadcast v7, $0x3  }
0xf6: {  	v5 =	vld [tilespmem:$0x150]  }
0xf7: {  	v0 =	vadd.f32 v1, v0;
	v1 =	vmul.f32 v4, v2;
	v2 =	vbroadcast v7, $0x4  }
0xf8: {  	v4 =	vld [tilespmem:$0x160]  }
0xf9: {  	v0 =	vadd.f32 v1, v0;
	v1 =	vmul.f32 v3, v2;
	v2 =	vbroadcast v7, $0x5  }
0xfa: {  	v3 =	vld [tilespmem:$0x170]  }
0xfb: {  	v0 =	vadd.f32 v1, v0;
	v1 =	vmul.f32 v5, v2;
	v2 =	vbroadcast v7, $0x6  }
0xfc: {  	v5 =	vld [tilespmem:$0x180]  }
0xfd: {  	v0 =	vadd.f32 v1, v0;
	v1 =	vmul.f32 v4, v2;
	v2 =	vbroadcast v7, $0x7  }
0xfe: {  	v4 =	vld [tilespmem:$0x190]  }
0xff: {  	v0 =	vadd.f32 v1, v0;
	v1 =	vmul.f32 v3, v2;
	v2 =	vbroadcast v7, $0x8  }
0x100: {  	v3 =	vld [tilespmem:$0x1A0]  }
0x101: {  	v0 =	vadd.f32 v1, v0;
	v1 =	vmul.f32 v5, v2;
	v2 =	vbroadcast v7, $0x9  }
0x102: {  	v5 =	vld [tilespmem:$0x1B0]  }
0x103: {  	v0 =	vadd.f32 v1, v0;
	v1 =	vmul.f32 v4, v2;
	v2 =	vbroadcast v7, $0xA  }
0x104: {  	v4 =	vld [tilespmem:$0x1C0]  }
0x105: {  	v0 =	vadd.f32 v1, v0;
	v1 =	vmul.f32 v3, v2;
	v2 =	vbroadcast v7, $0xB  }
0x106: {  	v3 =	vld [tilespmem:$0x1D0]  }
0x107: {  	v0 =	vadd.f32 v1, v0;
	v1 =	vmul.f32 v5, v2;
	v2 =	vbroadcast v7, $0xC  }
0x108: {  	v5 =	vld [tilespmem:$0x1E0]  }
0x109: {  	v6 =	vld [tilespmem:$0x820];
	v0 =	vadd.f32 v1, v0;
	v1 =	vmul.f32 v4, v2;
	v2 =	vbroadcast v7, $0xD  }
0x10a: {  	v4 =	vld [tilespmem:$0x1F0]  }
0x10b: {  	v0 =	vadd.f32 v1, v0;
	v1 =	vmul.f32 v3, v2;
	v2 =	vbroadcast v7, $0xE  }
0x10c: {  	v3 =	vld [tilespmem:$0x200]  }
0x10d: {  	v0 =	vadd.f32 v1, v0;
	v1 =	vmul.f32 v5, v2;
	v2 =	vbroadcast v7, $0xF  }
0x10e: {  	v5 =	vld [tilespmem:$0x210]  }
0x10f: {  	v0 =	vadd.f32 v1, v0;
	v1 =	vmul.f32 v4, v2;
	v2 =	vbroadcast v6, $0x0  }
0x110: {  	v4 =	vld [tilespmem:$0x220]  }
0x111: {  	v0 =	vadd.f32 v1, v0;
	v1 =	vmul.f32 v2, v3;
	v2 =	vbroadcast v6, $0x1  }
0x112: {  	v3 =	vld [tilespmem:$0x230]  }
0x113: {  	v0 =	vadd.f32 v1, v0;
	v1 =	vmul.f32 v5, v2;
	v2 =	vbroadcast v6, $0x2  }
0x114: {  	v5 =	vld [tilespmem:$0x240]  }
0x115: {  	v0 =	vadd.f32 v1, v0;
	v1 =	vmul.f32 v4, v2;
	v2 =	vbroadcast v6, $0x3  }
0x116: {  	v4 =	vld [tilespmem:$0x250]  }
0x117: {  	v0 =	vadd.f32 v1, v0;
	v1 =	vmul.f32 v3, v2;
	v2 =	vbroadcast v6, $0x4  }
0x118: {  	v3 =	vld [tilespmem:$0x260]  }
0x119: {  	v0 =	vadd.f32 v1, v0;
	v1 =	vmul.f32 v5, v2;
	v2 =	vbroadcast v6, $0x5  }
0x11a: {  	v5 =	vld [tilespmem:$0x270]  }
0x11b: {  	v0 =	vadd.f32 v1, v0;
	v1 =	vmul.f32 v4, v2;
	v2 =	vbroadcast v6, $0x6  }
0x11c: {  	v4 =	vld [tilespmem:$0x280]  }
0x11d: {  	v0 =	vadd.f32 v1, v0;
	v1 =	vmul.f32 v3, v2;
	v2 =	vbroadcast v6, $0x7  }
0x11e: {  	v3 =	vld [tilespmem:$0x290]  }
0x11f: {  	v0 =	vadd.f32 v1, v0;
	v1 =	vmul.f32 v5, v2;
	v2 =	vbroadcast v6, $0x8  }
0x120: {  	v5 =	vld [tilespmem:$0x2A0]  }
0x121: {  	v0 =	vadd.f32 v1, v0;
	v1 =	vmul.f32 v4, v2;
	v2 =	vbroadcast v6, $0x9  }
0x122: {  	v4 =	vld [tilespmem:$0x2B0]  }
0x123: {  	v0 =	vadd.f32 v1, v0;
	v1 =	vmul.f32 v3, v2;
	v2 =	vbroadcast v6, $0xA  }
0x124: {  	v3 =	vld [tilespmem:$0x2C0]  }
0x125: {  	v0 =	vadd.f32 v1, v0;
	v1 =	vmul.f32 v5, v2;
	v2 =	vbroadcast v6, $0xB  }
0x126: {  	v5 =	vld [tilespmem:$0x2D0]  }
0x127: {  	v0 =	vadd.f32 v1, v0;
	v1 =	vmul.f32 v4, v2;
	v2 =	vbroadcast v6, $0xC  }
0x128: {  	v4 =	vld [tilespmem:$0x2E0]  }
0x129: {  	v7 =	vld [tilespmem:$0x830];
	v0 =	vadd.f32 v1, v0;
	v1 =	vmul.f32 v3, v2;
	v2 =	vbroadcast v6, $0xD  }
0x12a: {  	v3 =	vld [tilespmem:$0x2F0]  }
0x12b: {  	v0 =	vadd.f32 v1, v0;
	v1 =	vmul.f32 v5, v2;
	v2 =	vbroadcast v6, $0xE  }
0x12c: {  	v5 =	vld [tilespmem:$0x300]  }
0x12d: {  	v0 =	vadd.f32 v1, v0;
	v1 =	vmul.f32 v4, v2;
	v2 =	vbroadcast v6, $0xF  }
0x12e: {  	v4 =	vld [tilespmem:$0x310]  }
0x12f: {  	v0 =	vadd.f32 v1, v0;
	v1 =	vmul.f32 v3, v2;
	v2 =	vbroadcast v7, $0x0  }
0x130: {  	v3 =	vld [tilespmem:$0x320]  }
0x131: {  	v0 =	vadd.f32 v1, v0;
	v1 =	vmul.f32 v2, v5;
	v2 =	vbroadcast v7, $0x1  }
0x132: {  	v5 =	vld [tilespmem:$0x330]  }
0x133: {  	v0 =	vadd.f32 v1, v0;
	v1 =	vmul.f32 v4, v2;
	v2 =	vbroadcast v7, $0x2  }
0x134: {  	v4 =	vld [tilespmem:$0x340]  }
0x135: {  	v0 =	vadd.f32 v1, v0;
	v1 =	vmul.f32 v3, v2;
	v2 =	vbroadcast v7, $0x3  }
0x136: {  	v3 =	vld [tilespmem:$0x350]  }
0x137: {  	v0 =	vadd.f32 v1, v0;
	v1 =	vmul.f32 v5, v2;
	v2 =	vbroadcast v7, $0x4  }
0x138: {  	v5 =	vld [tilespmem:$0x360]  }
0x139: {  	v0 =	vadd.f32 v1, v0;
	v1 =	vmul.f32 v4, v2;
	v2 =	vbroadcast v7, $0x5  }
0x13a: {  	v4 =	vld [tilespmem:$0x370]  }
0x13b: {  	v0 =	vadd.f32 v1, v0;
	v1 =	vmul.f32 v3, v2;
	v2 =	vbroadcast v7, $0x6  }
0x13c: {  	v3 =	vld [tilespmem:$0x380]  }
0x13d: {  	v0 =	vadd.f32 v1, v0;
	v1 =	vmul.f32 v5, v2;
	v2 =	vbroadcast v7, $0x7  }
0x13e: {  	v5 =	vld [tilespmem:$0x390]  }
0x13f: {  	v0 =	vadd.f32 v1, v0;
	v1 =	vmul.f32 v4, v2;
	v2 =	vbroadcast v7, $0x8  }
0x140: {  	v4 =	vld [tilespmem:$0x3A0]  }
0x141: {  	v0 =	vadd.f32 v1, v0;
	v1 =	vmul.f32 v3, v2;
	v2 =	vbroadcast v7, $0x9  }
0x142: {  	v3 =	vld [tilespmem:$0x3B0]  }
0x143: {  	v0 =	vadd.f32 v1, v0;
	v1 =	vmul.f32 v5, v2;
	v2 =	vbroadcast v7, $0xA  }
0x144: {  	v5 =	vld [tilespmem:$0x3C0]  }
0x145: {  	v0 =	vadd.f32 v1, v0;
	v1 =	vmul.f32 v4, v2;
	v2 =	vbroadcast v7, $0xB  }
0x146: {  	v4 =	vld [tilespmem:$0x3D0]  }
0x147: {  	v0 =	vadd.f32 v1, v0;
	v1 =	vmul.f32 v3, v2;
	v2 =	vbroadcast v7, $0xC  }
0x148: {  	v3 =	vld [tilespmem:$0x3E0]  }
0x149: {  	v6 =	vld [tilespmem:$0x840];
	v0 =	vadd.f32 v1, v0;
	v1 =	vmul.f32 v5, v2;
	v2 =	vbroadcast v7, $0xD  }
0x14a: {  	v5 =	vld [tilespmem:$0x3F0]  }
0x14b: {  	v0 =	vadd.f32 v1, v0;
	v1 =	vmul.f32 v4, v2;
	v2 =	vbroadcast v7, $0xE  }
0x14c: {  	v4 =	vld [tilespmem:$0x400]  }
0x14d: {  	v0 =	vadd.f32 v1, v0;
	v1 =	vmul.f32 v3, v2;
	v2 =	vbroadcast v7, $0xF  }
0x14e: {  	v3 =	vld [tilespmem:$0x410]  }
0x14f: {  	v0 =	vadd.f32 v1, v0;
	v1 =	vmul.f32 v5, v2;
	v2 =	vbroadcast v6, $0x0  }
0x150: {  	v5 =	vld [tilespmem:$0x420]  }
0x151: {  	v0 =	vadd.f32 v1, v0;
	v1 =	vmul.f32 v2, v4;
	v2 =	vbroadcast v6, $0x1  }
0x152: {  	v4 =	vld [tilespmem:$0x430]  }
0x153: {  	v0 =	vadd.f32 v1, v0;
	v1 =	vmul.f32 v3, v2;
	v2 =	vbroadcast v6, $0x2  }
0x154: {  	v3 =	vld [tilespmem:$0x440]  }
0x155: {  	v0 =	vadd.f32 v1, v0;
	v1 =	vmul.f32 v5, v2;
	v2 =	vbroadcast v6, $0x3  }
0x156: {  	v5 =	vld [tilespmem:$0x450]  }
0x157: {  	v0 =	vadd.f32 v1, v0;
	v1 =	vmul.f32 v4, v2;
	v2 =	vbroadcast v6, $0x4  }
0x158: {  	v4 =	vld [tilespmem:$0x460]  }
0x159: {  	v0 =	vadd.f32 v1, v0;
	v1 =	vmul.f32 v3, v2;
	v2 =	vbroadcast v6, $0x5  }
0x15a: {  	v3 =	vld [tilespmem:$0x470]  }
0x15b: {  	v0 =	vadd.f32 v1, v0;
	v1 =	vmul.f32 v5, v2;
	v2 =	vbroadcast v6, $0x6  }
0x15c: {  	v5 =	vld [tilespmem:$0x480]  }
0x15d: {  	v0 =	vadd.f32 v1, v0;
	v1 =	vmul.f32 v4, v2;
	v2 =	vbroadcast v6, $0x7  }
0x15e: {  	v4 =	vld [tilespmem:$0x490]  }
0x15f: {  	v0 =	vadd.f32 v1, v0;
	v1 =	vmul.f32 v3, v2;
	v2 =	vbroadcast v6, $0x8  }
0x160: {  	v3 =	vld [tilespmem:$0x4A0]  }
0x161: {  	v0 =	vadd.f32 v1, v0;
	v1 =	vmul.f32 v5, v2;
	v2 =	vbroadcast v6, $0x9  }
0x162: {  	v5 =	vld [tilespmem:$0x4B0]  }
0x163: {  	v0 =	vadd.f32 v1, v0;
	v1 =	vmul.f32 v4, v2;
	v2 =	vbroadcast v6, $0xA  }
0x164: {  	v4 =	vld [tilespmem:$0x4C0]  }
0x165: {  	v0 =	vadd.f32 v1, v0;
	v1 =	vmul.f32 v3, v2;
	v2 =	vbroadcast v6, $0xB  }
0x166: {  	v3 =	vld [tilespmem:$0x4D0]  }
0x167: {  	v0 =	vadd.f32 v1, v0;
	v1 =	vmul.f32 v5, v2;
	v2 =	vbroadcast v6, $0xC  }
0x168: {  	v5 =	vld [tilespmem:$0x4E0]  }
0x169: {  	v7 =	vld [tilespmem:$0x850];
	v0 =	vadd.f32 v1, v0;
	v1 =	vmul.f32 v4, v2;
	v2 =	vbroadcast v6, $0xD  }
0x16a: {  	v4 =	vld [tilespmem:$0x4F0]  }
0x16b: {  	v0 =	vadd.f32 v1, v0;
	v1 =	vmul.f32 v3, v2;
	v2 =	vbroadcast v6, $0xE  }
0x16c: {  	v3 =	vld [tilespmem:$0x500]  }
0x16d: {  	v0 =	vadd.f32 v1, v0;
	v1 =	vmul.f32 v5, v2;
	v2 =	vbroadcast v6, $0xF  }
0x16e: {  	v5 =	vld [tilespmem:$0x510]  }
0x16f: {  	v0 =	vadd.f32 v1, v0;
	v1 =	vmul.f32 v4, v2;
	v2 =	vbroadcast v7, $0x0  }
0x170: {  	v4 =	vld [tilespmem:$0x520]  }
0x171: {  	v0 =	vadd.f32 v1, v0;
	v1 =	vmul.f32 v2, v3;
	v2 =	vbroadcast v7, $0x1  }
0x172: {  	v3 =	vld [tilespmem:$0x530]  }
0x173: {  	v0 =	vadd.f32 v1, v0;
	v1 =	vmul.f32 v5, v2;
	v2 =	vbroadcast v7, $0x2  }
0x174: {  	v5 =	vld [tilespmem:$0x540]  }
0x175: {  	v0 =	vadd.f32 v1, v0;
	v1 =	vmul.f32 v4, v2;
	v2 =	vbroadcast v7, $0x3  }
0x176: {  	v4 =	vld [tilespmem:$0x550]  }
0x177: {  	v0 =	vadd.f32 v1, v0;
	v1 =	vmul.f32 v3, v2;
	v2 =	vbroadcast v7, $0x4  }
0x178: {  	v3 =	vld [tilespmem:$0x560]  }
0x179: {  	v0 =	vadd.f32 v1, v0;
	v1 =	vmul.f32 v5, v2;
	v2 =	vbroadcast v7, $0x5  }
0x17a: {  	v5 =	vld [tilespmem:$0x570]  }
0x17b: {  	v0 =	vadd.f32 v1, v0;
	v1 =	vmul.f32 v4, v2;
	v2 =	vbroadcast v7, $0x6  }
0x17c: {  	v4 =	vld [tilespmem:$0x580]  }
0x17d: {  	v0 =	vadd.f32 v1, v0;
	v1 =	vmul.f32 v3, v2;
	v2 =	vbroadcast v7, $0x7  }
0x17e: {  	v3 =	vld [tilespmem:$0x590]  }
0x17f: {  	v0 =	vadd.f32 v1, v0;
	v1 =	vmul.f32 v5, v2;
	v2 =	vbroadcast v7, $0x8  }
0x180: {  	v5 =	vld [tilespmem:$0x5A0]  }
0x181: {  	v0 =	vadd.f32 v1, v0;
	v1 =	vmul.f32 v4, v2;
	v2 =	vbroadcast v7, $0x9  }
0x182: {  	v4 =	vld [tilespmem:$0x5B0]  }
0x183: {  	v0 =	vadd.f32 v1, v0;
	v1 =	vmul.f32 v3, v2;
	v2 =	vbroadcast v7, $0xA  }
0x184: {  	v3 =	vld [tilespmem:$0x5C0]  }
0x185: {  	v0 =	vadd.f32 v1, v0;
	v1 =	vmul.f32 v5, v2;
	v2 =	vbroadcast v7, $0xB  }
0x186: {  	v5 =	vld [tilespmem:$0x5D0]  }
0x187: {  	v0 =	vadd.f32 v1, v0;
	v1 =	vmul.f32 v4, v2;
	v2 =	vbroadcast v7, $0xC  }
0x188: {  	v4 =	vld [tilespmem:$0x5E0]  }
0x189: {  	v6 =	vld [tilespmem:$0x860];
	v0 =	vadd.f32 v1, v0;
	v1 =	vmul.f32 v3, v2;
	v2 =	vbroadcast v7, $0xD  }
0x18a: {  	v3 =	vld [tilespmem:$0x5F0]  }
0x18b: {  	v0 =	vadd.f32 v1, v0;
	v1 =	vmul.f32 v5, v2;
	v2 =	vbroadcast v7, $0xE  }
0x18c: {  	v5 =	vld [tilespmem:$0x600]  }
0x18d: {  	v0 =	vadd.f32 v1, v0;
	v1 =	vmul.f32 v4, v2;
	v2 =	vbroadcast v7, $0xF  }
0x18e: {  	v4 =	vld [tilespmem:$0x610]  }
0x18f: {  	v0 =	vadd.f32 v1, v0;
	v1 =	vmul.f32 v3, v2;
	v2 =	vbroadcast v6, $0x0  }
0x190: {  	v3 =	vld [tilespmem:$0x620]  }
0x191: {  	v0 =	vadd.f32 v1, v0;
	v1 =	vmul.f32 v2, v5;
	v2 =	vbroadcast v6, $0x1  }
0x192: {  	v5 =	vld [tilespmem:$0x630]  }
0x193: {  	v0 =	vadd.f32 v1, v0;
	v1 =	vmul.f32 v4, v2;
	v2 =	vbroadcast v6, $0x2  }
0x194: {  	v4 =	vld [tilespmem:$0x640]  }
0x195: {  	v0 =	vadd.f32 v1, v0;
	v1 =	vmul.f32 v3, v2;
	v2 =	vbroadcast v6, $0x3  }
0x196: {  	v3 =	vld [tilespmem:$0x650]  }
0x197: {  	v0 =	vadd.f32 v1, v0;
	v1 =	vmul.f32 v5, v2;
	v2 =	vbroadcast v6, $0x4  }
0x198: {  	v5 =	vld [tilespmem:$0x660]  }
0x199: {  	v0 =	vadd.f32 v1, v0;
	v1 =	vmul.f32 v4, v2;
	v2 =	vbroadcast v6, $0x5  }
0x19a: {  	v4 =	vld [tilespmem:$0x670]  }
0x19b: {  	v0 =	vadd.f32 v1, v0;
	v1 =	vmul.f32 v3, v2;
	v2 =	vbroadcast v6, $0x6  }
0x19c: {  	v3 =	vld [tilespmem:$0x680]  }
0x19d: {  	v0 =	vadd.f32 v1, v0;
	v1 =	vmul.f32 v5, v2;
	v2 =	vbroadcast v6, $0x7  }
0x19e: {  	v5 =	vld [tilespmem:$0x690]  }
0x19f: {  	v0 =	vadd.f32 v1, v0;
	v1 =	vmul.f32 v4, v2;
	v2 =	vbroadcast v6, $0x8  }
0x1a0: {  	v4 =	vld [tilespmem:$0x6A0]  }
0x1a1: {  	v0 =	vadd.f32 v1, v0;
	v1 =	vmul.f32 v3, v2;
	v2 =	vbroadcast v6, $0x9  }
0x1a2: {  	v3 =	vld [tilespmem:$0x6B0]  }
0x1a3: {  	v0 =	vadd.f32 v1, v0;
	v1 =	vmul.f32 v5, v2;
	v2 =	vbroadcast v6, $0xA  }
0x1a4: {  	v5 =	vld [tilespmem:$0x6C0]  }
0x1a5: {  	v0 =	vadd.f32 v1, v0;
	v1 =	vmul.f32 v4, v2;
	v2 =	vbroadcast v6, $0xB  }
0x1a6: {  	v4 =	vld [tilespmem:$0x6D0]  }
0x1a7: {  	v0 =	vadd.f32 v1, v0;
	v1 =	vmul.f32 v3, v2;
	v2 =	vbroadcast v6, $0xC  }
0x1a8: {  	v3 =	vld [tilespmem:$0x6E0]  }
0x1a9: {  	v7 =	vld [tilespmem:$0x870];
	v0 =	vadd.f32 v1, v0;
	v1 =	vmul.f32 v5, v2;
	v2 =	vbroadcast v6, $0xD  }
0x1aa: {  	v5 =	vld [tilespmem:$0x6F0]  }
0x1ab: {  	v0 =	vadd.f32 v1, v0;
	v1 =	vmul.f32 v4, v2;
	v2 =	vbroadcast v6, $0xE  }
0x1ac: {  	v4 =	vld [tilespmem:$0x700]  }
0x1ad: {  	v0 =	vadd.f32 v1, v0;
	v1 =	vmul.f32 v3, v2;
	v2 =	vbroadcast v6, $0xF  }
0x1ae: {  	v3 =	vld [tilespmem:$0x710]  }
0x1af: {  	v0 =	vadd.f32 v1, v0;
	v1 =	vmul.f32 v5, v2;
	v2 =	vbroadcast v7, $0x0  }
0x1b0: {  	v5 =	vld [tilespmem:$0x720]  }
0x1b1: {  	v0 =	vadd.f32 v1, v0;
	v1 =	vmul.f32 v2, v4;
	v2 =	vbroadcast v7, $0x1  }
0x1b2: {  	v4 =	vld [tilespmem:$0x730]  }
0x1b3: {  	v0 =	vadd.f32 v1, v0;
	v1 =	vmul.f32 v3, v2;
	v2 =	vbroadcast v7, $0x2  }
0x1b4: {  	v3 =	vld [tilespmem:$0x740]  }
0x1b5: {  	v0 =	vadd.f32 v1, v0;
	v1 =	vmul.f32 v5, v2;
	v2 =	vbroadcast v7, $0x3  }
0x1b6: {  	v5 =	vld [tilespmem:$0x750]  }
0x1b7: {  	v0 =	vadd.f32 v1, v0;
	v1 =	vmul.f32 v4, v2;
	v2 =	vbroadcast v7, $0x4  }
0x1b8: {  	v4 =	vld [tilespmem:$0x760]  }
0x1b9: {  	v0 =	vadd.f32 v1, v0;
	v1 =	vmul.f32 v3, v2;
	v2 =	vbroadcast v7, $0x5  }
0x1ba: {  	v3 =	vld [tilespmem:$0x770]  }
0x1bb: {  	v0 =	vadd.f32 v1, v0;
	v1 =	vmul.f32 v5, v2;
	v2 =	vbroadcast v7, $0x6  }
0x1bc: {  	v5 =	vld [tilespmem:$0x780]  }
0x1bd: {  	v0 =	vadd.f32 v1, v0;
	v1 =	vmul.f32 v4, v2;
	v2 =	vbroadcast v7, $0x7  }
0x1be: {  	v4 =	vld [tilespmem:$0x790]  }
0x1bf: {  	v0 =	vadd.f32 v1, v0;
	v1 =	vmul.f32 v3, v2;
	v2 =	vbroadcast v7, $0x8  }
0x1c0: {  	v3 =	vld [tilespmem:$0x7A0]  }
0x1c1: {  	v0 =	vadd.f32 v1, v0;
	v1 =	vmul.f32 v5, v2;
	v2 =	vbroadcast v7, $0x9  }
0x1c2: {  	v5 =	vld [tilespmem:$0x7B0]  }
0x1c3: {  	v0 =	vadd.f32 v1, v0;
	v1 =	vmul.f32 v4, v2;
	v2 =	vbroadcast v7, $0xA  }
0x1c4: {  	v4 =	vld [tilespmem:$0x7C0]  }
0x1c5: {  	v0 =	vadd.f32 v1, v0;
	v1 =	vmul.f32 v3, v2;
	v2 =	vbroadcast v7, $0xB  }
0x1c6: {  	v3 =	vld [tilespmem:$0x7D0]  }
0x1c7: {  	v0 =	vadd.f32 v1, v0;
	v1 =	vmul.f32 v5, v2;
	v2 =	vbroadcast v7, $0xC  }
0x1c8: {  	v5 =	vld [tilespmem:$0x7E0]  }
0x1c9: {  	v0 =	vadd.f32 v1, v0;
	v1 =	vmul.f32 v4, v2;
	v2 =	vbroadcast v7, $0xD  }
0x1ca: {  	v4 =	vld [tilespmem:$0x7F0]  }
0x1cb: {  	v0 =	vadd.f32 v1, v0;
	v1 =	vmul.f32 v3, v2;
	v2 =	vbroadcast v7, $0xE;
	_ =	sdelay $0x1  }
0x1cc: {  	v0 =	vadd.f32 v1, v0;
	v1 =	vmul.f32 v5, v2;
	v2 =	vbroadcast v7, $0xF;
	_ =	sdelay $0x1  }
0x1cd: {  	v0 =	vadd.f32 v1, v0;
	v1 =	vmul.f32 v4, v2;
	_ =	sdelay $0x1  }
0x1ce: {  	v0 =	vadd.f32 v1, v0;
	_ =	sdelay $0x1  }
0x1cf: {  	s10 =	rddreg [dreg:$0x7];
	[tilespmem:$0x900] =	vst v0  }
0x1d0: {  	[tilespmem:s31], [sflag:$0x3] =	stream.strided.gather [hbm4b:s10+s24], $0x1000, s25, s24, $0x38;
	[tilespmem:$0x5980] =	vst v63  }
0x1d1: {  	_ =	swait.ge [sflag:s0], $0x1000  }
0x1d2: {  	[sflag:s0] =	ssyncset.done $0x0  }
0x1d3: {  	s11 =	simm.s32 $0x9C0;
	[sflag:s0] =	ssyncadd.s32 $0xFFFFF000  }
0x1d4: {  	v0 =	vld [tilespmem:s11+$0x30]  }
0x1d5: {  	v1 =	vld [tilespmem:s11+$0xFFFFFFD0]  }
0x1d6: {  	v2 =	vld [tilespmem:s11+$0xFFFFFFE0]  }
0x1d7: {  	v3 =	vld [tilespmem:s11+$0xFFFFFFF0]  }
0x1d8: {  	v4 =	vld [tilespmem:s11+$0x0]  }
0x1d9: {  	v6 =	vld [tilespmem:s11+$0x10]  }
0x1da: {  	v7 =	vld [tilespmem:s11+$0x20]  }
0x1db: {  	v8 =	vld [tilespmem:s11+$0xFFFFFFC0]  }
0x1dc: {  	v9 =	vld.idx.msk [tilespmem:v0+s1+$0x0], $0xffff  }
0x1dd: {  	v10 =	vld.idx.msk [tilespmem:v1+s1+$0x0], $0xffff  }
0x1de: {  	v5 =	vld.idx.msk [tilespmem:v2+s1+$0x0], $0xffff  }
0x1df: {  	v3 =	vld.idx.msk [tilespmem:v3+s1+$0x0], $0xffff  }
0x1e0: {  	v0 =	vld.idx.msk [tilespmem:v4+s1+$0x0], $0xffff  }
0x1e1: {  	s9 =	simm.s32 $0x39C0;
	v1 =	vld.idx.msk [tilespmem:v6+s1+$0x0], $0xffff  }
0x1e2: {  	v2 =	vld.idx.msk [tilespmem:v7+s1+$0x0], $0xffff;
	[tilespmem:s9+$0x30] =	vst v9  }
0x1e3: {  	s10 =	simm.s32 $0x0;
	s11 =	simm.s32 $0xA40;
	v4 =	vld.idx.msk [tilespmem:v8+s1+$0x0], $0xffff;
	[tilespmem:s9+$0xFFFFFFD0] =	vst v10  }
.LBB2_2:
0x1e4: {  	v6 =	vld [tilespmem:s11+$0x30];
	s10 =	sadd.s32 $0x80, s10;
	[tilespmem:s9+$0xFFFFFFE0] =	vst v5  }
0x1e5: {  	v5 =	vld [tilespmem:s11+$0xFFFFFFD0];
	p0 =	slt.u32 s10, $0xF80;
	[tilespmem:s9+$0xFFFFFFF0] =	vst v3  }
0x1e6: {  	v3 =	vld [tilespmem:s11+$0xFFFFFFE0];
	[tilespmem:s9+$0x0] =	vst v0  }
0x1e7: {  	v0 =	vld [tilespmem:s11+$0xFFFFFFF0];
	[tilespmem:s9+$0x10] =	vst v1  }
0x1e8: {  	v1 =	vld [tilespmem:s11+$0x0];
	[tilespmem:s9+$0x20] =	vst v2  }
0x1e9: {  	v2 =	vld [tilespmem:s11+$0x10];
	[tilespmem:s9+$0xFFFFFFC0] =	vst v4  }
0x1ea: {  	v4 =	vld [tilespmem:s11+$0x20]  }
0x1eb: {  	v7 =	vld [tilespmem:s11+$0xFFFFFFC0]  }
0x1ec: {  	v6 =	vld.idx.msk [tilespmem:v6+s1+$0x0], $0xffff  }
0x1ed: {  	v8 =	vld.idx.msk [tilespmem:v5+s1+$0x0], $0xffff  }
0x1ee: {  	v5 =	vld.idx.msk [tilespmem:v3+s1+$0x0], $0xffff  }
.Ltmp0:
0x1ef: {  	v3 =	vld.idx.msk [tilespmem:v0+s1+$0x0], $0xffff;
	(pc) =	sbr.rel @p0 .LBB2_2-.Ltmp0, $4  }
0x1f0: {  	v0 =	vld.idx.msk [tilespmem:v1+s1+$0x0], $0xffff  }
0x1f1: {  	s9 =	sadd.s32 $0x80, s9;
	v1 =	vld.idx.msk [tilespmem:v2+s1+$0x0], $0xffff  }
0x1f2: {  	v2 =	vld.idx.msk [tilespmem:v4+s1+$0x0], $0xffff;
	[tilespmem:s9+$0x30] =	vst v6  }
0x1f3: {  	s11 =	sadd.s32 $0x80, s11;
	v4 =	vld.idx.msk [tilespmem:v7+s1+$0x0], $0xffff;
	[tilespmem:s9+$0xFFFFFFD0] =	vst v8  }
0x1f4: {  	[tilespmem:s9+$0xFFFFFFE0] =	vst v5  }
0x1f5: {  	[tilespmem:s9+$0xFFFFFFF0] =	vst v3  }
0x1f6: {  	[tilespmem:s9+$0x0] =	vst v0  }
0x1f7: {  	[tilespmem:s9+$0x10] =	vst v1  }
0x1f8: {  	[tilespmem:s9+$0x20] =	vst v2  }
0x1f9: {  	[tilespmem:s9+$0xFFFFFFC0] =	vst v4  }
0x1fa: {  	s9 =	rddreg [dreg:$0x1e]  }
0x1fb: {  	[hbm4b:s9+s26] =	stream.linear.scatter [tilespmem:s2], [sflag:$0x4], $0x1000, $0x38;
	[tilespmem:$0x5980] =	vst v63  }
0x1fc: {  	s10 =	rddreg [dreg:$0x8]  }
0x1fd: {  	[tilespmem:s28], [sflag:$0x1] =	stream.strided.gather [hbm4b:s10+s24], $0x1000, s25, s24, $0x38;
	[tilespmem:$0x5980] =	vst v63  }
0x1fe: {  	_ =	swait.ge [sflag:s3], $0x1000  }
0x1ff: {  	[sflag:s3] =	ssyncset.done $0x0  }
0x200: {  	s11 =	simm.s32 $0x19C0;
	[sflag:s3] =	ssyncadd.s32 $0xFFFFF000  }
0x201: {  	v0 =	vld [tilespmem:s11+$0x30]  }
0x202: {  	v1 =	vld [tilespmem:s11+$0xFFFFFFD0]  }
0x203: {  	v2 =	vld [tilespmem:s11+$0xFFFFFFE0]  }
0x204: {  	v3 =	vld [tilespmem:s11+$0xFFFFFFF0]  }
0x205: {  	v4 =	vld [tilespmem:s11+$0x0]  }
0x206: {  	v6 =	vld [tilespmem:s11+$0x10]  }
0x207: {  	v7 =	vld [tilespmem:s11+$0x20]  }
0x208: {  	v8 =	vld [tilespmem:s11+$0xFFFFFFC0]  }
0x209: {  	v9 =	vld.idx.msk [tilespmem:v0+s1+$0x0], $0xffff  }
0x20a: {  	v10 =	vld.idx.msk [tilespmem:v1+s1+$0x0], $0xffff  }
0x20b: {  	v5 =	vld.idx.msk [tilespmem:v2+s1+$0x0], $0xffff  }
0x20c: {  	v3 =	vld.idx.msk [tilespmem:v3+s1+$0x0], $0xffff  }
0x20d: {  	v0 =	vld.idx.msk [tilespmem:v4+s1+$0x0], $0xffff  }
0x20e: {  	s9 =	simm.s32 $0x49C0;
	v1 =	vld.idx.msk [tilespmem:v6+s1+$0x0], $0xffff  }
0x20f: {  	v2 =	vld.idx.msk [tilespmem:v7+s1+$0x0], $0xffff;
	[tilespmem:s9+$0x30] =	vst v9  }
0x210: {  	s10 =	simm.s32 $0x0;
	s11 =	simm.s32 $0x1A40;
	v4 =	vld.idx.msk [tilespmem:v8+s1+$0x0], $0xffff;
	[tilespmem:s9+$0xFFFFFFD0] =	vst v10  }
.LBB2_4:
0x211: {  	v6 =	vld [tilespmem:s11+$0x30];
	s10 =	sadd.s32 $0x80, s10;
	[tilespmem:s9+$0xFFFFFFE0] =	vst v5  }
0x212: {  	v5 =	vld [tilespmem:s11+$0xFFFFFFD0];
	p0 =	slt.u32 s10, $0xF80;
	[tilespmem:s9+$0xFFFFFFF0] =	vst v3  }
0x213: {  	v3 =	vld [tilespmem:s11+$0xFFFFFFE0];
	[tilespmem:s9+$0x0] =	vst v0  }
0x214: {  	v0 =	vld [tilespmem:s11+$0xFFFFFFF0];
	[tilespmem:s9+$0x10] =	vst v1  }
0x215: {  	v1 =	vld [tilespmem:s11+$0x0];
	[tilespmem:s9+$0x20] =	vst v2  }
0x216: {  	v2 =	vld [tilespmem:s11+$0x10];
	[tilespmem:s9+$0xFFFFFFC0] =	vst v4  }
0x217: {  	v4 =	vld [tilespmem:s11+$0x20]  }
0x218: {  	v7 =	vld [tilespmem:s11+$0xFFFFFFC0]  }
0x219: {  	v6 =	vld.idx.msk [tilespmem:v6+s1+$0x0], $0xffff  }
0x21a: {  	v8 =	vld.idx.msk [tilespmem:v5+s1+$0x0], $0xffff  }
0x21b: {  	v5 =	vld.idx.msk [tilespmem:v3+s1+$0x0], $0xffff  }
.Ltmp1:
0x21c: {  	v3 =	vld.idx.msk [tilespmem:v0+s1+$0x0], $0xffff;
	(pc) =	sbr.rel @p0 .LBB2_4-.Ltmp1, $4  }
0x21d: {  	v0 =	vld.idx.msk [tilespmem:v1+s1+$0x0], $0xffff  }
0x21e: {  	s9 =	sadd.s32 $0x80, s9;
	v1 =	vld.idx.msk [tilespmem:v2+s1+$0x0], $0xffff  }
0x21f: {  	v2 =	vld.idx.msk [tilespmem:v4+s1+$0x0], $0xffff;
	[tilespmem:s9+$0x30] =	vst v6  }
0x220: {  	s11 =	sadd.s32 $0x80, s11;
	v4 =	vld.idx.msk [tilespmem:v7+s1+$0x0], $0xffff;
	[tilespmem:s9+$0xFFFFFFD0] =	vst v8  }
0x221: {  	[tilespmem:s9+$0xFFFFFFE0] =	vst v5  }
0x222: {  	[tilespmem:s9+$0xFFFFFFF0] =	vst v3  }
0x223: {  	[tilespmem:s9+$0x0] =	vst v0  }
0x224: {  	[tilespmem:s9+$0x10] =	vst v1  }
0x225: {  	[tilespmem:s9+$0x20] =	vst v2  }
0x226: {  	[tilespmem:s9+$0xFFFFFFC0] =	vst v4  }
0x227: {  	s9 =	rddreg [dreg:$0x1f]  }
0x228: {  	[hbm4b:s9+s26] =	stream.linear.scatter [tilespmem:s4], [sflag:$0x5], $0x1000, $0x38;
	[tilespmem:$0x5980] =	vst v63  }
0x229: {  	s10 =	rddreg [dreg:$0x9]  }
0x22a: {  	[tilespmem:s29], [sflag:$0x2] =	stream.strided.gather [hbm4b:s10+s24], $0x1000, s25, s24, $0x38;
	[tilespmem:$0x5980] =	vst v63  }
0x22b: {  	_ =	swait.ge [sflag:s5], $0x1000  }
0x22c: {  	[sflag:s5] =	ssyncset.done $0x0  }
0x22d: {  	[sflag:s5] =	ssyncadd.s32 $0xFFFFF000  }
0x22e: {  	_ =	swait.ge [sflag:s6], $0x1000  }
0x22f: {  	[sflag:s6] =	ssyncset.done $0x0  }
0x230: {  	s11 =	simm.s32 $0x29C0;
	[sflag:s6] =	ssyncadd.s32 $0xFFFFF000  }
0x231: {  	v0 =	vld [tilespmem:s11+$0x30]  }
0x232: {  	v1 =	vld [tilespmem:s11+$0xFFFFFFD0]  }
0x233: {  	v2 =	vld [tilespmem:s11+$0xFFFFFFE0]  }
0x234: {  	v3 =	vld [tilespmem:s11+$0xFFFFFFF0]  }
0x235: {  	v4 =	vld [tilespmem:s11+$0x0]  }
0x236: {  	v6 =	vld [tilespmem:s11+$0x10]  }
0x237: {  	v7 =	vld [tilespmem:s11+$0x20]  }
0x238: {  	v8 =	vld [tilespmem:s11+$0xFFFFFFC0]  }
0x239: {  	v9 =	vld.idx.msk [tilespmem:v0+s1+$0x0], $0xffff  }
0x23a: {  	v10 =	vld.idx.msk [tilespmem:v1+s1+$0x0], $0xffff  }
0x23b: {  	v5 =	vld.idx.msk [tilespmem:v2+s1+$0x0], $0xffff  }
0x23c: {  	v3 =	vld.idx.msk [tilespmem:v3+s1+$0x0], $0xffff  }
0x23d: {  	v0 =	vld.idx.msk [tilespmem:v4+s1+$0x0], $0xffff  }
0x23e: {  	s9 =	simm.s32 $0x39C0;
	v1 =	vld.idx.msk [tilespmem:v6+s1+$0x0], $0xffff  }
0x23f: {  	v2 =	vld.idx.msk [tilespmem:v7+s1+$0x0], $0xffff;
	[tilespmem:s9+$0x30] =	vst v9  }
0x240: {  	s10 =	simm.s32 $0x0;
	s11 =	simm.s32 $0x2A40;
	v4 =	vld.idx.msk [tilespmem:v8+s1+$0x0], $0xffff;
	[tilespmem:s9+$0xFFFFFFD0] =	vst v10  }
.LBB2_6:
0x241: {  	v6 =	vld [tilespmem:s11+$0x30];
	s10 =	sadd.s32 $0x80, s10;
	[tilespmem:s9+$0xFFFFFFE0] =	vst v5  }
0x242: {  	v5 =	vld [tilespmem:s11+$0xFFFFFFD0];
	p0 =	slt.u32 s10, $0xF80;
	[tilespmem:s9+$0xFFFFFFF0] =	vst v3  }
0x243: {  	v3 =	vld [tilespmem:s11+$0xFFFFFFE0];
	[tilespmem:s9+$0x0] =	vst v0  }
0x244: {  	v0 =	vld [tilespmem:s11+$0xFFFFFFF0];
	[tilespmem:s9+$0x10] =	vst v1  }
0x245: {  	v1 =	vld [tilespmem:s11+$0x0];
	[tilespmem:s9+$0x20] =	vst v2  }
0x246: {  	v2 =	vld [tilespmem:s11+$0x10];
	[tilespmem:s9+$0xFFFFFFC0] =	vst v4  }
0x247: {  	v4 =	vld [tilespmem:s11+$0x20]  }
0x248: {  	v7 =	vld [tilespmem:s11+$0xFFFFFFC0]  }
0x249: {  	v6 =	vld.idx.msk [tilespmem:v6+s1+$0x0], $0xffff  }
0x24a: {  	v8 =	vld.idx.msk [tilespmem:v5+s1+$0x0], $0xffff  }
0x24b: {  	v5 =	vld.idx.msk [tilespmem:v3+s1+$0x0], $0xffff  }
.Ltmp2:
0x24c: {  	v3 =	vld.idx.msk [tilespmem:v0+s1+$0x0], $0xffff;
	(pc) =	sbr.rel @p0 .LBB2_6-.Ltmp2, $4  }
0x24d: {  	v0 =	vld.idx.msk [tilespmem:v1+s1+$0x0], $0xffff  }
0x24e: {  	s9 =	sadd.s32 $0x80, s9;
	v1 =	vld.idx.msk [tilespmem:v2+s1+$0x0], $0xffff  }
0x24f: {  	v2 =	vld.idx.msk [tilespmem:v4+s1+$0x0], $0xffff;
	[tilespmem:s9+$0x30] =	vst v6  }
0x250: {  	s11 =	sadd.s32 $0x80, s11;
	v4 =	vld.idx.msk [tilespmem:v7+s1+$0x0], $0xffff;
	[tilespmem:s9+$0xFFFFFFD0] =	vst v8  }
0x251: {  	[tilespmem:s9+$0xFFFFFFE0] =	vst v5  }
0x252: {  	[tilespmem:s9+$0xFFFFFFF0] =	vst v3  }
0x253: {  	[tilespmem:s9+$0x0] =	vst v0  }
0x254: {  	[tilespmem:s9+$0x10] =	vst v1  }
0x255: {  	[tilespmem:s9+$0x20] =	vst v2  }
0x256: {  	[tilespmem:s9+$0xFFFFFFC0] =	vst v4  }
0x257: {  	s9 =	sld [smem:$0x7E2];
	_ =	sdelay $0x2  }
0x258: {  	[hbm4b:s9+s26] =	stream.linear.scatter [tilespmem:s2], [sflag:$0x4], $0x1000, $0x38;
	[tilespmem:$0x5980] =	vst v63  }
0x259: {  	s10 =	rddreg [dreg:$0xa]  }
0x25a: {  	[tilespmem:s31], [sflag:$0x3] =	stream.strided.gather [hbm4b:s10+s24], $0x1000, s25, s24, $0x38;
	[tilespmem:$0x5980] =	vst v63  }
0x25b: {  	_ =	swait.ge [sflag:s0], $0x1000  }
0x25c: {  	[sflag:s0] =	ssyncset.done $0x0  }
0x25d: {  	[sflag:s0] =	ssyncadd.s32 $0xFFFFF000  }
0x25e: {  	_ =	swait.ge [sflag:s7], $0x1000  }
0x25f: {  	[sflag:s7] =	ssyncset.done $0x0  }
0x260: {  	s11 =	simm.s32 $0x9C0;
	[sflag:s7] =	ssyncadd.s32 $0xFFFFF000  }
0x261: {  	v0 =	vld [tilespmem:s11+$0x30]  }
0x262: {  	v1 =	vld [tilespmem:s11+$0xFFFFFFD0]  }
0x263: {  	v2 =	vld [tilespmem:s11+$0xFFFFFFE0]  }
0x264: {  	v3 =	vld [tilespmem:s11+$0xFFFFFFF0]  }
0x265: {  	v4 =	vld [tilespmem:s11+$0x0]  }
0x266: {  	v6 =	vld [tilespmem:s11+$0x10]  }
0x267: {  	v7 =	vld [tilespmem:s11+$0x20]  }
0x268: {  	v8 =	vld [tilespmem:s11+$0xFFFFFFC0]  }
0x269: {  	v9 =	vld.idx.msk [tilespmem:v0+s1+$0x0], $0xffff  }
0x26a: {  	v10 =	vld.idx.msk [tilespmem:v1+s1+$0x0], $0xffff  }
0x26b: {  	v5 =	vld.idx.msk [tilespmem:v2+s1+$0x0], $0xffff  }
0x26c: {  	v3 =	vld.idx.msk [tilespmem:v3+s1+$0x0], $0xffff  }
0x26d: {  	v0 =	vld.idx.msk [tilespmem:v4+s1+$0x0], $0xffff  }
0x26e: {  	s9 =	simm.s32 $0x49C0;
	v1 =	vld.idx.msk [tilespmem:v6+s1+$0x0], $0xffff  }
0x26f: {  	v2 =	vld.idx.msk [tilespmem:v7+s1+$0x0], $0xffff;
	[tilespmem:s9+$0x30] =	vst v9  }
0x270: {  	s10 =	simm.s32 $0x0;
	s11 =	simm.s32 $0xA40;
	v4 =	vld.idx.msk [tilespmem:v8+s1+$0x0], $0xffff;
	[tilespmem:s9+$0xFFFFFFD0] =	vst v10  }
.LBB2_8:
0x271: {  	v6 =	vld [tilespmem:s11+$0x30];
	s10 =	sadd.s32 $0x80, s10;
	[tilespmem:s9+$0xFFFFFFE0] =	vst v5  }
0x272: {  	v5 =	vld [tilespmem:s11+$0xFFFFFFD0];
	p0 =	slt.u32 s10, $0xF80;
	[tilespmem:s9+$0xFFFFFFF0] =	vst v3  }
0x273: {  	v3 =	vld [tilespmem:s11+$0xFFFFFFE0];
	[tilespmem:s9+$0x0] =	vst v0  }
0x274: {  	v0 =	vld [tilespmem:s11+$0xFFFFFFF0];
	[tilespmem:s9+$0x10] =	vst v1  }
0x275: {  	v1 =	vld [tilespmem:s11+$0x0];
	[tilespmem:s9+$0x20] =	vst v2  }
0x276: {  	v2 =	vld [tilespmem:s11+$0x10];
	[tilespmem:s9+$0xFFFFFFC0] =	vst v4  }
0x277: {  	v4 =	vld [tilespmem:s11+$0x20]  }
0x278: {  	v7 =	vld [tilespmem:s11+$0xFFFFFFC0]  }
0x279: {  	v6 =	vld.idx.msk [tilespmem:v6+s1+$0x0], $0xffff  }
0x27a: {  	v8 =	vld.idx.msk [tilespmem:v5+s1+$0x0], $0xffff  }
0x27b: {  	v5 =	vld.idx.msk [tilespmem:v3+s1+$0x0], $0xffff  }
.Ltmp3:
0x27c: {  	v3 =	vld.idx.msk [tilespmem:v0+s1+$0x0], $0xffff;
	(pc) =	sbr.rel @p0 .LBB2_8-.Ltmp3, $4  }
0x27d: {  	v0 =	vld.idx.msk [tilespmem:v1+s1+$0x0], $0xffff  }
0x27e: {  	s9 =	sadd.s32 $0x80, s9;
	v1 =	vld.idx.msk [tilespmem:v2+s1+$0x0], $0xffff  }
0x27f: {  	v2 =	vld.idx.msk [tilespmem:v4+s1+$0x0], $0xffff;
	[tilespmem:s9+$0x30] =	vst v6  }
0x280: {  	s11 =	sadd.s32 $0x80, s11;
	v4 =	vld.idx.msk [tilespmem:v7+s1+$0x0], $0xffff;
	[tilespmem:s9+$0xFFFFFFD0] =	vst v8  }
0x281: {  	[tilespmem:s9+$0xFFFFFFE0] =	vst v5  }
0x282: {  	[tilespmem:s9+$0xFFFFFFF0] =	vst v3  }
0x283: {  	[tilespmem:s9+$0x0] =	vst v0  }
0x284: {  	[tilespmem:s9+$0x10] =	vst v1  }
0x285: {  	[tilespmem:s9+$0x20] =	vst v2  }
0x286: {  	[tilespmem:s9+$0xFFFFFFC0] =	vst v4  }
0x287: {  	s9 =	sld [smem:$0x7E4];
	_ =	sdelay $0x2  }
0x288: {  	[hbm4b:s9+s26] =	stream.linear.scatter [tilespmem:s4], [sflag:$0x5], $0x1000, $0x38;
	[tilespmem:$0x5980] =	vst v63  }
0x289: {  	s10 =	rddreg [dreg:$0xb]  }
0x28a: {  	[tilespmem:s28], [sflag:$0x1] =	stream.strided.gather [hbm4b:s10+s24], $0x1000, s25, s24, $0x38;
	[tilespmem:$0x5980] =	vst v63  }
0x28b: {  	_ =	swait.ge [sflag:s3], $0x1000  }
0x28c: {  	[sflag:s3] =	ssyncset.done $0x0  }
0x28d: {  	[sflag:s3] =	ssyncadd.s32 $0xFFFFF000  }
0x28e: {  	_ =	swait.ge [sflag:s6], $0x1000  }
0x28f: {  	[sflag:s6] =	ssyncset.done $0x0  }
0x290: {  	s11 =	simm.s32 $0x19C0;
	[sflag:s6] =	ssyncadd.s32 $0xFFFFF000  }
0x291: {  	v0 =	vld [tilespmem:s11+$0x30]  }
0x292: {  	v1 =	vld [tilespmem:s11+$0xFFFFFFD0]  }
0x293: {  	v2 =	vld [tilespmem:s11+$0xFFFFFFE0]  }
0x294: {  	v3 =	vld [tilespmem:s11+$0xFFFFFFF0]  }
0x295: {  	v4 =	vld [tilespmem:s11+$0x0]  }
0x296: {  	v6 =	vld [tilespmem:s11+$0x10]  }
0x297: {  	v7 =	vld [tilespmem:s11+$0x20]  }
0x298: {  	v8 =	vld [tilespmem:s11+$0xFFFFFFC0]  }
0x299: {  	v9 =	vld.idx.msk [tilespmem:v0+s1+$0x0], $0xffff  }
0x29a: {  	v10 =	vld.idx.msk [tilespmem:v1+s1+$0x0], $0xffff  }
0x29b: {  	v5 =	vld.idx.msk [tilespmem:v2+s1+$0x0], $0xffff  }
0x29c: {  	v3 =	vld.idx.msk [tilespmem:v3+s1+$0x0], $0xffff  }
0x29d: {  	v0 =	vld.idx.msk [tilespmem:v4+s1+$0x0], $0xffff  }
0x29e: {  	s9 =	simm.s32 $0x39C0;
	v1 =	vld.idx.msk [tilespmem:v6+s1+$0x0], $0xffff  }
0x29f: {  	v2 =	vld.idx.msk [tilespmem:v7+s1+$0x0], $0xffff;
	[tilespmem:s9+$0x30] =	vst v9  }
0x2a0: {  	s10 =	simm.s32 $0x0;
	s11 =	simm.s32 $0x1A40;
	v4 =	vld.idx.msk [tilespmem:v8+s1+$0x0], $0xffff;
	[tilespmem:s9+$0xFFFFFFD0] =	vst v10  }
.LBB2_10:
0x2a1: {  	v6 =	vld [tilespmem:s11+$0x30];
	s10 =	sadd.s32 $0x80, s10;
	[tilespmem:s9+$0xFFFFFFE0] =	vst v5  }
0x2a2: {  	v5 =	vld [tilespmem:s11+$0xFFFFFFD0];
	p0 =	slt.u32 s10, $0xF80;
	[tilespmem:s9+$0xFFFFFFF0] =	vst v3  }
0x2a3: {  	v3 =	vld [tilespmem:s11+$0xFFFFFFE0];
	[tilespmem:s9+$0x0] =	vst v0  }
0x2a4: {  	v0 =	vld [tilespmem:s11+$0xFFFFFFF0];
	[tilespmem:s9+$0x10] =	vst v1  }
0x2a5: {  	v1 =	vld [tilespmem:s11+$0x0];
	[tilespmem:s9+$0x20] =	vst v2  }
0x2a6: {  	v2 =	vld [tilespmem:s11+$0x10];
	[tilespmem:s9+$0xFFFFFFC0] =	vst v4  }
0x2a7: {  	v4 =	vld [tilespmem:s11+$0x20]  }
0x2a8: {  	v7 =	vld [tilespmem:s11+$0xFFFFFFC0]  }
0x2a9: {  	v6 =	vld.idx.msk [tilespmem:v6+s1+$0x0], $0xffff  }
0x2aa: {  	v8 =	vld.idx.msk [tilespmem:v5+s1+$0x0], $0xffff  }
0x2ab: {  	v5 =	vld.idx.msk [tilespmem:v3+s1+$0x0], $0xffff  }
.Ltmp4:
0x2ac: {  	v3 =	vld.idx.msk [tilespmem:v0+s1+$0x0], $0xffff;
	(pc) =	sbr.rel @p0 .LBB2_10-.Ltmp4, $4  }
0x2ad: {  	v0 =	vld.idx.msk [tilespmem:v1+s1+$0x0], $0xffff  }
0x2ae: {  	s9 =	sadd.s32 $0x80, s9;
	v1 =	vld.idx.msk [tilespmem:v2+s1+$0x0], $0xffff  }
0x2af: {  	v2 =	vld.idx.msk [tilespmem:v4+s1+$0x0], $0xffff;
	[tilespmem:s9+$0x30] =	vst v6  }
0x2b0: {  	s11 =	sadd.s32 $0x80, s11;
	v4 =	vld.idx.msk [tilespmem:v7+s1+$0x0], $0xffff;
	[tilespmem:s9+$0xFFFFFFD0] =	vst v8  }
0x2b1: {  	[tilespmem:s9+$0xFFFFFFE0] =	vst v5  }
0x2b2: {  	[tilespmem:s9+$0xFFFFFFF0] =	vst v3  }
0x2b3: {  	[tilespmem:s9+$0x0] =	vst v0  }
0x2b4: {  	[tilespmem:s9+$0x10] =	vst v1  }
0x2b5: {  	[tilespmem:s9+$0x20] =	vst v2  }
0x2b6: {  	[tilespmem:s9+$0xFFFFFFC0] =	vst v4  }
0x2b7: {  	s9 =	sld [smem:$0x7E5];
	_ =	sdelay $0x2  }
0x2b8: {  	[hbm4b:s9+s26] =	stream.linear.scatter [tilespmem:s2], [sflag:$0x4], $0x1000, $0x38;
	[tilespmem:$0x5980] =	vst v63  }
0x2b9: {  	s10 =	rddreg [dreg:$0xc]  }
0x2ba: {  	[tilespmem:s29], [sflag:$0x2] =	stream.strided.gather [hbm4b:s10+s24], $0x1000, s25, s24, $0x38;
	[tilespmem:$0x5980] =	vst v63  }
0x2bb: {  	_ =	swait.ge [sflag:s5], $0x1000  }
0x2bc: {  	[sflag:s5] =	ssyncset.done $0x0  }
0x2bd: {  	[sflag:s5] =	ssyncadd.s32 $0xFFFFF000  }
0x2be: {  	_ =	swait.ge [sflag:s7], $0x1000  }
0x2bf: {  	[sflag:s7] =	ssyncset.done $0x0  }
0x2c0: {  	s11 =	simm.s32 $0x29C0;
	[sflag:s7] =	ssyncadd.s32 $0xFFFFF000  }
0x2c1: {  	v0 =	vld [tilespmem:s11+$0x30]  }
0x2c2: {  	v1 =	vld [tilespmem:s11+$0xFFFFFFD0]  }
0x2c3: {  	v2 =	vld [tilespmem:s11+$0xFFFFFFE0]  }
0x2c4: {  	v3 =	vld [tilespmem:s11+$0xFFFFFFF0]  }
0x2c5: {  	v4 =	vld [tilespmem:s11+$0x0]  }
0x2c6: {  	v6 =	vld [tilespmem:s11+$0x10]  }
0x2c7: {  	v7 =	vld [tilespmem:s11+$0x20]  }
0x2c8: {  	v8 =	vld [tilespmem:s11+$0xFFFFFFC0]  }
0x2c9: {  	v9 =	vld.idx.msk [tilespmem:v0+s1+$0x0], $0xffff  }
0x2ca: {  	v10 =	vld.idx.msk [tilespmem:v1+s1+$0x0], $0xffff  }
0x2cb: {  	v5 =	vld.idx.msk [tilespmem:v2+s1+$0x0], $0xffff  }
0x2cc: {  	v3 =	vld.idx.msk [tilespmem:v3+s1+$0x0], $0xffff  }
0x2cd: {  	v0 =	vld.idx.msk [tilespmem:v4+s1+$0x0], $0xffff  }
0x2ce: {  	s9 =	simm.s32 $0x49C0;
	v1 =	vld.idx.msk [tilespmem:v6+s1+$0x0], $0xffff  }
0x2cf: {  	v2 =	vld.idx.msk [tilespmem:v7+s1+$0x0], $0xffff;
	[tilespmem:s9+$0x30] =	vst v9  }
0x2d0: {  	s10 =	simm.s32 $0x0;
	s11 =	simm.s32 $0x2A40;
	v4 =	vld.idx.msk [tilespmem:v8+s1+$0x0], $0xffff;
	[tilespmem:s9+$0xFFFFFFD0] =	vst v10  }
.LBB2_12:
0x2d1: {  	v6 =	vld [tilespmem:s11+$0x30];
	s10 =	sadd.s32 $0x80, s10;
	[tilespmem:s9+$0xFFFFFFE0] =	vst v5  }
0x2d2: {  	v5 =	vld [tilespmem:s11+$0xFFFFFFD0];
	p0 =	slt.u32 s10, $0xF80;
	[tilespmem:s9+$0xFFFFFFF0] =	vst v3  }
0x2d3: {  	v3 =	vld [tilespmem:s11+$0xFFFFFFE0];
	[tilespmem:s9+$0x0] =	vst v0  }
0x2d4: {  	v0 =	vld [tilespmem:s11+$0xFFFFFFF0];
	[tilespmem:s9+$0x10] =	vst v1  }
0x2d5: {  	v1 =	vld [tilespmem:s11+$0x0];
	[tilespmem:s9+$0x20] =	vst v2  }
0x2d6: {  	v2 =	vld [tilespmem:s11+$0x10];
	[tilespmem:s9+$0xFFFFFFC0] =	vst v4  }
0x2d7: {  	v4 =	vld [tilespmem:s11+$0x20]  }
0x2d8: {  	v7 =	vld [tilespmem:s11+$0xFFFFFFC0]  }
0x2d9: {  	v6 =	vld.idx.msk [tilespmem:v6+s1+$0x0], $0xffff  }
0x2da: {  	v8 =	vld.idx.msk [tilespmem:v5+s1+$0x0], $0xffff  }
0x2db: {  	v5 =	vld.idx.msk [tilespmem:v3+s1+$0x0], $0xffff  }
.Ltmp5:
0x2dc: {  	v3 =	vld.idx.msk [tilespmem:v0+s1+$0x0], $0xffff;
	(pc) =	sbr.rel @p0 .LBB2_12-.Ltmp5, $4  }
0x2dd: {  	v0 =	vld.idx.msk [tilespmem:v1+s1+$0x0], $0xffff  }
0x2de: {  	s9 =	sadd.s32 $0x80, s9;
	v1 =	vld.idx.msk [tilespmem:v2+s1+$0x0], $0xffff  }
0x2df: {  	v2 =	vld.idx.msk [tilespmem:v4+s1+$0x0], $0xffff;
	[tilespmem:s9+$0x30] =	vst v6  }
0x2e0: {  	s11 =	sadd.s32 $0x80, s11;
	v4 =	vld.idx.msk [tilespmem:v7+s1+$0x0], $0xffff;
	[tilespmem:s9+$0xFFFFFFD0] =	vst v8  }
0x2e1: {  	[tilespmem:s9+$0xFFFFFFE0] =	vst v5  }
0x2e2: {  	[tilespmem:s9+$0xFFFFFFF0] =	vst v3  }
0x2e3: {  	[tilespmem:s9+$0x0] =	vst v0  }
0x2e4: {  	[tilespmem:s9+$0x10] =	vst v1  }
0x2e5: {  	[tilespmem:s9+$0x20] =	vst v2  }
0x2e6: {  	[tilespmem:s9+$0xFFFFFFC0] =	vst v4  }
0x2e7: {  	s9 =	sld [smem:$0x7E7];
	_ =	sdelay $0x2  }
0x2e8: {  	[hbm4b:s9+s26] =	stream.linear.scatter [tilespmem:s4], [sflag:$0x5], $0x1000, $0x38;
	[tilespmem:$0x5980] =	vst v63  }
0x2e9: {  	s10 =	rddreg [dreg:$0xd]  }
0x2ea: {  	[tilespmem:s31], [sflag:$0x3] =	stream.strided.gather [hbm4b:s10+s24], $0x1000, s25, s24, $0x38;
	[tilespmem:$0x5980] =	vst v63  }
0x2eb: {  	_ =	swait.ge [sflag:s0], $0x1000  }
0x2ec: {  	[sflag:s0] =	ssyncset.done $0x0  }
0x2ed: {  	[sflag:s0] =	ssyncadd.s32 $0xFFFFF000  }
0x2ee: {  	_ =	swait.ge [sflag:s6], $0x1000  }
0x2ef: {  	[sflag:s6] =	ssyncset.done $0x0  }
0x2f0: {  	s11 =	simm.s32 $0x9C0;
	[sflag:s6] =	ssyncadd.s32 $0xFFFFF000  }
0x2f1: {  	v0 =	vld [tilespmem:s11+$0x30]  }
0x2f2: {  	v1 =	vld [tilespmem:s11+$0xFFFFFFD0]  }
0x2f3: {  	v2 =	vld [tilespmem:s11+$0xFFFFFFE0]  }
0x2f4: {  	v3 =	vld [tilespmem:s11+$0xFFFFFFF0]  }
0x2f5: {  	v4 =	vld [tilespmem:s11+$0x0]  }
0x2f6: {  	v6 =	vld [tilespmem:s11+$0x10]  }
0x2f7: {  	v7 =	vld [tilespmem:s11+$0x20]  }
0x2f8: {  	v8 =	vld [tilespmem:s11+$0xFFFFFFC0]  }
0x2f9: {  	v9 =	vld.idx.msk [tilespmem:v0+s1+$0x0], $0xffff  }
0x2fa: {  	v10 =	vld.idx.msk [tilespmem:v1+s1+$0x0], $0xffff  }
0x2fb: {  	v5 =	vld.idx.msk [tilespmem:v2+s1+$0x0], $0xffff  }
0x2fc: {  	v3 =	vld.idx.msk [tilespmem:v3+s1+$0x0], $0xffff  }
0x2fd: {  	v0 =	vld.idx.msk [tilespmem:v4+s1+$0x0], $0xffff  }
0x2fe: {  	s9 =	simm.s32 $0x39C0;
	v1 =	vld.idx.msk [tilespmem:v6+s1+$0x0], $0xffff  }
0x2ff: {  	v2 =	vld.idx.msk [tilespmem:v7+s1+$0x0], $0xffff;
	[tilespmem:s9+$0x30] =	vst v9  }
0x300: {  	s10 =	simm.s32 $0x0;
	s11 =	simm.s32 $0xA40;
	v4 =	vld.idx.msk [tilespmem:v8+s1+$0x0], $0xffff;
	[tilespmem:s9+$0xFFFFFFD0] =	vst v10  }
.LBB2_14:
0x301: {  	v6 =	vld [tilespmem:s11+$0x30];
	s10 =	sadd.s32 $0x80, s10;
	[tilespmem:s9+$0xFFFFFFE0] =	vst v5  }
0x302: {  	v5 =	vld [tilespmem:s11+$0xFFFFFFD0];
	p0 =	slt.u32 s10, $0xF80;
	[tilespmem:s9+$0xFFFFFFF0] =	vst v3  }
0x303: {  	v3 =	vld [tilespmem:s11+$0xFFFFFFE0];
	[tilespmem:s9+$0x0] =	vst v0  }
0x304: {  	v0 =	vld [tilespmem:s11+$0xFFFFFFF0];
	[tilespmem:s9+$0x10] =	vst v1  }
0x305: {  	v1 =	vld [tilespmem:s11+$0x0];
	[tilespmem:s9+$0x20] =	vst v2  }
0x306: {  	v2 =	vld [tilespmem:s11+$0x10];
	[tilespmem:s9+$0xFFFFFFC0] =	vst v4  }
0x307: {  	v4 =	vld [tilespmem:s11+$0x20]  }
0x308: {  	v7 =	vld [tilespmem:s11+$0xFFFFFFC0]  }
0x309: {  	v6 =	vld.idx.msk [tilespmem:v6+s1+$0x0], $0xffff  }
0x30a: {  	v8 =	vld.idx.msk [tilespmem:v5+s1+$0x0], $0xffff  }
0x30b: {  	v5 =	vld.idx.msk [tilespmem:v3+s1+$0x0], $0xffff  }
.Ltmp6:
0x30c: {  	v3 =	vld.idx.msk [tilespmem:v0+s1+$0x0], $0xffff;
	(pc) =	sbr.rel @p0 .LBB2_14-.Ltmp6, $4  }
0x30d: {  	v0 =	vld.idx.msk [tilespmem:v1+s1+$0x0], $0xffff  }
0x30e: {  	s9 =	sadd.s32 $0x80, s9;
	v1 =	vld.idx.msk [tilespmem:v2+s1+$0x0], $0xffff  }
0x30f: {  	v2 =	vld.idx.msk [tilespmem:v4+s1+$0x0], $0xffff;
	[tilespmem:s9+$0x30] =	vst v6  }
0x310: {  	s11 =	sadd.s32 $0x80, s11;
	v4 =	vld.idx.msk [tilespmem:v7+s1+$0x0], $0xffff;
	[tilespmem:s9+$0xFFFFFFD0] =	vst v8  }
0x311: {  	[tilespmem:s9+$0xFFFFFFE0] =	vst v5  }
0x312: {  	[tilespmem:s9+$0xFFFFFFF0] =	vst v3  }
0x313: {  	[tilespmem:s9+$0x0] =	vst v0  }
0x314: {  	[tilespmem:s9+$0x10] =	vst v1  }
0x315: {  	[tilespmem:s9+$0x20] =	vst v2  }
0x316: {  	[tilespmem:s9+$0xFFFFFFC0] =	vst v4  }
0x317: {  	s9 =	sld [smem:$0x7EA];
	_ =	sdelay $0x2  }
0x318: {  	[hbm4b:s9+s26] =	stream.linear.scatter [tilespmem:s2], [sflag:$0x4], $0x1000, $0x38;
	[tilespmem:$0x5980] =	vst v63  }
0x319: {  	s10 =	rddreg [dreg:$0xe]  }
0x31a: {  	[tilespmem:s28], [sflag:$0x1] =	stream.strided.gather [hbm4b:s10+s24], $0x1000, s25, s24, $0x38;
	[tilespmem:$0x5980] =	vst v63  }
0x31b: {  	_ =	swait.ge [sflag:s3], $0x1000  }
0x31c: {  	[sflag:s3] =	ssyncset.done $0x0  }
0x31d: {  	[sflag:s3] =	ssyncadd.s32 $0xFFFFF000  }
0x31e: {  	_ =	swait.ge [sflag:s7], $0x1000  }
0x31f: {  	[sflag:s7] =	ssyncset.done $0x0  }
0x320: {  	s11 =	simm.s32 $0x19C0;
	[sflag:s7] =	ssyncadd.s32 $0xFFFFF000  }
0x321: {  	v0 =	vld [tilespmem:s11+$0x30]  }
0x322: {  	v1 =	vld [tilespmem:s11+$0xFFFFFFD0]  }
0x323: {  	v2 =	vld [tilespmem:s11+$0xFFFFFFE0]  }
0x324: {  	v3 =	vld [tilespmem:s11+$0xFFFFFFF0]  }
0x325: {  	v4 =	vld [tilespmem:s11+$0x0]  }
0x326: {  	v6 =	vld [tilespmem:s11+$0x10]  }
0x327: {  	v7 =	vld [tilespmem:s11+$0x20]  }
0x328: {  	v8 =	vld [tilespmem:s11+$0xFFFFFFC0]  }
0x329: {  	v9 =	vld.idx.msk [tilespmem:v0+s1+$0x0], $0xffff  }
0x32a: {  	v10 =	vld.idx.msk [tilespmem:v1+s1+$0x0], $0xffff  }
0x32b: {  	v5 =	vld.idx.msk [tilespmem:v2+s1+$0x0], $0xffff  }
0x32c: {  	v3 =	vld.idx.msk [tilespmem:v3+s1+$0x0], $0xffff  }
0x32d: {  	v0 =	vld.idx.msk [tilespmem:v4+s1+$0x0], $0xffff  }
0x32e: {  	s9 =	simm.s32 $0x49C0;
	v1 =	vld.idx.msk [tilespmem:v6+s1+$0x0], $0xffff  }
0x32f: {  	v2 =	vld.idx.msk [tilespmem:v7+s1+$0x0], $0xffff;
	[tilespmem:s9+$0x30] =	vst v9  }
0x330: {  	s10 =	simm.s32 $0x0;
	s11 =	simm.s32 $0x1A40;
	v4 =	vld.idx.msk [tilespmem:v8+s1+$0x0], $0xffff;
	[tilespmem:s9+$0xFFFFFFD0] =	vst v10  }
.LBB2_16:
0x331: {  	v6 =	vld [tilespmem:s11+$0x30];
	s10 =	sadd.s32 $0x80, s10;
	[tilespmem:s9+$0xFFFFFFE0] =	vst v5  }
0x332: {  	v5 =	vld [tilespmem:s11+$0xFFFFFFD0];
	p0 =	slt.u32 s10, $0xF80;
	[tilespmem:s9+$0xFFFFFFF0] =	vst v3  }
0x333: {  	v3 =	vld [tilespmem:s11+$0xFFFFFFE0];
	[tilespmem:s9+$0x0] =	vst v0  }
0x334: {  	v0 =	vld [tilespmem:s11+$0xFFFFFFF0];
	[tilespmem:s9+$0x10] =	vst v1  }
0x335: {  	v1 =	vld [tilespmem:s11+$0x0];
	[tilespmem:s9+$0x20] =	vst v2  }
0x336: {  	v2 =	vld [tilespmem:s11+$0x10];
	[tilespmem:s9+$0xFFFFFFC0] =	vst v4  }
0x337: {  	v4 =	vld [tilespmem:s11+$0x20]  }
0x338: {  	v7 =	vld [tilespmem:s11+$0xFFFFFFC0]  }
0x339: {  	v6 =	vld.idx.msk [tilespmem:v6+s1+$0x0], $0xffff  }
0x33a: {  	v8 =	vld.idx.msk [tilespmem:v5+s1+$0x0], $0xffff  }
0x33b: {  	v5 =	vld.idx.msk [tilespmem:v3+s1+$0x0], $0xffff  }
.Ltmp7:
0x33c: {  	v3 =	vld.idx.msk [tilespmem:v0+s1+$0x0], $0xffff;
	(pc) =	sbr.rel @p0 .LBB2_16-.Ltmp7, $4  }
0x33d: {  	v0 =	vld.idx.msk [tilespmem:v1+s1+$0x0], $0xffff  }
0x33e: {  	s9 =	sadd.s32 $0x80, s9;
	v1 =	vld.idx.msk [tilespmem:v2+s1+$0x0], $0xffff  }
0x33f: {  	v2 =	vld.idx.msk [tilespmem:v4+s1+$0x0], $0xffff;
	[tilespmem:s9+$0x30] =	vst v6  }
0x340: {  	s11 =	sadd.s32 $0x80, s11;
	v4 =	vld.idx.msk [tilespmem:v7+s1+$0x0], $0xffff;
	[tilespmem:s9+$0xFFFFFFD0] =	vst v8  }
0x341: {  	[tilespmem:s9+$0xFFFFFFE0] =	vst v5  }
0x342: {  	[tilespmem:s9+$0xFFFFFFF0] =	vst v3  }
0x343: {  	[tilespmem:s9+$0x0] =	vst v0  }
0x344: {  	[tilespmem:s9+$0x10] =	vst v1  }
0x345: {  	[tilespmem:s9+$0x20] =	vst v2  }
0x346: {  	[tilespmem:s9+$0xFFFFFFC0] =	vst v4  }
0x347: {  	s9 =	sld [smem:$0x7EB];
	_ =	sdelay $0x2  }
0x348: {  	[hbm4b:s9+s26] =	stream.linear.scatter [tilespmem:s4], [sflag:$0x5], $0x1000, $0x38;
	[tilespmem:$0x5980] =	vst v63  }
0x349: {  	s10 =	rddreg [dreg:$0xf]  }
0x34a: {  	[tilespmem:s29], [sflag:$0x2] =	stream.strided.gather [hbm4b:s10+s24], $0x1000, s25, s24, $0x38;
	[tilespmem:$0x5980] =	vst v63  }
0x34b: {  	_ =	swait.ge [sflag:s5], $0x1000  }
0x34c: {  	[sflag:s5] =	ssyncset.done $0x0  }
0x34d: {  	[sflag:s5] =	ssyncadd.s32 $0xFFFFF000  }
0x34e: {  	_ =	swait.ge [sflag:s6], $0x1000  }
0x34f: {  	[sflag:s6] =	ssyncset.done $0x0  }
0x350: {  	s11 =	simm.s32 $0x29C0;
	[sflag:s6] =	ssyncadd.s32 $0xFFFFF000  }
0x351: {  	v0 =	vld [tilespmem:s11+$0x30]  }
0x352: {  	v1 =	vld [tilespmem:s11+$0xFFFFFFD0]  }
0x353: {  	v2 =	vld [tilespmem:s11+$0xFFFFFFE0]  }
0x354: {  	v3 =	vld [tilespmem:s11+$0xFFFFFFF0]  }
0x355: {  	v4 =	vld [tilespmem:s11+$0x0]  }
0x356: {  	v6 =	vld [tilespmem:s11+$0x10]  }
0x357: {  	v7 =	vld [tilespmem:s11+$0x20]  }
0x358: {  	v8 =	vld [tilespmem:s11+$0xFFFFFFC0]  }
0x359: {  	v9 =	vld.idx.msk [tilespmem:v0+s1+$0x0], $0xffff  }
0x35a: {  	v10 =	vld.idx.msk [tilespmem:v1+s1+$0x0], $0xffff  }
0x35b: {  	v5 =	vld.idx.msk [tilespmem:v2+s1+$0x0], $0xffff  }
0x35c: {  	v3 =	vld.idx.msk [tilespmem:v3+s1+$0x0], $0xffff  }
0x35d: {  	v0 =	vld.idx.msk [tilespmem:v4+s1+$0x0], $0xffff  }
0x35e: {  	s9 =	simm.s32 $0x39C0;
	v1 =	vld.idx.msk [tilespmem:v6+s1+$0x0], $0xffff  }
0x35f: {  	v2 =	vld.idx.msk [tilespmem:v7+s1+$0x0], $0xffff;
	[tilespmem:s9+$0x30] =	vst v9  }
0x360: {  	s10 =	simm.s32 $0x0;
	s11 =	simm.s32 $0x2A40;
	v4 =	vld.idx.msk [tilespmem:v8+s1+$0x0], $0xffff;
	[tilespmem:s9+$0xFFFFFFD0] =	vst v10  }
.LBB2_18:
0x361: {  	v6 =	vld [tilespmem:s11+$0x30];
	s10 =	sadd.s32 $0x80, s10;
	[tilespmem:s9+$0xFFFFFFE0] =	vst v5  }
0x362: {  	v5 =	vld [tilespmem:s11+$0xFFFFFFD0];
	p0 =	slt.u32 s10, $0xF80;
	[tilespmem:s9+$0xFFFFFFF0] =	vst v3  }
0x363: {  	v3 =	vld [tilespmem:s11+$0xFFFFFFE0];
	[tilespmem:s9+$0x0] =	vst v0  }
0x364: {  	v0 =	vld [tilespmem:s11+$0xFFFFFFF0];
	[tilespmem:s9+$0x10] =	vst v1  }
0x365: {  	v1 =	vld [tilespmem:s11+$0x0];
	[tilespmem:s9+$0x20] =	vst v2  }
0x366: {  	v2 =	vld [tilespmem:s11+$0x10];
	[tilespmem:s9+$0xFFFFFFC0] =	vst v4  }
0x367: {  	v4 =	vld [tilespmem:s11+$0x20]  }
0x368: {  	v7 =	vld [tilespmem:s11+$0xFFFFFFC0]  }
0x369: {  	v6 =	vld.idx.msk [tilespmem:v6+s1+$0x0], $0xffff  }
0x36a: {  	v8 =	vld.idx.msk [tilespmem:v5+s1+$0x0], $0xffff  }
0x36b: {  	v5 =	vld.idx.msk [tilespmem:v3+s1+$0x0], $0xffff  }
.Ltmp8:
0x36c: {  	v3 =	vld.idx.msk [tilespmem:v0+s1+$0x0], $0xffff;
	(pc) =	sbr.rel @p0 .LBB2_18-.Ltmp8, $4  }
0x36d: {  	v0 =	vld.idx.msk [tilespmem:v1+s1+$0x0], $0xffff  }
0x36e: {  	s9 =	sadd.s32 $0x80, s9;
	v1 =	vld.idx.msk [tilespmem:v2+s1+$0x0], $0xffff  }
0x36f: {  	v2 =	vld.idx.msk [tilespmem:v4+s1+$0x0], $0xffff;
	[tilespmem:s9+$0x30] =	vst v6  }
0x370: {  	s11 =	sadd.s32 $0x80, s11;
	v4 =	vld.idx.msk [tilespmem:v7+s1+$0x0], $0xffff;
	[tilespmem:s9+$0xFFFFFFD0] =	vst v8  }
0x371: {  	[tilespmem:s9+$0xFFFFFFE0] =	vst v5  }
0x372: {  	[tilespmem:s9+$0xFFFFFFF0] =	vst v3  }
0x373: {  	[tilespmem:s9+$0x0] =	vst v0  }
0x374: {  	[tilespmem:s9+$0x10] =	vst v1  }
0x375: {  	[tilespmem:s9+$0x20] =	vst v2  }
0x376: {  	[tilespmem:s9+$0xFFFFFFC0] =	vst v4  }
0x377: {  	s9 =	sld [smem:$0x7EC];
	_ =	sdelay $0x2  }
0x378: {  	[hbm4b:s9+s26] =	stream.linear.scatter [tilespmem:s2], [sflag:$0x4], $0x1000, $0x38;
	[tilespmem:$0x5980] =	vst v63  }
0x379: {  	s10 =	rddreg [dreg:$0x10]  }
0x37a: {  	[tilespmem:s31], [sflag:$0x3] =	stream.strided.gather [hbm4b:s10+s24], $0x1000, s25, s24, $0x38;
	[tilespmem:$0x5980] =	vst v63  }
0x37b: {  	_ =	swait.ge [sflag:s0], $0x1000  }
0x37c: {  	[sflag:s0] =	ssyncset.done $0x0  }
0x37d: {  	[sflag:s0] =	ssyncadd.s32 $0xFFFFF000  }
0x37e: {  	_ =	swait.ge [sflag:s7], $0x1000  }
0x37f: {  	[sflag:s7] =	ssyncset.done $0x0  }
0x380: {  	s11 =	simm.s32 $0x9C0;
	[sflag:s7] =	ssyncadd.s32 $0xFFFFF000  }
0x381: {  	v0 =	vld [tilespmem:s11+$0x30]  }
0x382: {  	v1 =	vld [tilespmem:s11+$0xFFFFFFD0]  }
0x383: {  	v2 =	vld [tilespmem:s11+$0xFFFFFFE0]  }
0x384: {  	v3 =	vld [tilespmem:s11+$0xFFFFFFF0]  }
0x385: {  	v4 =	vld [tilespmem:s11+$0x0]  }
0x386: {  	v6 =	vld [tilespmem:s11+$0x10]  }
0x387: {  	v7 =	vld [tilespmem:s11+$0x20]  }
0x388: {  	v8 =	vld [tilespmem:s11+$0xFFFFFFC0]  }
0x389: {  	v9 =	vld.idx.msk [tilespmem:v0+s1+$0x0], $0xffff  }
0x38a: {  	v10 =	vld.idx.msk [tilespmem:v1+s1+$0x0], $0xffff  }
0x38b: {  	v5 =	vld.idx.msk [tilespmem:v2+s1+$0x0], $0xffff  }
0x38c: {  	v3 =	vld.idx.msk [tilespmem:v3+s1+$0x0], $0xffff  }
0x38d: {  	v0 =	vld.idx.msk [tilespmem:v4+s1+$0x0], $0xffff  }
0x38e: {  	s9 =	simm.s32 $0x49C0;
	v1 =	vld.idx.msk [tilespmem:v6+s1+$0x0], $0xffff  }
0x38f: {  	v2 =	vld.idx.msk [tilespmem:v7+s1+$0x0], $0xffff;
	[tilespmem:s9+$0x30] =	vst v9  }
0x390: {  	s10 =	simm.s32 $0x0;
	s11 =	simm.s32 $0xA40;
	v4 =	vld.idx.msk [tilespmem:v8+s1+$0x0], $0xffff;
	[tilespmem:s9+$0xFFFFFFD0] =	vst v10  }
.LBB2_20:
0x391: {  	v6 =	vld [tilespmem:s11+$0x30];
	s10 =	sadd.s32 $0x80, s10;
	[tilespmem:s9+$0xFFFFFFE0] =	vst v5  }
0x392: {  	v5 =	vld [tilespmem:s11+$0xFFFFFFD0];
	p0 =	slt.u32 s10, $0xF80;
	[tilespmem:s9+$0xFFFFFFF0] =	vst v3  }
0x393: {  	v3 =	vld [tilespmem:s11+$0xFFFFFFE0];
	[tilespmem:s9+$0x0] =	vst v0  }
0x394: {  	v0 =	vld [tilespmem:s11+$0xFFFFFFF0];
	[tilespmem:s9+$0x10] =	vst v1  }
0x395: {  	v1 =	vld [tilespmem:s11+$0x0];
	[tilespmem:s9+$0x20] =	vst v2  }
0x396: {  	v2 =	vld [tilespmem:s11+$0x10];
	[tilespmem:s9+$0xFFFFFFC0] =	vst v4  }
0x397: {  	v4 =	vld [tilespmem:s11+$0x20]  }
0x398: {  	v7 =	vld [tilespmem:s11+$0xFFFFFFC0]  }
0x399: {  	v6 =	vld.idx.msk [tilespmem:v6+s1+$0x0], $0xffff  }
0x39a: {  	v8 =	vld.idx.msk [tilespmem:v5+s1+$0x0], $0xffff  }
0x39b: {  	v5 =	vld.idx.msk [tilespmem:v3+s1+$0x0], $0xffff  }
.Ltmp9:
0x39c: {  	v3 =	vld.idx.msk [tilespmem:v0+s1+$0x0], $0xffff;
	(pc) =	sbr.rel @p0 .LBB2_20-.Ltmp9, $4  }
0x39d: {  	v0 =	vld.idx.msk [tilespmem:v1+s1+$0x0], $0xffff  }
0x39e: {  	s9 =	sadd.s32 $0x80, s9;
	v1 =	vld.idx.msk [tilespmem:v2+s1+$0x0], $0xffff  }
0x39f: {  	v2 =	vld.idx.msk [tilespmem:v4+s1+$0x0], $0xffff;
	[tilespmem:s9+$0x30] =	vst v6  }
0x3a0: {  	s11 =	sadd.s32 $0x80, s11;
	v4 =	vld.idx.msk [tilespmem:v7+s1+$0x0], $0xffff;
	[tilespmem:s9+$0xFFFFFFD0] =	vst v8  }
0x3a1: {  	[tilespmem:s9+$0xFFFFFFE0] =	vst v5  }
0x3a2: {  	[tilespmem:s9+$0xFFFFFFF0] =	vst v3  }
0x3a3: {  	[tilespmem:s9+$0x0] =	vst v0  }
0x3a4: {  	[tilespmem:s9+$0x10] =	vst v1  }
0x3a5: {  	[tilespmem:s9+$0x20] =	vst v2  }
0x3a6: {  	[tilespmem:s9+$0xFFFFFFC0] =	vst v4  }
0x3a7: {  	s9 =	sld [smem:$0x7EF];
	_ =	sdelay $0x2  }
0x3a8: {  	[hbm4b:s9+s26] =	stream.linear.scatter [tilespmem:s4], [sflag:$0x5], $0x1000, $0x38;
	[tilespmem:$0x5980] =	vst v63  }
0x3a9: {  	s10 =	rddreg [dreg:$0x11]  }
0x3aa: {  	[tilespmem:s28], [sflag:$0x1] =	stream.strided.gather [hbm4b:s10+s24], $0x1000, s25, s24, $0x38;
	[tilespmem:$0x5980] =	vst v63  }
0x3ab: {  	_ =	swait.ge [sflag:s3], $0x1000  }
0x3ac: {  	[sflag:s3] =	ssyncset.done $0x0  }
0x3ad: {  	[sflag:s3] =	ssyncadd.s32 $0xFFFFF000  }
0x3ae: {  	_ =	swait.ge [sflag:s6], $0x1000  }
0x3af: {  	[sflag:s6] =	ssyncset.done $0x0  }
0x3b0: {  	s11 =	simm.s32 $0x19C0;
	[sflag:s6] =	ssyncadd.s32 $0xFFFFF000  }
0x3b1: {  	v0 =	vld [tilespmem:s11+$0x30]  }
0x3b2: {  	v1 =	vld [tilespmem:s11+$0xFFFFFFD0]  }
0x3b3: {  	v2 =	vld [tilespmem:s11+$0xFFFFFFE0]  }
0x3b4: {  	v3 =	vld [tilespmem:s11+$0xFFFFFFF0]  }
0x3b5: {  	v4 =	vld [tilespmem:s11+$0x0]  }
0x3b6: {  	v6 =	vld [tilespmem:s11+$0x10]  }
0x3b7: {  	v7 =	vld [tilespmem:s11+$0x20]  }
0x3b8: {  	v8 =	vld [tilespmem:s11+$0xFFFFFFC0]  }
0x3b9: {  	v9 =	vld.idx.msk [tilespmem:v0+s1+$0x0], $0xffff  }
0x3ba: {  	v10 =	vld.idx.msk [tilespmem:v1+s1+$0x0], $0xffff  }
0x3bb: {  	v5 =	vld.idx.msk [tilespmem:v2+s1+$0x0], $0xffff  }
0x3bc: {  	v3 =	vld.idx.msk [tilespmem:v3+s1+$0x0], $0xffff  }
0x3bd: {  	v0 =	vld.idx.msk [tilespmem:v4+s1+$0x0], $0xffff  }
0x3be: {  	s9 =	simm.s32 $0x39C0;
	v1 =	vld.idx.msk [tilespmem:v6+s1+$0x0], $0xffff  }
0x3bf: {  	v2 =	vld.idx.msk [tilespmem:v7+s1+$0x0], $0xffff;
	[tilespmem:s9+$0x30] =	vst v9  }
0x3c0: {  	s10 =	simm.s32 $0x0;
	s11 =	simm.s32 $0x1A40;
	v4 =	vld.idx.msk [tilespmem:v8+s1+$0x0], $0xffff;
	[tilespmem:s9+$0xFFFFFFD0] =	vst v10  }
.LBB2_22:
0x3c1: {  	v6 =	vld [tilespmem:s11+$0x30];
	s10 =	sadd.s32 $0x80, s10;
	[tilespmem:s9+$0xFFFFFFE0] =	vst v5  }
0x3c2: {  	v5 =	vld [tilespmem:s11+$0xFFFFFFD0];
	p0 =	slt.u32 s10, $0xF80;
	[tilespmem:s9+$0xFFFFFFF0] =	vst v3  }
0x3c3: {  	v3 =	vld [tilespmem:s11+$0xFFFFFFE0];
	[tilespmem:s9+$0x0] =	vst v0  }
0x3c4: {  	v0 =	vld [tilespmem:s11+$0xFFFFFFF0];
	[tilespmem:s9+$0x10] =	vst v1  }
0x3c5: {  	v1 =	vld [tilespmem:s11+$0x0];
	[tilespmem:s9+$0x20] =	vst v2  }
0x3c6: {  	v2 =	vld [tilespmem:s11+$0x10];
	[tilespmem:s9+$0xFFFFFFC0] =	vst v4  }
0x3c7: {  	v4 =	vld [tilespmem:s11+$0x20]  }
0x3c8: {  	v7 =	vld [tilespmem:s11+$0xFFFFFFC0]  }
0x3c9: {  	v6 =	vld.idx.msk [tilespmem:v6+s1+$0x0], $0xffff  }
0x3ca: {  	v8 =	vld.idx.msk [tilespmem:v5+s1+$0x0], $0xffff  }
0x3cb: {  	v5 =	vld.idx.msk [tilespmem:v3+s1+$0x0], $0xffff  }
.Ltmp10:
0x3cc: {  	v3 =	vld.idx.msk [tilespmem:v0+s1+$0x0], $0xffff;
	(pc) =	sbr.rel @p0 .LBB2_22-.Ltmp10, $4  }
0x3cd: {  	v0 =	vld.idx.msk [tilespmem:v1+s1+$0x0], $0xffff  }
0x3ce: {  	s9 =	sadd.s32 $0x80, s9;
	v1 =	vld.idx.msk [tilespmem:v2+s1+$0x0], $0xffff  }
0x3cf: {  	v2 =	vld.idx.msk [tilespmem:v4+s1+$0x0], $0xffff;
	[tilespmem:s9+$0x30] =	vst v6  }
0x3d0: {  	s11 =	sadd.s32 $0x80, s11;
	v4 =	vld.idx.msk [tilespmem:v7+s1+$0x0], $0xffff;
	[tilespmem:s9+$0xFFFFFFD0] =	vst v8  }
0x3d1: {  	[tilespmem:s9+$0xFFFFFFE0] =	vst v5  }
0x3d2: {  	[tilespmem:s9+$0xFFFFFFF0] =	vst v3  }
0x3d3: {  	[tilespmem:s9+$0x0] =	vst v0  }
0x3d4: {  	[tilespmem:s9+$0x10] =	vst v1  }
0x3d5: {  	[tilespmem:s9+$0x20] =	vst v2  }
0x3d6: {  	[tilespmem:s9+$0xFFFFFFC0] =	vst v4  }
0x3d7: {  	s9 =	sld [smem:$0x7F0];
	_ =	sdelay $0x2  }
0x3d8: {  	[hbm4b:s9+s26] =	stream.linear.scatter [tilespmem:s2], [sflag:$0x4], $0x1000, $0x38;
	[tilespmem:$0x5980] =	vst v63  }
0x3d9: {  	s10 =	rddreg [dreg:$0x12]  }
0x3da: {  	[tilespmem:s29], [sflag:$0x2] =	stream.strided.gather [hbm4b:s10+s24], $0x1000, s25, s24, $0x38;
	[tilespmem:$0x5980] =	vst v63  }
0x3db: {  	_ =	swait.ge [sflag:s5], $0x1000  }
0x3dc: {  	[sflag:s5] =	ssyncset.done $0x0  }
0x3dd: {  	[sflag:s5] =	ssyncadd.s32 $0xFFFFF000  }
0x3de: {  	_ =	swait.ge [sflag:s7], $0x1000  }
0x3df: {  	[sflag:s7] =	ssyncset.done $0x0  }
0x3e0: {  	s11 =	simm.s32 $0x29C0;
	[sflag:s7] =	ssyncadd.s32 $0xFFFFF000  }
0x3e1: {  	v0 =	vld [tilespmem:s11+$0x30]  }
0x3e2: {  	v1 =	vld [tilespmem:s11+$0xFFFFFFD0]  }
0x3e3: {  	v2 =	vld [tilespmem:s11+$0xFFFFFFE0]  }
0x3e4: {  	v3 =	vld [tilespmem:s11+$0xFFFFFFF0]  }
0x3e5: {  	v4 =	vld [tilespmem:s11+$0x0]  }
0x3e6: {  	v6 =	vld [tilespmem:s11+$0x10]  }
0x3e7: {  	v7 =	vld [tilespmem:s11+$0x20]  }
0x3e8: {  	v8 =	vld [tilespmem:s11+$0xFFFFFFC0]  }
0x3e9: {  	v9 =	vld.idx.msk [tilespmem:v0+s1+$0x0], $0xffff  }
0x3ea: {  	v10 =	vld.idx.msk [tilespmem:v1+s1+$0x0], $0xffff  }
0x3eb: {  	v5 =	vld.idx.msk [tilespmem:v2+s1+$0x0], $0xffff  }
0x3ec: {  	v3 =	vld.idx.msk [tilespmem:v3+s1+$0x0], $0xffff  }
0x3ed: {  	v0 =	vld.idx.msk [tilespmem:v4+s1+$0x0], $0xffff  }
0x3ee: {  	s9 =	simm.s32 $0x49C0;
	v1 =	vld.idx.msk [tilespmem:v6+s1+$0x0], $0xffff  }
0x3ef: {  	v2 =	vld.idx.msk [tilespmem:v7+s1+$0x0], $0xffff;
	[tilespmem:s9+$0x30] =	vst v9  }
0x3f0: {  	s10 =	simm.s32 $0x0;
	s11 =	simm.s32 $0x2A40;
	v4 =	vld.idx.msk [tilespmem:v8+s1+$0x0], $0xffff;
	[tilespmem:s9+$0xFFFFFFD0] =	vst v10  }
.LBB2_24:
0x3f1: {  	v6 =	vld [tilespmem:s11+$0x30];
	s10 =	sadd.s32 $0x80, s10;
	[tilespmem:s9+$0xFFFFFFE0] =	vst v5  }
0x3f2: {  	v5 =	vld [tilespmem:s11+$0xFFFFFFD0];
	p0 =	slt.u32 s10, $0xF80;
	[tilespmem:s9+$0xFFFFFFF0] =	vst v3  }
0x3f3: {  	v3 =	vld [tilespmem:s11+$0xFFFFFFE0];
	[tilespmem:s9+$0x0] =	vst v0  }
0x3f4: {  	v0 =	vld [tilespmem:s11+$0xFFFFFFF0];
	[tilespmem:s9+$0x10] =	vst v1  }
0x3f5: {  	v1 =	vld [tilespmem:s11+$0x0];
	[tilespmem:s9+$0x20] =	vst v2  }
0x3f6: {  	v2 =	vld [tilespmem:s11+$0x10];
	[tilespmem:s9+$0xFFFFFFC0] =	vst v4  }
0x3f7: {  	v4 =	vld [tilespmem:s11+$0x20]  }
0x3f8: {  	v7 =	vld [tilespmem:s11+$0xFFFFFFC0]  }
0x3f9: {  	v6 =	vld.idx.msk [tilespmem:v6+s1+$0x0], $0xffff  }
0x3fa: {  	v8 =	vld.idx.msk [tilespmem:v5+s1+$0x0], $0xffff  }
0x3fb: {  	v5 =	vld.idx.msk [tilespmem:v3+s1+$0x0], $0xffff  }
.Ltmp11:
0x3fc: {  	v3 =	vld.idx.msk [tilespmem:v0+s1+$0x0], $0xffff;
	(pc) =	sbr.rel @p0 .LBB2_24-.Ltmp11, $4  }
0x3fd: {  	v0 =	vld.idx.msk [tilespmem:v1+s1+$0x0], $0xffff  }
0x3fe: {  	s9 =	sadd.s32 $0x80, s9;
	v1 =	vld.idx.msk [tilespmem:v2+s1+$0x0], $0xffff  }
0x3ff: {  	v2 =	vld.idx.msk [tilespmem:v4+s1+$0x0], $0xffff;
	[tilespmem:s9+$0x30] =	vst v6  }
0x400: {  	s11 =	sadd.s32 $0x80, s11;
	v4 =	vld.idx.msk [tilespmem:v7+s1+$0x0], $0xffff;
	[tilespmem:s9+$0xFFFFFFD0] =	vst v8  }
0x401: {  	[tilespmem:s9+$0xFFFFFFE0] =	vst v5  }
0x402: {  	[tilespmem:s9+$0xFFFFFFF0] =	vst v3  }
0x403: {  	[tilespmem:s9+$0x0] =	vst v0  }
0x404: {  	[tilespmem:s9+$0x10] =	vst v1  }
0x405: {  	[tilespmem:s9+$0x20] =	vst v2  }
0x406: {  	[tilespmem:s9+$0xFFFFFFC0] =	vst v4  }
0x407: {  	s9 =	sld [smem:$0x7F2];
	_ =	sdelay $0x2  }
0x408: {  	[hbm4b:s9+s26] =	stream.linear.scatter [tilespmem:s4], [sflag:$0x5], $0x1000, $0x38;
	[tilespmem:$0x5980] =	vst v63  }
0x409: {  	s10 =	rddreg [dreg:$0x13]  }
0x40a: {  	[tilespmem:s31], [sflag:$0x3] =	stream.strided.gather [hbm4b:s10+s24], $0x1000, s25, s24, $0x38;
	[tilespmem:$0x5980] =	vst v63  }
0x40b: {  	_ =	swait.ge [sflag:s0], $0x1000  }
0x40c: {  	[sflag:s0] =	ssyncset.done $0x0  }
0x40d: {  	[sflag:s0] =	ssyncadd.s32 $0xFFFFF000  }
0x40e: {  	_ =	swait.ge [sflag:s6], $0x1000  }
0x40f: {  	[sflag:s6] =	ssyncset.done $0x0  }
0x410: {  	s11 =	simm.s32 $0x9C0;
	[sflag:s6] =	ssyncadd.s32 $0xFFFFF000  }
0x411: {  	v0 =	vld [tilespmem:s11+$0x30]  }
0x412: {  	v1 =	vld [tilespmem:s11+$0xFFFFFFD0]  }
0x413: {  	v2 =	vld [tilespmem:s11+$0xFFFFFFE0]  }
0x414: {  	v3 =	vld [tilespmem:s11+$0xFFFFFFF0]  }
0x415: {  	v4 =	vld [tilespmem:s11+$0x0]  }
0x416: {  	v6 =	vld [tilespmem:s11+$0x10]  }
0x417: {  	v7 =	vld [tilespmem:s11+$0x20]  }
0x418: {  	v8 =	vld [tilespmem:s11+$0xFFFFFFC0]  }
0x419: {  	v9 =	vld.idx.msk [tilespmem:v0+s1+$0x0], $0xffff  }
0x41a: {  	v10 =	vld.idx.msk [tilespmem:v1+s1+$0x0], $0xffff  }
0x41b: {  	v5 =	vld.idx.msk [tilespmem:v2+s1+$0x0], $0xffff  }
0x41c: {  	v3 =	vld.idx.msk [tilespmem:v3+s1+$0x0], $0xffff  }
0x41d: {  	v0 =	vld.idx.msk [tilespmem:v4+s1+$0x0], $0xffff  }
0x41e: {  	s9 =	simm.s32 $0x39C0;
	v1 =	vld.idx.msk [tilespmem:v6+s1+$0x0], $0xffff  }
0x41f: {  	v2 =	vld.idx.msk [tilespmem:v7+s1+$0x0], $0xffff;
	[tilespmem:s9+$0x30] =	vst v9  }
0x420: {  	s10 =	simm.s32 $0x0;
	s11 =	simm.s32 $0xA40;
	v4 =	vld.idx.msk [tilespmem:v8+s1+$0x0], $0xffff;
	[tilespmem:s9+$0xFFFFFFD0] =	vst v10  }
.LBB2_26:
0x421: {  	v6 =	vld [tilespmem:s11+$0x30];
	s10 =	sadd.s32 $0x80, s10;
	[tilespmem:s9+$0xFFFFFFE0] =	vst v5  }
0x422: {  	v5 =	vld [tilespmem:s11+$0xFFFFFFD0];
	p0 =	slt.u32 s10, $0xF80;
	[tilespmem:s9+$0xFFFFFFF0] =	vst v3  }
0x423: {  	v3 =	vld [tilespmem:s11+$0xFFFFFFE0];
	[tilespmem:s9+$0x0] =	vst v0  }
0x424: {  	v0 =	vld [tilespmem:s11+$0xFFFFFFF0];
	[tilespmem:s9+$0x10] =	vst v1  }
0x425: {  	v1 =	vld [tilespmem:s11+$0x0];
	[tilespmem:s9+$0x20] =	vst v2  }
0x426: {  	v2 =	vld [tilespmem:s11+$0x10];
	[tilespmem:s9+$0xFFFFFFC0] =	vst v4  }
0x427: {  	v4 =	vld [tilespmem:s11+$0x20]  }
0x428: {  	v7 =	vld [tilespmem:s11+$0xFFFFFFC0]  }
0x429: {  	v6 =	vld.idx.msk [tilespmem:v6+s1+$0x0], $0xffff  }
0x42a: {  	v8 =	vld.idx.msk [tilespmem:v5+s1+$0x0], $0xffff  }
0x42b: {  	v5 =	vld.idx.msk [tilespmem:v3+s1+$0x0], $0xffff  }
.Ltmp12:
0x42c: {  	v3 =	vld.idx.msk [tilespmem:v0+s1+$0x0], $0xffff;
	(pc) =	sbr.rel @p0 .LBB2_26-.Ltmp12, $4  }
0x42d: {  	v0 =	vld.idx.msk [tilespmem:v1+s1+$0x0], $0xffff  }
0x42e: {  	s9 =	sadd.s32 $0x80, s9;
	v1 =	vld.idx.msk [tilespmem:v2+s1+$0x0], $0xffff  }
0x42f: {  	v2 =	vld.idx.msk [tilespmem:v4+s1+$0x0], $0xffff;
	[tilespmem:s9+$0x30] =	vst v6  }
0x430: {  	s11 =	sadd.s32 $0x80, s11;
	v4 =	vld.idx.msk [tilespmem:v7+s1+$0x0], $0xffff;
	[tilespmem:s9+$0xFFFFFFD0] =	vst v8  }
0x431: {  	[tilespmem:s9+$0xFFFFFFE0] =	vst v5  }
0x432: {  	[tilespmem:s9+$0xFFFFFFF0] =	vst v3  }
0x433: {  	[tilespmem:s9+$0x0] =	vst v0  }
0x434: {  	[tilespmem:s9+$0x10] =	vst v1  }
0x435: {  	[tilespmem:s9+$0x20] =	vst v2  }
0x436: {  	[tilespmem:s9+$0xFFFFFFC0] =	vst v4  }
0x437: {  	s9 =	sld [smem:$0x7F4];
	_ =	sdelay $0x2  }
0x438: {  	[hbm4b:s9+s26] =	stream.linear.scatter [tilespmem:s2], [sflag:$0x4], $0x1000, $0x38;
	[tilespmem:$0x5980] =	vst v63  }
0x439: {  	s10 =	rddreg [dreg:$0x14]  }
0x43a: {  	[tilespmem:s28], [sflag:$0x1] =	stream.strided.gather [hbm4b:s10+s24], $0x1000, s25, s24, $0x38;
	[tilespmem:$0x5980] =	vst v63  }
0x43b: {  	_ =	swait.ge [sflag:s3], $0x1000  }
0x43c: {  	[sflag:s3] =	ssyncset.done $0x0  }
0x43d: {  	[sflag:s3] =	ssyncadd.s32 $0xFFFFF000  }
0x43e: {  	_ =	swait.ge [sflag:s7], $0x1000  }
0x43f: {  	[sflag:s7] =	ssyncset.done $0x0  }
0x440: {  	s11 =	simm.s32 $0x19C0;
	[sflag:s7] =	ssyncadd.s32 $0xFFFFF000  }
0x441: {  	v0 =	vld [tilespmem:s11+$0x30]  }
0x442: {  	v1 =	vld [tilespmem:s11+$0xFFFFFFD0]  }
0x443: {  	v2 =	vld [tilespmem:s11+$0xFFFFFFE0]  }
0x444: {  	v3 =	vld [tilespmem:s11+$0xFFFFFFF0]  }
0x445: {  	v4 =	vld [tilespmem:s11+$0x0]  }
0x446: {  	v6 =	vld [tilespmem:s11+$0x10]  }
0x447: {  	v7 =	vld [tilespmem:s11+$0x20]  }
0x448: {  	v8 =	vld [tilespmem:s11+$0xFFFFFFC0]  }
0x449: {  	v9 =	vld.idx.msk [tilespmem:v0+s1+$0x0], $0xffff  }
0x44a: {  	v10 =	vld.idx.msk [tilespmem:v1+s1+$0x0], $0xffff  }
0x44b: {  	v5 =	vld.idx.msk [tilespmem:v2+s1+$0x0], $0xffff  }
0x44c: {  	v3 =	vld.idx.msk [tilespmem:v3+s1+$0x0], $0xffff  }
0x44d: {  	v0 =	vld.idx.msk [tilespmem:v4+s1+$0x0], $0xffff  }
0x44e: {  	s9 =	simm.s32 $0x49C0;
	v1 =	vld.idx.msk [tilespmem:v6+s1+$0x0], $0xffff  }
0x44f: {  	v2 =	vld.idx.msk [tilespmem:v7+s1+$0x0], $0xffff;
	[tilespmem:s9+$0x30] =	vst v9  }
0x450: {  	s10 =	simm.s32 $0x0;
	s11 =	simm.s32 $0x1A40;
	v4 =	vld.idx.msk [tilespmem:v8+s1+$0x0], $0xffff;
	[tilespmem:s9+$0xFFFFFFD0] =	vst v10  }
.LBB2_28:
0x451: {  	v6 =	vld [tilespmem:s11+$0x30];
	s10 =	sadd.s32 $0x80, s10;
	[tilespmem:s9+$0xFFFFFFE0] =	vst v5  }
0x452: {  	v5 =	vld [tilespmem:s11+$0xFFFFFFD0];
	p0 =	slt.u32 s10, $0xF80;
	[tilespmem:s9+$0xFFFFFFF0] =	vst v3  }
0x453: {  	v3 =	vld [tilespmem:s11+$0xFFFFFFE0];
	[tilespmem:s9+$0x0] =	vst v0  }
0x454: {  	v0 =	vld [tilespmem:s11+$0xFFFFFFF0];
	[tilespmem:s9+$0x10] =	vst v1  }
0x455: {  	v1 =	vld [tilespmem:s11+$0x0];
	[tilespmem:s9+$0x20] =	vst v2  }
0x456: {  	v2 =	vld [tilespmem:s11+$0x10];
	[tilespmem:s9+$0xFFFFFFC0] =	vst v4  }
0x457: {  	v4 =	vld [tilespmem:s11+$0x20]  }
0x458: {  	v7 =	vld [tilespmem:s11+$0xFFFFFFC0]  }
0x459: {  	v6 =	vld.idx.msk [tilespmem:v6+s1+$0x0], $0xffff  }
0x45a: {  	v8 =	vld.idx.msk [tilespmem:v5+s1+$0x0], $0xffff  }
0x45b: {  	v5 =	vld.idx.msk [tilespmem:v3+s1+$0x0], $0xffff  }
.Ltmp13:
0x45c: {  	v3 =	vld.idx.msk [tilespmem:v0+s1+$0x0], $0xffff;
	(pc) =	sbr.rel @p0 .LBB2_28-.Ltmp13, $4  }
0x45d: {  	v0 =	vld.idx.msk [tilespmem:v1+s1+$0x0], $0xffff  }
0x45e: {  	s9 =	sadd.s32 $0x80, s9;
	v1 =	vld.idx.msk [tilespmem:v2+s1+$0x0], $0xffff  }
0x45f: {  	v2 =	vld.idx.msk [tilespmem:v4+s1+$0x0], $0xffff;
	[tilespmem:s9+$0x30] =	vst v6  }
0x460: {  	s11 =	sadd.s32 $0x80, s11;
	v4 =	vld.idx.msk [tilespmem:v7+s1+$0x0], $0xffff;
	[tilespmem:s9+$0xFFFFFFD0] =	vst v8  }
0x461: {  	[tilespmem:s9+$0xFFFFFFE0] =	vst v5  }
0x462: {  	[tilespmem:s9+$0xFFFFFFF0] =	vst v3  }
0x463: {  	[tilespmem:s9+$0x0] =	vst v0  }
0x464: {  	[tilespmem:s9+$0x10] =	vst v1  }
0x465: {  	[tilespmem:s9+$0x20] =	vst v2  }
0x466: {  	[tilespmem:s9+$0xFFFFFFC0] =	vst v4  }
0x467: {  	s9 =	sld [smem:$0x7F5];
	_ =	sdelay $0x2  }
0x468: {  	[hbm4b:s9+s26] =	stream.linear.scatter [tilespmem:s4], [sflag:$0x5], $0x1000, $0x38;
	[tilespmem:$0x5980] =	vst v63  }
0x469: {  	s10 =	rddreg [dreg:$0x15]  }
0x46a: {  	[tilespmem:s29], [sflag:$0x2] =	stream.strided.gather [hbm4b:s10+s24], $0x1000, s25, s24, $0x38;
	[tilespmem:$0x5980] =	vst v63  }
0x46b: {  	_ =	swait.ge [sflag:s5], $0x1000  }
0x46c: {  	[sflag:s5] =	ssyncset.done $0x0  }
0x46d: {  	[sflag:s5] =	ssyncadd.s32 $0xFFFFF000  }
0x46e: {  	_ =	swait.ge [sflag:s6], $0x1000  }
0x46f: {  	[sflag:s6] =	ssyncset.done $0x0  }
0x470: {  	s11 =	simm.s32 $0x29C0;
	[sflag:s6] =	ssyncadd.s32 $0xFFFFF000  }
0x471: {  	v0 =	vld [tilespmem:s11+$0x30]  }
0x472: {  	v1 =	vld [tilespmem:s11+$0xFFFFFFD0]  }
0x473: {  	v2 =	vld [tilespmem:s11+$0xFFFFFFE0]  }
0x474: {  	v3 =	vld [tilespmem:s11+$0xFFFFFFF0]  }
0x475: {  	v4 =	vld [tilespmem:s11+$0x0]  }
0x476: {  	v6 =	vld [tilespmem:s11+$0x10]  }
0x477: {  	v7 =	vld [tilespmem:s11+$0x20]  }
0x478: {  	v8 =	vld [tilespmem:s11+$0xFFFFFFC0]  }
0x479: {  	v9 =	vld.idx.msk [tilespmem:v0+s1+$0x0], $0xffff  }
0x47a: {  	v10 =	vld.idx.msk [tilespmem:v1+s1+$0x0], $0xffff  }
0x47b: {  	v5 =	vld.idx.msk [tilespmem:v2+s1+$0x0], $0xffff  }
0x47c: {  	v3 =	vld.idx.msk [tilespmem:v3+s1+$0x0], $0xffff  }
0x47d: {  	v0 =	vld.idx.msk [tilespmem:v4+s1+$0x0], $0xffff  }
0x47e: {  	s9 =	simm.s32 $0x39C0;
	v1 =	vld.idx.msk [tilespmem:v6+s1+$0x0], $0xffff  }
0x47f: {  	v2 =	vld.idx.msk [tilespmem:v7+s1+$0x0], $0xffff;
	[tilespmem:s9+$0x30] =	vst v9  }
0x480: {  	s10 =	simm.s32 $0x0;
	s11 =	simm.s32 $0x2A40;
	v4 =	vld.idx.msk [tilespmem:v8+s1+$0x0], $0xffff;
	[tilespmem:s9+$0xFFFFFFD0] =	vst v10  }
.LBB2_30:
0x481: {  	v6 =	vld [tilespmem:s11+$0x30];
	s10 =	sadd.s32 $0x80, s10;
	[tilespmem:s9+$0xFFFFFFE0] =	vst v5  }
0x482: {  	v5 =	vld [tilespmem:s11+$0xFFFFFFD0];
	p0 =	slt.u32 s10, $0xF80;
	[tilespmem:s9+$0xFFFFFFF0] =	vst v3  }
0x483: {  	v3 =	vld [tilespmem:s11+$0xFFFFFFE0];
	[tilespmem:s9+$0x0] =	vst v0  }
0x484: {  	v0 =	vld [tilespmem:s11+$0xFFFFFFF0];
	[tilespmem:s9+$0x10] =	vst v1  }
0x485: {  	v1 =	vld [tilespmem:s11+$0x0];
	[tilespmem:s9+$0x20] =	vst v2  }
0x486: {  	v2 =	vld [tilespmem:s11+$0x10];
	[tilespmem:s9+$0xFFFFFFC0] =	vst v4  }
0x487: {  	v4 =	vld [tilespmem:s11+$0x20]  }
0x488: {  	v7 =	vld [tilespmem:s11+$0xFFFFFFC0]  }
0x489: {  	v6 =	vld.idx.msk [tilespmem:v6+s1+$0x0], $0xffff  }
0x48a: {  	v8 =	vld.idx.msk [tilespmem:v5+s1+$0x0], $0xffff  }
0x48b: {  	v5 =	vld.idx.msk [tilespmem:v3+s1+$0x0], $0xffff  }
.Ltmp14:
0x48c: {  	v3 =	vld.idx.msk [tilespmem:v0+s1+$0x0], $0xffff;
	(pc) =	sbr.rel @p0 .LBB2_30-.Ltmp14, $4  }
0x48d: {  	v0 =	vld.idx.msk [tilespmem:v1+s1+$0x0], $0xffff  }
0x48e: {  	s9 =	sadd.s32 $0x80, s9;
	v1 =	vld.idx.msk [tilespmem:v2+s1+$0x0], $0xffff  }
0x48f: {  	v2 =	vld.idx.msk [tilespmem:v4+s1+$0x0], $0xffff;
	[tilespmem:s9+$0x30] =	vst v6  }
0x490: {  	s11 =	sadd.s32 $0x80, s11;
	v4 =	vld.idx.msk [tilespmem:v7+s1+$0x0], $0xffff;
	[tilespmem:s9+$0xFFFFFFD0] =	vst v8  }
0x491: {  	[tilespmem:s9+$0xFFFFFFE0] =	vst v5  }
0x492: {  	[tilespmem:s9+$0xFFFFFFF0] =	vst v3  }
0x493: {  	[tilespmem:s9+$0x0] =	vst v0  }
0x494: {  	[tilespmem:s9+$0x10] =	vst v1  }
0x495: {  	[tilespmem:s9+$0x20] =	vst v2  }
0x496: {  	[tilespmem:s9+$0xFFFFFFC0] =	vst v4  }
0x497: {  	s9 =	sld [smem:$0x7F7];
	_ =	sdelay $0x2  }
0x498: {  	[hbm4b:s9+s26] =	stream.linear.scatter [tilespmem:s2], [sflag:$0x4], $0x1000, $0x38;
	[tilespmem:$0x5980] =	vst v63  }
0x499: {  	s10 =	rddreg [dreg:$0x16]  }
0x49a: {  	[tilespmem:s31], [sflag:$0x3] =	stream.strided.gather [hbm4b:s10+s24], $0x1000, s25, s24, $0x38;
	[tilespmem:$0x5980] =	vst v63  }
0x49b: {  	_ =	swait.ge [sflag:s0], $0x1000  }
0x49c: {  	[sflag:s0] =	ssyncset.done $0x0  }
0x49d: {  	[sflag:s0] =	ssyncadd.s32 $0xFFFFF000  }
0x49e: {  	_ =	swait.ge [sflag:s7], $0x1000  }
0x49f: {  	[sflag:s7] =	ssyncset.done $0x0  }
0x4a0: {  	s11 =	simm.s32 $0x9C0;
	[sflag:s7] =	ssyncadd.s32 $0xFFFFF000  }
0x4a1: {  	v0 =	vld [tilespmem:s11+$0x30]  }
0x4a2: {  	v1 =	vld [tilespmem:s11+$0xFFFFFFD0]  }
0x4a3: {  	v2 =	vld [tilespmem:s11+$0xFFFFFFE0]  }
0x4a4: {  	v3 =	vld [tilespmem:s11+$0xFFFFFFF0]  }
0x4a5: {  	v4 =	vld [tilespmem:s11+$0x0]  }
0x4a6: {  	v6 =	vld [tilespmem:s11+$0x10]  }
0x4a7: {  	v7 =	vld [tilespmem:s11+$0x20]  }
0x4a8: {  	v8 =	vld [tilespmem:s11+$0xFFFFFFC0]  }
0x4a9: {  	v9 =	vld.idx.msk [tilespmem:v0+s1+$0x0], $0xffff  }
0x4aa: {  	v10 =	vld.idx.msk [tilespmem:v1+s1+$0x0], $0xffff  }
0x4ab: {  	v5 =	vld.idx.msk [tilespmem:v2+s1+$0x0], $0xffff  }
0x4ac: {  	v3 =	vld.idx.msk [tilespmem:v3+s1+$0x0], $0xffff  }
0x4ad: {  	v0 =	vld.idx.msk [tilespmem:v4+s1+$0x0], $0xffff  }
0x4ae: {  	s9 =	simm.s32 $0x49C0;
	v1 =	vld.idx.msk [tilespmem:v6+s1+$0x0], $0xffff  }
0x4af: {  	v2 =	vld.idx.msk [tilespmem:v7+s1+$0x0], $0xffff;
	[tilespmem:s9+$0x30] =	vst v9  }
0x4b0: {  	s10 =	simm.s32 $0x0;
	s11 =	simm.s32 $0xA40;
	v4 =	vld.idx.msk [tilespmem:v8+s1+$0x0], $0xffff;
	[tilespmem:s9+$0xFFFFFFD0] =	vst v10  }
.LBB2_32:
0x4b1: {  	v6 =	vld [tilespmem:s11+$0x30];
	s10 =	sadd.s32 $0x80, s10;
	[tilespmem:s9+$0xFFFFFFE0] =	vst v5  }
0x4b2: {  	v5 =	vld [tilespmem:s11+$0xFFFFFFD0];
	p0 =	slt.u32 s10, $0xF80;
	[tilespmem:s9+$0xFFFFFFF0] =	vst v3  }
0x4b3: {  	v3 =	vld [tilespmem:s11+$0xFFFFFFE0];
	[tilespmem:s9+$0x0] =	vst v0  }
0x4b4: {  	v0 =	vld [tilespmem:s11+$0xFFFFFFF0];
	[tilespmem:s9+$0x10] =	vst v1  }
0x4b5: {  	v1 =	vld [tilespmem:s11+$0x0];
	[tilespmem:s9+$0x20] =	vst v2  }
0x4b6: {  	v2 =	vld [tilespmem:s11+$0x10];
	[tilespmem:s9+$0xFFFFFFC0] =	vst v4  }
0x4b7: {  	v4 =	vld [tilespmem:s11+$0x20]  }
0x4b8: {  	v7 =	vld [tilespmem:s11+$0xFFFFFFC0]  }
0x4b9: {  	v6 =	vld.idx.msk [tilespmem:v6+s1+$0x0], $0xffff  }
0x4ba: {  	v8 =	vld.idx.msk [tilespmem:v5+s1+$0x0], $0xffff  }
0x4bb: {  	v5 =	vld.idx.msk [tilespmem:v3+s1+$0x0], $0xffff  }
.Ltmp15:
0x4bc: {  	v3 =	vld.idx.msk [tilespmem:v0+s1+$0x0], $0xffff;
	(pc) =	sbr.rel @p0 .LBB2_32-.Ltmp15, $4  }
0x4bd: {  	v0 =	vld.idx.msk [tilespmem:v1+s1+$0x0], $0xffff  }
0x4be: {  	s9 =	sadd.s32 $0x80, s9;
	v1 =	vld.idx.msk [tilespmem:v2+s1+$0x0], $0xffff  }
0x4bf: {  	v2 =	vld.idx.msk [tilespmem:v4+s1+$0x0], $0xffff;
	[tilespmem:s9+$0x30] =	vst v6  }
0x4c0: {  	s11 =	sadd.s32 $0x80, s11;
	v4 =	vld.idx.msk [tilespmem:v7+s1+$0x0], $0xffff;
	[tilespmem:s9+$0xFFFFFFD0] =	vst v8  }
0x4c1: {  	[tilespmem:s9+$0xFFFFFFE0] =	vst v5  }
0x4c2: {  	[tilespmem:s9+$0xFFFFFFF0] =	vst v3  }
0x4c3: {  	[tilespmem:s9+$0x0] =	vst v0  }
0x4c4: {  	[tilespmem:s9+$0x10] =	vst v1  }
0x4c5: {  	[tilespmem:s9+$0x20] =	vst v2  }
0x4c6: {  	[tilespmem:s9+$0xFFFFFFC0] =	vst v4  }
0x4c7: {  	s9 =	sld [smem:$0x7F9];
	_ =	sdelay $0x2  }
0x4c8: {  	[hbm4b:s9+s26] =	stream.linear.scatter [tilespmem:s4], [sflag:$0x5], $0x1000, $0x38;
	[tilespmem:$0x5980] =	vst v63  }
0x4c9: {  	s10 =	rddreg [dreg:$0x17]  }
0x4ca: {  	[tilespmem:s28], [sflag:$0x1] =	stream.strided.gather [hbm4b:s10+s24], $0x1000, s25, s24, $0x38;
	[tilespmem:$0x5980] =	vst v63  }
0x4cb: {  	_ =	swait.ge [sflag:s3], $0x1000  }
0x4cc: {  	[sflag:s3] =	ssyncset.done $0x0  }
0x4cd: {  	[sflag:s3] =	ssyncadd.s32 $0xFFFFF000  }
0x4ce: {  	_ =	swait.ge [sflag:s6], $0x1000  }
0x4cf: {  	[sflag:s6] =	ssyncset.done $0x0  }
0x4d0: {  	s11 =	simm.s32 $0x19C0;
	[sflag:s6] =	ssyncadd.s32 $0xFFFFF000  }
0x4d1: {  	v0 =	vld [tilespmem:s11+$0x30]  }
0x4d2: {  	v1 =	vld [tilespmem:s11+$0xFFFFFFD0]  }
0x4d3: {  	v2 =	vld [tilespmem:s11+$0xFFFFFFE0]  }
0x4d4: {  	v3 =	vld [tilespmem:s11+$0xFFFFFFF0]  }
0x4d5: {  	v4 =	vld [tilespmem:s11+$0x0]  }
0x4d6: {  	v6 =	vld [tilespmem:s11+$0x10]  }
0x4d7: {  	v7 =	vld [tilespmem:s11+$0x20]  }
0x4d8: {  	v8 =	vld [tilespmem:s11+$0xFFFFFFC0]  }
0x4d9: {  	v9 =	vld.idx.msk [tilespmem:v0+s1+$0x0], $0xffff  }
0x4da: {  	v10 =	vld.idx.msk [tilespmem:v1+s1+$0x0], $0xffff  }
0x4db: {  	v5 =	vld.idx.msk [tilespmem:v2+s1+$0x0], $0xffff  }
0x4dc: {  	v3 =	vld.idx.msk [tilespmem:v3+s1+$0x0], $0xffff  }
0x4dd: {  	v0 =	vld.idx.msk [tilespmem:v4+s1+$0x0], $0xffff  }
0x4de: {  	s9 =	simm.s32 $0x39C0;
	v1 =	vld.idx.msk [tilespmem:v6+s1+$0x0], $0xffff  }
0x4df: {  	v2 =	vld.idx.msk [tilespmem:v7+s1+$0x0], $0xffff;
	[tilespmem:s9+$0x30] =	vst v9  }
0x4e0: {  	s10 =	simm.s32 $0x0;
	s11 =	simm.s32 $0x1A40;
	v4 =	vld.idx.msk [tilespmem:v8+s1+$0x0], $0xffff;
	[tilespmem:s9+$0xFFFFFFD0] =	vst v10  }
.LBB2_34:
0x4e1: {  	v6 =	vld [tilespmem:s11+$0x30];
	s10 =	sadd.s32 $0x80, s10;
	[tilespmem:s9+$0xFFFFFFE0] =	vst v5  }
0x4e2: {  	v5 =	vld [tilespmem:s11+$0xFFFFFFD0];
	p0 =	slt.u32 s10, $0xF80;
	[tilespmem:s9+$0xFFFFFFF0] =	vst v3  }
0x4e3: {  	v3 =	vld [tilespmem:s11+$0xFFFFFFE0];
	[tilespmem:s9+$0x0] =	vst v0  }
0x4e4: {  	v0 =	vld [tilespmem:s11+$0xFFFFFFF0];
	[tilespmem:s9+$0x10] =	vst v1  }
0x4e5: {  	v1 =	vld [tilespmem:s11+$0x0];
	[tilespmem:s9+$0x20] =	vst v2  }
0x4e6: {  	v2 =	vld [tilespmem:s11+$0x10];
	[tilespmem:s9+$0xFFFFFFC0] =	vst v4  }
0x4e7: {  	v4 =	vld [tilespmem:s11+$0x20]  }
0x4e8: {  	v7 =	vld [tilespmem:s11+$0xFFFFFFC0]  }
0x4e9: {  	v6 =	vld.idx.msk [tilespmem:v6+s1+$0x0], $0xffff  }
0x4ea: {  	v8 =	vld.idx.msk [tilespmem:v5+s1+$0x0], $0xffff  }
0x4eb: {  	v5 =	vld.idx.msk [tilespmem:v3+s1+$0x0], $0xffff  }
.Ltmp16:
0x4ec: {  	v3 =	vld.idx.msk [tilespmem:v0+s1+$0x0], $0xffff;
	(pc) =	sbr.rel @p0 .LBB2_34-.Ltmp16, $4  }
0x4ed: {  	v0 =	vld.idx.msk [tilespmem:v1+s1+$0x0], $0xffff  }
0x4ee: {  	s9 =	sadd.s32 $0x80, s9;
	v1 =	vld.idx.msk [tilespmem:v2+s1+$0x0], $0xffff  }
0x4ef: {  	v2 =	vld.idx.msk [tilespmem:v4+s1+$0x0], $0xffff;
	[tilespmem:s9+$0x30] =	vst v6  }
0x4f0: {  	s11 =	sadd.s32 $0x80, s11;
	v4 =	vld.idx.msk [tilespmem:v7+s1+$0x0], $0xffff;
	[tilespmem:s9+$0xFFFFFFD0] =	vst v8  }
0x4f1: {  	[tilespmem:s9+$0xFFFFFFE0] =	vst v5  }
0x4f2: {  	[tilespmem:s9+$0xFFFFFFF0] =	vst v3  }
0x4f3: {  	[tilespmem:s9+$0x0] =	vst v0  }
0x4f4: {  	[tilespmem:s9+$0x10] =	vst v1  }
0x4f5: {  	[tilespmem:s9+$0x20] =	vst v2  }
0x4f6: {  	[tilespmem:s9+$0xFFFFFFC0] =	vst v4  }
0x4f7: {  	[hbm4b:s12+s26] =	stream.linear.scatter [tilespmem:s2], [sflag:$0x4], $0x1000, $0x38;
	[tilespmem:$0x5980] =	vst v63  }
0x4f8: {  	s9 =	rddreg [dreg:$0x18]  }
0x4f9: {  	[tilespmem:s29], [sflag:$0x2] =	stream.strided.gather [hbm4b:s9+s24], $0x1000, s25, s24, $0x38;
	[tilespmem:$0x5980] =	vst v63  }
0x4fa: {  	_ =	swait.ge [sflag:s5], $0x1000  }
0x4fb: {  	[sflag:s5] =	ssyncset.done $0x0  }
0x4fc: {  	[sflag:s5] =	ssyncadd.s32 $0xFFFFF000  }
0x4fd: {  	_ =	swait.ge [sflag:s7], $0x1000  }
0x4fe: {  	[sflag:s7] =	ssyncset.done $0x0  }
0x4ff: {  	s11 =	simm.s32 $0x29C0;
	[sflag:s7] =	ssyncadd.s32 $0xFFFFF000  }
0x500: {  	v0 =	vld [tilespmem:s11+$0x30]  }
0x501: {  	v1 =	vld [tilespmem:s11+$0xFFFFFFD0]  }
0x502: {  	v2 =	vld [tilespmem:s11+$0xFFFFFFE0]  }
0x503: {  	v3 =	vld [tilespmem:s11+$0xFFFFFFF0]  }
0x504: {  	v4 =	vld [tilespmem:s11+$0x0]  }
0x505: {  	v6 =	vld [tilespmem:s11+$0x10]  }
0x506: {  	v7 =	vld [tilespmem:s11+$0x20]  }
0x507: {  	v8 =	vld [tilespmem:s11+$0xFFFFFFC0]  }
0x508: {  	v9 =	vld.idx.msk [tilespmem:v0+s1+$0x0], $0xffff  }
0x509: {  	v10 =	vld.idx.msk [tilespmem:v1+s1+$0x0], $0xffff  }
0x50a: {  	v5 =	vld.idx.msk [tilespmem:v2+s1+$0x0], $0xffff  }
0x50b: {  	v3 =	vld.idx.msk [tilespmem:v3+s1+$0x0], $0xffff  }
0x50c: {  	v0 =	vld.idx.msk [tilespmem:v4+s1+$0x0], $0xffff  }
0x50d: {  	s9 =	simm.s32 $0x49C0;
	v1 =	vld.idx.msk [tilespmem:v6+s1+$0x0], $0xffff  }
0x50e: {  	v2 =	vld.idx.msk [tilespmem:v7+s1+$0x0], $0xffff;
	[tilespmem:s9+$0x30] =	vst v9  }
0x50f: {  	s10 =	simm.s32 $0x0;
	s11 =	simm.s32 $0x2A40;
	v4 =	vld.idx.msk [tilespmem:v8+s1+$0x0], $0xffff;
	[tilespmem:s9+$0xFFFFFFD0] =	vst v10  }
.LBB2_36:
0x510: {  	v6 =	vld [tilespmem:s11+$0x30];
	s10 =	sadd.s32 $0x80, s10;
	[tilespmem:s9+$0xFFFFFFE0] =	vst v5  }
0x511: {  	v5 =	vld [tilespmem:s11+$0xFFFFFFD0];
	p0 =	slt.u32 s10, $0xF80;
	[tilespmem:s9+$0xFFFFFFF0] =	vst v3  }
0x512: {  	v3 =	vld [tilespmem:s11+$0xFFFFFFE0];
	[tilespmem:s9+$0x0] =	vst v0  }
0x513: {  	v0 =	vld [tilespmem:s11+$0xFFFFFFF0];
	[tilespmem:s9+$0x10] =	vst v1  }
0x514: {  	v1 =	vld [tilespmem:s11+$0x0];
	[tilespmem:s9+$0x20] =	vst v2  }
0x515: {  	v2 =	vld [tilespmem:s11+$0x10];
	[tilespmem:s9+$0xFFFFFFC0] =	vst v4  }
0x516: {  	v4 =	vld [tilespmem:s11+$0x20]  }
0x517: {  	v7 =	vld [tilespmem:s11+$0xFFFFFFC0]  }
0x518: {  	v6 =	vld.idx.msk [tilespmem:v6+s1+$0x0], $0xffff  }
0x519: {  	v8 =	vld.idx.msk [tilespmem:v5+s1+$0x0], $0xffff  }
0x51a: {  	v5 =	vld.idx.msk [tilespmem:v3+s1+$0x0], $0xffff  }
.Ltmp17:
0x51b: {  	v3 =	vld.idx.msk [tilespmem:v0+s1+$0x0], $0xffff;
	(pc) =	sbr.rel @p0 .LBB2_36-.Ltmp17, $4  }
0x51c: {  	v0 =	vld.idx.msk [tilespmem:v1+s1+$0x0], $0xffff  }
0x51d: {  	s9 =	sadd.s32 $0x80, s9;
	v1 =	vld.idx.msk [tilespmem:v2+s1+$0x0], $0xffff  }
0x51e: {  	v2 =	vld.idx.msk [tilespmem:v4+s1+$0x0], $0xffff;
	[tilespmem:s9+$0x30] =	vst v6  }
0x51f: {  	s11 =	sadd.s32 $0x80, s11;
	v4 =	vld.idx.msk [tilespmem:v7+s1+$0x0], $0xffff;
	[tilespmem:s9+$0xFFFFFFD0] =	vst v8  }
0x520: {  	[tilespmem:s9+$0xFFFFFFE0] =	vst v5  }
0x521: {  	[tilespmem:s9+$0xFFFFFFF0] =	vst v3  }
0x522: {  	[tilespmem:s9+$0x0] =	vst v0  }
0x523: {  	[tilespmem:s9+$0x10] =	vst v1  }
0x524: {  	[tilespmem:s9+$0x20] =	vst v2  }
0x525: {  	[tilespmem:s9+$0xFFFFFFC0] =	vst v4  }
0x526: {  	[hbm4b:s13+s26] =	stream.linear.scatter [tilespmem:s4], [sflag:$0x5], $0x1000, $0x38;
	[tilespmem:$0x5980] =	vst v63  }
0x527: {  	s9 =	rddreg [dreg:$0x19]  }
0x528: {  	[tilespmem:s31], [sflag:$0x3] =	stream.strided.gather [hbm4b:s9+s24], $0x1000, s25, s24, $0x38;
	[tilespmem:$0x5980] =	vst v63  }
0x529: {  	_ =	swait.ge [sflag:s0], $0x1000  }
0x52a: {  	[sflag:s0] =	ssyncset.done $0x0  }
0x52b: {  	[sflag:s0] =	ssyncadd.s32 $0xFFFFF000  }
0x52c: {  	_ =	swait.ge [sflag:s6], $0x1000  }
0x52d: {  	[sflag:s6] =	ssyncset.done $0x0  }
0x52e: {  	s11 =	simm.s32 $0x9C0;
	[sflag:s6] =	ssyncadd.s32 $0xFFFFF000  }
0x52f: {  	v0 =	vld [tilespmem:s11+$0x30]  }
0x530: {  	v1 =	vld [tilespmem:s11+$0xFFFFFFD0]  }
0x531: {  	v2 =	vld [tilespmem:s11+$0xFFFFFFE0]  }
0x532: {  	v3 =	vld [tilespmem:s11+$0xFFFFFFF0]  }
0x533: {  	v4 =	vld [tilespmem:s11+$0x0]  }
0x534: {  	v6 =	vld [tilespmem:s11+$0x10]  }
0x535: {  	v7 =	vld [tilespmem:s11+$0x20]  }
0x536: {  	v8 =	vld [tilespmem:s11+$0xFFFFFFC0]  }
0x537: {  	v9 =	vld.idx.msk [tilespmem:v0+s1+$0x0], $0xffff  }
0x538: {  	v10 =	vld.idx.msk [tilespmem:v1+s1+$0x0], $0xffff  }
0x539: {  	v5 =	vld.idx.msk [tilespmem:v2+s1+$0x0], $0xffff  }
0x53a: {  	v3 =	vld.idx.msk [tilespmem:v3+s1+$0x0], $0xffff  }
0x53b: {  	v0 =	vld.idx.msk [tilespmem:v4+s1+$0x0], $0xffff  }
0x53c: {  	s9 =	simm.s32 $0x39C0;
	v1 =	vld.idx.msk [tilespmem:v6+s1+$0x0], $0xffff  }
0x53d: {  	v2 =	vld.idx.msk [tilespmem:v7+s1+$0x0], $0xffff;
	[tilespmem:s9+$0x30] =	vst v9  }
0x53e: {  	s10 =	simm.s32 $0x0;
	s11 =	simm.s32 $0xA40;
	v4 =	vld.idx.msk [tilespmem:v8+s1+$0x0], $0xffff;
	[tilespmem:s9+$0xFFFFFFD0] =	vst v10  }
.LBB2_38:
0x53f: {  	v6 =	vld [tilespmem:s11+$0x30];
	s10 =	sadd.s32 $0x80, s10;
	[tilespmem:s9+$0xFFFFFFE0] =	vst v5  }
0x540: {  	v5 =	vld [tilespmem:s11+$0xFFFFFFD0];
	p0 =	slt.u32 s10, $0xF80;
	[tilespmem:s9+$0xFFFFFFF0] =	vst v3  }
0x541: {  	v3 =	vld [tilespmem:s11+$0xFFFFFFE0];
	[tilespmem:s9+$0x0] =	vst v0  }
0x542: {  	v0 =	vld [tilespmem:s11+$0xFFFFFFF0];
	[tilespmem:s9+$0x10] =	vst v1  }
0x543: {  	v1 =	vld [tilespmem:s11+$0x0];
	[tilespmem:s9+$0x20] =	vst v2  }
0x544: {  	v2 =	vld [tilespmem:s11+$0x10];
	[tilespmem:s9+$0xFFFFFFC0] =	vst v4  }
0x545: {  	v4 =	vld [tilespmem:s11+$0x20]  }
0x546: {  	v7 =	vld [tilespmem:s11+$0xFFFFFFC0]  }
0x547: {  	v6 =	vld.idx.msk [tilespmem:v6+s1+$0x0], $0xffff  }
0x548: {  	v8 =	vld.idx.msk [tilespmem:v5+s1+$0x0], $0xffff  }
0x549: {  	v5 =	vld.idx.msk [tilespmem:v3+s1+$0x0], $0xffff  }
.Ltmp18:
0x54a: {  	v3 =	vld.idx.msk [tilespmem:v0+s1+$0x0], $0xffff;
	(pc) =	sbr.rel @p0 .LBB2_38-.Ltmp18, $4  }
0x54b: {  	v0 =	vld.idx.msk [tilespmem:v1+s1+$0x0], $0xffff  }
0x54c: {  	s9 =	sadd.s32 $0x80, s9;
	v1 =	vld.idx.msk [tilespmem:v2+s1+$0x0], $0xffff  }
0x54d: {  	v2 =	vld.idx.msk [tilespmem:v4+s1+$0x0], $0xffff;
	[tilespmem:s9+$0x30] =	vst v6  }
0x54e: {  	s11 =	sadd.s32 $0x80, s11;
	v4 =	vld.idx.msk [tilespmem:v7+s1+$0x0], $0xffff;
	[tilespmem:s9+$0xFFFFFFD0] =	vst v8  }
0x54f: {  	[tilespmem:s9+$0xFFFFFFE0] =	vst v5  }
0x550: {  	[tilespmem:s9+$0xFFFFFFF0] =	vst v3  }
0x551: {  	[tilespmem:s9+$0x0] =	vst v0  }
0x552: {  	[tilespmem:s9+$0x10] =	vst v1  }
0x553: {  	[tilespmem:s9+$0x20] =	vst v2  }
0x554: {  	[tilespmem:s9+$0xFFFFFFC0] =	vst v4  }
0x555: {  	[hbm4b:s14+s26] =	stream.linear.scatter [tilespmem:s2], [sflag:$0x4], $0x1000, $0x38;
	[tilespmem:$0x5980] =	vst v63  }
0x556: {  	s9 =	rddreg [dreg:$0x1a]  }
0x557: {  	[tilespmem:s28], [sflag:$0x1] =	stream.strided.gather [hbm4b:s9+s24], $0x1000, s25, s24, $0x38;
	[tilespmem:$0x5980] =	vst v63  }
0x558: {  	_ =	swait.ge [sflag:s3], $0x1000  }
0x559: {  	[sflag:s3] =	ssyncset.done $0x0  }
0x55a: {  	[sflag:s3] =	ssyncadd.s32 $0xFFFFF000  }
0x55b: {  	_ =	swait.ge [sflag:s7], $0x1000  }
0x55c: {  	[sflag:s7] =	ssyncset.done $0x0  }
0x55d: {  	s11 =	simm.s32 $0x19C0;
	[sflag:s7] =	ssyncadd.s32 $0xFFFFF000  }
0x55e: {  	v0 =	vld [tilespmem:s11+$0x30]  }
0x55f: {  	v1 =	vld [tilespmem:s11+$0xFFFFFFD0]  }
0x560: {  	v2 =	vld [tilespmem:s11+$0xFFFFFFE0]  }
0x561: {  	v3 =	vld [tilespmem:s11+$0xFFFFFFF0]  }
0x562: {  	v4 =	vld [tilespmem:s11+$0x0]  }
0x563: {  	v6 =	vld [tilespmem:s11+$0x10]  }
0x564: {  	v7 =	vld [tilespmem:s11+$0x20]  }
0x565: {  	v8 =	vld [tilespmem:s11+$0xFFFFFFC0]  }
0x566: {  	v9 =	vld.idx.msk [tilespmem:v0+s1+$0x0], $0xffff  }
0x567: {  	v10 =	vld.idx.msk [tilespmem:v1+s1+$0x0], $0xffff  }
0x568: {  	v5 =	vld.idx.msk [tilespmem:v2+s1+$0x0], $0xffff  }
0x569: {  	v3 =	vld.idx.msk [tilespmem:v3+s1+$0x0], $0xffff  }
0x56a: {  	v0 =	vld.idx.msk [tilespmem:v4+s1+$0x0], $0xffff  }
0x56b: {  	s9 =	simm.s32 $0x49C0;
	v1 =	vld.idx.msk [tilespmem:v6+s1+$0x0], $0xffff  }
0x56c: {  	v2 =	vld.idx.msk [tilespmem:v7+s1+$0x0], $0xffff;
	[tilespmem:s9+$0x30] =	vst v9  }
0x56d: {  	s10 =	simm.s32 $0x0;
	s11 =	simm.s32 $0x1A40;
	v4 =	vld.idx.msk [tilespmem:v8+s1+$0x0], $0xffff;
	[tilespmem:s9+$0xFFFFFFD0] =	vst v10  }
.LBB2_40:
0x56e: {  	v6 =	vld [tilespmem:s11+$0x30];
	s10 =	sadd.s32 $0x80, s10;
	[tilespmem:s9+$0xFFFFFFE0] =	vst v5  }
0x56f: {  	v5 =	vld [tilespmem:s11+$0xFFFFFFD0];
	p0 =	slt.u32 s10, $0xF80;
	[tilespmem:s9+$0xFFFFFFF0] =	vst v3  }
0x570: {  	v3 =	vld [tilespmem:s11+$0xFFFFFFE0];
	[tilespmem:s9+$0x0] =	vst v0  }
0x571: {  	v0 =	vld [tilespmem:s11+$0xFFFFFFF0];
	[tilespmem:s9+$0x10] =	vst v1  }
0x572: {  	v1 =	vld [tilespmem:s11+$0x0];
	[tilespmem:s9+$0x20] =	vst v2  }
0x573: {  	v2 =	vld [tilespmem:s11+$0x10];
	[tilespmem:s9+$0xFFFFFFC0] =	vst v4  }
0x574: {  	v4 =	vld [tilespmem:s11+$0x20]  }
0x575: {  	v7 =	vld [tilespmem:s11+$0xFFFFFFC0]  }
0x576: {  	v6 =	vld.idx.msk [tilespmem:v6+s1+$0x0], $0xffff  }
0x577: {  	v8 =	vld.idx.msk [tilespmem:v5+s1+$0x0], $0xffff  }
0x578: {  	v5 =	vld.idx.msk [tilespmem:v3+s1+$0x0], $0xffff  }
.Ltmp19:
0x579: {  	v3 =	vld.idx.msk [tilespmem:v0+s1+$0x0], $0xffff;
	(pc) =	sbr.rel @p0 .LBB2_40-.Ltmp19, $4  }
0x57a: {  	v0 =	vld.idx.msk [tilespmem:v1+s1+$0x0], $0xffff  }
0x57b: {  	s9 =	sadd.s32 $0x80, s9;
	v1 =	vld.idx.msk [tilespmem:v2+s1+$0x0], $0xffff  }
0x57c: {  	v2 =	vld.idx.msk [tilespmem:v4+s1+$0x0], $0xffff;
	[tilespmem:s9+$0x30] =	vst v6  }
0x57d: {  	s11 =	sadd.s32 $0x80, s11;
	v4 =	vld.idx.msk [tilespmem:v7+s1+$0x0], $0xffff;
	[tilespmem:s9+$0xFFFFFFD0] =	vst v8  }
0x57e: {  	[tilespmem:s9+$0xFFFFFFE0] =	vst v5  }
0x57f: {  	[tilespmem:s9+$0xFFFFFFF0] =	vst v3  }
0x580: {  	[tilespmem:s9+$0x0] =	vst v0  }
0x581: {  	[tilespmem:s9+$0x10] =	vst v1  }
0x582: {  	[tilespmem:s9+$0x20] =	vst v2  }
0x583: {  	[tilespmem:s9+$0xFFFFFFC0] =	vst v4  }
0x584: {  	[hbm4b:s15+s26] =	stream.linear.scatter [tilespmem:s4], [sflag:$0x5], $0x1000, $0x38;
	[tilespmem:$0x5980] =	vst v63  }
0x585: {  	s9 =	rddreg [dreg:$0x1b]  }
0x586: {  	[tilespmem:s29], [sflag:$0x2] =	stream.strided.gather [hbm4b:s9+s24], $0x1000, s25, s24, $0x38;
	[tilespmem:$0x5980] =	vst v63  }
0x587: {  	_ =	swait.ge [sflag:s5], $0x1000  }
0x588: {  	[sflag:s5] =	ssyncset.done $0x0  }
0x589: {  	[sflag:s5] =	ssyncadd.s32 $0xFFFFF000  }
0x58a: {  	_ =	swait.ge [sflag:s6], $0x1000  }
0x58b: {  	[sflag:s6] =	ssyncset.done $0x0  }
0x58c: {  	s11 =	simm.s32 $0x29C0;
	[sflag:s6] =	ssyncadd.s32 $0xFFFFF000  }
0x58d: {  	v0 =	vld [tilespmem:s11+$0x30]  }
0x58e: {  	v1 =	vld [tilespmem:s11+$0xFFFFFFD0]  }
0x58f: {  	v2 =	vld [tilespmem:s11+$0xFFFFFFE0]  }
0x590: {  	v3 =	vld [tilespmem:s11+$0xFFFFFFF0]  }
0x591: {  	v4 =	vld [tilespmem:s11+$0x0]  }
0x592: {  	v6 =	vld [tilespmem:s11+$0x10]  }
0x593: {  	v7 =	vld [tilespmem:s11+$0x20]  }
0x594: {  	v8 =	vld [tilespmem:s11+$0xFFFFFFC0]  }
0x595: {  	v9 =	vld.idx.msk [tilespmem:v0+s1+$0x0], $0xffff  }
0x596: {  	v10 =	vld.idx.msk [tilespmem:v1+s1+$0x0], $0xffff  }
0x597: {  	v5 =	vld.idx.msk [tilespmem:v2+s1+$0x0], $0xffff  }
0x598: {  	v3 =	vld.idx.msk [tilespmem:v3+s1+$0x0], $0xffff  }
0x599: {  	v0 =	vld.idx.msk [tilespmem:v4+s1+$0x0], $0xffff  }
0x59a: {  	s9 =	simm.s32 $0x39C0;
	v1 =	vld.idx.msk [tilespmem:v6+s1+$0x0], $0xffff  }
0x59b: {  	v2 =	vld.idx.msk [tilespmem:v7+s1+$0x0], $0xffff;
	[tilespmem:s9+$0x30] =	vst v9  }
0x59c: {  	s10 =	simm.s32 $0x0;
	s11 =	simm.s32 $0x2A40;
	v4 =	vld.idx.msk [tilespmem:v8+s1+$0x0], $0xffff;
	[tilespmem:s9+$0xFFFFFFD0] =	vst v10  }
.LBB2_42:
0x59d: {  	v6 =	vld [tilespmem:s11+$0x30];
	s10 =	sadd.s32 $0x80, s10;
	[tilespmem:s9+$0xFFFFFFE0] =	vst v5  }
0x59e: {  	v5 =	vld [tilespmem:s11+$0xFFFFFFD0];
	p0 =	slt.u32 s10, $0xF80;
	[tilespmem:s9+$0xFFFFFFF0] =	vst v3  }
0x59f: {  	v3 =	vld [tilespmem:s11+$0xFFFFFFE0];
	[tilespmem:s9+$0x0] =	vst v0  }
0x5a0: {  	v0 =	vld [tilespmem:s11+$0xFFFFFFF0];
	[tilespmem:s9+$0x10] =	vst v1  }
0x5a1: {  	v1 =	vld [tilespmem:s11+$0x0];
	[tilespmem:s9+$0x20] =	vst v2  }
0x5a2: {  	v2 =	vld [tilespmem:s11+$0x10];
	[tilespmem:s9+$0xFFFFFFC0] =	vst v4  }
0x5a3: {  	v4 =	vld [tilespmem:s11+$0x20]  }
0x5a4: {  	v7 =	vld [tilespmem:s11+$0xFFFFFFC0]  }
0x5a5: {  	v6 =	vld.idx.msk [tilespmem:v6+s1+$0x0], $0xffff  }
0x5a6: {  	v8 =	vld.idx.msk [tilespmem:v5+s1+$0x0], $0xffff  }
0x5a7: {  	v5 =	vld.idx.msk [tilespmem:v3+s1+$0x0], $0xffff  }
.Ltmp20:
0x5a8: {  	v3 =	vld.idx.msk [tilespmem:v0+s1+$0x0], $0xffff;
	(pc) =	sbr.rel @p0 .LBB2_42-.Ltmp20, $4  }
0x5a9: {  	v0 =	vld.idx.msk [tilespmem:v1+s1+$0x0], $0xffff  }
0x5aa: {  	s9 =	sadd.s32 $0x80, s9;
	v1 =	vld.idx.msk [tilespmem:v2+s1+$0x0], $0xffff  }
0x5ab: {  	v2 =	vld.idx.msk [tilespmem:v4+s1+$0x0], $0xffff;
	[tilespmem:s9+$0x30] =	vst v6  }
0x5ac: {  	s11 =	sadd.s32 $0x80, s11;
	v4 =	vld.idx.msk [tilespmem:v7+s1+$0x0], $0xffff;
	[tilespmem:s9+$0xFFFFFFD0] =	vst v8  }
0x5ad: {  	[tilespmem:s9+$0xFFFFFFE0] =	vst v5  }
0x5ae: {  	[tilespmem:s9+$0xFFFFFFF0] =	vst v3  }
0x5af: {  	[tilespmem:s9+$0x0] =	vst v0  }
0x5b0: {  	[tilespmem:s9+$0x10] =	vst v1  }
0x5b1: {  	[tilespmem:s9+$0x20] =	vst v2  }
0x5b2: {  	[tilespmem:s9+$0xFFFFFFC0] =	vst v4  }
0x5b3: {  	[hbm4b:s16+s26] =	stream.linear.scatter [tilespmem:s2], [sflag:$0x4], $0x1000, $0x38;
	[tilespmem:$0x5980] =	vst v63  }
0x5b4: {  	s9 =	rddreg [dreg:$0x1c]  }
0x5b5: {  	[tilespmem:s31], [sflag:$0x3] =	stream.strided.gather [hbm4b:s9+s24], $0x1000, s25, s24, $0x38;
	[tilespmem:$0x5980] =	vst v63  }
0x5b6: {  	_ =	swait.ge [sflag:s0], $0x1000  }
0x5b7: {  	[sflag:s0] =	ssyncset.done $0x0  }
0x5b8: {  	[sflag:s0] =	ssyncadd.s32 $0xFFFFF000  }
0x5b9: {  	_ =	swait.ge [sflag:s7], $0x1000  }
0x5ba: {  	[sflag:s7] =	ssyncset.done $0x0  }
0x5bb: {  	s11 =	simm.s32 $0x9C0;
	[sflag:s7] =	ssyncadd.s32 $0xFFFFF000  }
0x5bc: {  	v0 =	vld [tilespmem:s11+$0x30]  }
0x5bd: {  	v1 =	vld [tilespmem:s11+$0xFFFFFFD0]  }
0x5be: {  	v2 =	vld [tilespmem:s11+$0xFFFFFFE0]  }
0x5bf: {  	v3 =	vld [tilespmem:s11+$0xFFFFFFF0]  }
0x5c0: {  	v4 =	vld [tilespmem:s11+$0x0]  }
0x5c1: {  	v6 =	vld [tilespmem:s11+$0x10]  }
0x5c2: {  	v7 =	vld [tilespmem:s11+$0x20]  }
0x5c3: {  	v8 =	vld [tilespmem:s11+$0xFFFFFFC0]  }
0x5c4: {  	v9 =	vld.idx.msk [tilespmem:v0+s1+$0x0], $0xffff  }
0x5c5: {  	v10 =	vld.idx.msk [tilespmem:v1+s1+$0x0], $0xffff  }
0x5c6: {  	v5 =	vld.idx.msk [tilespmem:v2+s1+$0x0], $0xffff  }
0x5c7: {  	v3 =	vld.idx.msk [tilespmem:v3+s1+$0x0], $0xffff  }
0x5c8: {  	v0 =	vld.idx.msk [tilespmem:v4+s1+$0x0], $0xffff  }
0x5c9: {  	s9 =	simm.s32 $0x49C0;
	v1 =	vld.idx.msk [tilespmem:v6+s1+$0x0], $0xffff  }
0x5ca: {  	v2 =	vld.idx.msk [tilespmem:v7+s1+$0x0], $0xffff;
	[tilespmem:s9+$0x30] =	vst v9  }
0x5cb: {  	s10 =	simm.s32 $0x0;
	s11 =	simm.s32 $0xA40;
	v4 =	vld.idx.msk [tilespmem:v8+s1+$0x0], $0xffff;
	[tilespmem:s9+$0xFFFFFFD0] =	vst v10  }
.LBB2_44:
0x5cc: {  	v6 =	vld [tilespmem:s11+$0x30];
	s10 =	sadd.s32 $0x80, s10;
	[tilespmem:s9+$0xFFFFFFE0] =	vst v5  }
0x5cd: {  	v5 =	vld [tilespmem:s11+$0xFFFFFFD0];
	p0 =	slt.u32 s10, $0xF80;
	[tilespmem:s9+$0xFFFFFFF0] =	vst v3  }
0x5ce: {  	v3 =	vld [tilespmem:s11+$0xFFFFFFE0];
	[tilespmem:s9+$0x0] =	vst v0  }
0x5cf: {  	v0 =	vld [tilespmem:s11+$0xFFFFFFF0];
	[tilespmem:s9+$0x10] =	vst v1  }
0x5d0: {  	v1 =	vld [tilespmem:s11+$0x0];
	[tilespmem:s9+$0x20] =	vst v2  }
0x5d1: {  	v2 =	vld [tilespmem:s11+$0x10];
	[tilespmem:s9+$0xFFFFFFC0] =	vst v4  }
0x5d2: {  	v4 =	vld [tilespmem:s11+$0x20]  }
0x5d3: {  	v7 =	vld [tilespmem:s11+$0xFFFFFFC0]  }
0x5d4: {  	v6 =	vld.idx.msk [tilespmem:v6+s1+$0x0], $0xffff  }
0x5d5: {  	v8 =	vld.idx.msk [tilespmem:v5+s1+$0x0], $0xffff  }
0x5d6: {  	v5 =	vld.idx.msk [tilespmem:v3+s1+$0x0], $0xffff  }
.Ltmp21:
0x5d7: {  	v3 =	vld.idx.msk [tilespmem:v0+s1+$0x0], $0xffff;
	(pc) =	sbr.rel @p0 .LBB2_44-.Ltmp21, $4  }
0x5d8: {  	v0 =	vld.idx.msk [tilespmem:v1+s1+$0x0], $0xffff  }
0x5d9: {  	s9 =	sadd.s32 $0x80, s9;
	v1 =	vld.idx.msk [tilespmem:v2+s1+$0x0], $0xffff  }
0x5da: {  	v2 =	vld.idx.msk [tilespmem:v4+s1+$0x0], $0xffff;
	[tilespmem:s9+$0x30] =	vst v6  }
0x5db: {  	s11 =	sadd.s32 $0x80, s11;
	v4 =	vld.idx.msk [tilespmem:v7+s1+$0x0], $0xffff;
	[tilespmem:s9+$0xFFFFFFD0] =	vst v8  }
0x5dc: {  	[tilespmem:s9+$0xFFFFFFE0] =	vst v5  }
0x5dd: {  	[tilespmem:s9+$0xFFFFFFF0] =	vst v3  }
0x5de: {  	[tilespmem:s9+$0x0] =	vst v0  }
0x5df: {  	[tilespmem:s9+$0x10] =	vst v1  }
0x5e0: {  	[tilespmem:s9+$0x20] =	vst v2  }
0x5e1: {  	[tilespmem:s9+$0xFFFFFFC0] =	vst v4  }
0x5e2: {  	[hbm4b:s17+s26] =	stream.linear.scatter [tilespmem:s4], [sflag:$0x5], $0x1000, $0x38;
	[tilespmem:$0x5980] =	vst v63  }
0x5e3: {  	s9 =	rddreg [dreg:$0x1d]  }
0x5e4: {  	[tilespmem:s28], [sflag:$0x1] =	stream.strided.gather [hbm4b:s9+s24], $0x1000, s25, s24, $0x38;
	[tilespmem:$0x5980] =	vst v63  }
0x5e5: {  	_ =	swait.ge [sflag:s3], $0x1000  }
0x5e6: {  	[sflag:s3] =	ssyncset.done $0x0  }
0x5e7: {  	[sflag:s3] =	ssyncadd.s32 $0xFFFFF000  }
0x5e8: {  	_ =	swait.ge [sflag:s6], $0x1000  }
0x5e9: {  	[sflag:s6] =	ssyncset.done $0x0  }
0x5ea: {  	s11 =	simm.s32 $0x19C0;
	[sflag:s6] =	ssyncadd.s32 $0xFFFFF000  }
0x5eb: {  	v0 =	vld [tilespmem:s11+$0x30]  }
0x5ec: {  	v1 =	vld [tilespmem:s11+$0xFFFFFFD0]  }
0x5ed: {  	v2 =	vld [tilespmem:s11+$0xFFFFFFE0]  }
0x5ee: {  	v3 =	vld [tilespmem:s11+$0xFFFFFFF0]  }
0x5ef: {  	v4 =	vld [tilespmem:s11+$0x0]  }
0x5f0: {  	v6 =	vld [tilespmem:s11+$0x10]  }
0x5f1: {  	v7 =	vld [tilespmem:s11+$0x20]  }
0x5f2: {  	v8 =	vld [tilespmem:s11+$0xFFFFFFC0]  }
0x5f3: {  	v9 =	vld.idx.msk [tilespmem:v0+s1+$0x0], $0xffff  }
0x5f4: {  	v10 =	vld.idx.msk [tilespmem:v1+s1+$0x0], $0xffff  }
0x5f5: {  	v5 =	vld.idx.msk [tilespmem:v2+s1+$0x0], $0xffff  }
0x5f6: {  	v3 =	vld.idx.msk [tilespmem:v3+s1+$0x0], $0xffff  }
0x5f7: {  	v0 =	vld.idx.msk [tilespmem:v4+s1+$0x0], $0xffff  }
0x5f8: {  	s9 =	simm.s32 $0x39C0;
	v1 =	vld.idx.msk [tilespmem:v6+s1+$0x0], $0xffff  }
0x5f9: {  	v2 =	vld.idx.msk [tilespmem:v7+s1+$0x0], $0xffff;
	[tilespmem:s9+$0x30] =	vst v9  }
0x5fa: {  	s10 =	simm.s32 $0x0;
	s11 =	simm.s32 $0x1A40;
	v4 =	vld.idx.msk [tilespmem:v8+s1+$0x0], $0xffff;
	[tilespmem:s9+$0xFFFFFFD0] =	vst v10  }
.LBB2_46:
0x5fb: {  	v6 =	vld [tilespmem:s11+$0x30];
	s10 =	sadd.s32 $0x80, s10;
	[tilespmem:s9+$0xFFFFFFE0] =	vst v5  }
0x5fc: {  	v5 =	vld [tilespmem:s11+$0xFFFFFFD0];
	p0 =	slt.u32 s10, $0xF80;
	[tilespmem:s9+$0xFFFFFFF0] =	vst v3  }
0x5fd: {  	v3 =	vld [tilespmem:s11+$0xFFFFFFE0];
	[tilespmem:s9+$0x0] =	vst v0  }
0x5fe: {  	v0 =	vld [tilespmem:s11+$0xFFFFFFF0];
	[tilespmem:s9+$0x10] =	vst v1  }
0x5ff: {  	v1 =	vld [tilespmem:s11+$0x0];
	[tilespmem:s9+$0x20] =	vst v2  }
0x600: {  	v2 =	vld [tilespmem:s11+$0x10];
	[tilespmem:s9+$0xFFFFFFC0] =	vst v4  }
0x601: {  	v4 =	vld [tilespmem:s11+$0x20]  }
0x602: {  	v7 =	vld [tilespmem:s11+$0xFFFFFFC0]  }
0x603: {  	v6 =	vld.idx.msk [tilespmem:v6+s1+$0x0], $0xffff  }
0x604: {  	v8 =	vld.idx.msk [tilespmem:v5+s1+$0x0], $0xffff  }
0x605: {  	v5 =	vld.idx.msk [tilespmem:v3+s1+$0x0], $0xffff  }
.Ltmp22:
0x606: {  	v3 =	vld.idx.msk [tilespmem:v0+s1+$0x0], $0xffff;
	(pc) =	sbr.rel @p0 .LBB2_46-.Ltmp22, $4  }
0x607: {  	v0 =	vld.idx.msk [tilespmem:v1+s1+$0x0], $0xffff  }
0x608: {  	s9 =	sadd.s32 $0x80, s9;
	v1 =	vld.idx.msk [tilespmem:v2+s1+$0x0], $0xffff  }
0x609: {  	v2 =	vld.idx.msk [tilespmem:v4+s1+$0x0], $0xffff;
	[tilespmem:s9+$0x30] =	vst v6  }
0x60a: {  	s11 =	sadd.s32 $0x80, s11;
	v4 =	vld.idx.msk [tilespmem:v7+s1+$0x0], $0xffff;
	[tilespmem:s9+$0xFFFFFFD0] =	vst v8  }
0x60b: {  	[tilespmem:s9+$0xFFFFFFE0] =	vst v5  }
0x60c: {  	[tilespmem:s9+$0xFFFFFFF0] =	vst v3  }
0x60d: {  	[tilespmem:s9+$0x0] =	vst v0  }
0x60e: {  	[tilespmem:s9+$0x10] =	vst v1  }
0x60f: {  	[tilespmem:s9+$0x20] =	vst v2  }
0x610: {  	[tilespmem:s9+$0xFFFFFFC0] =	vst v4  }
0x611: {  	[hbm4b:s18+s26] =	stream.linear.scatter [tilespmem:s2], [sflag:$0x4], $0x1000, $0x38;
	[tilespmem:$0x5980] =	vst v63  }
0x612: {  	_ =	swait.ge [sflag:s5], $0x1000  }
0x613: {  	[sflag:s5] =	ssyncset.done $0x0  }
0x614: {  	[sflag:s5] =	ssyncadd.s32 $0xFFFFF000  }
0x615: {  	_ =	swait.ge [sflag:s7], $0x1000  }
0x616: {  	[sflag:s7] =	ssyncset.done $0x0  }
0x617: {  	s11 =	simm.s32 $0x29C0;
	[sflag:s7] =	ssyncadd.s32 $0xFFFFF000  }
0x618: {  	v0 =	vld [tilespmem:s11+$0x30]  }
0x619: {  	v1 =	vld [tilespmem:s11+$0xFFFFFFD0]  }
0x61a: {  	v2 =	vld [tilespmem:s11+$0xFFFFFFE0]  }
0x61b: {  	v3 =	vld [tilespmem:s11+$0xFFFFFFF0]  }
0x61c: {  	v4 =	vld [tilespmem:s11+$0x0]  }
0x61d: {  	v6 =	vld [tilespmem:s11+$0x10]  }
0x61e: {  	v7 =	vld [tilespmem:s11+$0x20]  }
0x61f: {  	v8 =	vld [tilespmem:s11+$0xFFFFFFC0]  }
0x620: {  	v9 =	vld.idx.msk [tilespmem:v0+s1+$0x0], $0xffff  }
0x621: {  	v10 =	vld.idx.msk [tilespmem:v1+s1+$0x0], $0xffff  }
0x622: {  	v5 =	vld.idx.msk [tilespmem:v2+s1+$0x0], $0xffff  }
0x623: {  	v3 =	vld.idx.msk [tilespmem:v3+s1+$0x0], $0xffff  }
0x624: {  	v0 =	vld.idx.msk [tilespmem:v4+s1+$0x0], $0xffff  }
0x625: {  	s9 =	simm.s32 $0x49C0;
	v1 =	vld.idx.msk [tilespmem:v6+s1+$0x0], $0xffff  }
0x626: {  	v2 =	vld.idx.msk [tilespmem:v7+s1+$0x0], $0xffff;
	[tilespmem:s9+$0x30] =	vst v9  }
0x627: {  	s10 =	simm.s32 $0x0;
	s11 =	simm.s32 $0x2A40;
	v4 =	vld.idx.msk [tilespmem:v8+s1+$0x0], $0xffff;
	[tilespmem:s9+$0xFFFFFFD0] =	vst v10  }
.LBB2_48:
0x628: {  	v6 =	vld [tilespmem:s11+$0x30];
	s10 =	sadd.s32 $0x80, s10;
	[tilespmem:s9+$0xFFFFFFE0] =	vst v5  }
0x629: {  	v5 =	vld [tilespmem:s11+$0xFFFFFFD0];
	p0 =	slt.u32 s10, $0xF80;
	[tilespmem:s9+$0xFFFFFFF0] =	vst v3  }
0x62a: {  	v3 =	vld [tilespmem:s11+$0xFFFFFFE0];
	[tilespmem:s9+$0x0] =	vst v0  }
0x62b: {  	v0 =	vld [tilespmem:s11+$0xFFFFFFF0];
	[tilespmem:s9+$0x10] =	vst v1  }
0x62c: {  	v1 =	vld [tilespmem:s11+$0x0];
	[tilespmem:s9+$0x20] =	vst v2  }
0x62d: {  	v2 =	vld [tilespmem:s11+$0x10];
	[tilespmem:s9+$0xFFFFFFC0] =	vst v4  }
0x62e: {  	v4 =	vld [tilespmem:s11+$0x20]  }
0x62f: {  	v7 =	vld [tilespmem:s11+$0xFFFFFFC0]  }
0x630: {  	v6 =	vld.idx.msk [tilespmem:v6+s1+$0x0], $0xffff  }
0x631: {  	v8 =	vld.idx.msk [tilespmem:v5+s1+$0x0], $0xffff  }
0x632: {  	v5 =	vld.idx.msk [tilespmem:v3+s1+$0x0], $0xffff  }
.Ltmp23:
0x633: {  	v3 =	vld.idx.msk [tilespmem:v0+s1+$0x0], $0xffff;
	(pc) =	sbr.rel @p0 .LBB2_48-.Ltmp23, $4  }
0x634: {  	v0 =	vld.idx.msk [tilespmem:v1+s1+$0x0], $0xffff  }
0x635: {  	s9 =	sadd.s32 $0x80, s9;
	v1 =	vld.idx.msk [tilespmem:v2+s1+$0x0], $0xffff  }
0x636: {  	v2 =	vld.idx.msk [tilespmem:v4+s1+$0x0], $0xffff;
	[tilespmem:s9+$0x30] =	vst v6  }
0x637: {  	s11 =	sadd.s32 $0x80, s11;
	v4 =	vld.idx.msk [tilespmem:v7+s1+$0x0], $0xffff;
	[tilespmem:s9+$0xFFFFFFD0] =	vst v8  }
0x638: {  	[tilespmem:s9+$0xFFFFFFE0] =	vst v5  }
0x639: {  	[tilespmem:s9+$0xFFFFFFF0] =	vst v3  }
0x63a: {  	[tilespmem:s9+$0x0] =	vst v0  }
0x63b: {  	[tilespmem:s9+$0x10] =	vst v1  }
0x63c: {  	[tilespmem:s9+$0x20] =	vst v2  }
0x63d: {  	[tilespmem:s9+$0xFFFFFFC0] =	vst v4  }
0x63e: {  	[hbm4b:s19+s26] =	stream.linear.scatter [tilespmem:s4], [sflag:$0x5], $0x1000, $0x38;
	[tilespmem:$0x5980] =	vst v63  }
0x63f: {  	_ =	swait.ge [sflag:s0], $0x1000  }
0x640: {  	[sflag:s0] =	ssyncset.done $0x0  }
0x641: {  	[sflag:s0] =	ssyncadd.s32 $0xFFFFF000  }
0x642: {  	_ =	swait.ge [sflag:s6], $0x1000  }
0x643: {  	[sflag:s6] =	ssyncset.done $0x0  }
0x644: {  	s11 =	simm.s32 $0x9C0;
	[sflag:s6] =	ssyncadd.s32 $0xFFFFF000  }
0x645: {  	v0 =	vld [tilespmem:s11+$0x30]  }
0x646: {  	v1 =	vld [tilespmem:s11+$0xFFFFFFD0]  }
0x647: {  	v2 =	vld [tilespmem:s11+$0xFFFFFFE0]  }
0x648: {  	v3 =	vld [tilespmem:s11+$0xFFFFFFF0]  }
0x649: {  	v4 =	vld [tilespmem:s11+$0x0]  }
0x64a: {  	v6 =	vld [tilespmem:s11+$0x10]  }
0x64b: {  	v7 =	vld [tilespmem:s11+$0x20]  }
0x64c: {  	v8 =	vld [tilespmem:s11+$0xFFFFFFC0]  }
0x64d: {  	v9 =	vld.idx.msk [tilespmem:v0+s1+$0x0], $0xffff  }
0x64e: {  	v10 =	vld.idx.msk [tilespmem:v1+s1+$0x0], $0xffff  }
0x64f: {  	v5 =	vld.idx.msk [tilespmem:v2+s1+$0x0], $0xffff  }
0x650: {  	v3 =	vld.idx.msk [tilespmem:v3+s1+$0x0], $0xffff  }
0x651: {  	v0 =	vld.idx.msk [tilespmem:v4+s1+$0x0], $0xffff  }
0x652: {  	s9 =	simm.s32 $0x39C0;
	v1 =	vld.idx.msk [tilespmem:v6+s1+$0x0], $0xffff  }
0x653: {  	v2 =	vld.idx.msk [tilespmem:v7+s1+$0x0], $0xffff;
	[tilespmem:s9+$0x30] =	vst v9  }
0x654: {  	s10 =	simm.s32 $0x0;
	s11 =	simm.s32 $0xA40;
	v4 =	vld.idx.msk [tilespmem:v8+s1+$0x0], $0xffff;
	[tilespmem:s9+$0xFFFFFFD0] =	vst v10  }
.LBB2_50:
0x655: {  	v6 =	vld [tilespmem:s11+$0x30];
	s10 =	sadd.s32 $0x80, s10;
	[tilespmem:s9+$0xFFFFFFE0] =	vst v5  }
0x656: {  	v5 =	vld [tilespmem:s11+$0xFFFFFFD0];
	p0 =	slt.u32 s10, $0xF80;
	[tilespmem:s9+$0xFFFFFFF0] =	vst v3  }
0x657: {  	v3 =	vld [tilespmem:s11+$0xFFFFFFE0];
	[tilespmem:s9+$0x0] =	vst v0  }
0x658: {  	v0 =	vld [tilespmem:s11+$0xFFFFFFF0];
	[tilespmem:s9+$0x10] =	vst v1  }
0x659: {  	v1 =	vld [tilespmem:s11+$0x0];
	[tilespmem:s9+$0x20] =	vst v2  }
0x65a: {  	v2 =	vld [tilespmem:s11+$0x10];
	[tilespmem:s9+$0xFFFFFFC0] =	vst v4  }
0x65b: {  	v4 =	vld [tilespmem:s11+$0x20]  }
0x65c: {  	v7 =	vld [tilespmem:s11+$0xFFFFFFC0]  }
0x65d: {  	v6 =	vld.idx.msk [tilespmem:v6+s1+$0x0], $0xffff  }
0x65e: {  	v8 =	vld.idx.msk [tilespmem:v5+s1+$0x0], $0xffff  }
0x65f: {  	v5 =	vld.idx.msk [tilespmem:v3+s1+$0x0], $0xffff  }
.Ltmp24:
0x660: {  	v3 =	vld.idx.msk [tilespmem:v0+s1+$0x0], $0xffff;
	(pc) =	sbr.rel @p0 .LBB2_50-.Ltmp24, $4  }
0x661: {  	v0 =	vld.idx.msk [tilespmem:v1+s1+$0x0], $0xffff  }
0x662: {  	s9 =	sadd.s32 $0x80, s9;
	v1 =	vld.idx.msk [tilespmem:v2+s1+$0x0], $0xffff  }
0x663: {  	v2 =	vld.idx.msk [tilespmem:v4+s1+$0x0], $0xffff;
	[tilespmem:s9+$0x30] =	vst v6  }
0x664: {  	s11 =	sadd.s32 $0x80, s11;
	v4 =	vld.idx.msk [tilespmem:v7+s1+$0x0], $0xffff;
	[tilespmem:s9+$0xFFFFFFD0] =	vst v8  }
0x665: {  	[tilespmem:s9+$0xFFFFFFE0] =	vst v5  }
0x666: {  	[tilespmem:s9+$0xFFFFFFF0] =	vst v3  }
0x667: {  	[tilespmem:s9+$0x0] =	vst v0  }
0x668: {  	[tilespmem:s9+$0x10] =	vst v1  }
0x669: {  	[tilespmem:s9+$0x20] =	vst v2  }
0x66a: {  	s8 =	sadd.s32 $0x1, s8;
	[tilespmem:s9+$0xFFFFFFC0] =	vst v4  }
0x66b: {  	[hbm4b:s20+s26] =	stream.linear.scatter [tilespmem:s2], [sflag:$0x4], $0x1000, $0x38;
	[tilespmem:$0x5980] =	vst v63  }
0x66c: {  	p0 =	sne.s32 s8, s23;
	_ =	swait.ge [sflag:s7], $0x1000  }
.Ltmp25:
0x66d: {  	[sflag:s7] =	ssyncset.done $0x0;
	(pc) =	sbr.rel @p0 .LBB2_1-.Ltmp25, $4  }
0x66e: {  	[sflag:s7] =	ssyncadd.s32 $0xFFFFF000  }
0x66f: {  	_ =	swait.ge [sflag:s6], $0x1000  }
0x670: {  	[sflag:s6] =	ssyncset.done $0x0  }
0x671: {  	[sflag:s6] =	ssyncadd.s32 $0xFFFFF000  }
0x672: {  	_ =	sfence.sel $0x180000  }
0x673: {  	[bflag:$0x0] =	sbarrier.arrive $0xFFFF  }
0x674: {  	_ =	strace $0x90000047  }
0x675: {  	s0 =	stileid.u32;
	[bflag:$0x2] =	sbarrier.arrive $0xFFFF  }
0x676: {  	p0 =	sne.s32 s0, $0x0;
	s0 =	rddreg [dreg:$0x4]  }
0x677: {  	s0 =	sadd.s32 @!p0 $0x100000, s0  }
0x678: {  	[sflag:s0] =	ssyncadd.tile.s32 @!p0 $0x1;
	_ =	shalt  }
.Lfunc_end2:
_tile_overlayer_lowered:
.L_overlay_start_2:
0x679: {  	(tag) =	ssettag $0x2  }
0x67a: {  	s0 =	rddreg [dreg:$0x0];
	s2 =	stileid.u32  }
0x67b: {  	s1 =	rddreg [dreg:$0x1];
	p0 =	sne.s32 s2, $0x0  }
0x67c: {  	s3 =	rddreg [dreg:$0x2];
	[bflag:$0x3] =	sbarrier.arrive $0xFFFF;
	s2 =	simm.s32 @!p0 $0x1C06  }
0x67d: {  	[timem:s3], [sflag:s2] =	dma.local @!p0 [hbm:s0], s1  }
0x67e: {  	s0 =	simm.s32 @!p0 $0x6  }
0x67f: {  	_ =	swait.ge @!p0 [sflag:s0], s1  }
0x680: {  	s1 =	ssub.s32 @!p0 $0x0, s1;
	[sflag:s0] =	ssyncset.done @!p0 $0x0  }
0x681: {  	[sflag:s0] =	ssyncadd.s32 @!p0 s1  }
0x682: {  	[bflag:$0x3] =	sbarrier.arrive $0xFFFF  }
0x683: {  	_ =	shalt  }

</sc_bundles>
